<compile_context>
chip_gen: v7x
topology: tpu7x:2x2x1
jax: 0.10.2.dev20260603
libtpu: 0.0.44.dev20260713+nightly
codegen_flags: <defaults>
</compile_context>

<pallas_src>
import functools

import jax
import jax.numpy as jnp
from jax import lax
from jax.experimental import pallas as pl
from jax.experimental.pallas import tpu as pltpu
from jax.experimental.pallas import tpu_sc as plsc

N = 32768
NPTS = 8192
NS = 16
L = 16
PPT = N // NS
SLICES = PPT // L
BIG = 3.0e9
NINF = float("-inf")


def _fps_body(xs_hbm, ys_hbm, zs_hbm, out_hbm, xs, ys, zs, mind, rec, mrg,
              idxbuf, shared):
  cid = lax.axis_index("c")
  sid = lax.axis_index("s")
  base = sid * PPT
  basef = base.astype(jnp.float32)
  io = lax.iota(jnp.int32, L)
  iof = io.astype(jnp.float32)
  z16i = jnp.zeros((L,), jnp.int32)
  inf16 = jnp.full((L,), jnp.inf, jnp.float32)

  pltpu.sync_copy(xs_hbm.at[pl.ds(base, PPT)], xs)
  pltpu.sync_copy(ys_hbm.at[pl.ds(base, PPT)], ys)
  pltpu.sync_copy(zs_hbm.at[pl.ds(base, PPT)], zs)

  def init_body(s, c):
    mind[pl.ds(s * L, L)] = inf16
    return c

  lax.fori_loop(0, SLICES, init_body, 0)

  pltpu.sync_copy(xs_hbm.at[pl.ds(0, L)], rec)
  lxv = jnp.broadcast_to(rec[...][0], (L,))
  pltpu.sync_copy(ys_hbm.at[pl.ds(0, L)], rec)
  lyv = jnp.broadcast_to(rec[...][0], (L,))
  pltpu.sync_copy(zs_hbm.at[pl.ds(0, L)], rec)
  lzv = jnp.broadcast_to(rec[...][0], (L,))

  lane0 = io == 0
  plsc.store_scatter(idxbuf, [z16i], z16i, mask=lane0)

  NACC = 8
  NIT = SLICES // NACC

  def step(i, buf, lxv, lyv, lzv):
    def scan_iter(k, accs):
      boff = k * (NACC * L)
      itv = jnp.broadcast_to(k.astype(jnp.float32), (L,))
      out = []
      for j in range(NACC):
        off = boff + j * L
        x = xs[pl.ds(off, L)]
        y = ys[pl.ds(off, L)]
        z = zs[pl.ds(off, L)]
        dx = x - lxv
        dy = y - lyv
        dz = z - lzv
        d = (dx * dx + dz * dz) + dy * dy
        nd = jnp.minimum(mind[pl.ds(off, L)], d)
        mind[pl.ds(off, L)] = nd
        vm, vt = accs[2 * j], accs[2 * j + 1]
        m = nd > vm
        out.append(jnp.maximum(vm, nd))
        out.append(jnp.where(m, itv, vt))
      return tuple(out)

    ninf16 = jnp.full((L,), NINF, jnp.float32)
    z16f = jnp.zeros((L,), jnp.float32)
    accs = lax.fori_loop(0, NIT, scan_iter, (ninf16, z16f) * NACC, unroll=2)

    vmax, vidx = None, None
    for j in range(NACC):
      vm = accs[2 * j]
      vi = accs[2 * j + 1] * float(NACC * L) + (float(j * L) + iof)
      if vmax is None:
        vmax, vidx = vm, vi
      else:
        w = jnp.logical_or(vm > vmax,
                           jnp.logical_and(vm == vmax, vi < vidx))
        vmax = jnp.where(w, vm, vmax)
        vidx = jnp.where(w, vi, vidx)

    lmax = jnp.max(vmax)
    lmaxv = jnp.broadcast_to(lmax, (L,))
    lidx_f = jnp.min(jnp.where(vmax == lmaxv, vidx, BIG))
    lidx_i = lidx_f.astype(jnp.int32)

    soff = (lidx_i // L) * L
    lanev = jnp.broadcast_to(lidx_i % L, (L,))
    msk = io == lanev
    wx = jnp.max(jnp.where(msk, xs[pl.ds(soff, L)], NINF))
    wy = jnp.max(jnp.where(msk, ys[pl.ds(soff, L)], NINF))
    wz = jnp.max(jnp.where(msk, zs[pl.ds(soff, L)], NINF))

    recv = jnp.where(io == 0, lmaxv,
           jnp.where(io == 1, jnp.broadcast_to(lidx_f + basef, (L,)),
           jnp.where(io == 2, jnp.broadcast_to(wx, (L,)),
           jnp.where(io == 3, jnp.broadcast_to(wy, (L,)),
           jnp.where(io == 4, jnp.broadcast_to(wz, (L,)), inf16)))))
    rec[...] = recv
    pltpu.sync_copy(rec, shared.at[buf, pl.ds(sid * L, L)])
    plsc.subcore_barrier()
    pltpu.sync_copy(shared.at[buf], mrg)

    def combine(a, b):
      ra, ma, ia = a
      rb, mb, ib = b
      win = jnp.logical_or(ma > mb, jnp.logical_and(ma == mb, ia < ib))
      winv = jnp.broadcast_to(win, (L,))
      return (jnp.where(winv, ra, rb),
              jnp.where(win, ma, mb),
              jnp.where(win, ia, ib))

    ents = []
    for t in range(NS):
      rt = mrg[pl.ds(t * L, L)]
      ents.append((rt, rt[0], rt[1]))
    while len(ents) > 1:
      ents = [combine(ents[j], ents[j + 1]) for j in range(0, len(ents), 2)]
    wrec, _, widx_f = ents[0]

    widx_i = widx_f.astype(jnp.int32)
    nlx = jnp.broadcast_to(wrec[2], (L,))
    nly = jnp.broadcast_to(wrec[3], (L,))
    nlz = jnp.broadcast_to(wrec[4], (L,))
    plsc.store_scatter(idxbuf, [jnp.broadcast_to(i, (L,))],
                       jnp.broadcast_to(widx_i, (L,)), mask=lane0)
    return nlx, nly, nlz

  def two_steps(k, carry):
    lxv, lyv, lzv = carry
    i = 1 + 2 * k
    lxv, lyv, lzv = step(i, 0, lxv, lyv, lzv)
    lxv, lyv, lzv = step(i + 1, 1, lxv, lyv, lzv)
    return lxv, lyv, lzv

  carry = lax.fori_loop(0, (NPTS - 2) // 2, two_steps, (lxv, lyv, lzv))
  step(NPTS - 1, 0, *carry)

  @pl.when(jnp.logical_and(cid == 0, sid == 0))
  def _():
    pltpu.sync_copy(idxbuf, out_hbm)


@functools.cache
def _build():
  mesh = plsc.VectorSubcoreMesh(core_axis_name="c", subcore_axis_name="s")
  return pl.kernel(
      _fps_body,
      out_type=jax.ShapeDtypeStruct((NPTS,), jnp.int32),
      mesh=mesh,
      compiler_params=pltpu.CompilerParams(needs_layout_passes=False),
      scratch_types=[
          pltpu.VMEM((PPT,), jnp.float32),
          pltpu.VMEM((PPT,), jnp.float32),
          pltpu.VMEM((PPT,), jnp.float32),
          pltpu.VMEM((PPT,), jnp.float32),
          pltpu.VMEM((L,), jnp.float32),
          pltpu.VMEM((NS * L,), jnp.float32),
          pltpu.VMEM((NPTS,), jnp.int32),
          pltpu.VMEM_SHARED((2, NS * L), jnp.float32),
      ],
  )


@jax.jit
def kernel(pos):
  post = pos.T
  return _build()(post[0], post[1], post[2])

# --- scband reference (transcript-rebuilt; emitter-appended) ---
"""Pipeline reference for scband-fps-22058952032884 (READ-ONLY COPY).

The authoritative reference and input builder live on the scoring server;
editing this copy changes nothing except your own understanding.
"""

import jax, jax.numpy as jnp
import numpy as np

RATIO = 0.25
RANDOM_FIRST = False
N_POINTS = 32768


def setup_inputs(seed: int = 0) -> dict:
    key = jax.random.key(seed)
    pos = jax.random.normal(key, (N_POINTS, 3), dtype=jnp.float32)
    return {"pos": pos}


def _fps_indices(pos, npoints):
    # Farthest point sampling over a single cloud (ptr = [0, N]).
    # random_first=False -> start from index 0 of the segment.
    N = pos.shape[0]
    min_d = jnp.full((N,), jnp.inf, dtype=pos.dtype)
    idxs = jnp.zeros((npoints,), dtype=jnp.int32)  # idxs[0] = 0 (first point)

    def body(i, carry):
        min_d, idxs = carry
        last = pos[idxs[i - 1]]
        d = jnp.sum((pos - last) ** 2, axis=-1)
        min_d = jnp.minimum(min_d, d)
        nxt = jnp.argmax(min_d).astype(jnp.int32)
        idxs = idxs.at[i].set(nxt)
        return (min_d, idxs)

    min_d, idxs = jax.lax.fori_loop(1, npoints, body, (min_d, idxs))
    return idxs


def reference(pos):
    N = pos.shape[0]
    npoints = int(np.ceil(RATIO * N))
    return _fps_indices(pos, npoints)

if __name__ == "__main__":
    import jax
    _d = setup_inputs()
    print(jax.jit(kernel)(*tuple(_d.values())))

</pallas_src>

<mosaic_0001>
#map = affine_map<(d0, d1) -> (0)>
module attributes {stable_mosaic.version = 14 : i64} {
  func.func @_fps_body(%arg0: i32, %arg1: i32, %arg2: memref<32768xf32, #tpu.memory_space<hbm>>, %arg3: memref<32768xf32, #tpu.memory_space<hbm>>, %arg4: memref<32768xf32, #tpu.memory_space<hbm>>, %arg5: memref<8192xi32, #tpu.memory_space<hbm>>, %arg6: memref<2048xf32, #tpu.memory_space<vmem>>, %arg7: memref<2048xf32, #tpu.memory_space<vmem>>, %arg8: memref<2048xf32, #tpu.memory_space<vmem>>, %arg9: memref<2048xf32, #tpu.memory_space<vmem>>, %arg10: memref<16xf32, #tpu.memory_space<vmem>>, %arg11: memref<256xf32, #tpu.memory_space<vmem>>, %arg12: memref<8192xi32, #tpu.memory_space<vmem>>, %arg13: memref<2x256xf32, #tpu.memory_space<vmem_shared>>) attributes {dimension_semantics = [#tpu.dimension_semantics<core_parallel>, #tpu.dimension_semantics<subcore_parallel>], iteration_bounds = array<i64: 2, 16>, scalar_prefetch = 0 : i64, scratch_operands = 8 : i64, tpu.core_type = #tpu.core_type<sc_vector_subcore>, window_params = [{transform_indices = #map}, {transform_indices = #map}, {transform_indices = #map}, {transform_indices = #map}]} {
    %mul3A = arith.constant 2048 : i32
    %mul3A_0 = arith.muli %arg1, %mul3A : i32
    %convert_element_type3A = arith.sitofp %mul3A_0 : i32 to f32
    %iota3A = tpu.iota {dimensions = array<i32: 0>} : vector<16xi32>
    %convert_element_type3A_1 = arith.sitofp %iota3A : vector<16xi32> to vector<16xf32>
    %broadcast_in_dim3A = arith.constant 0 : i32
    %broadcast_in_dim3A_2 = vector.broadcast %broadcast_in_dim3A : i32 to vector<16xi32>
    %broadcast_in_dim3A_3 = arith.constant 0x7F800000 : f32
    %broadcast_in_dim3A_4 = vector.broadcast %broadcast_in_dim3A_3 : f32 to vector<16xf32>
    "tpu.region"() ({
      %run_scoped3A_496 = tpu.sem_alloc : memref<!tpu.dma_semaphore, #tpu.memory_space<semaphore_mem>>
      %dma_start3A = tpu.memref_slice %arg2[%mul3A_0] : memref<32768xf32, #tpu.memory_space<hbm>> -> memref<2048xf32, #tpu.memory_space<hbm>>
      %dma_start3A_497 = tpu.memref_slice %arg2[%mul3A_0] : memref<32768xf32, #tpu.memory_space<hbm>> -> memref<2048xf32, #tpu.memory_space<hbm>>
      tpu.enqueue_dma source(%dma_start3A_497 : memref<2048xf32, #tpu.memory_space<hbm>>) target(%arg6 : memref<2048xf32, #tpu.memory_space<vmem>>) target_semaphore(%run_scoped3A_496 : memref<!tpu.dma_semaphore, #tpu.memory_space<semaphore_mem>>)
      %dma_wait3A = tpu.memref_slice %arg2[%mul3A_0] : memref<32768xf32, #tpu.memory_space<hbm>> -> memref<2048xf32, #tpu.memory_space<hbm>>
      %dma_wait3A_498 = tpu.memref_slice %arg2[%mul3A_0] : memref<32768xf32, #tpu.memory_space<hbm>> -> memref<2048xf32, #tpu.memory_space<hbm>>
      tpu.wait_dma2 semaphore(%run_scoped3A_496 : memref<!tpu.dma_semaphore, #tpu.memory_space<semaphore_mem>>) src(%dma_wait3A_498 : memref<2048xf32, #tpu.memory_space<hbm>>) dst(%arg6 : memref<2048xf32, #tpu.memory_space<vmem>>)
      tpu.yield
    }) : () -> ()
    "tpu.region"() ({
      %run_scoped3A_496 = tpu.sem_alloc : memref<!tpu.dma_semaphore, #tpu.memory_space<semaphore_mem>>
      %dma_start3A = tpu.memref_slice %arg3[%mul3A_0] : memref<32768xf32, #tpu.memory_space<hbm>> -> memref<2048xf32, #tpu.memory_space<hbm>>
      %dma_start3A_497 = tpu.memref_slice %arg3[%mul3A_0] : memref<32768xf32, #tpu.memory_space<hbm>> -> memref<2048xf32, #tpu.memory_space<hbm>>
      tpu.enqueue_dma source(%dma_start3A_497 : memref<2048xf32, #tpu.memory_space<hbm>>) target(%arg7 : memref<2048xf32, #tpu.memory_space<vmem>>) target_semaphore(%run_scoped3A_496 : memref<!tpu.dma_semaphore, #tpu.memory_space<semaphore_mem>>)
      %dma_wait3A = tpu.memref_slice %arg3[%mul3A_0] : memref<32768xf32, #tpu.memory_space<hbm>> -> memref<2048xf32, #tpu.memory_space<hbm>>
      %dma_wait3A_498 = tpu.memref_slice %arg3[%mul3A_0] : memref<32768xf32, #tpu.memory_space<hbm>> -> memref<2048xf32, #tpu.memory_space<hbm>>
      tpu.wait_dma2 semaphore(%run_scoped3A_496 : memref<!tpu.dma_semaphore, #tpu.memory_space<semaphore_mem>>) src(%dma_wait3A_498 : memref<2048xf32, #tpu.memory_space<hbm>>) dst(%arg7 : memref<2048xf32, #tpu.memory_space<vmem>>)
      tpu.yield
    }) : () -> ()
    "tpu.region"() ({
      %run_scoped3A_496 = tpu.sem_alloc : memref<!tpu.dma_semaphore, #tpu.memory_space<semaphore_mem>>
      %dma_start3A = tpu.memref_slice %arg4[%mul3A_0] : memref<32768xf32, #tpu.memory_space<hbm>> -> memref<2048xf32, #tpu.memory_space<hbm>>
      %dma_start3A_497 = tpu.memref_slice %arg4[%mul3A_0] : memref<32768xf32, #tpu.memory_space<hbm>> -> memref<2048xf32, #tpu.memory_space<hbm>>
      tpu.enqueue_dma source(%dma_start3A_497 : memref<2048xf32, #tpu.memory_space<hbm>>) target(%arg8 : memref<2048xf32, #tpu.memory_space<vmem>>) target_semaphore(%run_scoped3A_496 : memref<!tpu.dma_semaphore, #tpu.memory_space<semaphore_mem>>)
      %dma_wait3A = tpu.memref_slice %arg4[%mul3A_0] : memref<32768xf32, #tpu.memory_space<hbm>> -> memref<2048xf32, #tpu.memory_space<hbm>>
      %dma_wait3A_498 = tpu.memref_slice %arg4[%mul3A_0] : memref<32768xf32, #tpu.memory_space<hbm>> -> memref<2048xf32, #tpu.memory_space<hbm>>
      tpu.wait_dma2 semaphore(%run_scoped3A_496 : memref<!tpu.dma_semaphore, #tpu.memory_space<semaphore_mem>>) src(%dma_wait3A_498 : memref<2048xf32, #tpu.memory_space<hbm>>) dst(%arg8 : memref<2048xf32, #tpu.memory_space<vmem>>)
      tpu.yield
    }) : () -> ()
    %scan3A = arith.constant 0 : i32
    %scan3A_5 = arith.constant 0 : i32
    %scan3A_6 = arith.constant 128 : i32
    %scan3A_7 = arith.addi %scan3A_5, %scan3A_6 : i32
    %scan3A_8 = arith.constant 1 : i32
    scf.for %scan3A_496 = %scan3A_5 to %scan3A_7 step %scan3A_8  : i32 {
      %mul3A_497 = arith.constant 16 : i32
      %mul3A_498 = arith.muli %scan3A_496, %mul3A_497 : i32
      %swap3A_499 = arith.index_cast %mul3A_498 : i32 to index
      %swap3A_500 = tpu.vector_load %arg9[%swap3A_499] {strides = array<i32>} : memref<2048xf32, #tpu.memory_space<vmem>>, vector<16xf32>,
      tpu.vector_store %arg9[%swap3A_499], %broadcast_in_dim3A_4 {strides = array<i32>} : memref<2048xf32, #tpu.memory_space<vmem>>, vector<16xf32>,
    }
    %scan3A_9 = arith.constant 128 : i32
    "tpu.region"() ({
      %run_scoped3A_496 = tpu.sem_alloc : memref<!tpu.dma_semaphore, #tpu.memory_space<semaphore_mem>>
      %dma_start3A = arith.constant 0 : i32
      %dma_start3A_497 = tpu.memref_slice %arg2[%dma_start3A] : memref<32768xf32, #tpu.memory_space<hbm>> -> memref<16xf32, #tpu.memory_space<hbm>>
      %dma_start3A_498 = arith.constant 0 : i32
      %dma_start3A_499 = tpu.memref_slice %arg2[%dma_start3A_498] : memref<32768xf32, #tpu.memory_space<hbm>> -> memref<16xf32, #tpu.memory_space<hbm>>
      tpu.enqueue_dma source(%dma_start3A_499 : memref<16xf32, #tpu.memory_space<hbm>>) target(%arg10 : memref<16xf32, #tpu.memory_space<vmem>>) target_semaphore(%run_scoped3A_496 : memref<!tpu.dma_semaphore, #tpu.memory_space<semaphore_mem>>)
      %dma_wait3A = arith.constant 0 : i32
      %dma_wait3A_500 = tpu.memref_slice %arg2[%dma_wait3A] : memref<32768xf32, #tpu.memory_space<hbm>> -> memref<16xf32, #tpu.memory_space<hbm>>
      %dma_wait3A_501 = arith.constant 0 : i32
      %dma_wait3A_502 = tpu.memref_slice %arg2[%dma_wait3A_501] : memref<32768xf32, #tpu.memory_space<hbm>> -> memref<16xf32, #tpu.memory_space<hbm>>
      tpu.wait_dma2 semaphore(%run_scoped3A_496 : memref<!tpu.dma_semaphore, #tpu.memory_space<semaphore_mem>>) src(%dma_wait3A_502 : memref<16xf32, #tpu.memory_space<hbm>>) dst(%arg10 : memref<16xf32, #tpu.memory_space<vmem>>)
      tpu.yield
    }) : () -> ()
    %get3A = arith.constant 0 : index
    %get3A_10 = tpu.vector_load %arg10[%get3A] {strides = array<i32>} : memref<16xf32, #tpu.memory_space<vmem>>, vector<16xf32>,
    %slice3A = vector.extract_strided_slice %get3A_10 {offsets = [0], sizes = [1], strides = [1]} : vector<16xf32> to vector<1xf32>
    %squeeze3A = vector.extract %slice3A[0] : f32 from vector<1xf32>
    %broadcast_in_dim3A_11 = vector.broadcast %squeeze3A : f32 to vector<16xf32>
    "tpu.region"() ({
      %run_scoped3A_496 = tpu.sem_alloc : memref<!tpu.dma_semaphore, #tpu.memory_space<semaphore_mem>>
      %dma_start3A = arith.constant 0 : i32
      %dma_start3A_497 = tpu.memref_slice %arg3[%dma_start3A] : memref<32768xf32, #tpu.memory_space<hbm>> -> memref<16xf32, #tpu.memory_space<hbm>>
      %dma_start3A_498 = arith.constant 0 : i32
      %dma_start3A_499 = tpu.memref_slice %arg3[%dma_start3A_498] : memref<32768xf32, #tpu.memory_space<hbm>> -> memref<16xf32, #tpu.memory_space<hbm>>
      tpu.enqueue_dma source(%dma_start3A_499 : memref<16xf32, #tpu.memory_space<hbm>>) target(%arg10 : memref<16xf32, #tpu.memory_space<vmem>>) target_semaphore(%run_scoped3A_496 : memref<!tpu.dma_semaphore, #tpu.memory_space<semaphore_mem>>)
      %dma_wait3A = arith.constant 0 : i32
      %dma_wait3A_500 = tpu.memref_slice %arg3[%dma_wait3A] : memref<32768xf32, #tpu.memory_space<hbm>> -> memref<16xf32, #tpu.memory_space<hbm>>
      %dma_wait3A_501 = arith.constant 0 : i32
      %dma_wait3A_502 = tpu.memref_slice %arg3[%dma_wait3A_501] : memref<32768xf32, #tpu.memory_space<hbm>> -> memref<16xf32, #tpu.memory_space<hbm>>
      tpu.wait_dma2 semaphore(%run_scoped3A_496 : memref<!tpu.dma_semaphore, #tpu.memory_space<semaphore_mem>>) src(%dma_wait3A_502 : memref<16xf32, #tpu.memory_space<hbm>>) dst(%arg10 : memref<16xf32, #tpu.memory_space<vmem>>)
      tpu.yield
    }) : () -> ()
    %get3A_12 = arith.constant 0 : index
    %get3A_13 = tpu.vector_load %arg10[%get3A_12] {strides = array<i32>} : memref<16xf32, #tpu.memory_space<vmem>>, vector<16xf32>,
    %slice3A_14 = vector.extract_strided_slice %get3A_13 {offsets = [0], sizes = [1], strides = [1]} : vector<16xf32> to vector<1xf32>
    %squeeze3A_15 = vector.extract %slice3A_14[0] : f32 from vector<1xf32>
    %broadcast_in_dim3A_16 = vector.broadcast %squeeze3A_15 : f32 to vector<16xf32>
    "tpu.region"() ({
      %run_scoped3A_496 = tpu.sem_alloc : memref<!tpu.dma_semaphore, #tpu.memory_space<semaphore_mem>>
      %dma_start3A = arith.constant 0 : i32
      %dma_start3A_497 = tpu.memref_slice %arg4[%dma_start3A] : memref<32768xf32, #tpu.memory_space<hbm>> -> memref<16xf32, #tpu.memory_space<hbm>>
      %dma_start3A_498 = arith.constant 0 : i32
      %dma_start3A_499 = tpu.memref_slice %arg4[%dma_start3A_498] : memref<32768xf32, #tpu.memory_space<hbm>> -> memref<16xf32, #tpu.memory_space<hbm>>
      tpu.enqueue_dma source(%dma_start3A_499 : memref<16xf32, #tpu.memory_space<hbm>>) target(%arg10 : memref<16xf32, #tpu.memory_space<vmem>>) target_semaphore(%run_scoped3A_496 : memref<!tpu.dma_semaphore, #tpu.memory_space<semaphore_mem>>)
      %dma_wait3A = arith.constant 0 : i32
      %dma_wait3A_500 = tpu.memref_slice %arg4[%dma_wait3A] : memref<32768xf32, #tpu.memory_space<hbm>> -> memref<16xf32, #tpu.memory_space<hbm>>
      %dma_wait3A_501 = arith.constant 0 : i32
      %dma_wait3A_502 = tpu.memref_slice %arg4[%dma_wait3A_501] : memref<32768xf32, #tpu.memory_space<hbm>> -> memref<16xf32, #tpu.memory_space<hbm>>
      tpu.wait_dma2 semaphore(%run_scoped3A_496 : memref<!tpu.dma_semaphore, #tpu.memory_space<semaphore_mem>>) src(%dma_wait3A_502 : memref<16xf32, #tpu.memory_space<hbm>>) dst(%arg10 : memref<16xf32, #tpu.memory_space<vmem>>)
      tpu.yield
    }) : () -> ()
    %get3A_17 = arith.constant 0 : index
    %get3A_18 = tpu.vector_load %arg10[%get3A_17] {strides = array<i32>} : memref<16xf32, #tpu.memory_space<vmem>>, vector<16xf32>,
    %slice3A_19 = vector.extract_strided_slice %get3A_18 {offsets = [0], sizes = [1], strides = [1]} : vector<16xf32> to vector<1xf32>
    %squeeze3A_20 = vector.extract %slice3A_19[0] : f32 from vector<1xf32>
    %broadcast_in_dim3A_21 = vector.broadcast %squeeze3A_20 : f32 to vector<16xf32>
    %eq3A = arith.constant 0 : i32
    %eq3A_22 = vector.broadcast %eq3A : i32 to vector<16xi32>
    %eq3A_23 = arith.cmpi eq, %iota3A, %eq3A_22 : vector<16xi32>
    tpu.vector_store_idx %arg12[%broadcast_in_dim3A_2], %broadcast_in_dim3A_2 masked %eq3A_23 : memref<8192xi32, #tpu.memory_space<vmem>>[vector<16xi32>], vector<16xi32>, vector<16xi1>
    %scan3A_24 = arith.constant 0 : i32
    %scan3A_25 = arith.constant 4095 : i32
    %scan3A_26 = arith.addi %scan3A_24, %scan3A_25 : i32
    %scan3A_27 = arith.constant 1 : i32
    %scan3A_28:3 = scf.for %scan3A_496 = %scan3A_24 to %scan3A_26 step %scan3A_27 iter_args(%scan3A_497 = %broadcast_in_dim3A_11, %scan3A_498 = %broadcast_in_dim3A_16, %scan3A_499 = %broadcast_in_dim3A_21) -> (vector<16xf32>, vector<16xf32>, vector<16xf32>)  : i32 {
      %mul3A_500 = arith.constant 2 : i32
      %mul3A_501 = arith.muli %mul3A_500, %scan3A_496 : i32
      %add3A_502 = arith.constant 1 : i32
      %add3A_503 = arith.addi %add3A_502, %mul3A_501 : i32
      %broadcast_in_dim3A_504 = arith.constant 0xFF800000 : f32
      %broadcast_in_dim3A_505 = vector.broadcast %broadcast_in_dim3A_504 : f32 to vector<16xf32>
      %broadcast_in_dim3A_506 = arith.constant 0.000000e+00 : f32
      %broadcast_in_dim3A_507 = vector.broadcast %broadcast_in_dim3A_506 : f32 to vector<16xf32>
      %scan3A_508 = arith.constant 0 : i32
      %scan3A_509 = arith.constant 16 : i32
      %scan3A_510 = arith.addi %scan3A_508, %scan3A_509 : i32
      %scan3A_511 = arith.constant 2 : i32
      %scan3A_512:16 = scf.for %scan3A_1456 = %scan3A_508 to %scan3A_510 step %scan3A_511 iter_args(%scan3A_1457 = %broadcast_in_dim3A_505, %scan3A_1458 = %broadcast_in_dim3A_507, %scan3A_1459 = %broadcast_in_dim3A_505, %scan3A_1460 = %broadcast_in_dim3A_507, %scan3A_1461 = %broadcast_in_dim3A_505, %scan3A_1462 = %broadcast_in_dim3A_507, %scan3A_1463 = %broadcast_in_dim3A_505, %scan3A_1464 = %broadcast_in_dim3A_507, %scan3A_1465 = %broadcast_in_dim3A_505, %scan3A_1466 = %broadcast_in_dim3A_507, %scan3A_1467 = %broadcast_in_dim3A_505, %scan3A_1468 = %broadcast_in_dim3A_507, %scan3A_1469 = %broadcast_in_dim3A_505, %scan3A_1470 = %broadcast_in_dim3A_507, %scan3A_1471 = %broadcast_in_dim3A_505, %scan3A_1472 = %broadcast_in_dim3A_507) -> (vector<16xf32>, vector<16xf32>, vector<16xf32>, vector<16xf32>, vector<16xf32>, vector<16xf32>, vector<16xf32>, vector<16xf32>, vector<16xf32>, vector<16xf32>, vector<16xf32>, vector<16xf32>, vector<16xf32>, vector<16xf32>, vector<16xf32>, vector<16xf32>)  : i32 {
        %mul3A_1473 = arith.constant 128 : i32
        %mul3A_1474 = arith.muli %scan3A_1456, %mul3A_1473 : i32
        %convert_element_type3A_1475 = arith.sitofp %scan3A_1456 : i32 to f32
        %broadcast_in_dim3A_1476 = vector.broadcast %convert_element_type3A_1475 : f32 to vector<16xf32>
        %add3A_1477 = arith.constant 0 : i32
        %add3A_1478 = arith.addi %mul3A_1474, %add3A_1477 : i32
        %get3A_1479 = arith.index_cast %add3A_1478 : i32 to index
        %get3A_1480 = tpu.vector_load %arg6[%get3A_1479] {strides = array<i32>} : memref<2048xf32, #tpu.memory_space<vmem>>, vector<16xf32>,
        %get3A_1481 = arith.index_cast %add3A_1478 : i32 to index
        %get3A_1482 = tpu.vector_load %arg7[%get3A_1481] {strides = array<i32>} : memref<2048xf32, #tpu.memory_space<vmem>>, vector<16xf32>,
        %get3A_1483 = arith.index_cast %add3A_1478 : i32 to index
        %get3A_1484 = tpu.vector_load %arg8[%get3A_1483] {strides = array<i32>} : memref<2048xf32, #tpu.memory_space<vmem>>, vector<16xf32>,
        %sub3A_1485 = arith.subf %get3A_1480, %scan3A_497 : vector<16xf32>
        %sub3A_1486 = arith.subf %get3A_1482, %scan3A_498 : vector<16xf32>
        %sub3A_1487 = arith.subf %get3A_1484, %scan3A_499 : vector<16xf32>
        %mul3A_1488 = arith.mulf %sub3A_1485, %sub3A_1485 : vector<16xf32>
        %mul3A_1489 = arith.mulf %sub3A_1487, %sub3A_1487 : vector<16xf32>
        %add3A_1490 = arith.addf %mul3A_1488, %mul3A_1489 : vector<16xf32>
        %mul3A_1491 = arith.mulf %sub3A_1486, %sub3A_1486 : vector<16xf32>
        %add3A_1492 = arith.addf %add3A_1490, %mul3A_1491 : vector<16xf32>
        %get3A_1493 = arith.index_cast %add3A_1478 : i32 to index
        %get3A_1494 = tpu.vector_load %arg9[%get3A_1493] {strides = array<i32>} : memref<2048xf32, #tpu.memory_space<vmem>>, vector<16xf32>,
        %min3A = arith.minimumf %get3A_1494, %add3A_1492 : vector<16xf32>
        %swap3A_1495 = arith.index_cast %add3A_1478 : i32 to index
        %swap3A_1496 = tpu.vector_load %arg9[%swap3A_1495] {strides = array<i32>} : memref<2048xf32, #tpu.memory_space<vmem>>, vector<16xf32>,
        tpu.vector_store %arg9[%swap3A_1495], %min3A {strides = array<i32>} : memref<2048xf32, #tpu.memory_space<vmem>>, vector<16xf32>,
        %gt3A_1497 = arith.cmpf ogt, %min3A, %scan3A_1457 : vector<16xf32>
        %max3A = arith.maximumf %scan3A_1457, %min3A : vector<16xf32>
        %select_n3A_1498 = arith.select %gt3A_1497, %broadcast_in_dim3A_1476, %scan3A_1458 : vector<16xi1>, vector<16xf32>
        %add3A_1499 = arith.constant 16 : i32
        %add3A_1500 = arith.addi %mul3A_1474, %add3A_1499 : i32
        %get3A_1501 = arith.index_cast %add3A_1500 : i32 to index
        %get3A_1502 = tpu.vector_load %arg6[%get3A_1501] {strides = array<i32>} : memref<2048xf32, #tpu.memory_space<vmem>>, vector<16xf32>,
        %get3A_1503 = arith.index_cast %add3A_1500 : i32 to index
        %get3A_1504 = tpu.vector_load %arg7[%get3A_1503] {strides = array<i32>} : memref<2048xf32, #tpu.memory_space<vmem>>, vector<16xf32>,
        %get3A_1505 = arith.index_cast %add3A_1500 : i32 to index
        %get3A_1506 = tpu.vector_load %arg8[%get3A_1505] {strides = array<i32>} : memref<2048xf32, #tpu.memory_space<vmem>>, vector<16xf32>,
        %sub3A_1507 = arith.subf %get3A_1502, %scan3A_497 : vector<16xf32>
        %sub3A_1508 = arith.subf %get3A_1504, %scan3A_498 : vector<16xf32>
        %sub3A_1509 = arith.subf %get3A_1506, %scan3A_499 : vector<16xf32>
        %mul3A_1510 = arith.mulf %sub3A_1507, %sub3A_1507 : vector<16xf32>
        %mul3A_1511 = arith.mulf %sub3A_1509, %sub3A_1509 : vector<16xf32>
        %add3A_1512 = arith.addf %mul3A_1510, %mul3A_1511 : vector<16xf32>
        %mul3A_1513 = arith.mulf %sub3A_1508, %sub3A_1508 : vector<16xf32>
        %add3A_1514 = arith.addf %add3A_1512, %mul3A_1513 : vector<16xf32>
        %get3A_1515 = arith.index_cast %add3A_1500 : i32 to index
        %get3A_1516 = tpu.vector_load %arg9[%get3A_1515] {strides = array<i32>} : memref<2048xf32, #tpu.memory_space<vmem>>, vector<16xf32>,
        %min3A_1517 = arith.minimumf %get3A_1516, %add3A_1514 : vector<16xf32>
        %swap3A_1518 = arith.index_cast %add3A_1500 : i32 to index
        %swap3A_1519 = tpu.vector_load %arg9[%swap3A_1518] {strides = array<i32>} : memref<2048xf32, #tpu.memory_space<vmem>>, vector<16xf32>,
        tpu.vector_store %arg9[%swap3A_1518], %min3A_1517 {strides = array<i32>} : memref<2048xf32, #tpu.memory_space<vmem>>, vector<16xf32>,
        %gt3A_1520 = arith.cmpf ogt, %min3A_1517, %scan3A_1459 : vector<16xf32>
        %max3A_1521 = arith.maximumf %scan3A_1459, %min3A_1517 : vector<16xf32>
        %select_n3A_1522 = arith.select %gt3A_1520, %broadcast_in_dim3A_1476, %scan3A_1460 : vector<16xi1>, vector<16xf32>
        %add3A_1523 = arith.constant 32 : i32
        %add3A_1524 = arith.addi %mul3A_1474, %add3A_1523 : i32
        %get3A_1525 = arith.index_cast %add3A_1524 : i32 to index
        %get3A_1526 = tpu.vector_load %arg6[%get3A_1525] {strides = array<i32>} : memref<2048xf32, #tpu.memory_space<vmem>>, vector<16xf32>,
        %get3A_1527 = arith.index_cast %add3A_1524 : i32 to index
        %get3A_1528 = tpu.vector_load %arg7[%get3A_1527] {strides = array<i32>} : memref<2048xf32, #tpu.memory_space<vmem>>, vector<16xf32>,
        %get3A_1529 = arith.index_cast %add3A_1524 : i32 to index
        %get3A_1530 = tpu.vector_load %arg8[%get3A_1529] {strides = array<i32>} : memref<2048xf32, #tpu.memory_space<vmem>>, vector<16xf32>,
        %sub3A_1531 = arith.subf %get3A_1526, %scan3A_497 : vector<16xf32>
        %sub3A_1532 = arith.subf %get3A_1528, %scan3A_498 : vector<16xf32>
        %sub3A_1533 = arith.subf %get3A_1530, %scan3A_499 : vector<16xf32>
        %mul3A_1534 = arith.mulf %sub3A_1531, %sub3A_1531 : vector<16xf32>
        %mul3A_1535 = arith.mulf %sub3A_1533, %sub3A_1533 : vector<16xf32>
        %add3A_1536 = arith.addf %mul3A_1534, %mul3A_1535 : vector<16xf32>
        %mul3A_1537 = arith.mulf %sub3A_1532, %sub3A_1532 : vector<16xf32>
        %add3A_1538 = arith.addf %add3A_1536, %mul3A_1537 : vector<16xf32>
        %get3A_1539 = arith.index_cast %add3A_1524 : i32 to index
        %get3A_1540 = tpu.vector_load %arg9[%get3A_1539] {strides = array<i32>} : memref<2048xf32, #tpu.memory_space<vmem>>, vector<16xf32>,
        %min3A_1541 = arith.minimumf %get3A_1540, %add3A_1538 : vector<16xf32>
        %swap3A_1542 = arith.index_cast %add3A_1524 : i32 to index
        %swap3A_1543 = tpu.vector_load %arg9[%swap3A_1542] {strides = array<i32>} : memref<2048xf32, #tpu.memory_space<vmem>>, vector<16xf32>,
        tpu.vector_store %arg9[%swap3A_1542], %min3A_1541 {strides = array<i32>} : memref<2048xf32, #tpu.memory_space<vmem>>, vector<16xf32>,
        %gt3A_1544 = arith.cmpf ogt, %min3A_1541, %scan3A_1461 : vector<16xf32>
        %max3A_1545 = arith.maximumf %scan3A_1461, %min3A_1541 : vector<16xf32>
        %select_n3A_1546 = arith.select %gt3A_1544, %broadcast_in_dim3A_1476, %scan3A_1462 : vector<16xi1>, vector<16xf32>
        %add3A_1547 = arith.constant 48 : i32
        %add3A_1548 = arith.addi %mul3A_1474, %add3A_1547 : i32
        %get3A_1549 = arith.index_cast %add3A_1548 : i32 to index
        %get3A_1550 = tpu.vector_load %arg6[%get3A_1549] {strides = array<i32>} : memref<2048xf32, #tpu.memory_space<vmem>>, vector<16xf32>,
        %get3A_1551 = arith.index_cast %add3A_1548 : i32 to index
        %get3A_1552 = tpu.vector_load %arg7[%get3A_1551] {strides = array<i32>} : memref<2048xf32, #tpu.memory_space<vmem>>, vector<16xf32>,
        %get3A_1553 = arith.index_cast %add3A_1548 : i32 to index
        %get3A_1554 = tpu.vector_load %arg8[%get3A_1553] {strides = array<i32>} : memref<2048xf32, #tpu.memory_space<vmem>>, vector<16xf32>,
        %sub3A_1555 = arith.subf %get3A_1550, %scan3A_497 : vector<16xf32>
        %sub3A_1556 = arith.subf %get3A_1552, %scan3A_498 : vector<16xf32>
        %sub3A_1557 = arith.subf %get3A_1554, %scan3A_499 : vector<16xf32>
        %mul3A_1558 = arith.mulf %sub3A_1555, %sub3A_1555 : vector<16xf32>
        %mul3A_1559 = arith.mulf %sub3A_1557, %sub3A_1557 : vector<16xf32>
        %add3A_1560 = arith.addf %mul3A_1558, %mul3A_1559 : vector<16xf32>
        %mul3A_1561 = arith.mulf %sub3A_1556, %sub3A_1556 : vector<16xf32>
        %add3A_1562 = arith.addf %add3A_1560, %mul3A_1561 : vector<16xf32>
        %get3A_1563 = arith.index_cast %add3A_1548 : i32 to index
        %get3A_1564 = tpu.vector_load %arg9[%get3A_1563] {strides = array<i32>} : memref<2048xf32, #tpu.memory_space<vmem>>, vector<16xf32>,
        %min3A_1565 = arith.minimumf %get3A_1564, %add3A_1562 : vector<16xf32>
        %swap3A_1566 = arith.index_cast %add3A_1548 : i32 to index
        %swap3A_1567 = tpu.vector_load %arg9[%swap3A_1566] {strides = array<i32>} : memref<2048xf32, #tpu.memory_space<vmem>>, vector<16xf32>,
        tpu.vector_store %arg9[%swap3A_1566], %min3A_1565 {strides = array<i32>} : memref<2048xf32, #tpu.memory_space<vmem>>, vector<16xf32>,
        %gt3A_1568 = arith.cmpf ogt, %min3A_1565, %scan3A_1463 : vector<16xf32>
        %max3A_1569 = arith.maximumf %scan3A_1463, %min3A_1565 : vector<16xf32>
        %select_n3A_1570 = arith.select %gt3A_1568, %broadcast_in_dim3A_1476, %scan3A_1464 : vector<16xi1>, vector<16xf32>
        %add3A_1571 = arith.constant 64 : i32
        %add3A_1572 = arith.addi %mul3A_1474, %add3A_1571 : i32
        %get3A_1573 = arith.index_cast %add3A_1572 : i32 to index
        %get3A_1574 = tpu.vector_load %arg6[%get3A_1573] {strides = array<i32>} : memref<2048xf32, #tpu.memory_space<vmem>>, vector<16xf32>,
        %get3A_1575 = arith.index_cast %add3A_1572 : i32 to index
        %get3A_1576 = tpu.vector_load %arg7[%get3A_1575] {strides = array<i32>} : memref<2048xf32, #tpu.memory_space<vmem>>, vector<16xf32>,
        %get3A_1577 = arith.index_cast %add3A_1572 : i32 to index
        %get3A_1578 = tpu.vector_load %arg8[%get3A_1577] {strides = array<i32>} : memref<2048xf32, #tpu.memory_space<vmem>>, vector<16xf32>,
        %sub3A_1579 = arith.subf %get3A_1574, %scan3A_497 : vector<16xf32>
        %sub3A_1580 = arith.subf %get3A_1576, %scan3A_498 : vector<16xf32>
        %sub3A_1581 = arith.subf %get3A_1578, %scan3A_499 : vector<16xf32>
        %mul3A_1582 = arith.mulf %sub3A_1579, %sub3A_1579 : vector<16xf32>
        %mul3A_1583 = arith.mulf %sub3A_1581, %sub3A_1581 : vector<16xf32>
        %add3A_1584 = arith.addf %mul3A_1582, %mul3A_1583 : vector<16xf32>
        %mul3A_1585 = arith.mulf %sub3A_1580, %sub3A_1580 : vector<16xf32>
        %add3A_1586 = arith.addf %add3A_1584, %mul3A_1585 : vector<16xf32>
        %get3A_1587 = arith.index_cast %add3A_1572 : i32 to index
        %get3A_1588 = tpu.vector_load %arg9[%get3A_1587] {strides = array<i32>} : memref<2048xf32, #tpu.memory_space<vmem>>, vector<16xf32>,
        %min3A_1589 = arith.minimumf %get3A_1588, %add3A_1586 : vector<16xf32>
        %swap3A_1590 = arith.index_cast %add3A_1572 : i32 to index
        %swap3A_1591 = tpu.vector_load %arg9[%swap3A_1590] {strides = array<i32>} : memref<2048xf32, #tpu.memory_space<vmem>>, vector<16xf32>,
        tpu.vector_store %arg9[%swap3A_1590], %min3A_1589 {strides = array<i32>} : memref<2048xf32, #tpu.memory_space<vmem>>, vector<16xf32>,
        %gt3A_1592 = arith.cmpf ogt, %min3A_1589, %scan3A_1465 : vector<16xf32>
        %max3A_1593 = arith.maximumf %scan3A_1465, %min3A_1589 : vector<16xf32>
        %select_n3A_1594 = arith.select %gt3A_1592, %broadcast_in_dim3A_1476, %scan3A_1466 : vector<16xi1>, vector<16xf32>
        %add3A_1595 = arith.constant 80 : i32
        %add3A_1596 = arith.addi %mul3A_1474, %add3A_1595 : i32
        %get3A_1597 = arith.index_cast %add3A_1596 : i32 to index
        %get3A_1598 = tpu.vector_load %arg6[%get3A_1597] {strides = array<i32>} : memref<2048xf32, #tpu.memory_space<vmem>>, vector<16xf32>,
        %get3A_1599 = arith.index_cast %add3A_1596 : i32 to index
        %get3A_1600 = tpu.vector_load %arg7[%get3A_1599] {strides = array<i32>} : memref<2048xf32, #tpu.memory_space<vmem>>, vector<16xf32>,
        %get3A_1601 = arith.index_cast %add3A_1596 : i32 to index
        %get3A_1602 = tpu.vector_load %arg8[%get3A_1601] {strides = array<i32>} : memref<2048xf32, #tpu.memory_space<vmem>>, vector<16xf32>,
        %sub3A_1603 = arith.subf %get3A_1598, %scan3A_497 : vector<16xf32>
        %sub3A_1604 = arith.subf %get3A_1600, %scan3A_498 : vector<16xf32>
        %sub3A_1605 = arith.subf %get3A_1602, %scan3A_499 : vector<16xf32>
        %mul3A_1606 = arith.mulf %sub3A_1603, %sub3A_1603 : vector<16xf32>
        %mul3A_1607 = arith.mulf %sub3A_1605, %sub3A_1605 : vector<16xf32>
        %add3A_1608 = arith.addf %mul3A_1606, %mul3A_1607 : vector<16xf32>
        %mul3A_1609 = arith.mulf %sub3A_1604, %sub3A_1604 : vector<16xf32>
        %add3A_1610 = arith.addf %add3A_1608, %mul3A_1609 : vector<16xf32>
        %get3A_1611 = arith.index_cast %add3A_1596 : i32 to index
        %get3A_1612 = tpu.vector_load %arg9[%get3A_1611] {strides = array<i32>} : memref<2048xf32, #tpu.memory_space<vmem>>, vector<16xf32>,
        %min3A_1613 = arith.minimumf %get3A_1612, %add3A_1610 : vector<16xf32>
        %swap3A_1614 = arith.index_cast %add3A_1596 : i32 to index
        %swap3A_1615 = tpu.vector_load %arg9[%swap3A_1614] {strides = array<i32>} : memref<2048xf32, #tpu.memory_space<vmem>>, vector<16xf32>,
        tpu.vector_store %arg9[%swap3A_1614], %min3A_1613 {strides = array<i32>} : memref<2048xf32, #tpu.memory_space<vmem>>, vector<16xf32>,
        %gt3A_1616 = arith.cmpf ogt, %min3A_1613, %scan3A_1467 : vector<16xf32>
        %max3A_1617 = arith.maximumf %scan3A_1467, %min3A_1613 : vector<16xf32>
        %select_n3A_1618 = arith.select %gt3A_1616, %broadcast_in_dim3A_1476, %scan3A_1468 : vector<16xi1>, vector<16xf32>
        %add3A_1619 = arith.constant 96 : i32
        %add3A_1620 = arith.addi %mul3A_1474, %add3A_1619 : i32
        %get3A_1621 = arith.index_cast %add3A_1620 : i32 to index
        %get3A_1622 = tpu.vector_load %arg6[%get3A_1621] {strides = array<i32>} : memref<2048xf32, #tpu.memory_space<vmem>>, vector<16xf32>,
        %get3A_1623 = arith.index_cast %add3A_1620 : i32 to index
        %get3A_1624 = tpu.vector_load %arg7[%get3A_1623] {strides = array<i32>} : memref<2048xf32, #tpu.memory_space<vmem>>, vector<16xf32>,
        %get3A_1625 = arith.index_cast %add3A_1620 : i32 to index
        %get3A_1626 = tpu.vector_load %arg8[%get3A_1625] {strides = array<i32>} : memref<2048xf32, #tpu.memory_space<vmem>>, vector<16xf32>,
        %sub3A_1627 = arith.subf %get3A_1622, %scan3A_497 : vector<16xf32>
        %sub3A_1628 = arith.subf %get3A_1624, %scan3A_498 : vector<16xf32>
        %sub3A_1629 = arith.subf %get3A_1626, %scan3A_499 : vector<16xf32>
        %mul3A_1630 = arith.mulf %sub3A_1627, %sub3A_1627 : vector<16xf32>
        %mul3A_1631 = arith.mulf %sub3A_1629, %sub3A_1629 : vector<16xf32>
        %add3A_1632 = arith.addf %mul3A_1630, %mul3A_1631 : vector<16xf32>
        %mul3A_1633 = arith.mulf %sub3A_1628, %sub3A_1628 : vector<16xf32>
        %add3A_1634 = arith.addf %add3A_1632, %mul3A_1633 : vector<16xf32>
        %get3A_1635 = arith.index_cast %add3A_1620 : i32 to index
        %get3A_1636 = tpu.vector_load %arg9[%get3A_1635] {strides = array<i32>} : memref<2048xf32, #tpu.memory_space<vmem>>, vector<16xf32>,
        %min3A_1637 = arith.minimumf %get3A_1636, %add3A_1634 : vector<16xf32>
        %swap3A_1638 = arith.index_cast %add3A_1620 : i32 to index
        %swap3A_1639 = tpu.vector_load %arg9[%swap3A_1638] {strides = array<i32>} : memref<2048xf32, #tpu.memory_space<vmem>>, vector<16xf32>,
        tpu.vector_store %arg9[%swap3A_1638], %min3A_1637 {strides = array<i32>} : memref<2048xf32, #tpu.memory_space<vmem>>, vector<16xf32>,
        %gt3A_1640 = arith.cmpf ogt, %min3A_1637, %scan3A_1469 : vector<16xf32>
        %max3A_1641 = arith.maximumf %scan3A_1469, %min3A_1637 : vector<16xf32>
        %select_n3A_1642 = arith.select %gt3A_1640, %broadcast_in_dim3A_1476, %scan3A_1470 : vector<16xi1>, vector<16xf32>
        %add3A_1643 = arith.constant 112 : i32
        %add3A_1644 = arith.addi %mul3A_1474, %add3A_1643 : i32
        %get3A_1645 = arith.index_cast %add3A_1644 : i32 to index
        %get3A_1646 = tpu.vector_load %arg6[%get3A_1645] {strides = array<i32>} : memref<2048xf32, #tpu.memory_space<vmem>>, vector<16xf32>,
        %get3A_1647 = arith.index_cast %add3A_1644 : i32 to index
        %get3A_1648 = tpu.vector_load %arg7[%get3A_1647] {strides = array<i32>} : memref<2048xf32, #tpu.memory_space<vmem>>, vector<16xf32>,
        %get3A_1649 = arith.index_cast %add3A_1644 : i32 to index
        %get3A_1650 = tpu.vector_load %arg8[%get3A_1649] {strides = array<i32>} : memref<2048xf32, #tpu.memory_space<vmem>>, vector<16xf32>,
        %sub3A_1651 = arith.subf %get3A_1646, %scan3A_497 : vector<16xf32>
        %sub3A_1652 = arith.subf %get3A_1648, %scan3A_498 : vector<16xf32>
        %sub3A_1653 = arith.subf %get3A_1650, %scan3A_499 : vector<16xf32>
        %mul3A_1654 = arith.mulf %sub3A_1651, %sub3A_1651 : vector<16xf32>
        %mul3A_1655 = arith.mulf %sub3A_1653, %sub3A_1653 : vector<16xf32>
        %add3A_1656 = arith.addf %mul3A_1654, %mul3A_1655 : vector<16xf32>
        %mul3A_1657 = arith.mulf %sub3A_1652, %sub3A_1652 : vector<16xf32>
        %add3A_1658 = arith.addf %add3A_1656, %mul3A_1657 : vector<16xf32>
        %get3A_1659 = arith.index_cast %add3A_1644 : i32 to index
        %get3A_1660 = tpu.vector_load %arg9[%get3A_1659] {strides = array<i32>} : memref<2048xf32, #tpu.memory_space<vmem>>, vector<16xf32>,
        %min3A_1661 = arith.minimumf %get3A_1660, %add3A_1658 : vector<16xf32>
        %swap3A_1662 = arith.index_cast %add3A_1644 : i32 to index
        %swap3A_1663 = tpu.vector_load %arg9[%swap3A_1662] {strides = array<i32>} : memref<2048xf32, #tpu.memory_space<vmem>>, vector<16xf32>,
        tpu.vector_store %arg9[%swap3A_1662], %min3A_1661 {strides = array<i32>} : memref<2048xf32, #tpu.memory_space<vmem>>, vector<16xf32>,
        %gt3A_1664 = arith.cmpf ogt, %min3A_1661, %scan3A_1471 : vector<16xf32>
        %max3A_1665 = arith.maximumf %scan3A_1471, %min3A_1661 : vector<16xf32>
        %select_n3A_1666 = arith.select %gt3A_1664, %broadcast_in_dim3A_1476, %scan3A_1472 : vector<16xi1>, vector<16xf32>
        %scan3A_1667 = arith.constant 1 : i32
        %scan3A_1668 = arith.addi %scan3A_1456, %scan3A_1667 : i32
        %mul3A_1669 = arith.constant 128 : i32
        %mul3A_1670 = arith.muli %scan3A_1668, %mul3A_1669 : i32
        %convert_element_type3A_1671 = arith.sitofp %scan3A_1668 : i32 to f32
        %broadcast_in_dim3A_1672 = vector.broadcast %convert_element_type3A_1671 : f32 to vector<16xf32>
        %add3A_1673 = arith.constant 0 : i32
        %add3A_1674 = arith.addi %mul3A_1670, %add3A_1673 : i32
        %get3A_1675 = arith.index_cast %add3A_1674 : i32 to index
        %get3A_1676 = tpu.vector_load %arg6[%get3A_1675] {strides = array<i32>} : memref<2048xf32, #tpu.memory_space<vmem>>, vector<16xf32>,
        %get3A_1677 = arith.index_cast %add3A_1674 : i32 to index
        %get3A_1678 = tpu.vector_load %arg7[%get3A_1677] {strides = array<i32>} : memref<2048xf32, #tpu.memory_space<vmem>>, vector<16xf32>,
        %get3A_1679 = arith.index_cast %add3A_1674 : i32 to index
        %get3A_1680 = tpu.vector_load %arg8[%get3A_1679] {strides = array<i32>} : memref<2048xf32, #tpu.memory_space<vmem>>, vector<16xf32>,
        %sub3A_1681 = arith.subf %get3A_1676, %scan3A_497 : vector<16xf32>
        %sub3A_1682 = arith.subf %get3A_1678, %scan3A_498 : vector<16xf32>
        %sub3A_1683 = arith.subf %get3A_1680, %scan3A_499 : vector<16xf32>
        %mul3A_1684 = arith.mulf %sub3A_1681, %sub3A_1681 : vector<16xf32>
        %mul3A_1685 = arith.mulf %sub3A_1683, %sub3A_1683 : vector<16xf32>
        %add3A_1686 = arith.addf %mul3A_1684, %mul3A_1685 : vector<16xf32>
        %mul3A_1687 = arith.mulf %sub3A_1682, %sub3A_1682 : vector<16xf32>
        %add3A_1688 = arith.addf %add3A_1686, %mul3A_1687 : vector<16xf32>
        %get3A_1689 = arith.index_cast %add3A_1674 : i32 to index
        %get3A_1690 = tpu.vector_load %arg9[%get3A_1689] {strides = array<i32>} : memref<2048xf32, #tpu.memory_space<vmem>>, vector<16xf32>,
        %min3A_1691 = arith.minimumf %get3A_1690, %add3A_1688 : vector<16xf32>
        %swap3A_1692 = arith.index_cast %add3A_1674 : i32 to index
        %swap3A_1693 = tpu.vector_load %arg9[%swap3A_1692] {strides = array<i32>} : memref<2048xf32, #tpu.memory_space<vmem>>, vector<16xf32>,
        tpu.vector_store %arg9[%swap3A_1692], %min3A_1691 {strides = array<i32>} : memref<2048xf32, #tpu.memory_space<vmem>>, vector<16xf32>,
        %gt3A_1694 = arith.cmpf ogt, %min3A_1691, %max3A : vector<16xf32>
        %max3A_1695 = arith.maximumf %max3A, %min3A_1691 : vector<16xf32>
        %select_n3A_1696 = arith.select %gt3A_1694, %broadcast_in_dim3A_1672, %select_n3A_1498 : vector<16xi1>, vector<16xf32>
        %add3A_1697 = arith.constant 16 : i32
        %add3A_1698 = arith.addi %mul3A_1670, %add3A_1697 : i32
        %get3A_1699 = arith.index_cast %add3A_1698 : i32 to index
        %get3A_1700 = tpu.vector_load %arg6[%get3A_1699] {strides = array<i32>} : memref<2048xf32, #tpu.memory_space<vmem>>, vector<16xf32>,
        %get3A_1701 = arith.index_cast %add3A_1698 : i32 to index
        %get3A_1702 = tpu.vector_load %arg7[%get3A_1701] {strides = array<i32>} : memref<2048xf32, #tpu.memory_space<vmem>>, vector<16xf32>,
        %get3A_1703 = arith.index_cast %add3A_1698 : i32 to index
        %get3A_1704 = tpu.vector_load %arg8[%get3A_1703] {strides = array<i32>} : memref<2048xf32, #tpu.memory_space<vmem>>, vector<16xf32>,
        %sub3A_1705 = arith.subf %get3A_1700, %scan3A_497 : vector<16xf32>
        %sub3A_1706 = arith.subf %get3A_1702, %scan3A_498 : vector<16xf32>
        %sub3A_1707 = arith.subf %get3A_1704, %scan3A_499 : vector<16xf32>
        %mul3A_1708 = arith.mulf %sub3A_1705, %sub3A_1705 : vector<16xf32>
        %mul3A_1709 = arith.mulf %sub3A_1707, %sub3A_1707 : vector<16xf32>
        %add3A_1710 = arith.addf %mul3A_1708, %mul3A_1709 : vector<16xf32>
        %mul3A_1711 = arith.mulf %sub3A_1706, %sub3A_1706 : vector<16xf32>
        %add3A_1712 = arith.addf %add3A_1710, %mul3A_1711 : vector<16xf32>
        %get3A_1713 = arith.index_cast %add3A_1698 : i32 to index
        %get3A_1714 = tpu.vector_load %arg9[%get3A_1713] {strides = array<i32>} : memref<2048xf32, #tpu.memory_space<vmem>>, vector<16xf32>,
        %min3A_1715 = arith.minimumf %get3A_1714, %add3A_1712 : vector<16xf32>
        %swap3A_1716 = arith.index_cast %add3A_1698 : i32 to index
        %swap3A_1717 = tpu.vector_load %arg9[%swap3A_1716] {strides = array<i32>} : memref<2048xf32, #tpu.memory_space<vmem>>, vector<16xf32>,
        tpu.vector_store %arg9[%swap3A_1716], %min3A_1715 {strides = array<i32>} : memref<2048xf32, #tpu.memory_space<vmem>>, vector<16xf32>,
        %gt3A_1718 = arith.cmpf ogt, %min3A_1715, %max3A_1521 : vector<16xf32>
        %max3A_1719 = arith.maximumf %max3A_1521, %min3A_1715 : vector<16xf32>
        %select_n3A_1720 = arith.select %gt3A_1718, %broadcast_in_dim3A_1672, %select_n3A_1522 : vector<16xi1>, vector<16xf32>
        %add3A_1721 = arith.constant 32 : i32
        %add3A_1722 = arith.addi %mul3A_1670, %add3A_1721 : i32
        %get3A_1723 = arith.index_cast %add3A_1722 : i32 to index
        %get3A_1724 = tpu.vector_load %arg6[%get3A_1723] {strides = array<i32>} : memref<2048xf32, #tpu.memory_space<vmem>>, vector<16xf32>,
        %get3A_1725 = arith.index_cast %add3A_1722 : i32 to index
        %get3A_1726 = tpu.vector_load %arg7[%get3A_1725] {strides = array<i32>} : memref<2048xf32, #tpu.memory_space<vmem>>, vector<16xf32>,
        %get3A_1727 = arith.index_cast %add3A_1722 : i32 to index
        %get3A_1728 = tpu.vector_load %arg8[%get3A_1727] {strides = array<i32>} : memref<2048xf32, #tpu.memory_space<vmem>>, vector<16xf32>,
        %sub3A_1729 = arith.subf %get3A_1724, %scan3A_497 : vector<16xf32>
        %sub3A_1730 = arith.subf %get3A_1726, %scan3A_498 : vector<16xf32>
        %sub3A_1731 = arith.subf %get3A_1728, %scan3A_499 : vector<16xf32>
        %mul3A_1732 = arith.mulf %sub3A_1729, %sub3A_1729 : vector<16xf32>
        %mul3A_1733 = arith.mulf %sub3A_1731, %sub3A_1731 : vector<16xf32>
        %add3A_1734 = arith.addf %mul3A_1732, %mul3A_1733 : vector<16xf32>
        %mul3A_1735 = arith.mulf %sub3A_1730, %sub3A_1730 : vector<16xf32>
        %add3A_1736 = arith.addf %add3A_1734, %mul3A_1735 : vector<16xf32>
        %get3A_1737 = arith.index_cast %add3A_1722 : i32 to index
        %get3A_1738 = tpu.vector_load %arg9[%get3A_1737] {strides = array<i32>} : memref<2048xf32, #tpu.memory_space<vmem>>, vector<16xf32>,
        %min3A_1739 = arith.minimumf %get3A_1738, %add3A_1736 : vector<16xf32>
        %swap3A_1740 = arith.index_cast %add3A_1722 : i32 to index
        %swap3A_1741 = tpu.vector_load %arg9[%swap3A_1740] {strides = array<i32>} : memref<2048xf32, #tpu.memory_space<vmem>>, vector<16xf32>,
        tpu.vector_store %arg9[%swap3A_1740], %min3A_1739 {strides = array<i32>} : memref<2048xf32, #tpu.memory_space<vmem>>, vector<16xf32>,
        %gt3A_1742 = arith.cmpf ogt, %min3A_1739, %max3A_1545 : vector<16xf32>
        %max3A_1743 = arith.maximumf %max3A_1545, %min3A_1739 : vector<16xf32>
        %select_n3A_1744 = arith.select %gt3A_1742, %broadcast_in_dim3A_1672, %select_n3A_1546 : vector<16xi1>, vector<16xf32>
        %add3A_1745 = arith.constant 48 : i32
        %add3A_1746 = arith.addi %mul3A_1670, %add3A_1745 : i32
        %get3A_1747 = arith.index_cast %add3A_1746 : i32 to index
        %get3A_1748 = tpu.vector_load %arg6[%get3A_1747] {strides = array<i32>} : memref<2048xf32, #tpu.memory_space<vmem>>, vector<16xf32>,
        %get3A_1749 = arith.index_cast %add3A_1746 : i32 to index
        %get3A_1750 = tpu.vector_load %arg7[%get3A_1749] {strides = array<i32>} : memref<2048xf32, #tpu.memory_space<vmem>>, vector<16xf32>,
        %get3A_1751 = arith.index_cast %add3A_1746 : i32 to index
        %get3A_1752 = tpu.vector_load %arg8[%get3A_1751] {strides = array<i32>} : memref<2048xf32, #tpu.memory_space<vmem>>, vector<16xf32>,
        %sub3A_1753 = arith.subf %get3A_1748, %scan3A_497 : vector<16xf32>
        %sub3A_1754 = arith.subf %get3A_1750, %scan3A_498 : vector<16xf32>
        %sub3A_1755 = arith.subf %get3A_1752, %scan3A_499 : vector<16xf32>
        %mul3A_1756 = arith.mulf %sub3A_1753, %sub3A_1753 : vector<16xf32>
        %mul3A_1757 = arith.mulf %sub3A_1755, %sub3A_1755 : vector<16xf32>
        %add3A_1758 = arith.addf %mul3A_1756, %mul3A_1757 : vector<16xf32>
        %mul3A_1759 = arith.mulf %sub3A_1754, %sub3A_1754 : vector<16xf32>
        %add3A_1760 = arith.addf %add3A_1758, %mul3A_1759 : vector<16xf32>
        %get3A_1761 = arith.index_cast %add3A_1746 : i32 to index
        %get3A_1762 = tpu.vector_load %arg9[%get3A_1761] {strides = array<i32>} : memref<2048xf32, #tpu.memory_space<vmem>>, vector<16xf32>,
        %min3A_1763 = arith.minimumf %get3A_1762, %add3A_1760 : vector<16xf32>
        %swap3A_1764 = arith.index_cast %add3A_1746 : i32 to index
        %swap3A_1765 = tpu.vector_load %arg9[%swap3A_1764] {strides = array<i32>} : memref<2048xf32, #tpu.memory_space<vmem>>, vector<16xf32>,
        tpu.vector_store %arg9[%swap3A_1764], %min3A_1763 {strides = array<i32>} : memref<2048xf32, #tpu.memory_space<vmem>>, vector<16xf32>,
        %gt3A_1766 = arith.cmpf ogt, %min3A_1763, %max3A_1569 : vector<16xf32>
        %max3A_1767 = arith.maximumf %max3A_1569, %min3A_1763 : vector<16xf32>
        %select_n3A_1768 = arith.select %gt3A_1766, %broadcast_in_dim3A_1672, %select_n3A_1570 : vector<16xi1>, vector<16xf32>
        %add3A_1769 = arith.constant 64 : i32
        %add3A_1770 = arith.addi %mul3A_1670, %add3A_1769 : i32
        %get3A_1771 = arith.index_cast %add3A_1770 : i32 to index
        %get3A_1772 = tpu.vector_load %arg6[%get3A_1771] {strides = array<i32>} : memref<2048xf32, #tpu.memory_space<vmem>>, vector<16xf32>,
        %get3A_1773 = arith.index_cast %add3A_1770 : i32 to index
        %get3A_1774 = tpu.vector_load %arg7[%get3A_1773] {strides = array<i32>} : memref<2048xf32, #tpu.memory_space<vmem>>, vector<16xf32>,
        %get3A_1775 = arith.index_cast %add3A_1770 : i32 to index
        %get3A_1776 = tpu.vector_load %arg8[%get3A_1775] {strides = array<i32>} : memref<2048xf32, #tpu.memory_space<vmem>>, vector<16xf32>,
        %sub3A_1777 = arith.subf %get3A_1772, %scan3A_497 : vector<16xf32>
        %sub3A_1778 = arith.subf %get3A_1774, %scan3A_498 : vector<16xf32>
        %sub3A_1779 = arith.subf %get3A_1776, %scan3A_499 : vector<16xf32>
        %mul3A_1780 = arith.mulf %sub3A_1777, %sub3A_1777 : vector<16xf32>
        %mul3A_1781 = arith.mulf %sub3A_1779, %sub3A_1779 : vector<16xf32>
        %add3A_1782 = arith.addf %mul3A_1780, %mul3A_1781 : vector<16xf32>
        %mul3A_1783 = arith.mulf %sub3A_1778, %sub3A_1778 : vector<16xf32>
        %add3A_1784 = arith.addf %add3A_1782, %mul3A_1783 : vector<16xf32>
        %get3A_1785 = arith.index_cast %add3A_1770 : i32 to index
        %get3A_1786 = tpu.vector_load %arg9[%get3A_1785] {strides = array<i32>} : memref<2048xf32, #tpu.memory_space<vmem>>, vector<16xf32>,
        %min3A_1787 = arith.minimumf %get3A_1786, %add3A_1784 : vector<16xf32>
        %swap3A_1788 = arith.index_cast %add3A_1770 : i32 to index
        %swap3A_1789 = tpu.vector_load %arg9[%swap3A_1788] {strides = array<i32>} : memref<2048xf32, #tpu.memory_space<vmem>>, vector<16xf32>,
        tpu.vector_store %arg9[%swap3A_1788], %min3A_1787 {strides = array<i32>} : memref<2048xf32, #tpu.memory_space<vmem>>, vector<16xf32>,
        %gt3A_1790 = arith.cmpf ogt, %min3A_1787, %max3A_1593 : vector<16xf32>
        %max3A_1791 = arith.maximumf %max3A_1593, %min3A_1787 : vector<16xf32>
        %select_n3A_1792 = arith.select %gt3A_1790, %broadcast_in_dim3A_1672, %select_n3A_1594 : vector<16xi1>, vector<16xf32>
        %add3A_1793 = arith.constant 80 : i32
        %add3A_1794 = arith.addi %mul3A_1670, %add3A_1793 : i32
        %get3A_1795 = arith.index_cast %add3A_1794 : i32 to index
        %get3A_1796 = tpu.vector_load %arg6[%get3A_1795] {strides = array<i32>} : memref<2048xf32, #tpu.memory_space<vmem>>, vector<16xf32>,
        %get3A_1797 = arith.index_cast %add3A_1794 : i32 to index
        %get3A_1798 = tpu.vector_load %arg7[%get3A_1797] {strides = array<i32>} : memref<2048xf32, #tpu.memory_space<vmem>>, vector<16xf32>,
        %get3A_1799 = arith.index_cast %add3A_1794 : i32 to index
        %get3A_1800 = tpu.vector_load %arg8[%get3A_1799] {strides = array<i32>} : memref<2048xf32, #tpu.memory_space<vmem>>, vector<16xf32>,
        %sub3A_1801 = arith.subf %get3A_1796, %scan3A_497 : vector<16xf32>
        %sub3A_1802 = arith.subf %get3A_1798, %scan3A_498 : vector<16xf32>
        %sub3A_1803 = arith.subf %get3A_1800, %scan3A_499 : vector<16xf32>
        %mul3A_1804 = arith.mulf %sub3A_1801, %sub3A_1801 : vector<16xf32>
        %mul3A_1805 = arith.mulf %sub3A_1803, %sub3A_1803 : vector<16xf32>
        %add3A_1806 = arith.addf %mul3A_1804, %mul3A_1805 : vector<16xf32>
        %mul3A_1807 = arith.mulf %sub3A_1802, %sub3A_1802 : vector<16xf32>
        %add3A_1808 = arith.addf %add3A_1806, %mul3A_1807 : vector<16xf32>
        %get3A_1809 = arith.index_cast %add3A_1794 : i32 to index
        %get3A_1810 = tpu.vector_load %arg9[%get3A_1809] {strides = array<i32>} : memref<2048xf32, #tpu.memory_space<vmem>>, vector<16xf32>,
        %min3A_1811 = arith.minimumf %get3A_1810, %add3A_1808 : vector<16xf32>
        %swap3A_1812 = arith.index_cast %add3A_1794 : i32 to index
        %swap3A_1813 = tpu.vector_load %arg9[%swap3A_1812] {strides = array<i32>} : memref<2048xf32, #tpu.memory_space<vmem>>, vector<16xf32>,
        tpu.vector_store %arg9[%swap3A_1812], %min3A_1811 {strides = array<i32>} : memref<2048xf32, #tpu.memory_space<vmem>>, vector<16xf32>,
        %gt3A_1814 = arith.cmpf ogt, %min3A_1811, %max3A_1617 : vector<16xf32>
        %max3A_1815 = arith.maximumf %max3A_1617, %min3A_1811 : vector<16xf32>
        %select_n3A_1816 = arith.select %gt3A_1814, %broadcast_in_dim3A_1672, %select_n3A_1618 : vector<16xi1>, vector<16xf32>
        %add3A_1817 = arith.constant 96 : i32
        %add3A_1818 = arith.addi %mul3A_1670, %add3A_1817 : i32
        %get3A_1819 = arith.index_cast %add3A_1818 : i32 to index
        %get3A_1820 = tpu.vector_load %arg6[%get3A_1819] {strides = array<i32>} : memref<2048xf32, #tpu.memory_space<vmem>>, vector<16xf32>,
        %get3A_1821 = arith.index_cast %add3A_1818 : i32 to index
        %get3A_1822 = tpu.vector_load %arg7[%get3A_1821] {strides = array<i32>} : memref<2048xf32, #tpu.memory_space<vmem>>, vector<16xf32>,
        %get3A_1823 = arith.index_cast %add3A_1818 : i32 to index
        %get3A_1824 = tpu.vector_load %arg8[%get3A_1823] {strides = array<i32>} : memref<2048xf32, #tpu.memory_space<vmem>>, vector<16xf32>,
        %sub3A_1825 = arith.subf %get3A_1820, %scan3A_497 : vector<16xf32>
        %sub3A_1826 = arith.subf %get3A_1822, %scan3A_498 : vector<16xf32>
        %sub3A_1827 = arith.subf %get3A_1824, %scan3A_499 : vector<16xf32>
        %mul3A_1828 = arith.mulf %sub3A_1825, %sub3A_1825 : vector<16xf32>
        %mul3A_1829 = arith.mulf %sub3A_1827, %sub3A_1827 : vector<16xf32>
        %add3A_1830 = arith.addf %mul3A_1828, %mul3A_1829 : vector<16xf32>
        %mul3A_1831 = arith.mulf %sub3A_1826, %sub3A_1826 : vector<16xf32>
        %add3A_1832 = arith.addf %add3A_1830, %mul3A_1831 : vector<16xf32>
        %get3A_1833 = arith.index_cast %add3A_1818 : i32 to index
        %get3A_1834 = tpu.vector_load %arg9[%get3A_1833] {strides = array<i32>} : memref<2048xf32, #tpu.memory_space<vmem>>, vector<16xf32>,
        %min3A_1835 = arith.minimumf %get3A_1834, %add3A_1832 : vector<16xf32>
        %swap3A_1836 = arith.index_cast %add3A_1818 : i32 to index
        %swap3A_1837 = tpu.vector_load %arg9[%swap3A_1836] {strides = array<i32>} : memref<2048xf32, #tpu.memory_space<vmem>>, vector<16xf32>,
        tpu.vector_store %arg9[%swap3A_1836], %min3A_1835 {strides = array<i32>} : memref<2048xf32, #tpu.memory_space<vmem>>, vector<16xf32>,
        %gt3A_1838 = arith.cmpf ogt, %min3A_1835, %max3A_1641 : vector<16xf32>
        %max3A_1839 = arith.maximumf %max3A_1641, %min3A_1835 : vector<16xf32>
        %select_n3A_1840 = arith.select %gt3A_1838, %broadcast_in_dim3A_1672, %select_n3A_1642 : vector<16xi1>, vector<16xf32>
        %add3A_1841 = arith.constant 112 : i32
        %add3A_1842 = arith.addi %mul3A_1670, %add3A_1841 : i32
        %get3A_1843 = arith.index_cast %add3A_1842 : i32 to index
        %get3A_1844 = tpu.vector_load %arg6[%get3A_1843] {strides = array<i32>} : memref<2048xf32, #tpu.memory_space<vmem>>, vector<16xf32>,
        %get3A_1845 = arith.index_cast %add3A_1842 : i32 to index
        %get3A_1846 = tpu.vector_load %arg7[%get3A_1845] {strides = array<i32>} : memref<2048xf32, #tpu.memory_space<vmem>>, vector<16xf32>,
        %get3A_1847 = arith.index_cast %add3A_1842 : i32 to index
        %get3A_1848 = tpu.vector_load %arg8[%get3A_1847] {strides = array<i32>} : memref<2048xf32, #tpu.memory_space<vmem>>, vector<16xf32>,
        %sub3A_1849 = arith.subf %get3A_1844, %scan3A_497 : vector<16xf32>
        %sub3A_1850 = arith.subf %get3A_1846, %scan3A_498 : vector<16xf32>
        %sub3A_1851 = arith.subf %get3A_1848, %scan3A_499 : vector<16xf32>
        %mul3A_1852 = arith.mulf %sub3A_1849, %sub3A_1849 : vector<16xf32>
        %mul3A_1853 = arith.mulf %sub3A_1851, %sub3A_1851 : vector<16xf32>
        %add3A_1854 = arith.addf %mul3A_1852, %mul3A_1853 : vector<16xf32>
        %mul3A_1855 = arith.mulf %sub3A_1850, %sub3A_1850 : vector<16xf32>
        %add3A_1856 = arith.addf %add3A_1854, %mul3A_1855 : vector<16xf32>
        %get3A_1857 = arith.index_cast %add3A_1842 : i32 to index
        %get3A_1858 = tpu.vector_load %arg9[%get3A_1857] {strides = array<i32>} : memref<2048xf32, #tpu.memory_space<vmem>>, vector<16xf32>,
        %min3A_1859 = arith.minimumf %get3A_1858, %add3A_1856 : vector<16xf32>
        %swap3A_1860 = arith.index_cast %add3A_1842 : i32 to index
        %swap3A_1861 = tpu.vector_load %arg9[%swap3A_1860] {strides = array<i32>} : memref<2048xf32, #tpu.memory_space<vmem>>, vector<16xf32>,
        tpu.vector_store %arg9[%swap3A_1860], %min3A_1859 {strides = array<i32>} : memref<2048xf32, #tpu.memory_space<vmem>>, vector<16xf32>,
        %gt3A_1862 = arith.cmpf ogt, %min3A_1859, %max3A_1665 : vector<16xf32>
        %max3A_1863 = arith.maximumf %max3A_1665, %min3A_1859 : vector<16xf32>
        %select_n3A_1864 = arith.select %gt3A_1862, %broadcast_in_dim3A_1672, %select_n3A_1666 : vector<16xi1>, vector<16xf32>
        scf.yield %max3A_1695, %select_n3A_1696, %max3A_1719, %select_n3A_1720, %max3A_1743, %select_n3A_1744, %max3A_1767, %select_n3A_1768, %max3A_1791, %select_n3A_1792, %max3A_1815, %select_n3A_1816, %max3A_1839, %select_n3A_1840, %max3A_1863, %select_n3A_1864 : vector<16xf32>, vector<16xf32>, vector<16xf32>, vector<16xf32>, vector<16xf32>, vector<16xf32>, vector<16xf32>, vector<16xf32>, vector<16xf32>, vector<16xf32>, vector<16xf32>, vector<16xf32>, vector<16xf32>, vector<16xf32>, vector<16xf32>, vector<16xf32>
      }
      %scan3A_513 = arith.constant 16 : i32
      %mul3A_514 = arith.constant 1.280000e+02 : f32
      %mul3A_515 = vector.broadcast %mul3A_514 : f32 to vector<16xf32>
      %mul3A_516 = arith.mulf %scan3A_512#1, %mul3A_515 : vector<16xf32>
      %add3A_517 = arith.constant 0.000000e+00 : f32
      %add3A_518 = vector.broadcast %add3A_517 : f32 to vector<16xf32>
      %add3A_519 = arith.addf %add3A_518, %convert_element_type3A_1 : vector<16xf32>
      %add3A_520 = arith.addf %mul3A_516, %add3A_519 : vector<16xf32>
      %mul3A_521 = arith.constant 1.280000e+02 : f32
      %mul3A_522 = vector.broadcast %mul3A_521 : f32 to vector<16xf32>
      %mul3A_523 = arith.mulf %scan3A_512#3, %mul3A_522 : vector<16xf32>
      %add3A_524 = arith.constant 1.600000e+01 : f32
      %add3A_525 = vector.broadcast %add3A_524 : f32 to vector<16xf32>
      %add3A_526 = arith.addf %add3A_525, %convert_element_type3A_1 : vector<16xf32>
      %add3A_527 = arith.addf %mul3A_523, %add3A_526 : vector<16xf32>
      %gt3A_528 = arith.cmpf ogt, %scan3A_512#2, %scan3A_512#0 : vector<16xf32>
      %eq3A_529 = arith.cmpf oeq, %scan3A_512#2, %scan3A_512#0 : vector<16xf32>
      %lt3A_530 = arith.cmpf olt, %add3A_527, %add3A_520 : vector<16xf32>
      %and3A_531 = arith.andi %eq3A_529, %lt3A_530 : vector<16xi1>
      %or3A_532 = arith.ori %gt3A_528, %and3A_531 : vector<16xi1>
      %select_n3A_533 = arith.select %or3A_532, %scan3A_512#2, %scan3A_512#0 : vector<16xi1>, vector<16xf32>
      %select_n3A_534 = arith.select %or3A_532, %add3A_527, %add3A_520 : vector<16xi1>, vector<16xf32>
      %mul3A_535 = arith.constant 1.280000e+02 : f32
      %mul3A_536 = vector.broadcast %mul3A_535 : f32 to vector<16xf32>
      %mul3A_537 = arith.mulf %scan3A_512#5, %mul3A_536 : vector<16xf32>
      %add3A_538 = arith.constant 3.200000e+01 : f32
      %add3A_539 = vector.broadcast %add3A_538 : f32 to vector<16xf32>
      %add3A_540 = arith.addf %add3A_539, %convert_element_type3A_1 : vector<16xf32>
      %add3A_541 = arith.addf %mul3A_537, %add3A_540 : vector<16xf32>
      %gt3A_542 = arith.cmpf ogt, %scan3A_512#4, %select_n3A_533 : vector<16xf32>
      %eq3A_543 = arith.cmpf oeq, %scan3A_512#4, %select_n3A_533 : vector<16xf32>
      %lt3A_544 = arith.cmpf olt, %add3A_541, %select_n3A_534 : vector<16xf32>
      %and3A_545 = arith.andi %eq3A_543, %lt3A_544 : vector<16xi1>
      %or3A_546 = arith.ori %gt3A_542, %and3A_545 : vector<16xi1>
      %select_n3A_547 = arith.select %or3A_546, %scan3A_512#4, %select_n3A_533 : vector<16xi1>, vector<16xf32>
      %select_n3A_548 = arith.select %or3A_546, %add3A_541, %select_n3A_534 : vector<16xi1>, vector<16xf32>
      %mul3A_549 = arith.constant 1.280000e+02 : f32
      %mul3A_550 = vector.broadcast %mul3A_549 : f32 to vector<16xf32>
      %mul3A_551 = arith.mulf %scan3A_512#7, %mul3A_550 : vector<16xf32>
      %add3A_552 = arith.constant 4.800000e+01 : f32
      %add3A_553 = vector.broadcast %add3A_552 : f32 to vector<16xf32>
      %add3A_554 = arith.addf %add3A_553, %convert_element_type3A_1 : vector<16xf32>
      %add3A_555 = arith.addf %mul3A_551, %add3A_554 : vector<16xf32>
      %gt3A_556 = arith.cmpf ogt, %scan3A_512#6, %select_n3A_547 : vector<16xf32>
      %eq3A_557 = arith.cmpf oeq, %scan3A_512#6, %select_n3A_547 : vector<16xf32>
      %lt3A_558 = arith.cmpf olt, %add3A_555, %select_n3A_548 : vector<16xf32>
      %and3A_559 = arith.andi %eq3A_557, %lt3A_558 : vector<16xi1>
      %or3A_560 = arith.ori %gt3A_556, %and3A_559 : vector<16xi1>
      %select_n3A_561 = arith.select %or3A_560, %scan3A_512#6, %select_n3A_547 : vector<16xi1>, vector<16xf32>
      %select_n3A_562 = arith.select %or3A_560, %add3A_555, %select_n3A_548 : vector<16xi1>, vector<16xf32>
      %mul3A_563 = arith.constant 1.280000e+02 : f32
      %mul3A_564 = vector.broadcast %mul3A_563 : f32 to vector<16xf32>
      %mul3A_565 = arith.mulf %scan3A_512#9, %mul3A_564 : vector<16xf32>
      %add3A_566 = arith.constant 6.400000e+01 : f32
      %add3A_567 = vector.broadcast %add3A_566 : f32 to vector<16xf32>
      %add3A_568 = arith.addf %add3A_567, %convert_element_type3A_1 : vector<16xf32>
      %add3A_569 = arith.addf %mul3A_565, %add3A_568 : vector<16xf32>
      %gt3A_570 = arith.cmpf ogt, %scan3A_512#8, %select_n3A_561 : vector<16xf32>
      %eq3A_571 = arith.cmpf oeq, %scan3A_512#8, %select_n3A_561 : vector<16xf32>
      %lt3A_572 = arith.cmpf olt, %add3A_569, %select_n3A_562 : vector<16xf32>
      %and3A_573 = arith.andi %eq3A_571, %lt3A_572 : vector<16xi1>
      %or3A_574 = arith.ori %gt3A_570, %and3A_573 : vector<16xi1>
      %select_n3A_575 = arith.select %or3A_574, %scan3A_512#8, %select_n3A_561 : vector<16xi1>, vector<16xf32>
      %select_n3A_576 = arith.select %or3A_574, %add3A_569, %select_n3A_562 : vector<16xi1>, vector<16xf32>
      %mul3A_577 = arith.constant 1.280000e+02 : f32
      %mul3A_578 = vector.broadcast %mul3A_577 : f32 to vector<16xf32>
      %mul3A_579 = arith.mulf %scan3A_512#11, %mul3A_578 : vector<16xf32>
      %add3A_580 = arith.constant 8.000000e+01 : f32
      %add3A_581 = vector.broadcast %add3A_580 : f32 to vector<16xf32>
      %add3A_582 = arith.addf %add3A_581, %convert_element_type3A_1 : vector<16xf32>
      %add3A_583 = arith.addf %mul3A_579, %add3A_582 : vector<16xf32>
      %gt3A_584 = arith.cmpf ogt, %scan3A_512#10, %select_n3A_575 : vector<16xf32>
      %eq3A_585 = arith.cmpf oeq, %scan3A_512#10, %select_n3A_575 : vector<16xf32>
      %lt3A_586 = arith.cmpf olt, %add3A_583, %select_n3A_576 : vector<16xf32>
      %and3A_587 = arith.andi %eq3A_585, %lt3A_586 : vector<16xi1>
      %or3A_588 = arith.ori %gt3A_584, %and3A_587 : vector<16xi1>
      %select_n3A_589 = arith.select %or3A_588, %scan3A_512#10, %select_n3A_575 : vector<16xi1>, vector<16xf32>
      %select_n3A_590 = arith.select %or3A_588, %add3A_583, %select_n3A_576 : vector<16xi1>, vector<16xf32>
      %mul3A_591 = arith.constant 1.280000e+02 : f32
      %mul3A_592 = vector.broadcast %mul3A_591 : f32 to vector<16xf32>
      %mul3A_593 = arith.mulf %scan3A_512#13, %mul3A_592 : vector<16xf32>
      %add3A_594 = arith.constant 9.600000e+01 : f32
      %add3A_595 = vector.broadcast %add3A_594 : f32 to vector<16xf32>
      %add3A_596 = arith.addf %add3A_595, %convert_element_type3A_1 : vector<16xf32>
      %add3A_597 = arith.addf %mul3A_593, %add3A_596 : vector<16xf32>
      %gt3A_598 = arith.cmpf ogt, %scan3A_512#12, %select_n3A_589 : vector<16xf32>
      %eq3A_599 = arith.cmpf oeq, %scan3A_512#12, %select_n3A_589 : vector<16xf32>
      %lt3A_600 = arith.cmpf olt, %add3A_597, %select_n3A_590 : vector<16xf32>
      %and3A_601 = arith.andi %eq3A_599, %lt3A_600 : vector<16xi1>
      %or3A_602 = arith.ori %gt3A_598, %and3A_601 : vector<16xi1>
      %select_n3A_603 = arith.select %or3A_602, %scan3A_512#12, %select_n3A_589 : vector<16xi1>, vector<16xf32>
      %select_n3A_604 = arith.select %or3A_602, %add3A_597, %select_n3A_590 : vector<16xi1>, vector<16xf32>
      %mul3A_605 = arith.constant 1.280000e+02 : f32
      %mul3A_606 = vector.broadcast %mul3A_605 : f32 to vector<16xf32>
      %mul3A_607 = arith.mulf %scan3A_512#15, %mul3A_606 : vector<16xf32>
      %add3A_608 = arith.constant 1.120000e+02 : f32
      %add3A_609 = vector.broadcast %add3A_608 : f32 to vector<16xf32>
      %add3A_610 = arith.addf %add3A_609, %convert_element_type3A_1 : vector<16xf32>
      %add3A_611 = arith.addf %mul3A_607, %add3A_610 : vector<16xf32>
      %gt3A_612 = arith.cmpf ogt, %scan3A_512#14, %select_n3A_603 : vector<16xf32>
      %eq3A_613 = arith.cmpf oeq, %scan3A_512#14, %select_n3A_603 : vector<16xf32>
      %lt3A_614 = arith.cmpf olt, %add3A_611, %select_n3A_604 : vector<16xf32>
      %and3A_615 = arith.andi %eq3A_613, %lt3A_614 : vector<16xi1>
      %or3A_616 = arith.ori %gt3A_612, %and3A_615 : vector<16xi1>
      %select_n3A_617 = arith.select %or3A_616, %scan3A_512#14, %select_n3A_603 : vector<16xi1>, vector<16xf32>
      %select_n3A_618 = arith.select %or3A_616, %add3A_611, %select_n3A_604 : vector<16xi1>, vector<16xf32>
      %reduce_max3A_619 = arith.constant true
      %reduce_max3A_620 = vector.broadcast %reduce_max3A_619 : i1 to vector<16xi1>
      %reduce_max3A_621 = tpu.scan <max>, %select_n3A_617 masked %reduce_max3A_620 : vector<16xf32>, vector<16xi1> -> vector<16xf32>
      %reduce_max3A_622 = vector.extract %reduce_max3A_621[15] : f32 from vector<16xf32>
      %broadcast_in_dim3A_623 = vector.broadcast %reduce_max3A_622 : f32 to vector<16xf32>
      %eq3A_624 = arith.cmpf oeq, %select_n3A_617, %broadcast_in_dim3A_623 : vector<16xf32>
      %jit3A_625 = arith.constant 3.000000e+09 : f32
      %broadcast_in_dim3A_626 = vector.broadcast %jit3A_625 : f32 to vector<16xf32>
      %select_n3A_627 = arith.select %eq3A_624, %select_n3A_618, %broadcast_in_dim3A_626 : vector<16xi1>, vector<16xf32>
      %reduce_min3A_628 = arith.constant true
      %reduce_min3A_629 = vector.broadcast %reduce_min3A_628 : i1 to vector<16xi1>
      %reduce_min3A_630 = tpu.scan <min>, %select_n3A_627 masked %reduce_min3A_629 : vector<16xf32>, vector<16xi1> -> vector<16xf32>
      %reduce_min3A_631 = vector.extract %reduce_min3A_630[15] : f32 from vector<16xf32>
      %convert_element_type3A_632 = arith.fptosi %reduce_min3A_631 : f32 to i32
      %jit3A_633 = arith.constant 16 : i32
      %div3A_634 = arith.divsi %convert_element_type3A_632, %jit3A_633 : i32
      %sign3A_635 = arith.constant 0 : i32
      %sign3A_636 = arith.cmpi sgt, %convert_element_type3A_632, %sign3A_635 : i32
      %sign3A_637 = arith.extui %sign3A_636 : i1 to i32
      %sign3A_638 = arith.constant 0 : i32
      %sign3A_639 = arith.cmpi slt, %convert_element_type3A_632, %sign3A_638 : i32
      %sign3A_640 = arith.extui %sign3A_639 : i1 to i32
      %sign3A_641 = arith.subi %sign3A_637, %sign3A_640 : i32
      %sign3A_642 = arith.constant 0 : i32
      %sign3A_643 = arith.cmpi sgt, %jit3A_633, %sign3A_642 : i32
      %sign3A_644 = arith.extui %sign3A_643 : i1 to i32
      %sign3A_645 = arith.constant 0 : i32
      %sign3A_646 = arith.cmpi slt, %jit3A_633, %sign3A_645 : i32
      %sign3A_647 = arith.extui %sign3A_646 : i1 to i32
      %sign3A_648 = arith.subi %sign3A_644, %sign3A_647 : i32
      %ne3A_649 = arith.cmpi ne, %sign3A_641, %sign3A_648 : i32
      %rem3A_650 = arith.remsi %convert_element_type3A_632, %jit3A_633 : i32
      %ne3A_651 = arith.constant 0 : i32
      %ne3A_652 = arith.cmpi ne, %rem3A_650, %ne3A_651 : i32
      %and3A_653 = arith.andi %ne3A_649, %ne3A_652 : i1
      %sub3A_654 = arith.constant 1 : i32
      %sub3A_655 = arith.subi %div3A_634, %sub3A_654 : i32
      %select_n3A_656 = arith.select %and3A_653, %sub3A_655, %div3A_634 : i32
      %mul3A_657 = arith.constant 16 : i32
      %mul3A_658 = arith.muli %select_n3A_656, %mul3A_657 : i32
      %jit3A_659 = arith.constant 16 : i32
      %eq3A_660 = arith.constant 0 : i32
      %eq3A_661 = arith.cmpi eq, %jit3A_659, %eq3A_660 : i32
      %jit3A_662 = arith.constant 1 : i32
      %select_n3A_663 = arith.select %eq3A_661, %jit3A_662, %jit3A_659 : i32
      %rem3A_664 = arith.remsi %convert_element_type3A_632, %select_n3A_663 : i32
      %ne3A_665 = arith.constant 0 : i32
      %ne3A_666 = arith.cmpi ne, %rem3A_664, %ne3A_665 : i32
      %lt3A_667 = arith.constant 0 : i32
      %lt3A_668 = arith.cmpi slt, %rem3A_664, %lt3A_667 : i32
      %lt3A_669 = arith.constant 0 : i32
      %lt3A_670 = arith.cmpi slt, %select_n3A_663, %lt3A_669 : i32
      %ne3A_671 = arith.xori %lt3A_668, %lt3A_670 : i1
      %and3A_672 = arith.andi %ne3A_671, %ne3A_666 : i1
      %add3A_673 = arith.addi %rem3A_664, %select_n3A_663 : i32
      %select_n3A_674 = arith.select %and3A_672, %add3A_673, %rem3A_664 : i32
      %broadcast_in_dim3A_675 = vector.broadcast %select_n3A_674 : i32 to vector<16xi32>
      %eq3A_676 = arith.cmpi eq, %iota3A, %broadcast_in_dim3A_675 : vector<16xi32>
      %get3A_677 = arith.index_cast %mul3A_658 : i32 to index
      %get3A_678 = tpu.vector_load %arg6[%get3A_677] {strides = array<i32>} : memref<2048xf32, #tpu.memory_space<vmem>>, vector<16xf32>,
      %jit3A_679 = arith.constant 0xFF800000 : f32
      %broadcast_in_dim3A_680 = vector.broadcast %jit3A_679 : f32 to vector<16xf32>
      %select_n3A_681 = arith.select %eq3A_676, %get3A_678, %broadcast_in_dim3A_680 : vector<16xi1>, vector<16xf32>
      %reduce_max3A_682 = arith.constant true
      %reduce_max3A_683 = vector.broadcast %reduce_max3A_682 : i1 to vector<16xi1>
      %reduce_max3A_684 = tpu.scan <max>, %select_n3A_681 masked %reduce_max3A_683 : vector<16xf32>, vector<16xi1> -> vector<16xf32>
      %reduce_max3A_685 = vector.extract %reduce_max3A_684[15] : f32 from vector<16xf32>
      %get3A_686 = arith.index_cast %mul3A_658 : i32 to index
      %get3A_687 = tpu.vector_load %arg7[%get3A_686] {strides = array<i32>} : memref<2048xf32, #tpu.memory_space<vmem>>, vector<16xf32>,
      %jit3A_688 = arith.constant 0xFF800000 : f32
      %broadcast_in_dim3A_689 = vector.broadcast %jit3A_688 : f32 to vector<16xf32>
      %select_n3A_690 = arith.select %eq3A_676, %get3A_687, %broadcast_in_dim3A_689 : vector<16xi1>, vector<16xf32>
      %reduce_max3A_691 = arith.constant true
      %reduce_max3A_692 = vector.broadcast %reduce_max3A_691 : i1 to vector<16xi1>
      %reduce_max3A_693 = tpu.scan <max>, %select_n3A_690 masked %reduce_max3A_692 : vector<16xf32>, vector<16xi1> -> vector<16xf32>
      %reduce_max3A_694 = vector.extract %reduce_max3A_693[15] : f32 from vector<16xf32>
      %get3A_695 = arith.index_cast %mul3A_658 : i32 to index
      %get3A_696 = tpu.vector_load %arg8[%get3A_695] {strides = array<i32>} : memref<2048xf32, #tpu.memory_space<vmem>>, vector<16xf32>,
      %jit3A_697 = arith.constant 0xFF800000 : f32
      %broadcast_in_dim3A_698 = vector.broadcast %jit3A_697 : f32 to vector<16xf32>
      %select_n3A_699 = arith.select %eq3A_676, %get3A_696, %broadcast_in_dim3A_698 : vector<16xi1>, vector<16xf32>
      %reduce_max3A_700 = arith.constant true
      %reduce_max3A_701 = vector.broadcast %reduce_max3A_700 : i1 to vector<16xi1>
      %reduce_max3A_702 = tpu.scan <max>, %select_n3A_699 masked %reduce_max3A_701 : vector<16xf32>, vector<16xi1> -> vector<16xf32>
      %reduce_max3A_703 = vector.extract %reduce_max3A_702[15] : f32 from vector<16xf32>
      %eq3A_704 = arith.constant 0 : i32
      %eq3A_705 = vector.broadcast %eq3A_704 : i32 to vector<16xi32>
      %eq3A_706 = arith.cmpi eq, %iota3A, %eq3A_705 : vector<16xi32>
      %eq3A_707 = arith.constant 1 : i32
      %eq3A_708 = vector.broadcast %eq3A_707 : i32 to vector<16xi32>
      %eq3A_709 = arith.cmpi eq, %iota3A, %eq3A_708 : vector<16xi32>
      %add3A_710 = arith.addf %reduce_min3A_631, %convert_element_type3A : f32
      %broadcast_in_dim3A_711 = vector.broadcast %add3A_710 : f32 to vector<16xf32>
      %eq3A_712 = arith.constant 2 : i32
      %eq3A_713 = vector.broadcast %eq3A_712 : i32 to vector<16xi32>
      %eq3A_714 = arith.cmpi eq, %iota3A, %eq3A_713 : vector<16xi32>
      %broadcast_in_dim3A_715 = vector.broadcast %reduce_max3A_685 : f32 to vector<16xf32>
      %eq3A_716 = arith.constant 3 : i32
      %eq3A_717 = vector.broadcast %eq3A_716 : i32 to vector<16xi32>
      %eq3A_718 = arith.cmpi eq, %iota3A, %eq3A_717 : vector<16xi32>
      %broadcast_in_dim3A_719 = vector.broadcast %reduce_max3A_694 : f32 to vector<16xf32>
      %eq3A_720 = arith.constant 4 : i32
      %eq3A_721 = vector.broadcast %eq3A_720 : i32 to vector<16xi32>
      %eq3A_722 = arith.cmpi eq, %iota3A, %eq3A_721 : vector<16xi32>
      %broadcast_in_dim3A_723 = vector.broadcast %reduce_max3A_703 : f32 to vector<16xf32>
      %select_n3A_724 = arith.select %eq3A_722, %broadcast_in_dim3A_723, %broadcast_in_dim3A_4 : vector<16xi1>, vector<16xf32>
      %select_n3A_725 = arith.select %eq3A_718, %broadcast_in_dim3A_719, %select_n3A_724 : vector<16xi1>, vector<16xf32>
      %select_n3A_726 = arith.select %eq3A_714, %broadcast_in_dim3A_715, %select_n3A_725 : vector<16xi1>, vector<16xf32>
      %select_n3A_727 = arith.select %eq3A_709, %broadcast_in_dim3A_711, %select_n3A_726 : vector<16xi1>, vector<16xf32>
      %select_n3A_728 = arith.select %eq3A_706, %broadcast_in_dim3A_623, %select_n3A_727 : vector<16xi1>, vector<16xf32>
      %swap3A_729 = arith.constant 0 : index
      %swap3A_730 = tpu.vector_load %arg10[%swap3A_729] {strides = array<i32>} : memref<16xf32, #tpu.memory_space<vmem>>, vector<16xf32>,
      tpu.vector_store %arg10[%swap3A_729], %select_n3A_728 {strides = array<i32>} : memref<16xf32, #tpu.memory_space<vmem>>, vector<16xf32>,
      %mul3A_731 = arith.constant 16 : i32
      %mul3A_732 = arith.muli %arg1, %mul3A_731 : i32
      %run_scoped3A_733 = arith.constant 0 : i32
      "tpu.region"() ({
        %run_scoped3A_1456 = tpu.sem_alloc : memref<!tpu.dma_semaphore, #tpu.memory_space<semaphore_mem>>
        %dma_start3A = tpu.memref_slice %arg13[%run_scoped3A_733, %mul3A_732] : memref<2x256xf32, #tpu.memory_space<vmem_shared>> -> memref<1x16xf32, #tpu.memory_space<vmem_shared>>
        %dma_start3A_1457 = tpu.memref_squeeze %dma_start3A : memref<1x16xf32, #tpu.memory_space<vmem_shared>> -> memref<16xf32, #tpu.memory_space<vmem_shared>>
        %dma_start3A_1458 = tpu.memref_slice %arg13[%run_scoped3A_733, %mul3A_732] : memref<2x256xf32, #tpu.memory_space<vmem_shared>> -> memref<1x16xf32, #tpu.memory_space<vmem_shared>>
        %dma_start3A_1459 = tpu.memref_squeeze %dma_start3A_1458 : memref<1x16xf32, #tpu.memory_space<vmem_shared>> -> memref<16xf32, #tpu.memory_space<vmem_shared>>
        tpu.enqueue_dma source(%arg10 : memref<16xf32, #tpu.memory_space<vmem>>) target(%dma_start3A_1459 : memref<16xf32, #tpu.memory_space<vmem_shared>>) target_semaphore(%run_scoped3A_1456 : memref<!tpu.dma_semaphore, #tpu.memory_space<semaphore_mem>>)
        %dma_wait3A = tpu.memref_slice %arg13[%run_scoped3A_733, %mul3A_732] : memref<2x256xf32, #tpu.memory_space<vmem_shared>> -> memref<1x16xf32, #tpu.memory_space<vmem_shared>>
        %dma_wait3A_1460 = tpu.memref_squeeze %dma_wait3A : memref<1x16xf32, #tpu.memory_space<vmem_shared>> -> memref<16xf32, #tpu.memory_space<vmem_shared>>
        %dma_wait3A_1461 = tpu.memref_slice %arg13[%run_scoped3A_733, %mul3A_732] : memref<2x256xf32, #tpu.memory_space<vmem_shared>> -> memref<1x16xf32, #tpu.memory_space<vmem_shared>>
        %dma_wait3A_1462 = tpu.memref_squeeze %dma_wait3A_1461 : memref<1x16xf32, #tpu.memory_space<vmem_shared>> -> memref<16xf32, #tpu.memory_space<vmem_shared>>
        tpu.wait_dma2 semaphore(%run_scoped3A_1456 : memref<!tpu.dma_semaphore, #tpu.memory_space<semaphore_mem>>) src(%arg10 : memref<16xf32, #tpu.memory_space<vmem>>) dst(%dma_wait3A_1462 : memref<16xf32, #tpu.memory_space<vmem_shared>>)
        tpu.yield
      }) : () -> ()
      %barrier3A_734 = arith.constant 0 : index
      tpu.barrier barrier_id(%barrier3A_734)
      %run_scoped3A_735 = arith.constant 0 : i32
      "tpu.region"() ({
        %run_scoped3A_1456 = tpu.sem_alloc : memref<!tpu.dma_semaphore, #tpu.memory_space<semaphore_mem>>
        %dma_start3A = arith.constant 0 : i32
        %dma_start3A_1457 = tpu.memref_slice %arg13[%run_scoped3A_735, %dma_start3A] : memref<2x256xf32, #tpu.memory_space<vmem_shared>> -> memref<1x256xf32, #tpu.memory_space<vmem_shared>>
        %dma_start3A_1458 = tpu.memref_squeeze %dma_start3A_1457 : memref<1x256xf32, #tpu.memory_space<vmem_shared>> -> memref<256xf32, #tpu.memory_space<vmem_shared>>
        %dma_start3A_1459 = arith.constant 0 : i32
        %dma_start3A_1460 = tpu.memref_slice %arg13[%run_scoped3A_735, %dma_start3A_1459] : memref<2x256xf32, #tpu.memory_space<vmem_shared>> -> memref<1x256xf32, #tpu.memory_space<vmem_shared>>
        %dma_start3A_1461 = tpu.memref_squeeze %dma_start3A_1460 : memref<1x256xf32, #tpu.memory_space<vmem_shared>> -> memref<256xf32, #tpu.memory_space<vmem_shared>>
        tpu.enqueue_dma source(%dma_start3A_1461 : memref<256xf32, #tpu.memory_space<vmem_shared>>) target(%arg11 : memref<256xf32, #tpu.memory_space<vmem>>) target_semaphore(%run_scoped3A_1456 : memref<!tpu.dma_semaphore, #tpu.memory_space<semaphore_mem>>)
        %dma_wait3A = arith.constant 0 : i32
        %dma_wait3A_1462 = tpu.memref_slice %arg13[%run_scoped3A_735, %dma_wait3A] : memref<2x256xf32, #tpu.memory_space<vmem_shared>> -> memref<1x256xf32, #tpu.memory_space<vmem_shared>>
        %dma_wait3A_1463 = tpu.memref_squeeze %dma_wait3A_1462 : memref<1x256xf32, #tpu.memory_space<vmem_shared>> -> memref<256xf32, #tpu.memory_space<vmem_shared>>
        %dma_wait3A_1464 = arith.constant 0 : i32
        %dma_wait3A_1465 = tpu.memref_slice %arg13[%run_scoped3A_735, %dma_wait3A_1464] : memref<2x256xf32, #tpu.memory_space<vmem_shared>> -> memref<1x256xf32, #tpu.memory_space<vmem_shared>>
        %dma_wait3A_1466 = tpu.memref_squeeze %dma_wait3A_1465 : memref<1x256xf32, #tpu.memory_space<vmem_shared>> -> memref<256xf32, #tpu.memory_space<vmem_shared>>
        tpu.wait_dma2 semaphore(%run_scoped3A_1456 : memref<!tpu.dma_semaphore, #tpu.memory_space<semaphore_mem>>) src(%dma_wait3A_1466 : memref<256xf32, #tpu.memory_space<vmem_shared>>) dst(%arg11 : memref<256xf32, #tpu.memory_space<vmem>>)
        tpu.yield
      }) : () -> ()
      %get3A_736 = arith.constant 0 : index
      %get3A_737 = tpu.vector_load %arg11[%get3A_736] {strides = array<i32>} : memref<256xf32, #tpu.memory_space<vmem>>, vector<16xf32>,
      %slice3A_738 = vector.extract_strided_slice %get3A_737 {offsets = [0], sizes = [1], strides = [1]} : vector<16xf32> to vector<1xf32>
      %squeeze3A_739 = vector.extract %slice3A_738[0] : f32 from vector<1xf32>
      %slice3A_740 = vector.extract_strided_slice %get3A_737 {offsets = [1], sizes = [1], strides = [1]} : vector<16xf32> to vector<1xf32>
      %squeeze3A_741 = vector.extract %slice3A_740[0] : f32 from vector<1xf32>
      %get3A_742 = arith.constant 16 : index
      %get3A_743 = tpu.vector_load %arg11[%get3A_742] {strides = array<i32>} : memref<256xf32, #tpu.memory_space<vmem>>, vector<16xf32>,
      %slice3A_744 = vector.extract_strided_slice %get3A_743 {offsets = [0], sizes = [1], strides = [1]} : vector<16xf32> to vector<1xf32>
      %squeeze3A_745 = vector.extract %slice3A_744[0] : f32 from vector<1xf32>
      %slice3A_746 = vector.extract_strided_slice %get3A_743 {offsets = [1], sizes = [1], strides = [1]} : vector<16xf32> to vector<1xf32>
      %squeeze3A_747 = vector.extract %slice3A_746[0] : f32 from vector<1xf32>
      %get3A_748 = arith.constant 32 : index
      %get3A_749 = tpu.vector_load %arg11[%get3A_748] {strides = array<i32>} : memref<256xf32, #tpu.memory_space<vmem>>, vector<16xf32>,
      %slice3A_750 = vector.extract_strided_slice %get3A_749 {offsets = [0], sizes = [1], strides = [1]} : vector<16xf32> to vector<1xf32>
      %squeeze3A_751 = vector.extract %slice3A_750[0] : f32 from vector<1xf32>
      %slice3A_752 = vector.extract_strided_slice %get3A_749 {offsets = [1], sizes = [1], strides = [1]} : vector<16xf32> to vector<1xf32>
      %squeeze3A_753 = vector.extract %slice3A_752[0] : f32 from vector<1xf32>
      %get3A_754 = arith.constant 48 : index
      %get3A_755 = tpu.vector_load %arg11[%get3A_754] {strides = array<i32>} : memref<256xf32, #tpu.memory_space<vmem>>, vector<16xf32>,
      %slice3A_756 = vector.extract_strided_slice %get3A_755 {offsets = [0], sizes = [1], strides = [1]} : vector<16xf32> to vector<1xf32>
      %squeeze3A_757 = vector.extract %slice3A_756[0] : f32 from vector<1xf32>
      %slice3A_758 = vector.extract_strided_slice %get3A_755 {offsets = [1], sizes = [1], strides = [1]} : vector<16xf32> to vector<1xf32>
      %squeeze3A_759 = vector.extract %slice3A_758[0] : f32 from vector<1xf32>
      %get3A_760 = arith.constant 64 : index
      %get3A_761 = tpu.vector_load %arg11[%get3A_760] {strides = array<i32>} : memref<256xf32, #tpu.memory_space<vmem>>, vector<16xf32>,
      %slice3A_762 = vector.extract_strided_slice %get3A_761 {offsets = [0], sizes = [1], strides = [1]} : vector<16xf32> to vector<1xf32>
      %squeeze3A_763 = vector.extract %slice3A_762[0] : f32 from vector<1xf32>
      %slice3A_764 = vector.extract_strided_slice %get3A_761 {offsets = [1], sizes = [1], strides = [1]} : vector<16xf32> to vector<1xf32>
      %squeeze3A_765 = vector.extract %slice3A_764[0] : f32 from vector<1xf32>
      %get3A_766 = arith.constant 80 : index
      %get3A_767 = tpu.vector_load %arg11[%get3A_766] {strides = array<i32>} : memref<256xf32, #tpu.memory_space<vmem>>, vector<16xf32>,
      %slice3A_768 = vector.extract_strided_slice %get3A_767 {offsets = [0], sizes = [1], strides = [1]} : vector<16xf32> to vector<1xf32>
      %squeeze3A_769 = vector.extract %slice3A_768[0] : f32 from vector<1xf32>
      %slice3A_770 = vector.extract_strided_slice %get3A_767 {offsets = [1], sizes = [1], strides = [1]} : vector<16xf32> to vector<1xf32>
      %squeeze3A_771 = vector.extract %slice3A_770[0] : f32 from vector<1xf32>
      %get3A_772 = arith.constant 96 : index
      %get3A_773 = tpu.vector_load %arg11[%get3A_772] {strides = array<i32>} : memref<256xf32, #tpu.memory_space<vmem>>, vector<16xf32>,
      %slice3A_774 = vector.extract_strided_slice %get3A_773 {offsets = [0], sizes = [1], strides = [1]} : vector<16xf32> to vector<1xf32>
      %squeeze3A_775 = vector.extract %slice3A_774[0] : f32 from vector<1xf32>
      %slice3A_776 = vector.extract_strided_slice %get3A_773 {offsets = [1], sizes = [1], strides = [1]} : vector<16xf32> to vector<1xf32>
      %squeeze3A_777 = vector.extract %slice3A_776[0] : f32 from vector<1xf32>
      %get3A_778 = arith.constant 112 : index
      %get3A_779 = tpu.vector_load %arg11[%get3A_778] {strides = array<i32>} : memref<256xf32, #tpu.memory_space<vmem>>, vector<16xf32>,
      %slice3A_780 = vector.extract_strided_slice %get3A_779 {offsets = [0], sizes = [1], strides = [1]} : vector<16xf32> to vector<1xf32>
      %squeeze3A_781 = vector.extract %slice3A_780[0] : f32 from vector<1xf32>
      %slice3A_782 = vector.extract_strided_slice %get3A_779 {offsets = [1], sizes = [1], strides = [1]} : vector<16xf32> to vector<1xf32>
      %squeeze3A_783 = vector.extract %slice3A_782[0] : f32 from vector<1xf32>
      %get3A_784 = arith.constant 128 : index
      %get3A_785 = tpu.vector_load %arg11[%get3A_784] {strides = array<i32>} : memref<256xf32, #tpu.memory_space<vmem>>, vector<16xf32>,
      %slice3A_786 = vector.extract_strided_slice %get3A_785 {offsets = [0], sizes = [1], strides = [1]} : vector<16xf32> to vector<1xf32>
      %squeeze3A_787 = vector.extract %slice3A_786[0] : f32 from vector<1xf32>
      %slice3A_788 = vector.extract_strided_slice %get3A_785 {offsets = [1], sizes = [1], strides = [1]} : vector<16xf32> to vector<1xf32>
      %squeeze3A_789 = vector.extract %slice3A_788[0] : f32 from vector<1xf32>
      %get3A_790 = arith.constant 144 : index
      %get3A_791 = tpu.vector_load %arg11[%get3A_790] {strides = array<i32>} : memref<256xf32, #tpu.memory_space<vmem>>, vector<16xf32>,
      %slice3A_792 = vector.extract_strided_slice %get3A_791 {offsets = [0], sizes = [1], strides = [1]} : vector<16xf32> to vector<1xf32>
      %squeeze3A_793 = vector.extract %slice3A_792[0] : f32 from vector<1xf32>
      %slice3A_794 = vector.extract_strided_slice %get3A_791 {offsets = [1], sizes = [1], strides = [1]} : vector<16xf32> to vector<1xf32>
      %squeeze3A_795 = vector.extract %slice3A_794[0] : f32 from vector<1xf32>
      %get3A_796 = arith.constant 160 : index
      %get3A_797 = tpu.vector_load %arg11[%get3A_796] {strides = array<i32>} : memref<256xf32, #tpu.memory_space<vmem>>, vector<16xf32>,
      %slice3A_798 = vector.extract_strided_slice %get3A_797 {offsets = [0], sizes = [1], strides = [1]} : vector<16xf32> to vector<1xf32>
      %squeeze3A_799 = vector.extract %slice3A_798[0] : f32 from vector<1xf32>
      %slice3A_800 = vector.extract_strided_slice %get3A_797 {offsets = [1], sizes = [1], strides = [1]} : vector<16xf32> to vector<1xf32>
      %squeeze3A_801 = vector.extract %slice3A_800[0] : f32 from vector<1xf32>
      %get3A_802 = arith.constant 176 : index
      %get3A_803 = tpu.vector_load %arg11[%get3A_802] {strides = array<i32>} : memref<256xf32, #tpu.memory_space<vmem>>, vector<16xf32>,
      %slice3A_804 = vector.extract_strided_slice %get3A_803 {offsets = [0], sizes = [1], strides = [1]} : vector<16xf32> to vector<1xf32>
      %squeeze3A_805 = vector.extract %slice3A_804[0] : f32 from vector<1xf32>
      %slice3A_806 = vector.extract_strided_slice %get3A_803 {offsets = [1], sizes = [1], strides = [1]} : vector<16xf32> to vector<1xf32>
      %squeeze3A_807 = vector.extract %slice3A_806[0] : f32 from vector<1xf32>
      %get3A_808 = arith.constant 192 : index
      %get3A_809 = tpu.vector_load %arg11[%get3A_808] {strides = array<i32>} : memref<256xf32, #tpu.memory_space<vmem>>, vector<16xf32>,
      %slice3A_810 = vector.extract_strided_slice %get3A_809 {offsets = [0], sizes = [1], strides = [1]} : vector<16xf32> to vector<1xf32>
      %squeeze3A_811 = vector.extract %slice3A_810[0] : f32 from vector<1xf32>
      %slice3A_812 = vector.extract_strided_slice %get3A_809 {offsets = [1], sizes = [1], strides = [1]} : vector<16xf32> to vector<1xf32>
      %squeeze3A_813 = vector.extract %slice3A_812[0] : f32 from vector<1xf32>
      %get3A_814 = arith.constant 208 : index
      %get3A_815 = tpu.vector_load %arg11[%get3A_814] {strides = array<i32>} : memref<256xf32, #tpu.memory_space<vmem>>, vector<16xf32>,
      %slice3A_816 = vector.extract_strided_slice %get3A_815 {offsets = [0], sizes = [1], strides = [1]} : vector<16xf32> to vector<1xf32>
      %squeeze3A_817 = vector.extract %slice3A_816[0] : f32 from vector<1xf32>
      %slice3A_818 = vector.extract_strided_slice %get3A_815 {offsets = [1], sizes = [1], strides = [1]} : vector<16xf32> to vector<1xf32>
      %squeeze3A_819 = vector.extract %slice3A_818[0] : f32 from vector<1xf32>
      %get3A_820 = arith.constant 224 : index
      %get3A_821 = tpu.vector_load %arg11[%get3A_820] {strides = array<i32>} : memref<256xf32, #tpu.memory_space<vmem>>, vector<16xf32>,
      %slice3A_822 = vector.extract_strided_slice %get3A_821 {offsets = [0], sizes = [1], strides = [1]} : vector<16xf32> to vector<1xf32>
      %squeeze3A_823 = vector.extract %slice3A_822[0] : f32 from vector<1xf32>
      %slice3A_824 = vector.extract_strided_slice %get3A_821 {offsets = [1], sizes = [1], strides = [1]} : vector<16xf32> to vector<1xf32>
      %squeeze3A_825 = vector.extract %slice3A_824[0] : f32 from vector<1xf32>
      %get3A_826 = arith.constant 240 : index
      %get3A_827 = tpu.vector_load %arg11[%get3A_826] {strides = array<i32>} : memref<256xf32, #tpu.memory_space<vmem>>, vector<16xf32>,
      %slice3A_828 = vector.extract_strided_slice %get3A_827 {offsets = [0], sizes = [1], strides = [1]} : vector<16xf32> to vector<1xf32>
      %squeeze3A_829 = vector.extract %slice3A_828[0] : f32 from vector<1xf32>
      %slice3A_830 = vector.extract_strided_slice %get3A_827 {offsets = [1], sizes = [1], strides = [1]} : vector<16xf32> to vector<1xf32>
      %squeeze3A_831 = vector.extract %slice3A_830[0] : f32 from vector<1xf32>
      %gt3A_832 = arith.cmpf ogt, %squeeze3A_739, %squeeze3A_745 : f32
      %eq3A_833 = arith.cmpf oeq, %squeeze3A_739, %squeeze3A_745 : f32
      %lt3A_834 = arith.cmpf olt, %squeeze3A_741, %squeeze3A_747 : f32
      %and3A_835 = arith.andi %eq3A_833, %lt3A_834 : i1
      %or3A_836 = arith.ori %gt3A_832, %and3A_835 : i1
      %broadcast_in_dim3A_837 = vector.broadcast %or3A_836 : i1 to vector<16xi1>
      %select_n3A_838 = arith.select %broadcast_in_dim3A_837, %get3A_737, %get3A_743 : vector<16xi1>, vector<16xf32>
      %select_n3A_839 = arith.select %or3A_836, %squeeze3A_739, %squeeze3A_745 : f32
      %select_n3A_840 = arith.select %or3A_836, %squeeze3A_741, %squeeze3A_747 : f32
      %gt3A_841 = arith.cmpf ogt, %squeeze3A_751, %squeeze3A_757 : f32
      %eq3A_842 = arith.cmpf oeq, %squeeze3A_751, %squeeze3A_757 : f32
      %lt3A_843 = arith.cmpf olt, %squeeze3A_753, %squeeze3A_759 : f32
      %and3A_844 = arith.andi %eq3A_842, %lt3A_843 : i1
      %or3A_845 = arith.ori %gt3A_841, %and3A_844 : i1
      %broadcast_in_dim3A_846 = vector.broadcast %or3A_845 : i1 to vector<16xi1>
      %select_n3A_847 = arith.select %broadcast_in_dim3A_846, %get3A_749, %get3A_755 : vector<16xi1>, vector<16xf32>
      %select_n3A_848 = arith.select %or3A_845, %squeeze3A_751, %squeeze3A_757 : f32
      %select_n3A_849 = arith.select %or3A_845, %squeeze3A_753, %squeeze3A_759 : f32
      %gt3A_850 = arith.cmpf ogt, %squeeze3A_763, %squeeze3A_769 : f32
      %eq3A_851 = arith.cmpf oeq, %squeeze3A_763, %squeeze3A_769 : f32
      %lt3A_852 = arith.cmpf olt, %squeeze3A_765, %squeeze3A_771 : f32
      %and3A_853 = arith.andi %eq3A_851, %lt3A_852 : i1
      %or3A_854 = arith.ori %gt3A_850, %and3A_853 : i1
      %broadcast_in_dim3A_855 = vector.broadcast %or3A_854 : i1 to vector<16xi1>
      %select_n3A_856 = arith.select %broadcast_in_dim3A_855, %get3A_761, %get3A_767 : vector<16xi1>, vector<16xf32>
      %select_n3A_857 = arith.select %or3A_854, %squeeze3A_763, %squeeze3A_769 : f32
      %select_n3A_858 = arith.select %or3A_854, %squeeze3A_765, %squeeze3A_771 : f32
      %gt3A_859 = arith.cmpf ogt, %squeeze3A_775, %squeeze3A_781 : f32
      %eq3A_860 = arith.cmpf oeq, %squeeze3A_775, %squeeze3A_781 : f32
      %lt3A_861 = arith.cmpf olt, %squeeze3A_777, %squeeze3A_783 : f32
      %and3A_862 = arith.andi %eq3A_860, %lt3A_861 : i1
      %or3A_863 = arith.ori %gt3A_859, %and3A_862 : i1
      %broadcast_in_dim3A_864 = vector.broadcast %or3A_863 : i1 to vector<16xi1>
      %select_n3A_865 = arith.select %broadcast_in_dim3A_864, %get3A_773, %get3A_779 : vector<16xi1>, vector<16xf32>
      %select_n3A_866 = arith.select %or3A_863, %squeeze3A_775, %squeeze3A_781 : f32
      %select_n3A_867 = arith.select %or3A_863, %squeeze3A_777, %squeeze3A_783 : f32
      %gt3A_868 = arith.cmpf ogt, %squeeze3A_787, %squeeze3A_793 : f32
      %eq3A_869 = arith.cmpf oeq, %squeeze3A_787, %squeeze3A_793 : f32
      %lt3A_870 = arith.cmpf olt, %squeeze3A_789, %squeeze3A_795 : f32
      %and3A_871 = arith.andi %eq3A_869, %lt3A_870 : i1
      %or3A_872 = arith.ori %gt3A_868, %and3A_871 : i1
      %broadcast_in_dim3A_873 = vector.broadcast %or3A_872 : i1 to vector<16xi1>
      %select_n3A_874 = arith.select %broadcast_in_dim3A_873, %get3A_785, %get3A_791 : vector<16xi1>, vector<16xf32>
      %select_n3A_875 = arith.select %or3A_872, %squeeze3A_787, %squeeze3A_793 : f32
      %select_n3A_876 = arith.select %or3A_872, %squeeze3A_789, %squeeze3A_795 : f32
      %gt3A_877 = arith.cmpf ogt, %squeeze3A_799, %squeeze3A_805 : f32
      %eq3A_878 = arith.cmpf oeq, %squeeze3A_799, %squeeze3A_805 : f32
      %lt3A_879 = arith.cmpf olt, %squeeze3A_801, %squeeze3A_807 : f32
      %and3A_880 = arith.andi %eq3A_878, %lt3A_879 : i1
      %or3A_881 = arith.ori %gt3A_877, %and3A_880 : i1
      %broadcast_in_dim3A_882 = vector.broadcast %or3A_881 : i1 to vector<16xi1>
      %select_n3A_883 = arith.select %broadcast_in_dim3A_882, %get3A_797, %get3A_803 : vector<16xi1>, vector<16xf32>
      %select_n3A_884 = arith.select %or3A_881, %squeeze3A_799, %squeeze3A_805 : f32
      %select_n3A_885 = arith.select %or3A_881, %squeeze3A_801, %squeeze3A_807 : f32
      %gt3A_886 = arith.cmpf ogt, %squeeze3A_811, %squeeze3A_817 : f32
      %eq3A_887 = arith.cmpf oeq, %squeeze3A_811, %squeeze3A_817 : f32
      %lt3A_888 = arith.cmpf olt, %squeeze3A_813, %squeeze3A_819 : f32
      %and3A_889 = arith.andi %eq3A_887, %lt3A_888 : i1
      %or3A_890 = arith.ori %gt3A_886, %and3A_889 : i1
      %broadcast_in_dim3A_891 = vector.broadcast %or3A_890 : i1 to vector<16xi1>
      %select_n3A_892 = arith.select %broadcast_in_dim3A_891, %get3A_809, %get3A_815 : vector<16xi1>, vector<16xf32>
      %select_n3A_893 = arith.select %or3A_890, %squeeze3A_811, %squeeze3A_817 : f32
      %select_n3A_894 = arith.select %or3A_890, %squeeze3A_813, %squeeze3A_819 : f32
      %gt3A_895 = arith.cmpf ogt, %squeeze3A_823, %squeeze3A_829 : f32
      %eq3A_896 = arith.cmpf oeq, %squeeze3A_823, %squeeze3A_829 : f32
      %lt3A_897 = arith.cmpf olt, %squeeze3A_825, %squeeze3A_831 : f32
      %and3A_898 = arith.andi %eq3A_896, %lt3A_897 : i1
      %or3A_899 = arith.ori %gt3A_895, %and3A_898 : i1
      %broadcast_in_dim3A_900 = vector.broadcast %or3A_899 : i1 to vector<16xi1>
      %select_n3A_901 = arith.select %broadcast_in_dim3A_900, %get3A_821, %get3A_827 : vector<16xi1>, vector<16xf32>
      %select_n3A_902 = arith.select %or3A_899, %squeeze3A_823, %squeeze3A_829 : f32
      %select_n3A_903 = arith.select %or3A_899, %squeeze3A_825, %squeeze3A_831 : f32
      %gt3A_904 = arith.cmpf ogt, %select_n3A_839, %select_n3A_848 : f32
      %eq3A_905 = arith.cmpf oeq, %select_n3A_839, %select_n3A_848 : f32
      %lt3A_906 = arith.cmpf olt, %select_n3A_840, %select_n3A_849 : f32
      %and3A_907 = arith.andi %eq3A_905, %lt3A_906 : i1
      %or3A_908 = arith.ori %gt3A_904, %and3A_907 : i1
      %broadcast_in_dim3A_909 = vector.broadcast %or3A_908 : i1 to vector<16xi1>
      %select_n3A_910 = arith.select %broadcast_in_dim3A_909, %select_n3A_838, %select_n3A_847 : vector<16xi1>, vector<16xf32>
      %select_n3A_911 = arith.select %or3A_908, %select_n3A_839, %select_n3A_848 : f32
      %select_n3A_912 = arith.select %or3A_908, %select_n3A_840, %select_n3A_849 : f32
      %gt3A_913 = arith.cmpf ogt, %select_n3A_857, %select_n3A_866 : f32
      %eq3A_914 = arith.cmpf oeq, %select_n3A_857, %select_n3A_866 : f32
      %lt3A_915 = arith.cmpf olt, %select_n3A_858, %select_n3A_867 : f32
      %and3A_916 = arith.andi %eq3A_914, %lt3A_915 : i1
      %or3A_917 = arith.ori %gt3A_913, %and3A_916 : i1
      %broadcast_in_dim3A_918 = vector.broadcast %or3A_917 : i1 to vector<16xi1>
      %select_n3A_919 = arith.select %broadcast_in_dim3A_918, %select_n3A_856, %select_n3A_865 : vector<16xi1>, vector<16xf32>
      %select_n3A_920 = arith.select %or3A_917, %select_n3A_857, %select_n3A_866 : f32
      %select_n3A_921 = arith.select %or3A_917, %select_n3A_858, %select_n3A_867 : f32
      %gt3A_922 = arith.cmpf ogt, %select_n3A_875, %select_n3A_884 : f32
      %eq3A_923 = arith.cmpf oeq, %select_n3A_875, %select_n3A_884 : f32
      %lt3A_924 = arith.cmpf olt, %select_n3A_876, %select_n3A_885 : f32
      %and3A_925 = arith.andi %eq3A_923, %lt3A_924 : i1
      %or3A_926 = arith.ori %gt3A_922, %and3A_925 : i1
      %broadcast_in_dim3A_927 = vector.broadcast %or3A_926 : i1 to vector<16xi1>
      %select_n3A_928 = arith.select %broadcast_in_dim3A_927, %select_n3A_874, %select_n3A_883 : vector<16xi1>, vector<16xf32>
      %select_n3A_929 = arith.select %or3A_926, %select_n3A_875, %select_n3A_884 : f32
      %select_n3A_930 = arith.select %or3A_926, %select_n3A_876, %select_n3A_885 : f32
      %gt3A_931 = arith.cmpf ogt, %select_n3A_893, %select_n3A_902 : f32
      %eq3A_932 = arith.cmpf oeq, %select_n3A_893, %select_n3A_902 : f32
      %lt3A_933 = arith.cmpf olt, %select_n3A_894, %select_n3A_903 : f32
      %and3A_934 = arith.andi %eq3A_932, %lt3A_933 : i1
      %or3A_935 = arith.ori %gt3A_931, %and3A_934 : i1
      %broadcast_in_dim3A_936 = vector.broadcast %or3A_935 : i1 to vector<16xi1>
      %select_n3A_937 = arith.select %broadcast_in_dim3A_936, %select_n3A_892, %select_n3A_901 : vector<16xi1>, vector<16xf32>
      %select_n3A_938 = arith.select %or3A_935, %select_n3A_893, %select_n3A_902 : f32
      %select_n3A_939 = arith.select %or3A_935, %select_n3A_894, %select_n3A_903 : f32
      %gt3A_940 = arith.cmpf ogt, %select_n3A_911, %select_n3A_920 : f32
      %eq3A_941 = arith.cmpf oeq, %select_n3A_911, %select_n3A_920 : f32
      %lt3A_942 = arith.cmpf olt, %select_n3A_912, %select_n3A_921 : f32
      %and3A_943 = arith.andi %eq3A_941, %lt3A_942 : i1
      %or3A_944 = arith.ori %gt3A_940, %and3A_943 : i1
      %broadcast_in_dim3A_945 = vector.broadcast %or3A_944 : i1 to vector<16xi1>
      %select_n3A_946 = arith.select %broadcast_in_dim3A_945, %select_n3A_910, %select_n3A_919 : vector<16xi1>, vector<16xf32>
      %select_n3A_947 = arith.select %or3A_944, %select_n3A_911, %select_n3A_920 : f32
      %select_n3A_948 = arith.select %or3A_944, %select_n3A_912, %select_n3A_921 : f32
      %gt3A_949 = arith.cmpf ogt, %select_n3A_929, %select_n3A_938 : f32
      %eq3A_950 = arith.cmpf oeq, %select_n3A_929, %select_n3A_938 : f32
      %lt3A_951 = arith.cmpf olt, %select_n3A_930, %select_n3A_939 : f32
      %and3A_952 = arith.andi %eq3A_950, %lt3A_951 : i1
      %or3A_953 = arith.ori %gt3A_949, %and3A_952 : i1
      %broadcast_in_dim3A_954 = vector.broadcast %or3A_953 : i1 to vector<16xi1>
      %select_n3A_955 = arith.select %broadcast_in_dim3A_954, %select_n3A_928, %select_n3A_937 : vector<16xi1>, vector<16xf32>
      %select_n3A_956 = arith.select %or3A_953, %select_n3A_929, %select_n3A_938 : f32
      %select_n3A_957 = arith.select %or3A_953, %select_n3A_930, %select_n3A_939 : f32
      %gt3A_958 = arith.cmpf ogt, %select_n3A_947, %select_n3A_956 : f32
      %eq3A_959 = arith.cmpf oeq, %select_n3A_947, %select_n3A_956 : f32
      %lt3A_960 = arith.cmpf olt, %select_n3A_948, %select_n3A_957 : f32
      %and3A_961 = arith.andi %eq3A_959, %lt3A_960 : i1
      %or3A_962 = arith.ori %gt3A_958, %and3A_961 : i1
      %broadcast_in_dim3A_963 = vector.broadcast %or3A_962 : i1 to vector<16xi1>
      %select_n3A_964 = arith.select %broadcast_in_dim3A_963, %select_n3A_946, %select_n3A_955 : vector<16xi1>, vector<16xf32>
      %select_n3A_965 = arith.select %or3A_962, %select_n3A_947, %select_n3A_956 : f32
      %select_n3A_966 = arith.select %or3A_962, %select_n3A_948, %select_n3A_957 : f32
      %convert_element_type3A_967 = arith.fptosi %select_n3A_966 : f32 to i32
      %slice3A_968 = vector.extract_strided_slice %select_n3A_964 {offsets = [2], sizes = [1], strides = [1]} : vector<16xf32> to vector<1xf32>
      %squeeze3A_969 = vector.extract %slice3A_968[0] : f32 from vector<1xf32>
      %broadcast_in_dim3A_970 = vector.broadcast %squeeze3A_969 : f32 to vector<16xf32>
      %slice3A_971 = vector.extract_strided_slice %select_n3A_964 {offsets = [3], sizes = [1], strides = [1]} : vector<16xf32> to vector<1xf32>
      %squeeze3A_972 = vector.extract %slice3A_971[0] : f32 from vector<1xf32>
      %broadcast_in_dim3A_973 = vector.broadcast %squeeze3A_972 : f32 to vector<16xf32>
      %slice3A_974 = vector.extract_strided_slice %select_n3A_964 {offsets = [4], sizes = [1], strides = [1]} : vector<16xf32> to vector<1xf32>
      %squeeze3A_975 = vector.extract %slice3A_974[0] : f32 from vector<1xf32>
      %broadcast_in_dim3A_976 = vector.broadcast %squeeze3A_975 : f32 to vector<16xf32>
      %broadcast_in_dim3A_977 = vector.broadcast %add3A_503 : i32 to vector<16xi32>
      %broadcast_in_dim3A_978 = vector.broadcast %convert_element_type3A_967 : i32 to vector<16xi32>
      tpu.vector_store_idx %arg12[%broadcast_in_dim3A_977], %broadcast_in_dim3A_978 masked %eq3A_23 : memref<8192xi32, #tpu.memory_space<vmem>>[vector<16xi32>], vector<16xi32>, vector<16xi1>
      %add3A_979 = arith.constant 1 : i32
      %add3A_980 = arith.addi %add3A_503, %add3A_979 : i32
      %broadcast_in_dim3A_981 = arith.constant 0xFF800000 : f32
      %broadcast_in_dim3A_982 = vector.broadcast %broadcast_in_dim3A_981 : f32 to vector<16xf32>
      %broadcast_in_dim3A_983 = arith.constant 0.000000e+00 : f32
      %broadcast_in_dim3A_984 = vector.broadcast %broadcast_in_dim3A_983 : f32 to vector<16xf32>
      %scan3A_985 = arith.constant 0 : i32
      %scan3A_986 = arith.constant 16 : i32
      %scan3A_987 = arith.addi %scan3A_985, %scan3A_986 : i32
      %scan3A_988 = arith.constant 2 : i32
      %scan3A_989:16 = scf.for %scan3A_1456 = %scan3A_985 to %scan3A_987 step %scan3A_988 iter_args(%scan3A_1457 = %broadcast_in_dim3A_982, %scan3A_1458 = %broadcast_in_dim3A_984, %scan3A_1459 = %broadcast_in_dim3A_982, %scan3A_1460 = %broadcast_in_dim3A_984, %scan3A_1461 = %broadcast_in_dim3A_982, %scan3A_1462 = %broadcast_in_dim3A_984, %scan3A_1463 = %broadcast_in_dim3A_982, %scan3A_1464 = %broadcast_in_dim3A_984, %scan3A_1465 = %broadcast_in_dim3A_982, %scan3A_1466 = %broadcast_in_dim3A_984, %scan3A_1467 = %broadcast_in_dim3A_982, %scan3A_1468 = %broadcast_in_dim3A_984, %scan3A_1469 = %broadcast_in_dim3A_982, %scan3A_1470 = %broadcast_in_dim3A_984, %scan3A_1471 = %broadcast_in_dim3A_982, %scan3A_1472 = %broadcast_in_dim3A_984) -> (vector<16xf32>, vector<16xf32>, vector<16xf32>, vector<16xf32>, vector<16xf32>, vector<16xf32>, vector<16xf32>, vector<16xf32>, vector<16xf32>, vector<16xf32>, vector<16xf32>, vector<16xf32>, vector<16xf32>, vector<16xf32>, vector<16xf32>, vector<16xf32>)  : i32 {
        %mul3A_1473 = arith.constant 128 : i32
        %mul3A_1474 = arith.muli %scan3A_1456, %mul3A_1473 : i32
        %convert_element_type3A_1475 = arith.sitofp %scan3A_1456 : i32 to f32
        %broadcast_in_dim3A_1476 = vector.broadcast %convert_element_type3A_1475 : f32 to vector<16xf32>
        %add3A_1477 = arith.constant 0 : i32
        %add3A_1478 = arith.addi %mul3A_1474, %add3A_1477 : i32
        %get3A_1479 = arith.index_cast %add3A_1478 : i32 to index
        %get3A_1480 = tpu.vector_load %arg6[%get3A_1479] {strides = array<i32>} : memref<2048xf32, #tpu.memory_space<vmem>>, vector<16xf32>,
        %get3A_1481 = arith.index_cast %add3A_1478 : i32 to index
        %get3A_1482 = tpu.vector_load %arg7[%get3A_1481] {strides = array<i32>} : memref<2048xf32, #tpu.memory_space<vmem>>, vector<16xf32>,
        %get3A_1483 = arith.index_cast %add3A_1478 : i32 to index
        %get3A_1484 = tpu.vector_load %arg8[%get3A_1483] {strides = array<i32>} : memref<2048xf32, #tpu.memory_space<vmem>>, vector<16xf32>,
        %sub3A_1485 = arith.subf %get3A_1480, %broadcast_in_dim3A_970 : vector<16xf32>
        %sub3A_1486 = arith.subf %get3A_1482, %broadcast_in_dim3A_973 : vector<16xf32>
        %sub3A_1487 = arith.subf %get3A_1484, %broadcast_in_dim3A_976 : vector<16xf32>
        %mul3A_1488 = arith.mulf %sub3A_1485, %sub3A_1485 : vector<16xf32>
        %mul3A_1489 = arith.mulf %sub3A_1487, %sub3A_1487 : vector<16xf32>
        %add3A_1490 = arith.addf %mul3A_1488, %mul3A_1489 : vector<16xf32>
        %mul3A_1491 = arith.mulf %sub3A_1486, %sub3A_1486 : vector<16xf32>
        %add3A_1492 = arith.addf %add3A_1490, %mul3A_1491 : vector<16xf32>
        %get3A_1493 = arith.index_cast %add3A_1478 : i32 to index
        %get3A_1494 = tpu.vector_load %arg9[%get3A_1493] {strides = array<i32>} : memref<2048xf32, #tpu.memory_space<vmem>>, vector<16xf32>,
        %min3A = arith.minimumf %get3A_1494, %add3A_1492 : vector<16xf32>
        %swap3A_1495 = arith.index_cast %add3A_1478 : i32 to index
        %swap3A_1496 = tpu.vector_load %arg9[%swap3A_1495] {strides = array<i32>} : memref<2048xf32, #tpu.memory_space<vmem>>, vector<16xf32>,
        tpu.vector_store %arg9[%swap3A_1495], %min3A {strides = array<i32>} : memref<2048xf32, #tpu.memory_space<vmem>>, vector<16xf32>,
        %gt3A_1497 = arith.cmpf ogt, %min3A, %scan3A_1457 : vector<16xf32>
        %max3A = arith.maximumf %scan3A_1457, %min3A : vector<16xf32>
        %select_n3A_1498 = arith.select %gt3A_1497, %broadcast_in_dim3A_1476, %scan3A_1458 : vector<16xi1>, vector<16xf32>
        %add3A_1499 = arith.constant 16 : i32
        %add3A_1500 = arith.addi %mul3A_1474, %add3A_1499 : i32
        %get3A_1501 = arith.index_cast %add3A_1500 : i32 to index
        %get3A_1502 = tpu.vector_load %arg6[%get3A_1501] {strides = array<i32>} : memref<2048xf32, #tpu.memory_space<vmem>>, vector<16xf32>,
        %get3A_1503 = arith.index_cast %add3A_1500 : i32 to index
        %get3A_1504 = tpu.vector_load %arg7[%get3A_1503] {strides = array<i32>} : memref<2048xf32, #tpu.memory_space<vmem>>, vector<16xf32>,
        %get3A_1505 = arith.index_cast %add3A_1500 : i32 to index
        %get3A_1506 = tpu.vector_load %arg8[%get3A_1505] {strides = array<i32>} : memref<2048xf32, #tpu.memory_space<vmem>>, vector<16xf32>,
        %sub3A_1507 = arith.subf %get3A_1502, %broadcast_in_dim3A_970 : vector<16xf32>
        %sub3A_1508 = arith.subf %get3A_1504, %broadcast_in_dim3A_973 : vector<16xf32>
        %sub3A_1509 = arith.subf %get3A_1506, %broadcast_in_dim3A_976 : vector<16xf32>
        %mul3A_1510 = arith.mulf %sub3A_1507, %sub3A_1507 : vector<16xf32>
        %mul3A_1511 = arith.mulf %sub3A_1509, %sub3A_1509 : vector<16xf32>
        %add3A_1512 = arith.addf %mul3A_1510, %mul3A_1511 : vector<16xf32>
        %mul3A_1513 = arith.mulf %sub3A_1508, %sub3A_1508 : vector<16xf32>
        %add3A_1514 = arith.addf %add3A_1512, %mul3A_1513 : vector<16xf32>
        %get3A_1515 = arith.index_cast %add3A_1500 : i32 to index
        %get3A_1516 = tpu.vector_load %arg9[%get3A_1515] {strides = array<i32>} : memref<2048xf32, #tpu.memory_space<vmem>>, vector<16xf32>,
        %min3A_1517 = arith.minimumf %get3A_1516, %add3A_1514 : vector<16xf32>
        %swap3A_1518 = arith.index_cast %add3A_1500 : i32 to index
        %swap3A_1519 = tpu.vector_load %arg9[%swap3A_1518] {strides = array<i32>} : memref<2048xf32, #tpu.memory_space<vmem>>, vector<16xf32>,
        tpu.vector_store %arg9[%swap3A_1518], %min3A_1517 {strides = array<i32>} : memref<2048xf32, #tpu.memory_space<vmem>>, vector<16xf32>,
        %gt3A_1520 = arith.cmpf ogt, %min3A_1517, %scan3A_1459 : vector<16xf32>
        %max3A_1521 = arith.maximumf %scan3A_1459, %min3A_1517 : vector<16xf32>
        %select_n3A_1522 = arith.select %gt3A_1520, %broadcast_in_dim3A_1476, %scan3A_1460 : vector<16xi1>, vector<16xf32>
        %add3A_1523 = arith.constant 32 : i32
        %add3A_1524 = arith.addi %mul3A_1474, %add3A_1523 : i32
        %get3A_1525 = arith.index_cast %add3A_1524 : i32 to index
        %get3A_1526 = tpu.vector_load %arg6[%get3A_1525] {strides = array<i32>} : memref<2048xf32, #tpu.memory_space<vmem>>, vector<16xf32>,
        %get3A_1527 = arith.index_cast %add3A_1524 : i32 to index
        %get3A_1528 = tpu.vector_load %arg7[%get3A_1527] {strides = array<i32>} : memref<2048xf32, #tpu.memory_space<vmem>>, vector<16xf32>,
        %get3A_1529 = arith.index_cast %add3A_1524 : i32 to index
        %get3A_1530 = tpu.vector_load %arg8[%get3A_1529] {strides = array<i32>} : memref<2048xf32, #tpu.memory_space<vmem>>, vector<16xf32>,
        %sub3A_1531 = arith.subf %get3A_1526, %broadcast_in_dim3A_970 : vector<16xf32>
        %sub3A_1532 = arith.subf %get3A_1528, %broadcast_in_dim3A_973 : vector<16xf32>
        %sub3A_1533 = arith.subf %get3A_1530, %broadcast_in_dim3A_976 : vector<16xf32>
        %mul3A_1534 = arith.mulf %sub3A_1531, %sub3A_1531 : vector<16xf32>
        %mul3A_1535 = arith.mulf %sub3A_1533, %sub3A_1533 : vector<16xf32>
        %add3A_1536 = arith.addf %mul3A_1534, %mul3A_1535 : vector<16xf32>
        %mul3A_1537 = arith.mulf %sub3A_1532, %sub3A_1532 : vector<16xf32>
        %add3A_1538 = arith.addf %add3A_1536, %mul3A_1537 : vector<16xf32>
        %get3A_1539 = arith.index_cast %add3A_1524 : i32 to index
        %get3A_1540 = tpu.vector_load %arg9[%get3A_1539] {strides = array<i32>} : memref<2048xf32, #tpu.memory_space<vmem>>, vector<16xf32>,
        %min3A_1541 = arith.minimumf %get3A_1540, %add3A_1538 : vector<16xf32>
        %swap3A_1542 = arith.index_cast %add3A_1524 : i32 to index
        %swap3A_1543 = tpu.vector_load %arg9[%swap3A_1542] {strides = array<i32>} : memref<2048xf32, #tpu.memory_space<vmem>>, vector<16xf32>,
        tpu.vector_store %arg9[%swap3A_1542], %min3A_1541 {strides = array<i32>} : memref<2048xf32, #tpu.memory_space<vmem>>, vector<16xf32>,
        %gt3A_1544 = arith.cmpf ogt, %min3A_1541, %scan3A_1461 : vector<16xf32>
        %max3A_1545 = arith.maximumf %scan3A_1461, %min3A_1541 : vector<16xf32>
        %select_n3A_1546 = arith.select %gt3A_1544, %broadcast_in_dim3A_1476, %scan3A_1462 : vector<16xi1>, vector<16xf32>
        %add3A_1547 = arith.constant 48 : i32
        %add3A_1548 = arith.addi %mul3A_1474, %add3A_1547 : i32
        %get3A_1549 = arith.index_cast %add3A_1548 : i32 to index
        %get3A_1550 = tpu.vector_load %arg6[%get3A_1549] {strides = array<i32>} : memref<2048xf32, #tpu.memory_space<vmem>>, vector<16xf32>,
        %get3A_1551 = arith.index_cast %add3A_1548 : i32 to index
        %get3A_1552 = tpu.vector_load %arg7[%get3A_1551] {strides = array<i32>} : memref<2048xf32, #tpu.memory_space<vmem>>, vector<16xf32>,
        %get3A_1553 = arith.index_cast %add3A_1548 : i32 to index
        %get3A_1554 = tpu.vector_load %arg8[%get3A_1553] {strides = array<i32>} : memref<2048xf32, #tpu.memory_space<vmem>>, vector<16xf32>,
        %sub3A_1555 = arith.subf %get3A_1550, %broadcast_in_dim3A_970 : vector<16xf32>
        %sub3A_1556 = arith.subf %get3A_1552, %broadcast_in_dim3A_973 : vector<16xf32>
        %sub3A_1557 = arith.subf %get3A_1554, %broadcast_in_dim3A_976 : vector<16xf32>
        %mul3A_1558 = arith.mulf %sub3A_1555, %sub3A_1555 : vector<16xf32>
        %mul3A_1559 = arith.mulf %sub3A_1557, %sub3A_1557 : vector<16xf32>
        %add3A_1560 = arith.addf %mul3A_1558, %mul3A_1559 : vector<16xf32>
        %mul3A_1561 = arith.mulf %sub3A_1556, %sub3A_1556 : vector<16xf32>
        %add3A_1562 = arith.addf %add3A_1560, %mul3A_1561 : vector<16xf32>
        %get3A_1563 = arith.index_cast %add3A_1548 : i32 to index
        %get3A_1564 = tpu.vector_load %arg9[%get3A_1563] {strides = array<i32>} : memref<2048xf32, #tpu.memory_space<vmem>>, vector<16xf32>,
        %min3A_1565 = arith.minimumf %get3A_1564, %add3A_1562 : vector<16xf32>
        %swap3A_1566 = arith.index_cast %add3A_1548 : i32 to index
        %swap3A_1567 = tpu.vector_load %arg9[%swap3A_1566] {strides = array<i32>} : memref<2048xf32, #tpu.memory_space<vmem>>, vector<16xf32>,
        tpu.vector_store %arg9[%swap3A_1566], %min3A_1565 {strides = array<i32>} : memref<2048xf32, #tpu.memory_space<vmem>>, vector<16xf32>,
        %gt3A_1568 = arith.cmpf ogt, %min3A_1565, %scan3A_1463 : vector<16xf32>
        %max3A_1569 = arith.maximumf %scan3A_1463, %min3A_1565 : vector<16xf32>
        %select_n3A_1570 = arith.select %gt3A_1568, %broadcast_in_dim3A_1476, %scan3A_1464 : vector<16xi1>, vector<16xf32>
        %add3A_1571 = arith.constant 64 : i32
        %add3A_1572 = arith.addi %mul3A_1474, %add3A_1571 : i32
        %get3A_1573 = arith.index_cast %add3A_1572 : i32 to index
        %get3A_1574 = tpu.vector_load %arg6[%get3A_1573] {strides = array<i32>} : memref<2048xf32, #tpu.memory_space<vmem>>, vector<16xf32>,
        %get3A_1575 = arith.index_cast %add3A_1572 : i32 to index
        %get3A_1576 = tpu.vector_load %arg7[%get3A_1575] {strides = array<i32>} : memref<2048xf32, #tpu.memory_space<vmem>>, vector<16xf32>,
        %get3A_1577 = arith.index_cast %add3A_1572 : i32 to index
        %get3A_1578 = tpu.vector_load %arg8[%get3A_1577] {strides = array<i32>} : memref<2048xf32, #tpu.memory_space<vmem>>, vector<16xf32>,
        %sub3A_1579 = arith.subf %get3A_1574, %broadcast_in_dim3A_970 : vector<16xf32>
        %sub3A_1580 = arith.subf %get3A_1576, %broadcast_in_dim3A_973 : vector<16xf32>
        %sub3A_1581 = arith.subf %get3A_1578, %broadcast_in_dim3A_976 : vector<16xf32>
        %mul3A_1582 = arith.mulf %sub3A_1579, %sub3A_1579 : vector<16xf32>
        %mul3A_1583 = arith.mulf %sub3A_1581, %sub3A_1581 : vector<16xf32>
        %add3A_1584 = arith.addf %mul3A_1582, %mul3A_1583 : vector<16xf32>
        %mul3A_1585 = arith.mulf %sub3A_1580, %sub3A_1580 : vector<16xf32>
        %add3A_1586 = arith.addf %add3A_1584, %mul3A_1585 : vector<16xf32>
        %get3A_1587 = arith.index_cast %add3A_1572 : i32 to index
        %get3A_1588 = tpu.vector_load %arg9[%get3A_1587] {strides = array<i32>} : memref<2048xf32, #tpu.memory_space<vmem>>, vector<16xf32>,
        %min3A_1589 = arith.minimumf %get3A_1588, %add3A_1586 : vector<16xf32>
        %swap3A_1590 = arith.index_cast %add3A_1572 : i32 to index
        %swap3A_1591 = tpu.vector_load %arg9[%swap3A_1590] {strides = array<i32>} : memref<2048xf32, #tpu.memory_space<vmem>>, vector<16xf32>,
        tpu.vector_store %arg9[%swap3A_1590], %min3A_1589 {strides = array<i32>} : memref<2048xf32, #tpu.memory_space<vmem>>, vector<16xf32>,
        %gt3A_1592 = arith.cmpf ogt, %min3A_1589, %scan3A_1465 : vector<16xf32>
        %max3A_1593 = arith.maximumf %scan3A_1465, %min3A_1589 : vector<16xf32>
        %select_n3A_1594 = arith.select %gt3A_1592, %broadcast_in_dim3A_1476, %scan3A_1466 : vector<16xi1>, vector<16xf32>
        %add3A_1595 = arith.constant 80 : i32
        %add3A_1596 = arith.addi %mul3A_1474, %add3A_1595 : i32
        %get3A_1597 = arith.index_cast %add3A_1596 : i32 to index
        %get3A_1598 = tpu.vector_load %arg6[%get3A_1597] {strides = array<i32>} : memref<2048xf32, #tpu.memory_space<vmem>>, vector<16xf32>,
        %get3A_1599 = arith.index_cast %add3A_1596 : i32 to index
        %get3A_1600 = tpu.vector_load %arg7[%get3A_1599] {strides = array<i32>} : memref<2048xf32, #tpu.memory_space<vmem>>, vector<16xf32>,
        %get3A_1601 = arith.index_cast %add3A_1596 : i32 to index
        %get3A_1602 = tpu.vector_load %arg8[%get3A_1601] {strides = array<i32>} : memref<2048xf32, #tpu.memory_space<vmem>>, vector<16xf32>,
        %sub3A_1603 = arith.subf %get3A_1598, %broadcast_in_dim3A_970 : vector<16xf32>
        %sub3A_1604 = arith.subf %get3A_1600, %broadcast_in_dim3A_973 : vector<16xf32>
        %sub3A_1605 = arith.subf %get3A_1602, %broadcast_in_dim3A_976 : vector<16xf32>
        %mul3A_1606 = arith.mulf %sub3A_1603, %sub3A_1603 : vector<16xf32>
        %mul3A_1607 = arith.mulf %sub3A_1605, %sub3A_1605 : vector<16xf32>
        %add3A_1608 = arith.addf %mul3A_1606, %mul3A_1607 : vector<16xf32>
        %mul3A_1609 = arith.mulf %sub3A_1604, %sub3A_1604 : vector<16xf32>
        %add3A_1610 = arith.addf %add3A_1608, %mul3A_1609 : vector<16xf32>
        %get3A_1611 = arith.index_cast %add3A_1596 : i32 to index
        %get3A_1612 = tpu.vector_load %arg9[%get3A_1611] {strides = array<i32>} : memref<2048xf32, #tpu.memory_space<vmem>>, vector<16xf32>,
        %min3A_1613 = arith.minimumf %get3A_1612, %add3A_1610 : vector<16xf32>
        %swap3A_1614 = arith.index_cast %add3A_1596 : i32 to index
        %swap3A_1615 = tpu.vector_load %arg9[%swap3A_1614] {strides = array<i32>} : memref<2048xf32, #tpu.memory_space<vmem>>, vector<16xf32>,
        tpu.vector_store %arg9[%swap3A_1614], %min3A_1613 {strides = array<i32>} : memref<2048xf32, #tpu.memory_space<vmem>>, vector<16xf32>,
        %gt3A_1616 = arith.cmpf ogt, %min3A_1613, %scan3A_1467 : vector<16xf32>
        %max3A_1617 = arith.maximumf %scan3A_1467, %min3A_1613 : vector<16xf32>
        %select_n3A_1618 = arith.select %gt3A_1616, %broadcast_in_dim3A_1476, %scan3A_1468 : vector<16xi1>, vector<16xf32>
        %add3A_1619 = arith.constant 96 : i32
        %add3A_1620 = arith.addi %mul3A_1474, %add3A_1619 : i32
        %get3A_1621 = arith.index_cast %add3A_1620 : i32 to index
        %get3A_1622 = tpu.vector_load %arg6[%get3A_1621] {strides = array<i32>} : memref<2048xf32, #tpu.memory_space<vmem>>, vector<16xf32>,
        %get3A_1623 = arith.index_cast %add3A_1620 : i32 to index
        %get3A_1624 = tpu.vector_load %arg7[%get3A_1623] {strides = array<i32>} : memref<2048xf32, #tpu.memory_space<vmem>>, vector<16xf32>,
        %get3A_1625 = arith.index_cast %add3A_1620 : i32 to index
        %get3A_1626 = tpu.vector_load %arg8[%get3A_1625] {strides = array<i32>} : memref<2048xf32, #tpu.memory_space<vmem>>, vector<16xf32>,
        %sub3A_1627 = arith.subf %get3A_1622, %broadcast_in_dim3A_970 : vector<16xf32>
        %sub3A_1628 = arith.subf %get3A_1624, %broadcast_in_dim3A_973 : vector<16xf32>
        %sub3A_1629 = arith.subf %get3A_1626, %broadcast_in_dim3A_976 : vector<16xf32>
        %mul3A_1630 = arith.mulf %sub3A_1627, %sub3A_1627 : vector<16xf32>
        %mul3A_1631 = arith.mulf %sub3A_1629, %sub3A_1629 : vector<16xf32>
        %add3A_1632 = arith.addf %mul3A_1630, %mul3A_1631 : vector<16xf32>
        %mul3A_1633 = arith.mulf %sub3A_1628, %sub3A_1628 : vector<16xf32>
        %add3A_1634 = arith.addf %add3A_1632, %mul3A_1633 : vector<16xf32>
        %get3A_1635 = arith.index_cast %add3A_1620 : i32 to index
        %get3A_1636 = tpu.vector_load %arg9[%get3A_1635] {strides = array<i32>} : memref<2048xf32, #tpu.memory_space<vmem>>, vector<16xf32>,
        %min3A_1637 = arith.minimumf %get3A_1636, %add3A_1634 : vector<16xf32>
        %swap3A_1638 = arith.index_cast %add3A_1620 : i32 to index
        %swap3A_1639 = tpu.vector_load %arg9[%swap3A_1638] {strides = array<i32>} : memref<2048xf32, #tpu.memory_space<vmem>>, vector<16xf32>,
        tpu.vector_store %arg9[%swap3A_1638], %min3A_1637 {strides = array<i32>} : memref<2048xf32, #tpu.memory_space<vmem>>, vector<16xf32>,
        %gt3A_1640 = arith.cmpf ogt, %min3A_1637, %scan3A_1469 : vector<16xf32>
        %max3A_1641 = arith.maximumf %scan3A_1469, %min3A_1637 : vector<16xf32>
        %select_n3A_1642 = arith.select %gt3A_1640, %broadcast_in_dim3A_1476, %scan3A_1470 : vector<16xi1>, vector<16xf32>
        %add3A_1643 = arith.constant 112 : i32
        %add3A_1644 = arith.addi %mul3A_1474, %add3A_1643 : i32
        %get3A_1645 = arith.index_cast %add3A_1644 : i32 to index
        %get3A_1646 = tpu.vector_load %arg6[%get3A_1645] {strides = array<i32>} : memref<2048xf32, #tpu.memory_space<vmem>>, vector<16xf32>,
        %get3A_1647 = arith.index_cast %add3A_1644 : i32 to index
        %get3A_1648 = tpu.vector_load %arg7[%get3A_1647] {strides = array<i32>} : memref<2048xf32, #tpu.memory_space<vmem>>, vector<16xf32>,
        %get3A_1649 = arith.index_cast %add3A_1644 : i32 to index
        %get3A_1650 = tpu.vector_load %arg8[%get3A_1649] {strides = array<i32>} : memref<2048xf32, #tpu.memory_space<vmem>>, vector<16xf32>,
        %sub3A_1651 = arith.subf %get3A_1646, %broadcast_in_dim3A_970 : vector<16xf32>
        %sub3A_1652 = arith.subf %get3A_1648, %broadcast_in_dim3A_973 : vector<16xf32>
        %sub3A_1653 = arith.subf %get3A_1650, %broadcast_in_dim3A_976 : vector<16xf32>
        %mul3A_1654 = arith.mulf %sub3A_1651, %sub3A_1651 : vector<16xf32>
        %mul3A_1655 = arith.mulf %sub3A_1653, %sub3A_1653 : vector<16xf32>
        %add3A_1656 = arith.addf %mul3A_1654, %mul3A_1655 : vector<16xf32>
        %mul3A_1657 = arith.mulf %sub3A_1652, %sub3A_1652 : vector<16xf32>
        %add3A_1658 = arith.addf %add3A_1656, %mul3A_1657 : vector<16xf32>
        %get3A_1659 = arith.index_cast %add3A_1644 : i32 to index
        %get3A_1660 = tpu.vector_load %arg9[%get3A_1659] {strides = array<i32>} : memref<2048xf32, #tpu.memory_space<vmem>>, vector<16xf32>,
        %min3A_1661 = arith.minimumf %get3A_1660, %add3A_1658 : vector<16xf32>
        %swap3A_1662 = arith.index_cast %add3A_1644 : i32 to index
        %swap3A_1663 = tpu.vector_load %arg9[%swap3A_1662] {strides = array<i32>} : memref<2048xf32, #tpu.memory_space<vmem>>, vector<16xf32>,
        tpu.vector_store %arg9[%swap3A_1662], %min3A_1661 {strides = array<i32>} : memref<2048xf32, #tpu.memory_space<vmem>>, vector<16xf32>,
        %gt3A_1664 = arith.cmpf ogt, %min3A_1661, %scan3A_1471 : vector<16xf32>
        %max3A_1665 = arith.maximumf %scan3A_1471, %min3A_1661 : vector<16xf32>
        %select_n3A_1666 = arith.select %gt3A_1664, %broadcast_in_dim3A_1476, %scan3A_1472 : vector<16xi1>, vector<16xf32>
        %scan3A_1667 = arith.constant 1 : i32
        %scan3A_1668 = arith.addi %scan3A_1456, %scan3A_1667 : i32
        %mul3A_1669 = arith.constant 128 : i32
        %mul3A_1670 = arith.muli %scan3A_1668, %mul3A_1669 : i32
        %convert_element_type3A_1671 = arith.sitofp %scan3A_1668 : i32 to f32
        %broadcast_in_dim3A_1672 = vector.broadcast %convert_element_type3A_1671 : f32 to vector<16xf32>
        %add3A_1673 = arith.constant 0 : i32
        %add3A_1674 = arith.addi %mul3A_1670, %add3A_1673 : i32
        %get3A_1675 = arith.index_cast %add3A_1674 : i32 to index
        %get3A_1676 = tpu.vector_load %arg6[%get3A_1675] {strides = array<i32>} : memref<2048xf32, #tpu.memory_space<vmem>>, vector<16xf32>,
        %get3A_1677 = arith.index_cast %add3A_1674 : i32 to index
        %get3A_1678 = tpu.vector_load %arg7[%get3A_1677] {strides = array<i32>} : memref<2048xf32, #tpu.memory_space<vmem>>, vector<16xf32>,
        %get3A_1679 = arith.index_cast %add3A_1674 : i32 to index
        %get3A_1680 = tpu.vector_load %arg8[%get3A_1679] {strides = array<i32>} : memref<2048xf32, #tpu.memory_space<vmem>>, vector<16xf32>,
        %sub3A_1681 = arith.subf %get3A_1676, %broadcast_in_dim3A_970 : vector<16xf32>
        %sub3A_1682 = arith.subf %get3A_1678, %broadcast_in_dim3A_973 : vector<16xf32>
        %sub3A_1683 = arith.subf %get3A_1680, %broadcast_in_dim3A_976 : vector<16xf32>
        %mul3A_1684 = arith.mulf %sub3A_1681, %sub3A_1681 : vector<16xf32>
        %mul3A_1685 = arith.mulf %sub3A_1683, %sub3A_1683 : vector<16xf32>
        %add3A_1686 = arith.addf %mul3A_1684, %mul3A_1685 : vector<16xf32>
        %mul3A_1687 = arith.mulf %sub3A_1682, %sub3A_1682 : vector<16xf32>
        %add3A_1688 = arith.addf %add3A_1686, %mul3A_1687 : vector<16xf32>
        %get3A_1689 = arith.index_cast %add3A_1674 : i32 to index
        %get3A_1690 = tpu.vector_load %arg9[%get3A_1689] {strides = array<i32>} : memref<2048xf32, #tpu.memory_space<vmem>>, vector<16xf32>,
        %min3A_1691 = arith.minimumf %get3A_1690, %add3A_1688 : vector<16xf32>
        %swap3A_1692 = arith.index_cast %add3A_1674 : i32 to index
        %swap3A_1693 = tpu.vector_load %arg9[%swap3A_1692] {strides = array<i32>} : memref<2048xf32, #tpu.memory_space<vmem>>, vector<16xf32>,
        tpu.vector_store %arg9[%swap3A_1692], %min3A_1691 {strides = array<i32>} : memref<2048xf32, #tpu.memory_space<vmem>>, vector<16xf32>,
        %gt3A_1694 = arith.cmpf ogt, %min3A_1691, %max3A : vector<16xf32>
        %max3A_1695 = arith.maximumf %max3A, %min3A_1691 : vector<16xf32>
        %select_n3A_1696 = arith.select %gt3A_1694, %broadcast_in_dim3A_1672, %select_n3A_1498 : vector<16xi1>, vector<16xf32>
        %add3A_1697 = arith.constant 16 : i32
        %add3A_1698 = arith.addi %mul3A_1670, %add3A_1697 : i32
        %get3A_1699 = arith.index_cast %add3A_1698 : i32 to index
        %get3A_1700 = tpu.vector_load %arg6[%get3A_1699] {strides = array<i32>} : memref<2048xf32, #tpu.memory_space<vmem>>, vector<16xf32>,
        %get3A_1701 = arith.index_cast %add3A_1698 : i32 to index
        %get3A_1702 = tpu.vector_load %arg7[%get3A_1701] {strides = array<i32>} : memref<2048xf32, #tpu.memory_space<vmem>>, vector<16xf32>,
        %get3A_1703 = arith.index_cast %add3A_1698 : i32 to index
        %get3A_1704 = tpu.vector_load %arg8[%get3A_1703] {strides = array<i32>} : memref<2048xf32, #tpu.memory_space<vmem>>, vector<16xf32>,
        %sub3A_1705 = arith.subf %get3A_1700, %broadcast_in_dim3A_970 : vector<16xf32>
        %sub3A_1706 = arith.subf %get3A_1702, %broadcast_in_dim3A_973 : vector<16xf32>
        %sub3A_1707 = arith.subf %get3A_1704, %broadcast_in_dim3A_976 : vector<16xf32>
        %mul3A_1708 = arith.mulf %sub3A_1705, %sub3A_1705 : vector<16xf32>
        %mul3A_1709 = arith.mulf %sub3A_1707, %sub3A_1707 : vector<16xf32>
        %add3A_1710 = arith.addf %mul3A_1708, %mul3A_1709 : vector<16xf32>
        %mul3A_1711 = arith.mulf %sub3A_1706, %sub3A_1706 : vector<16xf32>
        %add3A_1712 = arith.addf %add3A_1710, %mul3A_1711 : vector<16xf32>
        %get3A_1713 = arith.index_cast %add3A_1698 : i32 to index
        %get3A_1714 = tpu.vector_load %arg9[%get3A_1713] {strides = array<i32>} : memref<2048xf32, #tpu.memory_space<vmem>>, vector<16xf32>,
        %min3A_1715 = arith.minimumf %get3A_1714, %add3A_1712 : vector<16xf32>
        %swap3A_1716 = arith.index_cast %add3A_1698 : i32 to index
        %swap3A_1717 = tpu.vector_load %arg9[%swap3A_1716] {strides = array<i32>} : memref<2048xf32, #tpu.memory_space<vmem>>, vector<16xf32>,
        tpu.vector_store %arg9[%swap3A_1716], %min3A_1715 {strides = array<i32>} : memref<2048xf32, #tpu.memory_space<vmem>>, vector<16xf32>,
        %gt3A_1718 = arith.cmpf ogt, %min3A_1715, %max3A_1521 : vector<16xf32>
        %max3A_1719 = arith.maximumf %max3A_1521, %min3A_1715 : vector<16xf32>
        %select_n3A_1720 = arith.select %gt3A_1718, %broadcast_in_dim3A_1672, %select_n3A_1522 : vector<16xi1>, vector<16xf32>
        %add3A_1721 = arith.constant 32 : i32
        %add3A_1722 = arith.addi %mul3A_1670, %add3A_1721 : i32
        %get3A_1723 = arith.index_cast %add3A_1722 : i32 to index
        %get3A_1724 = tpu.vector_load %arg6[%get3A_1723] {strides = array<i32>} : memref<2048xf32, #tpu.memory_space<vmem>>, vector<16xf32>,
        %get3A_1725 = arith.index_cast %add3A_1722 : i32 to index
        %get3A_1726 = tpu.vector_load %arg7[%get3A_1725] {strides = array<i32>} : memref<2048xf32, #tpu.memory_space<vmem>>, vector<16xf32>,
        %get3A_1727 = arith.index_cast %add3A_1722 : i32 to index
        %get3A_1728 = tpu.vector_load %arg8[%get3A_1727] {strides = array<i32>} : memref<2048xf32, #tpu.memory_space<vmem>>, vector<16xf32>,
        %sub3A_1729 = arith.subf %get3A_1724, %broadcast_in_dim3A_970 : vector<16xf32>
        %sub3A_1730 = arith.subf %get3A_1726, %broadcast_in_dim3A_973 : vector<16xf32>
        %sub3A_1731 = arith.subf %get3A_1728, %broadcast_in_dim3A_976 : vector<16xf32>
        %mul3A_1732 = arith.mulf %sub3A_1729, %sub3A_1729 : vector<16xf32>
        %mul3A_1733 = arith.mulf %sub3A_1731, %sub3A_1731 : vector<16xf32>
        %add3A_1734 = arith.addf %mul3A_1732, %mul3A_1733 : vector<16xf32>
        %mul3A_1735 = arith.mulf %sub3A_1730, %sub3A_1730 : vector<16xf32>
        %add3A_1736 = arith.addf %add3A_1734, %mul3A_1735 : vector<16xf32>
        %get3A_1737 = arith.index_cast %add3A_1722 : i32 to index
        %get3A_1738 = tpu.vector_load %arg9[%get3A_1737] {strides = array<i32>} : memref<2048xf32, #tpu.memory_space<vmem>>, vector<16xf32>,
        %min3A_1739 = arith.minimumf %get3A_1738, %add3A_1736 : vector<16xf32>
        %swap3A_1740 = arith.index_cast %add3A_1722 : i32 to index
        %swap3A_1741 = tpu.vector_load %arg9[%swap3A_1740] {strides = array<i32>} : memref<2048xf32, #tpu.memory_space<vmem>>, vector<16xf32>,
        tpu.vector_store %arg9[%swap3A_1740], %min3A_1739 {strides = array<i32>} : memref<2048xf32, #tpu.memory_space<vmem>>, vector<16xf32>,
        %gt3A_1742 = arith.cmpf ogt, %min3A_1739, %max3A_1545 : vector<16xf32>
        %max3A_1743 = arith.maximumf %max3A_1545, %min3A_1739 : vector<16xf32>
        %select_n3A_1744 = arith.select %gt3A_1742, %broadcast_in_dim3A_1672, %select_n3A_1546 : vector<16xi1>, vector<16xf32>
        %add3A_1745 = arith.constant 48 : i32
        %add3A_1746 = arith.addi %mul3A_1670, %add3A_1745 : i32
        %get3A_1747 = arith.index_cast %add3A_1746 : i32 to index
        %get3A_1748 = tpu.vector_load %arg6[%get3A_1747] {strides = array<i32>} : memref<2048xf32, #tpu.memory_space<vmem>>, vector<16xf32>,
        %get3A_1749 = arith.index_cast %add3A_1746 : i32 to index
        %get3A_1750 = tpu.vector_load %arg7[%get3A_1749] {strides = array<i32>} : memref<2048xf32, #tpu.memory_space<vmem>>, vector<16xf32>,
        %get3A_1751 = arith.index_cast %add3A_1746 : i32 to index
        %get3A_1752 = tpu.vector_load %arg8[%get3A_1751] {strides = array<i32>} : memref<2048xf32, #tpu.memory_space<vmem>>, vector<16xf32>,
        %sub3A_1753 = arith.subf %get3A_1748, %broadcast_in_dim3A_970 : vector<16xf32>
        %sub3A_1754 = arith.subf %get3A_1750, %broadcast_in_dim3A_973 : vector<16xf32>
        %sub3A_1755 = arith.subf %get3A_1752, %broadcast_in_dim3A_976 : vector<16xf32>
        %mul3A_1756 = arith.mulf %sub3A_1753, %sub3A_1753 : vector<16xf32>
        %mul3A_1757 = arith.mulf %sub3A_1755, %sub3A_1755 : vector<16xf32>
        %add3A_1758 = arith.addf %mul3A_1756, %mul3A_1757 : vector<16xf32>
        %mul3A_1759 = arith.mulf %sub3A_1754, %sub3A_1754 : vector<16xf32>
        %add3A_1760 = arith.addf %add3A_1758, %mul3A_1759 : vector<16xf32>
        %get3A_1761 = arith.index_cast %add3A_1746 : i32 to index
        %get3A_1762 = tpu.vector_load %arg9[%get3A_1761] {strides = array<i32>} : memref<2048xf32, #tpu.memory_space<vmem>>, vector<16xf32>,
        %min3A_1763 = arith.minimumf %get3A_1762, %add3A_1760 : vector<16xf32>
        %swap3A_1764 = arith.index_cast %add3A_1746 : i32 to index
        %swap3A_1765 = tpu.vector_load %arg9[%swap3A_1764] {strides = array<i32>} : memref<2048xf32, #tpu.memory_space<vmem>>, vector<16xf32>,
        tpu.vector_store %arg9[%swap3A_1764], %min3A_1763 {strides = array<i32>} : memref<2048xf32, #tpu.memory_space<vmem>>, vector<16xf32>,
        %gt3A_1766 = arith.cmpf ogt, %min3A_1763, %max3A_1569 : vector<16xf32>
        %max3A_1767 = arith.maximumf %max3A_1569, %min3A_1763 : vector<16xf32>
        %select_n3A_1768 = arith.select %gt3A_1766, %broadcast_in_dim3A_1672, %select_n3A_1570 : vector<16xi1>, vector<16xf32>
        %add3A_1769 = arith.constant 64 : i32
        %add3A_1770 = arith.addi %mul3A_1670, %add3A_1769 : i32
        %get3A_1771 = arith.index_cast %add3A_1770 : i32 to index
        %get3A_1772 = tpu.vector_load %arg6[%get3A_1771] {strides = array<i32>} : memref<2048xf32, #tpu.memory_space<vmem>>, vector<16xf32>,
        %get3A_1773 = arith.index_cast %add3A_1770 : i32 to index
        %get3A_1774 = tpu.vector_load %arg7[%get3A_1773] {strides = array<i32>} : memref<2048xf32, #tpu.memory_space<vmem>>, vector<16xf32>,
        %get3A_1775 = arith.index_cast %add3A_1770 : i32 to index
        %get3A_1776 = tpu.vector_load %arg8[%get3A_1775] {strides = array<i32>} : memref<2048xf32, #tpu.memory_space<vmem>>, vector<16xf32>,
        %sub3A_1777 = arith.subf %get3A_1772, %broadcast_in_dim3A_970 : vector<16xf32>
        %sub3A_1778 = arith.subf %get3A_1774, %broadcast_in_dim3A_973 : vector<16xf32>
        %sub3A_1779 = arith.subf %get3A_1776, %broadcast_in_dim3A_976 : vector<16xf32>
        %mul3A_1780 = arith.mulf %sub3A_1777, %sub3A_1777 : vector<16xf32>
        %mul3A_1781 = arith.mulf %sub3A_1779, %sub3A_1779 : vector<16xf32>
        %add3A_1782 = arith.addf %mul3A_1780, %mul3A_1781 : vector<16xf32>
        %mul3A_1783 = arith.mulf %sub3A_1778, %sub3A_1778 : vector<16xf32>
        %add3A_1784 = arith.addf %add3A_1782, %mul3A_1783 : vector<16xf32>
        %get3A_1785 = arith.index_cast %add3A_1770 : i32 to index
        %get3A_1786 = tpu.vector_load %arg9[%get3A_1785] {strides = array<i32>} : memref<2048xf32, #tpu.memory_space<vmem>>, vector<16xf32>,
        %min3A_1787 = arith.minimumf %get3A_1786, %add3A_1784 : vector<16xf32>
        %swap3A_1788 = arith.index_cast %add3A_1770 : i32 to index
        %swap3A_1789 = tpu.vector_load %arg9[%swap3A_1788] {strides = array<i32>} : memref<2048xf32, #tpu.memory_space<vmem>>, vector<16xf32>,
        tpu.vector_store %arg9[%swap3A_1788], %min3A_1787 {strides = array<i32>} : memref<2048xf32, #tpu.memory_space<vmem>>, vector<16xf32>,
        %gt3A_1790 = arith.cmpf ogt, %min3A_1787, %max3A_1593 : vector<16xf32>
        %max3A_1791 = arith.maximumf %max3A_1593, %min3A_1787 : vector<16xf32>
        %select_n3A_1792 = arith.select %gt3A_1790, %broadcast_in_dim3A_1672, %select_n3A_1594 : vector<16xi1>, vector<16xf32>
        %add3A_1793 = arith.constant 80 : i32
        %add3A_1794 = arith.addi %mul3A_1670, %add3A_1793 : i32
        %get3A_1795 = arith.index_cast %add3A_1794 : i32 to index
        %get3A_1796 = tpu.vector_load %arg6[%get3A_1795] {strides = array<i32>} : memref<2048xf32, #tpu.memory_space<vmem>>, vector<16xf32>,
        %get3A_1797 = arith.index_cast %add3A_1794 : i32 to index
        %get3A_1798 = tpu.vector_load %arg7[%get3A_1797] {strides = array<i32>} : memref<2048xf32, #tpu.memory_space<vmem>>, vector<16xf32>,
        %get3A_1799 = arith.index_cast %add3A_1794 : i32 to index
        %get3A_1800 = tpu.vector_load %arg8[%get3A_1799] {strides = array<i32>} : memref<2048xf32, #tpu.memory_space<vmem>>, vector<16xf32>,
        %sub3A_1801 = arith.subf %get3A_1796, %broadcast_in_dim3A_970 : vector<16xf32>
        %sub3A_1802 = arith.subf %get3A_1798, %broadcast_in_dim3A_973 : vector<16xf32>
        %sub3A_1803 = arith.subf %get3A_1800, %broadcast_in_dim3A_976 : vector<16xf32>
        %mul3A_1804 = arith.mulf %sub3A_1801, %sub3A_1801 : vector<16xf32>
        %mul3A_1805 = arith.mulf %sub3A_1803, %sub3A_1803 : vector<16xf32>
        %add3A_1806 = arith.addf %mul3A_1804, %mul3A_1805 : vector<16xf32>
        %mul3A_1807 = arith.mulf %sub3A_1802, %sub3A_1802 : vector<16xf32>
        %add3A_1808 = arith.addf %add3A_1806, %mul3A_1807 : vector<16xf32>
        %get3A_1809 = arith.index_cast %add3A_1794 : i32 to index
        %get3A_1810 = tpu.vector_load %arg9[%get3A_1809] {strides = array<i32>} : memref<2048xf32, #tpu.memory_space<vmem>>, vector<16xf32>,
        %min3A_1811 = arith.minimumf %get3A_1810, %add3A_1808 : vector<16xf32>
        %swap3A_1812 = arith.index_cast %add3A_1794 : i32 to index
        %swap3A_1813 = tpu.vector_load %arg9[%swap3A_1812] {strides = array<i32>} : memref<2048xf32, #tpu.memory_space<vmem>>, vector<16xf32>,
        tpu.vector_store %arg9[%swap3A_1812], %min3A_1811 {strides = array<i32>} : memref<2048xf32, #tpu.memory_space<vmem>>, vector<16xf32>,
        %gt3A_1814 = arith.cmpf ogt, %min3A_1811, %max3A_1617 : vector<16xf32>
        %max3A_1815 = arith.maximumf %max3A_1617, %min3A_1811 : vector<16xf32>
        %select_n3A_1816 = arith.select %gt3A_1814, %broadcast_in_dim3A_1672, %select_n3A_1618 : vector<16xi1>, vector<16xf32>
        %add3A_1817 = arith.constant 96 : i32
        %add3A_1818 = arith.addi %mul3A_1670, %add3A_1817 : i32
        %get3A_1819 = arith.index_cast %add3A_1818 : i32 to index
        %get3A_1820 = tpu.vector_load %arg6[%get3A_1819] {strides = array<i32>} : memref<2048xf32, #tpu.memory_space<vmem>>, vector<16xf32>,
        %get3A_1821 = arith.index_cast %add3A_1818 : i32 to index
        %get3A_1822 = tpu.vector_load %arg7[%get3A_1821] {strides = array<i32>} : memref<2048xf32, #tpu.memory_space<vmem>>, vector<16xf32>,
        %get3A_1823 = arith.index_cast %add3A_1818 : i32 to index
        %get3A_1824 = tpu.vector_load %arg8[%get3A_1823] {strides = array<i32>} : memref<2048xf32, #tpu.memory_space<vmem>>, vector<16xf32>,
        %sub3A_1825 = arith.subf %get3A_1820, %broadcast_in_dim3A_970 : vector<16xf32>
        %sub3A_1826 = arith.subf %get3A_1822, %broadcast_in_dim3A_973 : vector<16xf32>
        %sub3A_1827 = arith.subf %get3A_1824, %broadcast_in_dim3A_976 : vector<16xf32>
        %mul3A_1828 = arith.mulf %sub3A_1825, %sub3A_1825 : vector<16xf32>
        %mul3A_1829 = arith.mulf %sub3A_1827, %sub3A_1827 : vector<16xf32>
        %add3A_1830 = arith.addf %mul3A_1828, %mul3A_1829 : vector<16xf32>
        %mul3A_1831 = arith.mulf %sub3A_1826, %sub3A_1826 : vector<16xf32>
        %add3A_1832 = arith.addf %add3A_1830, %mul3A_1831 : vector<16xf32>
        %get3A_1833 = arith.index_cast %add3A_1818 : i32 to index
        %get3A_1834 = tpu.vector_load %arg9[%get3A_1833] {strides = array<i32>} : memref<2048xf32, #tpu.memory_space<vmem>>, vector<16xf32>,
        %min3A_1835 = arith.minimumf %get3A_1834, %add3A_1832 : vector<16xf32>
        %swap3A_1836 = arith.index_cast %add3A_1818 : i32 to index
        %swap3A_1837 = tpu.vector_load %arg9[%swap3A_1836] {strides = array<i32>} : memref<2048xf32, #tpu.memory_space<vmem>>, vector<16xf32>,
        tpu.vector_store %arg9[%swap3A_1836], %min3A_1835 {strides = array<i32>} : memref<2048xf32, #tpu.memory_space<vmem>>, vector<16xf32>,
        %gt3A_1838 = arith.cmpf ogt, %min3A_1835, %max3A_1641 : vector<16xf32>
        %max3A_1839 = arith.maximumf %max3A_1641, %min3A_1835 : vector<16xf32>
        %select_n3A_1840 = arith.select %gt3A_1838, %broadcast_in_dim3A_1672, %select_n3A_1642 : vector<16xi1>, vector<16xf32>
        %add3A_1841 = arith.constant 112 : i32
        %add3A_1842 = arith.addi %mul3A_1670, %add3A_1841 : i32
        %get3A_1843 = arith.index_cast %add3A_1842 : i32 to index
        %get3A_1844 = tpu.vector_load %arg6[%get3A_1843] {strides = array<i32>} : memref<2048xf32, #tpu.memory_space<vmem>>, vector<16xf32>,
        %get3A_1845 = arith.index_cast %add3A_1842 : i32 to index
        %get3A_1846 = tpu.vector_load %arg7[%get3A_1845] {strides = array<i32>} : memref<2048xf32, #tpu.memory_space<vmem>>, vector<16xf32>,
        %get3A_1847 = arith.index_cast %add3A_1842 : i32 to index
        %get3A_1848 = tpu.vector_load %arg8[%get3A_1847] {strides = array<i32>} : memref<2048xf32, #tpu.memory_space<vmem>>, vector<16xf32>,
        %sub3A_1849 = arith.subf %get3A_1844, %broadcast_in_dim3A_970 : vector<16xf32>
        %sub3A_1850 = arith.subf %get3A_1846, %broadcast_in_dim3A_973 : vector<16xf32>
        %sub3A_1851 = arith.subf %get3A_1848, %broadcast_in_dim3A_976 : vector<16xf32>
        %mul3A_1852 = arith.mulf %sub3A_1849, %sub3A_1849 : vector<16xf32>
        %mul3A_1853 = arith.mulf %sub3A_1851, %sub3A_1851 : vector<16xf32>
        %add3A_1854 = arith.addf %mul3A_1852, %mul3A_1853 : vector<16xf32>
        %mul3A_1855 = arith.mulf %sub3A_1850, %sub3A_1850 : vector<16xf32>
        %add3A_1856 = arith.addf %add3A_1854, %mul3A_1855 : vector<16xf32>
        %get3A_1857 = arith.index_cast %add3A_1842 : i32 to index
        %get3A_1858 = tpu.vector_load %arg9[%get3A_1857] {strides = array<i32>} : memref<2048xf32, #tpu.memory_space<vmem>>, vector<16xf32>,
        %min3A_1859 = arith.minimumf %get3A_1858, %add3A_1856 : vector<16xf32>
        %swap3A_1860 = arith.index_cast %add3A_1842 : i32 to index
        %swap3A_1861 = tpu.vector_load %arg9[%swap3A_1860] {strides = array<i32>} : memref<2048xf32, #tpu.memory_space<vmem>>, vector<16xf32>,
        tpu.vector_store %arg9[%swap3A_1860], %min3A_1859 {strides = array<i32>} : memref<2048xf32, #tpu.memory_space<vmem>>, vector<16xf32>,
        %gt3A_1862 = arith.cmpf ogt, %min3A_1859, %max3A_1665 : vector<16xf32>
        %max3A_1863 = arith.maximumf %max3A_1665, %min3A_1859 : vector<16xf32>
        %select_n3A_1864 = arith.select %gt3A_1862, %broadcast_in_dim3A_1672, %select_n3A_1666 : vector<16xi1>, vector<16xf32>
        scf.yield %max3A_1695, %select_n3A_1696, %max3A_1719, %select_n3A_1720, %max3A_1743, %select_n3A_1744, %max3A_1767, %select_n3A_1768, %max3A_1791, %select_n3A_1792, %max3A_1815, %select_n3A_1816, %max3A_1839, %select_n3A_1840, %max3A_1863, %select_n3A_1864 : vector<16xf32>, vector<16xf32>, vector<16xf32>, vector<16xf32>, vector<16xf32>, vector<16xf32>, vector<16xf32>, vector<16xf32>, vector<16xf32>, vector<16xf32>, vector<16xf32>, vector<16xf32>, vector<16xf32>, vector<16xf32>, vector<16xf32>, vector<16xf32>
      }
      %scan3A_990 = arith.constant 16 : i32
      %mul3A_991 = arith.constant 1.280000e+02 : f32
      %mul3A_992 = vector.broadcast %mul3A_991 : f32 to vector<16xf32>
      %mul3A_993 = arith.mulf %scan3A_989#1, %mul3A_992 : vector<16xf32>
      %add3A_994 = arith.constant 0.000000e+00 : f32
      %add3A_995 = vector.broadcast %add3A_994 : f32 to vector<16xf32>
      %add3A_996 = arith.addf %add3A_995, %convert_element_type3A_1 : vector<16xf32>
      %add3A_997 = arith.addf %mul3A_993, %add3A_996 : vector<16xf32>
      %mul3A_998 = arith.constant 1.280000e+02 : f32
      %mul3A_999 = vector.broadcast %mul3A_998 : f32 to vector<16xf32>
      %mul3A_1000 = arith.mulf %scan3A_989#3, %mul3A_999 : vector<16xf32>
      %add3A_1001 = arith.constant 1.600000e+01 : f32
      %add3A_1002 = vector.broadcast %add3A_1001 : f32 to vector<16xf32>
      %add3A_1003 = arith.addf %add3A_1002, %convert_element_type3A_1 : vector<16xf32>
      %add3A_1004 = arith.addf %mul3A_1000, %add3A_1003 : vector<16xf32>
      %gt3A_1005 = arith.cmpf ogt, %scan3A_989#2, %scan3A_989#0 : vector<16xf32>
      %eq3A_1006 = arith.cmpf oeq, %scan3A_989#2, %scan3A_989#0 : vector<16xf32>
      %lt3A_1007 = arith.cmpf olt, %add3A_1004, %add3A_997 : vector<16xf32>
      %and3A_1008 = arith.andi %eq3A_1006, %lt3A_1007 : vector<16xi1>
      %or3A_1009 = arith.ori %gt3A_1005, %and3A_1008 : vector<16xi1>
      %select_n3A_1010 = arith.select %or3A_1009, %scan3A_989#2, %scan3A_989#0 : vector<16xi1>, vector<16xf32>
      %select_n3A_1011 = arith.select %or3A_1009, %add3A_1004, %add3A_997 : vector<16xi1>, vector<16xf32>
      %mul3A_1012 = arith.constant 1.280000e+02 : f32
      %mul3A_1013 = vector.broadcast %mul3A_1012 : f32 to vector<16xf32>
      %mul3A_1014 = arith.mulf %scan3A_989#5, %mul3A_1013 : vector<16xf32>
      %add3A_1015 = arith.constant 3.200000e+01 : f32
      %add3A_1016 = vector.broadcast %add3A_1015 : f32 to vector<16xf32>
      %add3A_1017 = arith.addf %add3A_1016, %convert_element_type3A_1 : vector<16xf32>
      %add3A_1018 = arith.addf %mul3A_1014, %add3A_1017 : vector<16xf32>
      %gt3A_1019 = arith.cmpf ogt, %scan3A_989#4, %select_n3A_1010 : vector<16xf32>
      %eq3A_1020 = arith.cmpf oeq, %scan3A_989#4, %select_n3A_1010 : vector<16xf32>
      %lt3A_1021 = arith.cmpf olt, %add3A_1018, %select_n3A_1011 : vector<16xf32>
      %and3A_1022 = arith.andi %eq3A_1020, %lt3A_1021 : vector<16xi1>
      %or3A_1023 = arith.ori %gt3A_1019, %and3A_1022 : vector<16xi1>
      %select_n3A_1024 = arith.select %or3A_1023, %scan3A_989#4, %select_n3A_1010 : vector<16xi1>, vector<16xf32>
      %select_n3A_1025 = arith.select %or3A_1023, %add3A_1018, %select_n3A_1011 : vector<16xi1>, vector<16xf32>
      %mul3A_1026 = arith.constant 1.280000e+02 : f32
      %mul3A_1027 = vector.broadcast %mul3A_1026 : f32 to vector<16xf32>
      %mul3A_1028 = arith.mulf %scan3A_989#7, %mul3A_1027 : vector<16xf32>
      %add3A_1029 = arith.constant 4.800000e+01 : f32
      %add3A_1030 = vector.broadcast %add3A_1029 : f32 to vector<16xf32>
      %add3A_1031 = arith.addf %add3A_1030, %convert_element_type3A_1 : vector<16xf32>
      %add3A_1032 = arith.addf %mul3A_1028, %add3A_1031 : vector<16xf32>
      %gt3A_1033 = arith.cmpf ogt, %scan3A_989#6, %select_n3A_1024 : vector<16xf32>
      %eq3A_1034 = arith.cmpf oeq, %scan3A_989#6, %select_n3A_1024 : vector<16xf32>
      %lt3A_1035 = arith.cmpf olt, %add3A_1032, %select_n3A_1025 : vector<16xf32>
      %and3A_1036 = arith.andi %eq3A_1034, %lt3A_1035 : vector<16xi1>
      %or3A_1037 = arith.ori %gt3A_1033, %and3A_1036 : vector<16xi1>
      %select_n3A_1038 = arith.select %or3A_1037, %scan3A_989#6, %select_n3A_1024 : vector<16xi1>, vector<16xf32>
      %select_n3A_1039 = arith.select %or3A_1037, %add3A_1032, %select_n3A_1025 : vector<16xi1>, vector<16xf32>
      %mul3A_1040 = arith.constant 1.280000e+02 : f32
      %mul3A_1041 = vector.broadcast %mul3A_1040 : f32 to vector<16xf32>
      %mul3A_1042 = arith.mulf %scan3A_989#9, %mul3A_1041 : vector<16xf32>
      %add3A_1043 = arith.constant 6.400000e+01 : f32
      %add3A_1044 = vector.broadcast %add3A_1043 : f32 to vector<16xf32>
      %add3A_1045 = arith.addf %add3A_1044, %convert_element_type3A_1 : vector<16xf32>
      %add3A_1046 = arith.addf %mul3A_1042, %add3A_1045 : vector<16xf32>
      %gt3A_1047 = arith.cmpf ogt, %scan3A_989#8, %select_n3A_1038 : vector<16xf32>
      %eq3A_1048 = arith.cmpf oeq, %scan3A_989#8, %select_n3A_1038 : vector<16xf32>
      %lt3A_1049 = arith.cmpf olt, %add3A_1046, %select_n3A_1039 : vector<16xf32>
      %and3A_1050 = arith.andi %eq3A_1048, %lt3A_1049 : vector<16xi1>
      %or3A_1051 = arith.ori %gt3A_1047, %and3A_1050 : vector<16xi1>
      %select_n3A_1052 = arith.select %or3A_1051, %scan3A_989#8, %select_n3A_1038 : vector<16xi1>, vector<16xf32>
      %select_n3A_1053 = arith.select %or3A_1051, %add3A_1046, %select_n3A_1039 : vector<16xi1>, vector<16xf32>
      %mul3A_1054 = arith.constant 1.280000e+02 : f32
      %mul3A_1055 = vector.broadcast %mul3A_1054 : f32 to vector<16xf32>
      %mul3A_1056 = arith.mulf %scan3A_989#11, %mul3A_1055 : vector<16xf32>
      %add3A_1057 = arith.constant 8.000000e+01 : f32
      %add3A_1058 = vector.broadcast %add3A_1057 : f32 to vector<16xf32>
      %add3A_1059 = arith.addf %add3A_1058, %convert_element_type3A_1 : vector<16xf32>
      %add3A_1060 = arith.addf %mul3A_1056, %add3A_1059 : vector<16xf32>
      %gt3A_1061 = arith.cmpf ogt, %scan3A_989#10, %select_n3A_1052 : vector<16xf32>
      %eq3A_1062 = arith.cmpf oeq, %scan3A_989#10, %select_n3A_1052 : vector<16xf32>
      %lt3A_1063 = arith.cmpf olt, %add3A_1060, %select_n3A_1053 : vector<16xf32>
      %and3A_1064 = arith.andi %eq3A_1062, %lt3A_1063 : vector<16xi1>
      %or3A_1065 = arith.ori %gt3A_1061, %and3A_1064 : vector<16xi1>
      %select_n3A_1066 = arith.select %or3A_1065, %scan3A_989#10, %select_n3A_1052 : vector<16xi1>, vector<16xf32>
      %select_n3A_1067 = arith.select %or3A_1065, %add3A_1060, %select_n3A_1053 : vector<16xi1>, vector<16xf32>
      %mul3A_1068 = arith.constant 1.280000e+02 : f32
      %mul3A_1069 = vector.broadcast %mul3A_1068 : f32 to vector<16xf32>
      %mul3A_1070 = arith.mulf %scan3A_989#13, %mul3A_1069 : vector<16xf32>
      %add3A_1071 = arith.constant 9.600000e+01 : f32
      %add3A_1072 = vector.broadcast %add3A_1071 : f32 to vector<16xf32>
      %add3A_1073 = arith.addf %add3A_1072, %convert_element_type3A_1 : vector<16xf32>
      %add3A_1074 = arith.addf %mul3A_1070, %add3A_1073 : vector<16xf32>
      %gt3A_1075 = arith.cmpf ogt, %scan3A_989#12, %select_n3A_1066 : vector<16xf32>
      %eq3A_1076 = arith.cmpf oeq, %scan3A_989#12, %select_n3A_1066 : vector<16xf32>
      %lt3A_1077 = arith.cmpf olt, %add3A_1074, %select_n3A_1067 : vector<16xf32>
      %and3A_1078 = arith.andi %eq3A_1076, %lt3A_1077 : vector<16xi1>
      %or3A_1079 = arith.ori %gt3A_1075, %and3A_1078 : vector<16xi1>
      %select_n3A_1080 = arith.select %or3A_1079, %scan3A_989#12, %select_n3A_1066 : vector<16xi1>, vector<16xf32>
      %select_n3A_1081 = arith.select %or3A_1079, %add3A_1074, %select_n3A_1067 : vector<16xi1>, vector<16xf32>
      %mul3A_1082 = arith.constant 1.280000e+02 : f32
      %mul3A_1083 = vector.broadcast %mul3A_1082 : f32 to vector<16xf32>
      %mul3A_1084 = arith.mulf %scan3A_989#15, %mul3A_1083 : vector<16xf32>
      %add3A_1085 = arith.constant 1.120000e+02 : f32
      %add3A_1086 = vector.broadcast %add3A_1085 : f32 to vector<16xf32>
      %add3A_1087 = arith.addf %add3A_1086, %convert_element_type3A_1 : vector<16xf32>
      %add3A_1088 = arith.addf %mul3A_1084, %add3A_1087 : vector<16xf32>
      %gt3A_1089 = arith.cmpf ogt, %scan3A_989#14, %select_n3A_1080 : vector<16xf32>
      %eq3A_1090 = arith.cmpf oeq, %scan3A_989#14, %select_n3A_1080 : vector<16xf32>
      %lt3A_1091 = arith.cmpf olt, %add3A_1088, %select_n3A_1081 : vector<16xf32>
      %and3A_1092 = arith.andi %eq3A_1090, %lt3A_1091 : vector<16xi1>
      %or3A_1093 = arith.ori %gt3A_1089, %and3A_1092 : vector<16xi1>
      %select_n3A_1094 = arith.select %or3A_1093, %scan3A_989#14, %select_n3A_1080 : vector<16xi1>, vector<16xf32>
      %select_n3A_1095 = arith.select %or3A_1093, %add3A_1088, %select_n3A_1081 : vector<16xi1>, vector<16xf32>
      %reduce_max3A_1096 = arith.constant true
      %reduce_max3A_1097 = vector.broadcast %reduce_max3A_1096 : i1 to vector<16xi1>
      %reduce_max3A_1098 = tpu.scan <max>, %select_n3A_1094 masked %reduce_max3A_1097 : vector<16xf32>, vector<16xi1> -> vector<16xf32>
      %reduce_max3A_1099 = vector.extract %reduce_max3A_1098[15] : f32 from vector<16xf32>
      %broadcast_in_dim3A_1100 = vector.broadcast %reduce_max3A_1099 : f32 to vector<16xf32>
      %eq3A_1101 = arith.cmpf oeq, %select_n3A_1094, %broadcast_in_dim3A_1100 : vector<16xf32>
      %jit3A_1102 = arith.constant 3.000000e+09 : f32
      %broadcast_in_dim3A_1103 = vector.broadcast %jit3A_1102 : f32 to vector<16xf32>
      %select_n3A_1104 = arith.select %eq3A_1101, %select_n3A_1095, %broadcast_in_dim3A_1103 : vector<16xi1>, vector<16xf32>
      %reduce_min3A_1105 = arith.constant true
      %reduce_min3A_1106 = vector.broadcast %reduce_min3A_1105 : i1 to vector<16xi1>
      %reduce_min3A_1107 = tpu.scan <min>, %select_n3A_1104 masked %reduce_min3A_1106 : vector<16xf32>, vector<16xi1> -> vector<16xf32>
      %reduce_min3A_1108 = vector.extract %reduce_min3A_1107[15] : f32 from vector<16xf32>
      %convert_element_type3A_1109 = arith.fptosi %reduce_min3A_1108 : f32 to i32
      %jit3A_1110 = arith.constant 16 : i32
      %div3A_1111 = arith.divsi %convert_element_type3A_1109, %jit3A_1110 : i32
      %sign3A_1112 = arith.constant 0 : i32
      %sign3A_1113 = arith.cmpi sgt, %convert_element_type3A_1109, %sign3A_1112 : i32
      %sign3A_1114 = arith.extui %sign3A_1113 : i1 to i32
      %sign3A_1115 = arith.constant 0 : i32
      %sign3A_1116 = arith.cmpi slt, %convert_element_type3A_1109, %sign3A_1115 : i32
      %sign3A_1117 = arith.extui %sign3A_1116 : i1 to i32
      %sign3A_1118 = arith.subi %sign3A_1114, %sign3A_1117 : i32
      %sign3A_1119 = arith.constant 0 : i32
      %sign3A_1120 = arith.cmpi sgt, %jit3A_1110, %sign3A_1119 : i32
      %sign3A_1121 = arith.extui %sign3A_1120 : i1 to i32
      %sign3A_1122 = arith.constant 0 : i32
      %sign3A_1123 = arith.cmpi slt, %jit3A_1110, %sign3A_1122 : i32
      %sign3A_1124 = arith.extui %sign3A_1123 : i1 to i32
      %sign3A_1125 = arith.subi %sign3A_1121, %sign3A_1124 : i32
      %ne3A_1126 = arith.cmpi ne, %sign3A_1118, %sign3A_1125 : i32
      %rem3A_1127 = arith.remsi %convert_element_type3A_1109, %jit3A_1110 : i32
      %ne3A_1128 = arith.constant 0 : i32
      %ne3A_1129 = arith.cmpi ne, %rem3A_1127, %ne3A_1128 : i32
      %and3A_1130 = arith.andi %ne3A_1126, %ne3A_1129 : i1
      %sub3A_1131 = arith.constant 1 : i32
      %sub3A_1132 = arith.subi %div3A_1111, %sub3A_1131 : i32
      %select_n3A_1133 = arith.select %and3A_1130, %sub3A_1132, %div3A_1111 : i32
      %mul3A_1134 = arith.constant 16 : i32
      %mul3A_1135 = arith.muli %select_n3A_1133, %mul3A_1134 : i32
      %jit3A_1136 = arith.constant 16 : i32
      %eq3A_1137 = arith.constant 0 : i32
      %eq3A_1138 = arith.cmpi eq, %jit3A_1136, %eq3A_1137 : i32
      %jit3A_1139 = arith.constant 1 : i32
      %select_n3A_1140 = arith.select %eq3A_1138, %jit3A_1139, %jit3A_1136 : i32
      %rem3A_1141 = arith.remsi %convert_element_type3A_1109, %select_n3A_1140 : i32
      %ne3A_1142 = arith.constant 0 : i32
      %ne3A_1143 = arith.cmpi ne, %rem3A_1141, %ne3A_1142 : i32
      %lt3A_1144 = arith.constant 0 : i32
      %lt3A_1145 = arith.cmpi slt, %rem3A_1141, %lt3A_1144 : i32
      %lt3A_1146 = arith.constant 0 : i32
      %lt3A_1147 = arith.cmpi slt, %select_n3A_1140, %lt3A_1146 : i32
      %ne3A_1148 = arith.xori %lt3A_1145, %lt3A_1147 : i1
      %and3A_1149 = arith.andi %ne3A_1148, %ne3A_1143 : i1
      %add3A_1150 = arith.addi %rem3A_1141, %select_n3A_1140 : i32
      %select_n3A_1151 = arith.select %and3A_1149, %add3A_1150, %rem3A_1141 : i32
      %broadcast_in_dim3A_1152 = vector.broadcast %select_n3A_1151 : i32 to vector<16xi32>
      %eq3A_1153 = arith.cmpi eq, %iota3A, %broadcast_in_dim3A_1152 : vector<16xi32>
      %get3A_1154 = arith.index_cast %mul3A_1135 : i32 to index
      %get3A_1155 = tpu.vector_load %arg6[%get3A_1154] {strides = array<i32>} : memref<2048xf32, #tpu.memory_space<vmem>>, vector<16xf32>,
      %jit3A_1156 = arith.constant 0xFF800000 : f32
      %broadcast_in_dim3A_1157 = vector.broadcast %jit3A_1156 : f32 to vector<16xf32>
      %select_n3A_1158 = arith.select %eq3A_1153, %get3A_1155, %broadcast_in_dim3A_1157 : vector<16xi1>, vector<16xf32>
      %reduce_max3A_1159 = arith.constant true
      %reduce_max3A_1160 = vector.broadcast %reduce_max3A_1159 : i1 to vector<16xi1>
      %reduce_max3A_1161 = tpu.scan <max>, %select_n3A_1158 masked %reduce_max3A_1160 : vector<16xf32>, vector<16xi1> -> vector<16xf32>
      %reduce_max3A_1162 = vector.extract %reduce_max3A_1161[15] : f32 from vector<16xf32>
      %get3A_1163 = arith.index_cast %mul3A_1135 : i32 to index
      %get3A_1164 = tpu.vector_load %arg7[%get3A_1163] {strides = array<i32>} : memref<2048xf32, #tpu.memory_space<vmem>>, vector<16xf32>,
      %jit3A_1165 = arith.constant 0xFF800000 : f32
      %broadcast_in_dim3A_1166 = vector.broadcast %jit3A_1165 : f32 to vector<16xf32>
      %select_n3A_1167 = arith.select %eq3A_1153, %get3A_1164, %broadcast_in_dim3A_1166 : vector<16xi1>, vector<16xf32>
      %reduce_max3A_1168 = arith.constant true
      %reduce_max3A_1169 = vector.broadcast %reduce_max3A_1168 : i1 to vector<16xi1>
      %reduce_max3A_1170 = tpu.scan <max>, %select_n3A_1167 masked %reduce_max3A_1169 : vector<16xf32>, vector<16xi1> -> vector<16xf32>
      %reduce_max3A_1171 = vector.extract %reduce_max3A_1170[15] : f32 from vector<16xf32>
      %get3A_1172 = arith.index_cast %mul3A_1135 : i32 to index
      %get3A_1173 = tpu.vector_load %arg8[%get3A_1172] {strides = array<i32>} : memref<2048xf32, #tpu.memory_space<vmem>>, vector<16xf32>,
      %jit3A_1174 = arith.constant 0xFF800000 : f32
      %broadcast_in_dim3A_1175 = vector.broadcast %jit3A_1174 : f32 to vector<16xf32>
      %select_n3A_1176 = arith.select %eq3A_1153, %get3A_1173, %broadcast_in_dim3A_1175 : vector<16xi1>, vector<16xf32>
      %reduce_max3A_1177 = arith.constant true
      %reduce_max3A_1178 = vector.broadcast %reduce_max3A_1177 : i1 to vector<16xi1>
      %reduce_max3A_1179 = tpu.scan <max>, %select_n3A_1176 masked %reduce_max3A_1178 : vector<16xf32>, vector<16xi1> -> vector<16xf32>
      %reduce_max3A_1180 = vector.extract %reduce_max3A_1179[15] : f32 from vector<16xf32>
      %eq3A_1181 = arith.constant 0 : i32
      %eq3A_1182 = vector.broadcast %eq3A_1181 : i32 to vector<16xi32>
      %eq3A_1183 = arith.cmpi eq, %iota3A, %eq3A_1182 : vector<16xi32>
      %eq3A_1184 = arith.constant 1 : i32
      %eq3A_1185 = vector.broadcast %eq3A_1184 : i32 to vector<16xi32>
      %eq3A_1186 = arith.cmpi eq, %iota3A, %eq3A_1185 : vector<16xi32>
      %add3A_1187 = arith.addf %reduce_min3A_1108, %convert_element_type3A : f32
      %broadcast_in_dim3A_1188 = vector.broadcast %add3A_1187 : f32 to vector<16xf32>
      %eq3A_1189 = arith.constant 2 : i32
      %eq3A_1190 = vector.broadcast %eq3A_1189 : i32 to vector<16xi32>
      %eq3A_1191 = arith.cmpi eq, %iota3A, %eq3A_1190 : vector<16xi32>
      %broadcast_in_dim3A_1192 = vector.broadcast %reduce_max3A_1162 : f32 to vector<16xf32>
      %eq3A_1193 = arith.constant 3 : i32
      %eq3A_1194 = vector.broadcast %eq3A_1193 : i32 to vector<16xi32>
      %eq3A_1195 = arith.cmpi eq, %iota3A, %eq3A_1194 : vector<16xi32>
      %broadcast_in_dim3A_1196 = vector.broadcast %reduce_max3A_1171 : f32 to vector<16xf32>
      %eq3A_1197 = arith.constant 4 : i32
      %eq3A_1198 = vector.broadcast %eq3A_1197 : i32 to vector<16xi32>
      %eq3A_1199 = arith.cmpi eq, %iota3A, %eq3A_1198 : vector<16xi32>
      %broadcast_in_dim3A_1200 = vector.broadcast %reduce_max3A_1180 : f32 to vector<16xf32>
      %select_n3A_1201 = arith.select %eq3A_1199, %broadcast_in_dim3A_1200, %broadcast_in_dim3A_4 : vector<16xi1>, vector<16xf32>
      %select_n3A_1202 = arith.select %eq3A_1195, %broadcast_in_dim3A_1196, %select_n3A_1201 : vector<16xi1>, vector<16xf32>
      %select_n3A_1203 = arith.select %eq3A_1191, %broadcast_in_dim3A_1192, %select_n3A_1202 : vector<16xi1>, vector<16xf32>
      %select_n3A_1204 = arith.select %eq3A_1186, %broadcast_in_dim3A_1188, %select_n3A_1203 : vector<16xi1>, vector<16xf32>
      %select_n3A_1205 = arith.select %eq3A_1183, %broadcast_in_dim3A_1100, %select_n3A_1204 : vector<16xi1>, vector<16xf32>
      %swap3A_1206 = arith.constant 0 : index
      %swap3A_1207 = tpu.vector_load %arg10[%swap3A_1206] {strides = array<i32>} : memref<16xf32, #tpu.memory_space<vmem>>, vector<16xf32>,
      tpu.vector_store %arg10[%swap3A_1206], %select_n3A_1205 {strides = array<i32>} : memref<16xf32, #tpu.memory_space<vmem>>, vector<16xf32>,
      %mul3A_1208 = arith.constant 16 : i32
      %mul3A_1209 = arith.muli %arg1, %mul3A_1208 : i32
      %run_scoped3A_1210 = arith.constant 1 : i32
      "tpu.region"() ({
        %run_scoped3A_1456 = tpu.sem_alloc : memref<!tpu.dma_semaphore, #tpu.memory_space<semaphore_mem>>
        %dma_start3A = tpu.memref_slice %arg13[%run_scoped3A_1210, %mul3A_1209] : memref<2x256xf32, #tpu.memory_space<vmem_shared>> -> memref<1x16xf32, #tpu.memory_space<vmem_shared>>
        %dma_start3A_1457 = tpu.memref_squeeze %dma_start3A : memref<1x16xf32, #tpu.memory_space<vmem_shared>> -> memref<16xf32, #tpu.memory_space<vmem_shared>>
        %dma_start3A_1458 = tpu.memref_slice %arg13[%run_scoped3A_1210, %mul3A_1209] : memref<2x256xf32, #tpu.memory_space<vmem_shared>> -> memref<1x16xf32, #tpu.memory_space<vmem_shared>>
        %dma_start3A_1459 = tpu.memref_squeeze %dma_start3A_1458 : memref<1x16xf32, #tpu.memory_space<vmem_shared>> -> memref<16xf32, #tpu.memory_space<vmem_shared>>
        tpu.enqueue_dma source(%arg10 : memref<16xf32, #tpu.memory_space<vmem>>) target(%dma_start3A_1459 : memref<16xf32, #tpu.memory_space<vmem_shared>>) target_semaphore(%run_scoped3A_1456 : memref<!tpu.dma_semaphore, #tpu.memory_space<semaphore_mem>>)
        %dma_wait3A = tpu.memref_slice %arg13[%run_scoped3A_1210, %mul3A_1209] : memref<2x256xf32, #tpu.memory_space<vmem_shared>> -> memref<1x16xf32, #tpu.memory_space<vmem_shared>>
        %dma_wait3A_1460 = tpu.memref_squeeze %dma_wait3A : memref<1x16xf32, #tpu.memory_space<vmem_shared>> -> memref<16xf32, #tpu.memory_space<vmem_shared>>
        %dma_wait3A_1461 = tpu.memref_slice %arg13[%run_scoped3A_1210, %mul3A_1209] : memref<2x256xf32, #tpu.memory_space<vmem_shared>> -> memref<1x16xf32, #tpu.memory_space<vmem_shared>>
        %dma_wait3A_1462 = tpu.memref_squeeze %dma_wait3A_1461 : memref<1x16xf32, #tpu.memory_space<vmem_shared>> -> memref<16xf32, #tpu.memory_space<vmem_shared>>
        tpu.wait_dma2 semaphore(%run_scoped3A_1456 : memref<!tpu.dma_semaphore, #tpu.memory_space<semaphore_mem>>) src(%arg10 : memref<16xf32, #tpu.memory_space<vmem>>) dst(%dma_wait3A_1462 : memref<16xf32, #tpu.memory_space<vmem_shared>>)
        tpu.yield
      }) : () -> ()
      %barrier3A_1211 = arith.constant 0 : index
      tpu.barrier barrier_id(%barrier3A_1211)
      %run_scoped3A_1212 = arith.constant 1 : i32
      "tpu.region"() ({
        %run_scoped3A_1456 = tpu.sem_alloc : memref<!tpu.dma_semaphore, #tpu.memory_space<semaphore_mem>>
        %dma_start3A = arith.constant 0 : i32
        %dma_start3A_1457 = tpu.memref_slice %arg13[%run_scoped3A_1212, %dma_start3A] : memref<2x256xf32, #tpu.memory_space<vmem_shared>> -> memref<1x256xf32, #tpu.memory_space<vmem_shared>>
        %dma_start3A_1458 = tpu.memref_squeeze %dma_start3A_1457 : memref<1x256xf32, #tpu.memory_space<vmem_shared>> -> memref<256xf32, #tpu.memory_space<vmem_shared>>
        %dma_start3A_1459 = arith.constant 0 : i32
        %dma_start3A_1460 = tpu.memref_slice %arg13[%run_scoped3A_1212, %dma_start3A_1459] : memref<2x256xf32, #tpu.memory_space<vmem_shared>> -> memref<1x256xf32, #tpu.memory_space<vmem_shared>>
        %dma_start3A_1461 = tpu.memref_squeeze %dma_start3A_1460 : memref<1x256xf32, #tpu.memory_space<vmem_shared>> -> memref<256xf32, #tpu.memory_space<vmem_shared>>
        tpu.enqueue_dma source(%dma_start3A_1461 : memref<256xf32, #tpu.memory_space<vmem_shared>>) target(%arg11 : memref<256xf32, #tpu.memory_space<vmem>>) target_semaphore(%run_scoped3A_1456 : memref<!tpu.dma_semaphore, #tpu.memory_space<semaphore_mem>>)
        %dma_wait3A = arith.constant 0 : i32
        %dma_wait3A_1462 = tpu.memref_slice %arg13[%run_scoped3A_1212, %dma_wait3A] : memref<2x256xf32, #tpu.memory_space<vmem_shared>> -> memref<1x256xf32, #tpu.memory_space<vmem_shared>>
        %dma_wait3A_1463 = tpu.memref_squeeze %dma_wait3A_1462 : memref<1x256xf32, #tpu.memory_space<vmem_shared>> -> memref<256xf32, #tpu.memory_space<vmem_shared>>
        %dma_wait3A_1464 = arith.constant 0 : i32
        %dma_wait3A_1465 = tpu.memref_slice %arg13[%run_scoped3A_1212, %dma_wait3A_1464] : memref<2x256xf32, #tpu.memory_space<vmem_shared>> -> memref<1x256xf32, #tpu.memory_space<vmem_shared>>
        %dma_wait3A_1466 = tpu.memref_squeeze %dma_wait3A_1465 : memref<1x256xf32, #tpu.memory_space<vmem_shared>> -> memref<256xf32, #tpu.memory_space<vmem_shared>>
        tpu.wait_dma2 semaphore(%run_scoped3A_1456 : memref<!tpu.dma_semaphore, #tpu.memory_space<semaphore_mem>>) src(%dma_wait3A_1466 : memref<256xf32, #tpu.memory_space<vmem_shared>>) dst(%arg11 : memref<256xf32, #tpu.memory_space<vmem>>)
        tpu.yield
      }) : () -> ()
      %get3A_1213 = arith.constant 0 : index
      %get3A_1214 = tpu.vector_load %arg11[%get3A_1213] {strides = array<i32>} : memref<256xf32, #tpu.memory_space<vmem>>, vector<16xf32>,
      %slice3A_1215 = vector.extract_strided_slice %get3A_1214 {offsets = [0], sizes = [1], strides = [1]} : vector<16xf32> to vector<1xf32>
      %squeeze3A_1216 = vector.extract %slice3A_1215[0] : f32 from vector<1xf32>
      %slice3A_1217 = vector.extract_strided_slice %get3A_1214 {offsets = [1], sizes = [1], strides = [1]} : vector<16xf32> to vector<1xf32>
      %squeeze3A_1218 = vector.extract %slice3A_1217[0] : f32 from vector<1xf32>
      %get3A_1219 = arith.constant 16 : index
      %get3A_1220 = tpu.vector_load %arg11[%get3A_1219] {strides = array<i32>} : memref<256xf32, #tpu.memory_space<vmem>>, vector<16xf32>,
      %slice3A_1221 = vector.extract_strided_slice %get3A_1220 {offsets = [0], sizes = [1], strides = [1]} : vector<16xf32> to vector<1xf32>
      %squeeze3A_1222 = vector.extract %slice3A_1221[0] : f32 from vector<1xf32>
      %slice3A_1223 = vector.extract_strided_slice %get3A_1220 {offsets = [1], sizes = [1], strides = [1]} : vector<16xf32> to vector<1xf32>
      %squeeze3A_1224 = vector.extract %slice3A_1223[0] : f32 from vector<1xf32>
      %get3A_1225 = arith.constant 32 : index
      %get3A_1226 = tpu.vector_load %arg11[%get3A_1225] {strides = array<i32>} : memref<256xf32, #tpu.memory_space<vmem>>, vector<16xf32>,
      %slice3A_1227 = vector.extract_strided_slice %get3A_1226 {offsets = [0], sizes = [1], strides = [1]} : vector<16xf32> to vector<1xf32>
      %squeeze3A_1228 = vector.extract %slice3A_1227[0] : f32 from vector<1xf32>
      %slice3A_1229 = vector.extract_strided_slice %get3A_1226 {offsets = [1], sizes = [1], strides = [1]} : vector<16xf32> to vector<1xf32>
      %squeeze3A_1230 = vector.extract %slice3A_1229[0] : f32 from vector<1xf32>
      %get3A_1231 = arith.constant 48 : index
      %get3A_1232 = tpu.vector_load %arg11[%get3A_1231] {strides = array<i32>} : memref<256xf32, #tpu.memory_space<vmem>>, vector<16xf32>,
      %slice3A_1233 = vector.extract_strided_slice %get3A_1232 {offsets = [0], sizes = [1], strides = [1]} : vector<16xf32> to vector<1xf32>
      %squeeze3A_1234 = vector.extract %slice3A_1233[0] : f32 from vector<1xf32>
      %slice3A_1235 = vector.extract_strided_slice %get3A_1232 {offsets = [1], sizes = [1], strides = [1]} : vector<16xf32> to vector<1xf32>
      %squeeze3A_1236 = vector.extract %slice3A_1235[0] : f32 from vector<1xf32>
      %get3A_1237 = arith.constant 64 : index
      %get3A_1238 = tpu.vector_load %arg11[%get3A_1237] {strides = array<i32>} : memref<256xf32, #tpu.memory_space<vmem>>, vector<16xf32>,
      %slice3A_1239 = vector.extract_strided_slice %get3A_1238 {offsets = [0], sizes = [1], strides = [1]} : vector<16xf32> to vector<1xf32>
      %squeeze3A_1240 = vector.extract %slice3A_1239[0] : f32 from vector<1xf32>
      %slice3A_1241 = vector.extract_strided_slice %get3A_1238 {offsets = [1], sizes = [1], strides = [1]} : vector<16xf32> to vector<1xf32>
      %squeeze3A_1242 = vector.extract %slice3A_1241[0] : f32 from vector<1xf32>
      %get3A_1243 = arith.constant 80 : index
      %get3A_1244 = tpu.vector_load %arg11[%get3A_1243] {strides = array<i32>} : memref<256xf32, #tpu.memory_space<vmem>>, vector<16xf32>,
      %slice3A_1245 = vector.extract_strided_slice %get3A_1244 {offsets = [0], sizes = [1], strides = [1]} : vector<16xf32> to vector<1xf32>
      %squeeze3A_1246 = vector.extract %slice3A_1245[0] : f32 from vector<1xf32>
      %slice3A_1247 = vector.extract_strided_slice %get3A_1244 {offsets = [1], sizes = [1], strides = [1]} : vector<16xf32> to vector<1xf32>
      %squeeze3A_1248 = vector.extract %slice3A_1247[0] : f32 from vector<1xf32>
      %get3A_1249 = arith.constant 96 : index
      %get3A_1250 = tpu.vector_load %arg11[%get3A_1249] {strides = array<i32>} : memref<256xf32, #tpu.memory_space<vmem>>, vector<16xf32>,
      %slice3A_1251 = vector.extract_strided_slice %get3A_1250 {offsets = [0], sizes = [1], strides = [1]} : vector<16xf32> to vector<1xf32>
      %squeeze3A_1252 = vector.extract %slice3A_1251[0] : f32 from vector<1xf32>
      %slice3A_1253 = vector.extract_strided_slice %get3A_1250 {offsets = [1], sizes = [1], strides = [1]} : vector<16xf32> to vector<1xf32>
      %squeeze3A_1254 = vector.extract %slice3A_1253[0] : f32 from vector<1xf32>
      %get3A_1255 = arith.constant 112 : index
      %get3A_1256 = tpu.vector_load %arg11[%get3A_1255] {strides = array<i32>} : memref<256xf32, #tpu.memory_space<vmem>>, vector<16xf32>,
      %slice3A_1257 = vector.extract_strided_slice %get3A_1256 {offsets = [0], sizes = [1], strides = [1]} : vector<16xf32> to vector<1xf32>
      %squeeze3A_1258 = vector.extract %slice3A_1257[0] : f32 from vector<1xf32>
      %slice3A_1259 = vector.extract_strided_slice %get3A_1256 {offsets = [1], sizes = [1], strides = [1]} : vector<16xf32> to vector<1xf32>
      %squeeze3A_1260 = vector.extract %slice3A_1259[0] : f32 from vector<1xf32>
      %get3A_1261 = arith.constant 128 : index
      %get3A_1262 = tpu.vector_load %arg11[%get3A_1261] {strides = array<i32>} : memref<256xf32, #tpu.memory_space<vmem>>, vector<16xf32>,
      %slice3A_1263 = vector.extract_strided_slice %get3A_1262 {offsets = [0], sizes = [1], strides = [1]} : vector<16xf32> to vector<1xf32>
      %squeeze3A_1264 = vector.extract %slice3A_1263[0] : f32 from vector<1xf32>
      %slice3A_1265 = vector.extract_strided_slice %get3A_1262 {offsets = [1], sizes = [1], strides = [1]} : vector<16xf32> to vector<1xf32>
      %squeeze3A_1266 = vector.extract %slice3A_1265[0] : f32 from vector<1xf32>
      %get3A_1267 = arith.constant 144 : index
      %get3A_1268 = tpu.vector_load %arg11[%get3A_1267] {strides = array<i32>} : memref<256xf32, #tpu.memory_space<vmem>>, vector<16xf32>,
      %slice3A_1269 = vector.extract_strided_slice %get3A_1268 {offsets = [0], sizes = [1], strides = [1]} : vector<16xf32> to vector<1xf32>
      %squeeze3A_1270 = vector.extract %slice3A_1269[0] : f32 from vector<1xf32>
      %slice3A_1271 = vector.extract_strided_slice %get3A_1268 {offsets = [1], sizes = [1], strides = [1]} : vector<16xf32> to vector<1xf32>
      %squeeze3A_1272 = vector.extract %slice3A_1271[0] : f32 from vector<1xf32>
      %get3A_1273 = arith.constant 160 : index
      %get3A_1274 = tpu.vector_load %arg11[%get3A_1273] {strides = array<i32>} : memref<256xf32, #tpu.memory_space<vmem>>, vector<16xf32>,
      %slice3A_1275 = vector.extract_strided_slice %get3A_1274 {offsets = [0], sizes = [1], strides = [1]} : vector<16xf32> to vector<1xf32>
      %squeeze3A_1276 = vector.extract %slice3A_1275[0] : f32 from vector<1xf32>
      %slice3A_1277 = vector.extract_strided_slice %get3A_1274 {offsets = [1], sizes = [1], strides = [1]} : vector<16xf32> to vector<1xf32>
      %squeeze3A_1278 = vector.extract %slice3A_1277[0] : f32 from vector<1xf32>
      %get3A_1279 = arith.constant 176 : index
      %get3A_1280 = tpu.vector_load %arg11[%get3A_1279] {strides = array<i32>} : memref<256xf32, #tpu.memory_space<vmem>>, vector<16xf32>,
      %slice3A_1281 = vector.extract_strided_slice %get3A_1280 {offsets = [0], sizes = [1], strides = [1]} : vector<16xf32> to vector<1xf32>
      %squeeze3A_1282 = vector.extract %slice3A_1281[0] : f32 from vector<1xf32>
      %slice3A_1283 = vector.extract_strided_slice %get3A_1280 {offsets = [1], sizes = [1], strides = [1]} : vector<16xf32> to vector<1xf32>
      %squeeze3A_1284 = vector.extract %slice3A_1283[0] : f32 from vector<1xf32>
      %get3A_1285 = arith.constant 192 : index
      %get3A_1286 = tpu.vector_load %arg11[%get3A_1285] {strides = array<i32>} : memref<256xf32, #tpu.memory_space<vmem>>, vector<16xf32>,
      %slice3A_1287 = vector.extract_strided_slice %get3A_1286 {offsets = [0], sizes = [1], strides = [1]} : vector<16xf32> to vector<1xf32>
      %squeeze3A_1288 = vector.extract %slice3A_1287[0] : f32 from vector<1xf32>
      %slice3A_1289 = vector.extract_strided_slice %get3A_1286 {offsets = [1], sizes = [1], strides = [1]} : vector<16xf32> to vector<1xf32>
      %squeeze3A_1290 = vector.extract %slice3A_1289[0] : f32 from vector<1xf32>
      %get3A_1291 = arith.constant 208 : index
      %get3A_1292 = tpu.vector_load %arg11[%get3A_1291] {strides = array<i32>} : memref<256xf32, #tpu.memory_space<vmem>>, vector<16xf32>,
      %slice3A_1293 = vector.extract_strided_slice %get3A_1292 {offsets = [0], sizes = [1], strides = [1]} : vector<16xf32> to vector<1xf32>
      %squeeze3A_1294 = vector.extract %slice3A_1293[0] : f32 from vector<1xf32>
      %slice3A_1295 = vector.extract_strided_slice %get3A_1292 {offsets = [1], sizes = [1], strides = [1]} : vector<16xf32> to vector<1xf32>
      %squeeze3A_1296 = vector.extract %slice3A_1295[0] : f32 from vector<1xf32>
      %get3A_1297 = arith.constant 224 : index
      %get3A_1298 = tpu.vector_load %arg11[%get3A_1297] {strides = array<i32>} : memref<256xf32, #tpu.memory_space<vmem>>, vector<16xf32>,
      %slice3A_1299 = vector.extract_strided_slice %get3A_1298 {offsets = [0], sizes = [1], strides = [1]} : vector<16xf32> to vector<1xf32>
      %squeeze3A_1300 = vector.extract %slice3A_1299[0] : f32 from vector<1xf32>
      %slice3A_1301 = vector.extract_strided_slice %get3A_1298 {offsets = [1], sizes = [1], strides = [1]} : vector<16xf32> to vector<1xf32>
      %squeeze3A_1302 = vector.extract %slice3A_1301[0] : f32 from vector<1xf32>
      %get3A_1303 = arith.constant 240 : index
      %get3A_1304 = tpu.vector_load %arg11[%get3A_1303] {strides = array<i32>} : memref<256xf32, #tpu.memory_space<vmem>>, vector<16xf32>,
      %slice3A_1305 = vector.extract_strided_slice %get3A_1304 {offsets = [0], sizes = [1], strides = [1]} : vector<16xf32> to vector<1xf32>
      %squeeze3A_1306 = vector.extract %slice3A_1305[0] : f32 from vector<1xf32>
      %slice3A_1307 = vector.extract_strided_slice %get3A_1304 {offsets = [1], sizes = [1], strides = [1]} : vector<16xf32> to vector<1xf32>
      %squeeze3A_1308 = vector.extract %slice3A_1307[0] : f32 from vector<1xf32>
      %gt3A_1309 = arith.cmpf ogt, %squeeze3A_1216, %squeeze3A_1222 : f32
      %eq3A_1310 = arith.cmpf oeq, %squeeze3A_1216, %squeeze3A_1222 : f32
      %lt3A_1311 = arith.cmpf olt, %squeeze3A_1218, %squeeze3A_1224 : f32
      %and3A_1312 = arith.andi %eq3A_1310, %lt3A_1311 : i1
      %or3A_1313 = arith.ori %gt3A_1309, %and3A_1312 : i1
      %broadcast_in_dim3A_1314 = vector.broadcast %or3A_1313 : i1 to vector<16xi1>
      %select_n3A_1315 = arith.select %broadcast_in_dim3A_1314, %get3A_1214, %get3A_1220 : vector<16xi1>, vector<16xf32>
      %select_n3A_1316 = arith.select %or3A_1313, %squeeze3A_1216, %squeeze3A_1222 : f32
      %select_n3A_1317 = arith.select %or3A_1313, %squeeze3A_1218, %squeeze3A_1224 : f32
      %gt3A_1318 = arith.cmpf ogt, %squeeze3A_1228, %squeeze3A_1234 : f32
      %eq3A_1319 = arith.cmpf oeq, %squeeze3A_1228, %squeeze3A_1234 : f32
      %lt3A_1320 = arith.cmpf olt, %squeeze3A_1230, %squeeze3A_1236 : f32
      %and3A_1321 = arith.andi %eq3A_1319, %lt3A_1320 : i1
      %or3A_1322 = arith.ori %gt3A_1318, %and3A_1321 : i1
      %broadcast_in_dim3A_1323 = vector.broadcast %or3A_1322 : i1 to vector<16xi1>
      %select_n3A_1324 = arith.select %broadcast_in_dim3A_1323, %get3A_1226, %get3A_1232 : vector<16xi1>, vector<16xf32>
      %select_n3A_1325 = arith.select %or3A_1322, %squeeze3A_1228, %squeeze3A_1234 : f32
      %select_n3A_1326 = arith.select %or3A_1322, %squeeze3A_1230, %squeeze3A_1236 : f32
      %gt3A_1327 = arith.cmpf ogt, %squeeze3A_1240, %squeeze3A_1246 : f32
      %eq3A_1328 = arith.cmpf oeq, %squeeze3A_1240, %squeeze3A_1246 : f32
      %lt3A_1329 = arith.cmpf olt, %squeeze3A_1242, %squeeze3A_1248 : f32
      %and3A_1330 = arith.andi %eq3A_1328, %lt3A_1329 : i1
      %or3A_1331 = arith.ori %gt3A_1327, %and3A_1330 : i1
      %broadcast_in_dim3A_1332 = vector.broadcast %or3A_1331 : i1 to vector<16xi1>
      %select_n3A_1333 = arith.select %broadcast_in_dim3A_1332, %get3A_1238, %get3A_1244 : vector<16xi1>, vector<16xf32>
      %select_n3A_1334 = arith.select %or3A_1331, %squeeze3A_1240, %squeeze3A_1246 : f32
      %select_n3A_1335 = arith.select %or3A_1331, %squeeze3A_1242, %squeeze3A_1248 : f32
      %gt3A_1336 = arith.cmpf ogt, %squeeze3A_1252, %squeeze3A_1258 : f32
      %eq3A_1337 = arith.cmpf oeq, %squeeze3A_1252, %squeeze3A_1258 : f32
      %lt3A_1338 = arith.cmpf olt, %squeeze3A_1254, %squeeze3A_1260 : f32
      %and3A_1339 = arith.andi %eq3A_1337, %lt3A_1338 : i1
      %or3A_1340 = arith.ori %gt3A_1336, %and3A_1339 : i1
      %broadcast_in_dim3A_1341 = vector.broadcast %or3A_1340 : i1 to vector<16xi1>
      %select_n3A_1342 = arith.select %broadcast_in_dim3A_1341, %get3A_1250, %get3A_1256 : vector<16xi1>, vector<16xf32>
      %select_n3A_1343 = arith.select %or3A_1340, %squeeze3A_1252, %squeeze3A_1258 : f32
      %select_n3A_1344 = arith.select %or3A_1340, %squeeze3A_1254, %squeeze3A_1260 : f32
      %gt3A_1345 = arith.cmpf ogt, %squeeze3A_1264, %squeeze3A_1270 : f32
      %eq3A_1346 = arith.cmpf oeq, %squeeze3A_1264, %squeeze3A_1270 : f32
      %lt3A_1347 = arith.cmpf olt, %squeeze3A_1266, %squeeze3A_1272 : f32
      %and3A_1348 = arith.andi %eq3A_1346, %lt3A_1347 : i1
      %or3A_1349 = arith.ori %gt3A_1345, %and3A_1348 : i1
      %broadcast_in_dim3A_1350 = vector.broadcast %or3A_1349 : i1 to vector<16xi1>
      %select_n3A_1351 = arith.select %broadcast_in_dim3A_1350, %get3A_1262, %get3A_1268 : vector<16xi1>, vector<16xf32>
      %select_n3A_1352 = arith.select %or3A_1349, %squeeze3A_1264, %squeeze3A_1270 : f32
      %select_n3A_1353 = arith.select %or3A_1349, %squeeze3A_1266, %squeeze3A_1272 : f32
      %gt3A_1354 = arith.cmpf ogt, %squeeze3A_1276, %squeeze3A_1282 : f32
      %eq3A_1355 = arith.cmpf oeq, %squeeze3A_1276, %squeeze3A_1282 : f32
      %lt3A_1356 = arith.cmpf olt, %squeeze3A_1278, %squeeze3A_1284 : f32
      %and3A_1357 = arith.andi %eq3A_1355, %lt3A_1356 : i1
      %or3A_1358 = arith.ori %gt3A_1354, %and3A_1357 : i1
      %broadcast_in_dim3A_1359 = vector.broadcast %or3A_1358 : i1 to vector<16xi1>
      %select_n3A_1360 = arith.select %broadcast_in_dim3A_1359, %get3A_1274, %get3A_1280 : vector<16xi1>, vector<16xf32>
      %select_n3A_1361 = arith.select %or3A_1358, %squeeze3A_1276, %squeeze3A_1282 : f32
      %select_n3A_1362 = arith.select %or3A_1358, %squeeze3A_1278, %squeeze3A_1284 : f32
      %gt3A_1363 = arith.cmpf ogt, %squeeze3A_1288, %squeeze3A_1294 : f32
      %eq3A_1364 = arith.cmpf oeq, %squeeze3A_1288, %squeeze3A_1294 : f32
      %lt3A_1365 = arith.cmpf olt, %squeeze3A_1290, %squeeze3A_1296 : f32
      %and3A_1366 = arith.andi %eq3A_1364, %lt3A_1365 : i1
      %or3A_1367 = arith.ori %gt3A_1363, %and3A_1366 : i1
      %broadcast_in_dim3A_1368 = vector.broadcast %or3A_1367 : i1 to vector<16xi1>
      %select_n3A_1369 = arith.select %broadcast_in_dim3A_1368, %get3A_1286, %get3A_1292 : vector<16xi1>, vector<16xf32>
      %select_n3A_1370 = arith.select %or3A_1367, %squeeze3A_1288, %squeeze3A_1294 : f32
      %select_n3A_1371 = arith.select %or3A_1367, %squeeze3A_1290, %squeeze3A_1296 : f32
      %gt3A_1372 = arith.cmpf ogt, %squeeze3A_1300, %squeeze3A_1306 : f32
      %eq3A_1373 = arith.cmpf oeq, %squeeze3A_1300, %squeeze3A_1306 : f32
      %lt3A_1374 = arith.cmpf olt, %squeeze3A_1302, %squeeze3A_1308 : f32
      %and3A_1375 = arith.andi %eq3A_1373, %lt3A_1374 : i1
      %or3A_1376 = arith.ori %gt3A_1372, %and3A_1375 : i1
      %broadcast_in_dim3A_1377 = vector.broadcast %or3A_1376 : i1 to vector<16xi1>
      %select_n3A_1378 = arith.select %broadcast_in_dim3A_1377, %get3A_1298, %get3A_1304 : vector<16xi1>, vector<16xf32>
      %select_n3A_1379 = arith.select %or3A_1376, %squeeze3A_1300, %squeeze3A_1306 : f32
      %select_n3A_1380 = arith.select %or3A_1376, %squeeze3A_1302, %squeeze3A_1308 : f32
      %gt3A_1381 = arith.cmpf ogt, %select_n3A_1316, %select_n3A_1325 : f32
      %eq3A_1382 = arith.cmpf oeq, %select_n3A_1316, %select_n3A_1325 : f32
      %lt3A_1383 = arith.cmpf olt, %select_n3A_1317, %select_n3A_1326 : f32
      %and3A_1384 = arith.andi %eq3A_1382, %lt3A_1383 : i1
      %or3A_1385 = arith.ori %gt3A_1381, %and3A_1384 : i1
      %broadcast_in_dim3A_1386 = vector.broadcast %or3A_1385 : i1 to vector<16xi1>
      %select_n3A_1387 = arith.select %broadcast_in_dim3A_1386, %select_n3A_1315, %select_n3A_1324 : vector<16xi1>, vector<16xf32>
      %select_n3A_1388 = arith.select %or3A_1385, %select_n3A_1316, %select_n3A_1325 : f32
      %select_n3A_1389 = arith.select %or3A_1385, %select_n3A_1317, %select_n3A_1326 : f32
      %gt3A_1390 = arith.cmpf ogt, %select_n3A_1334, %select_n3A_1343 : f32
      %eq3A_1391 = arith.cmpf oeq, %select_n3A_1334, %select_n3A_1343 : f32
      %lt3A_1392 = arith.cmpf olt, %select_n3A_1335, %select_n3A_1344 : f32
      %and3A_1393 = arith.andi %eq3A_1391, %lt3A_1392 : i1
      %or3A_1394 = arith.ori %gt3A_1390, %and3A_1393 : i1
      %broadcast_in_dim3A_1395 = vector.broadcast %or3A_1394 : i1 to vector<16xi1>
      %select_n3A_1396 = arith.select %broadcast_in_dim3A_1395, %select_n3A_1333, %select_n3A_1342 : vector<16xi1>, vector<16xf32>
      %select_n3A_1397 = arith.select %or3A_1394, %select_n3A_1334, %select_n3A_1343 : f32
      %select_n3A_1398 = arith.select %or3A_1394, %select_n3A_1335, %select_n3A_1344 : f32
      %gt3A_1399 = arith.cmpf ogt, %select_n3A_1352, %select_n3A_1361 : f32
      %eq3A_1400 = arith.cmpf oeq, %select_n3A_1352, %select_n3A_1361 : f32
      %lt3A_1401 = arith.cmpf olt, %select_n3A_1353, %select_n3A_1362 : f32
      %and3A_1402 = arith.andi %eq3A_1400, %lt3A_1401 : i1
      %or3A_1403 = arith.ori %gt3A_1399, %and3A_1402 : i1
      %broadcast_in_dim3A_1404 = vector.broadcast %or3A_1403 : i1 to vector<16xi1>
      %select_n3A_1405 = arith.select %broadcast_in_dim3A_1404, %select_n3A_1351, %select_n3A_1360 : vector<16xi1>, vector<16xf32>
      %select_n3A_1406 = arith.select %or3A_1403, %select_n3A_1352, %select_n3A_1361 : f32
      %select_n3A_1407 = arith.select %or3A_1403, %select_n3A_1353, %select_n3A_1362 : f32
      %gt3A_1408 = arith.cmpf ogt, %select_n3A_1370, %select_n3A_1379 : f32
      %eq3A_1409 = arith.cmpf oeq, %select_n3A_1370, %select_n3A_1379 : f32
      %lt3A_1410 = arith.cmpf olt, %select_n3A_1371, %select_n3A_1380 : f32
      %and3A_1411 = arith.andi %eq3A_1409, %lt3A_1410 : i1
      %or3A_1412 = arith.ori %gt3A_1408, %and3A_1411 : i1
      %broadcast_in_dim3A_1413 = vector.broadcast %or3A_1412 : i1 to vector<16xi1>
      %select_n3A_1414 = arith.select %broadcast_in_dim3A_1413, %select_n3A_1369, %select_n3A_1378 : vector<16xi1>, vector<16xf32>
      %select_n3A_1415 = arith.select %or3A_1412, %select_n3A_1370, %select_n3A_1379 : f32
      %select_n3A_1416 = arith.select %or3A_1412, %select_n3A_1371, %select_n3A_1380 : f32
      %gt3A_1417 = arith.cmpf ogt, %select_n3A_1388, %select_n3A_1397 : f32
      %eq3A_1418 = arith.cmpf oeq, %select_n3A_1388, %select_n3A_1397 : f32
      %lt3A_1419 = arith.cmpf olt, %select_n3A_1389, %select_n3A_1398 : f32
      %and3A_1420 = arith.andi %eq3A_1418, %lt3A_1419 : i1
      %or3A_1421 = arith.ori %gt3A_1417, %and3A_1420 : i1
      %broadcast_in_dim3A_1422 = vector.broadcast %or3A_1421 : i1 to vector<16xi1>
      %select_n3A_1423 = arith.select %broadcast_in_dim3A_1422, %select_n3A_1387, %select_n3A_1396 : vector<16xi1>, vector<16xf32>
      %select_n3A_1424 = arith.select %or3A_1421, %select_n3A_1388, %select_n3A_1397 : f32
      %select_n3A_1425 = arith.select %or3A_1421, %select_n3A_1389, %select_n3A_1398 : f32
      %gt3A_1426 = arith.cmpf ogt, %select_n3A_1406, %select_n3A_1415 : f32
      %eq3A_1427 = arith.cmpf oeq, %select_n3A_1406, %select_n3A_1415 : f32
      %lt3A_1428 = arith.cmpf olt, %select_n3A_1407, %select_n3A_1416 : f32
      %and3A_1429 = arith.andi %eq3A_1427, %lt3A_1428 : i1
      %or3A_1430 = arith.ori %gt3A_1426, %and3A_1429 : i1
      %broadcast_in_dim3A_1431 = vector.broadcast %or3A_1430 : i1 to vector<16xi1>
      %select_n3A_1432 = arith.select %broadcast_in_dim3A_1431, %select_n3A_1405, %select_n3A_1414 : vector<16xi1>, vector<16xf32>
      %select_n3A_1433 = arith.select %or3A_1430, %select_n3A_1406, %select_n3A_1415 : f32
      %select_n3A_1434 = arith.select %or3A_1430, %select_n3A_1407, %select_n3A_1416 : f32
      %gt3A_1435 = arith.cmpf ogt, %select_n3A_1424, %select_n3A_1433 : f32
      %eq3A_1436 = arith.cmpf oeq, %select_n3A_1424, %select_n3A_1433 : f32
      %lt3A_1437 = arith.cmpf olt, %select_n3A_1425, %select_n3A_1434 : f32
      %and3A_1438 = arith.andi %eq3A_1436, %lt3A_1437 : i1
      %or3A_1439 = arith.ori %gt3A_1435, %and3A_1438 : i1
      %broadcast_in_dim3A_1440 = vector.broadcast %or3A_1439 : i1 to vector<16xi1>
      %select_n3A_1441 = arith.select %broadcast_in_dim3A_1440, %select_n3A_1423, %select_n3A_1432 : vector<16xi1>, vector<16xf32>
      %select_n3A_1442 = arith.select %or3A_1439, %select_n3A_1424, %select_n3A_1433 : f32
      %select_n3A_1443 = arith.select %or3A_1439, %select_n3A_1425, %select_n3A_1434 : f32
      %convert_element_type3A_1444 = arith.fptosi %select_n3A_1443 : f32 to i32
      %slice3A_1445 = vector.extract_strided_slice %select_n3A_1441 {offsets = [2], sizes = [1], strides = [1]} : vector<16xf32> to vector<1xf32>
      %squeeze3A_1446 = vector.extract %slice3A_1445[0] : f32 from vector<1xf32>
      %broadcast_in_dim3A_1447 = vector.broadcast %squeeze3A_1446 : f32 to vector<16xf32>
      %slice3A_1448 = vector.extract_strided_slice %select_n3A_1441 {offsets = [3], sizes = [1], strides = [1]} : vector<16xf32> to vector<1xf32>
      %squeeze3A_1449 = vector.extract %slice3A_1448[0] : f32 from vector<1xf32>
      %broadcast_in_dim3A_1450 = vector.broadcast %squeeze3A_1449 : f32 to vector<16xf32>
      %slice3A_1451 = vector.extract_strided_slice %select_n3A_1441 {offsets = [4], sizes = [1], strides = [1]} : vector<16xf32> to vector<1xf32>
      %squeeze3A_1452 = vector.extract %slice3A_1451[0] : f32 from vector<1xf32>
      %broadcast_in_dim3A_1453 = vector.broadcast %squeeze3A_1452 : f32 to vector<16xf32>
      %broadcast_in_dim3A_1454 = vector.broadcast %add3A_980 : i32 to vector<16xi32>
      %broadcast_in_dim3A_1455 = vector.broadcast %convert_element_type3A_1444 : i32 to vector<16xi32>
      tpu.vector_store_idx %arg12[%broadcast_in_dim3A_1454], %broadcast_in_dim3A_1455 masked %eq3A_23 : memref<8192xi32, #tpu.memory_space<vmem>>[vector<16xi32>], vector<16xi32>, vector<16xi1>
      scf.yield %broadcast_in_dim3A_1447, %broadcast_in_dim3A_1450, %broadcast_in_dim3A_1453 : vector<16xf32>, vector<16xf32>, vector<16xf32>
    }
    %scan3A_29 = arith.constant 4095 : i32
    %broadcast_in_dim3A_30 = arith.constant 0xFF800000 : f32
    %broadcast_in_dim3A_31 = vector.broadcast %broadcast_in_dim3A_30 : f32 to vector<16xf32>
    %broadcast_in_dim3A_32 = arith.constant 0.000000e+00 : f32
    %broadcast_in_dim3A_33 = vector.broadcast %broadcast_in_dim3A_32 : f32 to vector<16xf32>
    %scan3A_34 = arith.constant 0 : i32
    %scan3A_35 = arith.constant 16 : i32
    %scan3A_36 = arith.addi %scan3A_34, %scan3A_35 : i32
    %scan3A_37 = arith.constant 2 : i32
    %scan3A_38:16 = scf.for %scan3A_496 = %scan3A_34 to %scan3A_36 step %scan3A_37 iter_args(%scan3A_497 = %broadcast_in_dim3A_31, %scan3A_498 = %broadcast_in_dim3A_33, %scan3A_499 = %broadcast_in_dim3A_31, %scan3A_500 = %broadcast_in_dim3A_33, %scan3A_501 = %broadcast_in_dim3A_31, %scan3A_502 = %broadcast_in_dim3A_33, %scan3A_503 = %broadcast_in_dim3A_31, %scan3A_504 = %broadcast_in_dim3A_33, %scan3A_505 = %broadcast_in_dim3A_31, %scan3A_506 = %broadcast_in_dim3A_33, %scan3A_507 = %broadcast_in_dim3A_31, %scan3A_508 = %broadcast_in_dim3A_33, %scan3A_509 = %broadcast_in_dim3A_31, %scan3A_510 = %broadcast_in_dim3A_33, %scan3A_511 = %broadcast_in_dim3A_31, %scan3A_512 = %broadcast_in_dim3A_33) -> (vector<16xf32>, vector<16xf32>, vector<16xf32>, vector<16xf32>, vector<16xf32>, vector<16xf32>, vector<16xf32>, vector<16xf32>, vector<16xf32>, vector<16xf32>, vector<16xf32>, vector<16xf32>, vector<16xf32>, vector<16xf32>, vector<16xf32>, vector<16xf32>)  : i32 {
      %mul3A_513 = arith.constant 128 : i32
      %mul3A_514 = arith.muli %scan3A_496, %mul3A_513 : i32
      %convert_element_type3A_515 = arith.sitofp %scan3A_496 : i32 to f32
      %broadcast_in_dim3A_516 = vector.broadcast %convert_element_type3A_515 : f32 to vector<16xf32>
      %add3A_517 = arith.constant 0 : i32
      %add3A_518 = arith.addi %mul3A_514, %add3A_517 : i32
      %get3A_519 = arith.index_cast %add3A_518 : i32 to index
      %get3A_520 = tpu.vector_load %arg6[%get3A_519] {strides = array<i32>} : memref<2048xf32, #tpu.memory_space<vmem>>, vector<16xf32>,
      %get3A_521 = arith.index_cast %add3A_518 : i32 to index
      %get3A_522 = tpu.vector_load %arg7[%get3A_521] {strides = array<i32>} : memref<2048xf32, #tpu.memory_space<vmem>>, vector<16xf32>,
      %get3A_523 = arith.index_cast %add3A_518 : i32 to index
      %get3A_524 = tpu.vector_load %arg8[%get3A_523] {strides = array<i32>} : memref<2048xf32, #tpu.memory_space<vmem>>, vector<16xf32>,
      %sub3A_525 = arith.subf %get3A_520, %scan3A_28#0 : vector<16xf32>
      %sub3A_526 = arith.subf %get3A_522, %scan3A_28#1 : vector<16xf32>
      %sub3A_527 = arith.subf %get3A_524, %scan3A_28#2 : vector<16xf32>
      %mul3A_528 = arith.mulf %sub3A_525, %sub3A_525 : vector<16xf32>
      %mul3A_529 = arith.mulf %sub3A_527, %sub3A_527 : vector<16xf32>
      %add3A_530 = arith.addf %mul3A_528, %mul3A_529 : vector<16xf32>
      %mul3A_531 = arith.mulf %sub3A_526, %sub3A_526 : vector<16xf32>
      %add3A_532 = arith.addf %add3A_530, %mul3A_531 : vector<16xf32>
      %get3A_533 = arith.index_cast %add3A_518 : i32 to index
      %get3A_534 = tpu.vector_load %arg9[%get3A_533] {strides = array<i32>} : memref<2048xf32, #tpu.memory_space<vmem>>, vector<16xf32>,
      %min3A = arith.minimumf %get3A_534, %add3A_532 : vector<16xf32>
      %swap3A_535 = arith.index_cast %add3A_518 : i32 to index
      %swap3A_536 = tpu.vector_load %arg9[%swap3A_535] {strides = array<i32>} : memref<2048xf32, #tpu.memory_space<vmem>>, vector<16xf32>,
      tpu.vector_store %arg9[%swap3A_535], %min3A {strides = array<i32>} : memref<2048xf32, #tpu.memory_space<vmem>>, vector<16xf32>,
      %gt3A_537 = arith.cmpf ogt, %min3A, %scan3A_497 : vector<16xf32>
      %max3A = arith.maximumf %scan3A_497, %min3A : vector<16xf32>
      %select_n3A_538 = arith.select %gt3A_537, %broadcast_in_dim3A_516, %scan3A_498 : vector<16xi1>, vector<16xf32>
      %add3A_539 = arith.constant 16 : i32
      %add3A_540 = arith.addi %mul3A_514, %add3A_539 : i32
      %get3A_541 = arith.index_cast %add3A_540 : i32 to index
      %get3A_542 = tpu.vector_load %arg6[%get3A_541] {strides = array<i32>} : memref<2048xf32, #tpu.memory_space<vmem>>, vector<16xf32>,
      %get3A_543 = arith.index_cast %add3A_540 : i32 to index
      %get3A_544 = tpu.vector_load %arg7[%get3A_543] {strides = array<i32>} : memref<2048xf32, #tpu.memory_space<vmem>>, vector<16xf32>,
      %get3A_545 = arith.index_cast %add3A_540 : i32 to index
      %get3A_546 = tpu.vector_load %arg8[%get3A_545] {strides = array<i32>} : memref<2048xf32, #tpu.memory_space<vmem>>, vector<16xf32>,
      %sub3A_547 = arith.subf %get3A_542, %scan3A_28#0 : vector<16xf32>
      %sub3A_548 = arith.subf %get3A_544, %scan3A_28#1 : vector<16xf32>
      %sub3A_549 = arith.subf %get3A_546, %scan3A_28#2 : vector<16xf32>
      %mul3A_550 = arith.mulf %sub3A_547, %sub3A_547 : vector<16xf32>
      %mul3A_551 = arith.mulf %sub3A_549, %sub3A_549 : vector<16xf32>
      %add3A_552 = arith.addf %mul3A_550, %mul3A_551 : vector<16xf32>
      %mul3A_553 = arith.mulf %sub3A_548, %sub3A_548 : vector<16xf32>
      %add3A_554 = arith.addf %add3A_552, %mul3A_553 : vector<16xf32>
      %get3A_555 = arith.index_cast %add3A_540 : i32 to index
      %get3A_556 = tpu.vector_load %arg9[%get3A_555] {strides = array<i32>} : memref<2048xf32, #tpu.memory_space<vmem>>, vector<16xf32>,
      %min3A_557 = arith.minimumf %get3A_556, %add3A_554 : vector<16xf32>
      %swap3A_558 = arith.index_cast %add3A_540 : i32 to index
      %swap3A_559 = tpu.vector_load %arg9[%swap3A_558] {strides = array<i32>} : memref<2048xf32, #tpu.memory_space<vmem>>, vector<16xf32>,
      tpu.vector_store %arg9[%swap3A_558], %min3A_557 {strides = array<i32>} : memref<2048xf32, #tpu.memory_space<vmem>>, vector<16xf32>,
      %gt3A_560 = arith.cmpf ogt, %min3A_557, %scan3A_499 : vector<16xf32>
      %max3A_561 = arith.maximumf %scan3A_499, %min3A_557 : vector<16xf32>
      %select_n3A_562 = arith.select %gt3A_560, %broadcast_in_dim3A_516, %scan3A_500 : vector<16xi1>, vector<16xf32>
      %add3A_563 = arith.constant 32 : i32
      %add3A_564 = arith.addi %mul3A_514, %add3A_563 : i32
      %get3A_565 = arith.index_cast %add3A_564 : i32 to index
      %get3A_566 = tpu.vector_load %arg6[%get3A_565] {strides = array<i32>} : memref<2048xf32, #tpu.memory_space<vmem>>, vector<16xf32>,
      %get3A_567 = arith.index_cast %add3A_564 : i32 to index
      %get3A_568 = tpu.vector_load %arg7[%get3A_567] {strides = array<i32>} : memref<2048xf32, #tpu.memory_space<vmem>>, vector<16xf32>,
      %get3A_569 = arith.index_cast %add3A_564 : i32 to index
      %get3A_570 = tpu.vector_load %arg8[%get3A_569] {strides = array<i32>} : memref<2048xf32, #tpu.memory_space<vmem>>, vector<16xf32>,
      %sub3A_571 = arith.subf %get3A_566, %scan3A_28#0 : vector<16xf32>
      %sub3A_572 = arith.subf %get3A_568, %scan3A_28#1 : vector<16xf32>
      %sub3A_573 = arith.subf %get3A_570, %scan3A_28#2 : vector<16xf32>
      %mul3A_574 = arith.mulf %sub3A_571, %sub3A_571 : vector<16xf32>
      %mul3A_575 = arith.mulf %sub3A_573, %sub3A_573 : vector<16xf32>
      %add3A_576 = arith.addf %mul3A_574, %mul3A_575 : vector<16xf32>
      %mul3A_577 = arith.mulf %sub3A_572, %sub3A_572 : vector<16xf32>
      %add3A_578 = arith.addf %add3A_576, %mul3A_577 : vector<16xf32>
      %get3A_579 = arith.index_cast %add3A_564 : i32 to index
      %get3A_580 = tpu.vector_load %arg9[%get3A_579] {strides = array<i32>} : memref<2048xf32, #tpu.memory_space<vmem>>, vector<16xf32>,
      %min3A_581 = arith.minimumf %get3A_580, %add3A_578 : vector<16xf32>
      %swap3A_582 = arith.index_cast %add3A_564 : i32 to index
      %swap3A_583 = tpu.vector_load %arg9[%swap3A_582] {strides = array<i32>} : memref<2048xf32, #tpu.memory_space<vmem>>, vector<16xf32>,
      tpu.vector_store %arg9[%swap3A_582], %min3A_581 {strides = array<i32>} : memref<2048xf32, #tpu.memory_space<vmem>>, vector<16xf32>,
      %gt3A_584 = arith.cmpf ogt, %min3A_581, %scan3A_501 : vector<16xf32>
      %max3A_585 = arith.maximumf %scan3A_501, %min3A_581 : vector<16xf32>
      %select_n3A_586 = arith.select %gt3A_584, %broadcast_in_dim3A_516, %scan3A_502 : vector<16xi1>, vector<16xf32>
      %add3A_587 = arith.constant 48 : i32
      %add3A_588 = arith.addi %mul3A_514, %add3A_587 : i32
      %get3A_589 = arith.index_cast %add3A_588 : i32 to index
      %get3A_590 = tpu.vector_load %arg6[%get3A_589] {strides = array<i32>} : memref<2048xf32, #tpu.memory_space<vmem>>, vector<16xf32>,
      %get3A_591 = arith.index_cast %add3A_588 : i32 to index
      %get3A_592 = tpu.vector_load %arg7[%get3A_591] {strides = array<i32>} : memref<2048xf32, #tpu.memory_space<vmem>>, vector<16xf32>,
      %get3A_593 = arith.index_cast %add3A_588 : i32 to index
      %get3A_594 = tpu.vector_load %arg8[%get3A_593] {strides = array<i32>} : memref<2048xf32, #tpu.memory_space<vmem>>, vector<16xf32>,
      %sub3A_595 = arith.subf %get3A_590, %scan3A_28#0 : vector<16xf32>
      %sub3A_596 = arith.subf %get3A_592, %scan3A_28#1 : vector<16xf32>
      %sub3A_597 = arith.subf %get3A_594, %scan3A_28#2 : vector<16xf32>
      %mul3A_598 = arith.mulf %sub3A_595, %sub3A_595 : vector<16xf32>
      %mul3A_599 = arith.mulf %sub3A_597, %sub3A_597 : vector<16xf32>
      %add3A_600 = arith.addf %mul3A_598, %mul3A_599 : vector<16xf32>
      %mul3A_601 = arith.mulf %sub3A_596, %sub3A_596 : vector<16xf32>
      %add3A_602 = arith.addf %add3A_600, %mul3A_601 : vector<16xf32>
      %get3A_603 = arith.index_cast %add3A_588 : i32 to index
      %get3A_604 = tpu.vector_load %arg9[%get3A_603] {strides = array<i32>} : memref<2048xf32, #tpu.memory_space<vmem>>, vector<16xf32>,
      %min3A_605 = arith.minimumf %get3A_604, %add3A_602 : vector<16xf32>
      %swap3A_606 = arith.index_cast %add3A_588 : i32 to index
      %swap3A_607 = tpu.vector_load %arg9[%swap3A_606] {strides = array<i32>} : memref<2048xf32, #tpu.memory_space<vmem>>, vector<16xf32>,
      tpu.vector_store %arg9[%swap3A_606], %min3A_605 {strides = array<i32>} : memref<2048xf32, #tpu.memory_space<vmem>>, vector<16xf32>,
      %gt3A_608 = arith.cmpf ogt, %min3A_605, %scan3A_503 : vector<16xf32>
      %max3A_609 = arith.maximumf %scan3A_503, %min3A_605 : vector<16xf32>
      %select_n3A_610 = arith.select %gt3A_608, %broadcast_in_dim3A_516, %scan3A_504 : vector<16xi1>, vector<16xf32>
      %add3A_611 = arith.constant 64 : i32
      %add3A_612 = arith.addi %mul3A_514, %add3A_611 : i32
      %get3A_613 = arith.index_cast %add3A_612 : i32 to index
      %get3A_614 = tpu.vector_load %arg6[%get3A_613] {strides = array<i32>} : memref<2048xf32, #tpu.memory_space<vmem>>, vector<16xf32>,
      %get3A_615 = arith.index_cast %add3A_612 : i32 to index
      %get3A_616 = tpu.vector_load %arg7[%get3A_615] {strides = array<i32>} : memref<2048xf32, #tpu.memory_space<vmem>>, vector<16xf32>,
      %get3A_617 = arith.index_cast %add3A_612 : i32 to index
      %get3A_618 = tpu.vector_load %arg8[%get3A_617] {strides = array<i32>} : memref<2048xf32, #tpu.memory_space<vmem>>, vector<16xf32>,
      %sub3A_619 = arith.subf %get3A_614, %scan3A_28#0 : vector<16xf32>
      %sub3A_620 = arith.subf %get3A_616, %scan3A_28#1 : vector<16xf32>
      %sub3A_621 = arith.subf %get3A_618, %scan3A_28#2 : vector<16xf32>
      %mul3A_622 = arith.mulf %sub3A_619, %sub3A_619 : vector<16xf32>
      %mul3A_623 = arith.mulf %sub3A_621, %sub3A_621 : vector<16xf32>
      %add3A_624 = arith.addf %mul3A_622, %mul3A_623 : vector<16xf32>
      %mul3A_625 = arith.mulf %sub3A_620, %sub3A_620 : vector<16xf32>
      %add3A_626 = arith.addf %add3A_624, %mul3A_625 : vector<16xf32>
      %get3A_627 = arith.index_cast %add3A_612 : i32 to index
      %get3A_628 = tpu.vector_load %arg9[%get3A_627] {strides = array<i32>} : memref<2048xf32, #tpu.memory_space<vmem>>, vector<16xf32>,
      %min3A_629 = arith.minimumf %get3A_628, %add3A_626 : vector<16xf32>
      %swap3A_630 = arith.index_cast %add3A_612 : i32 to index
      %swap3A_631 = tpu.vector_load %arg9[%swap3A_630] {strides = array<i32>} : memref<2048xf32, #tpu.memory_space<vmem>>, vector<16xf32>,
      tpu.vector_store %arg9[%swap3A_630], %min3A_629 {strides = array<i32>} : memref<2048xf32, #tpu.memory_space<vmem>>, vector<16xf32>,
      %gt3A_632 = arith.cmpf ogt, %min3A_629, %scan3A_505 : vector<16xf32>
      %max3A_633 = arith.maximumf %scan3A_505, %min3A_629 : vector<16xf32>
      %select_n3A_634 = arith.select %gt3A_632, %broadcast_in_dim3A_516, %scan3A_506 : vector<16xi1>, vector<16xf32>
      %add3A_635 = arith.constant 80 : i32
      %add3A_636 = arith.addi %mul3A_514, %add3A_635 : i32
      %get3A_637 = arith.index_cast %add3A_636 : i32 to index
      %get3A_638 = tpu.vector_load %arg6[%get3A_637] {strides = array<i32>} : memref<2048xf32, #tpu.memory_space<vmem>>, vector<16xf32>,
      %get3A_639 = arith.index_cast %add3A_636 : i32 to index
      %get3A_640 = tpu.vector_load %arg7[%get3A_639] {strides = array<i32>} : memref<2048xf32, #tpu.memory_space<vmem>>, vector<16xf32>,
      %get3A_641 = arith.index_cast %add3A_636 : i32 to index
      %get3A_642 = tpu.vector_load %arg8[%get3A_641] {strides = array<i32>} : memref<2048xf32, #tpu.memory_space<vmem>>, vector<16xf32>,
      %sub3A_643 = arith.subf %get3A_638, %scan3A_28#0 : vector<16xf32>
      %sub3A_644 = arith.subf %get3A_640, %scan3A_28#1 : vector<16xf32>
      %sub3A_645 = arith.subf %get3A_642, %scan3A_28#2 : vector<16xf32>
      %mul3A_646 = arith.mulf %sub3A_643, %sub3A_643 : vector<16xf32>
      %mul3A_647 = arith.mulf %sub3A_645, %sub3A_645 : vector<16xf32>
      %add3A_648 = arith.addf %mul3A_646, %mul3A_647 : vector<16xf32>
      %mul3A_649 = arith.mulf %sub3A_644, %sub3A_644 : vector<16xf32>
      %add3A_650 = arith.addf %add3A_648, %mul3A_649 : vector<16xf32>
      %get3A_651 = arith.index_cast %add3A_636 : i32 to index
      %get3A_652 = tpu.vector_load %arg9[%get3A_651] {strides = array<i32>} : memref<2048xf32, #tpu.memory_space<vmem>>, vector<16xf32>,
      %min3A_653 = arith.minimumf %get3A_652, %add3A_650 : vector<16xf32>
      %swap3A_654 = arith.index_cast %add3A_636 : i32 to index
      %swap3A_655 = tpu.vector_load %arg9[%swap3A_654] {strides = array<i32>} : memref<2048xf32, #tpu.memory_space<vmem>>, vector<16xf32>,
      tpu.vector_store %arg9[%swap3A_654], %min3A_653 {strides = array<i32>} : memref<2048xf32, #tpu.memory_space<vmem>>, vector<16xf32>,
      %gt3A_656 = arith.cmpf ogt, %min3A_653, %scan3A_507 : vector<16xf32>
      %max3A_657 = arith.maximumf %scan3A_507, %min3A_653 : vector<16xf32>
      %select_n3A_658 = arith.select %gt3A_656, %broadcast_in_dim3A_516, %scan3A_508 : vector<16xi1>, vector<16xf32>
      %add3A_659 = arith.constant 96 : i32
      %add3A_660 = arith.addi %mul3A_514, %add3A_659 : i32
      %get3A_661 = arith.index_cast %add3A_660 : i32 to index
      %get3A_662 = tpu.vector_load %arg6[%get3A_661] {strides = array<i32>} : memref<2048xf32, #tpu.memory_space<vmem>>, vector<16xf32>,
      %get3A_663 = arith.index_cast %add3A_660 : i32 to index
      %get3A_664 = tpu.vector_load %arg7[%get3A_663] {strides = array<i32>} : memref<2048xf32, #tpu.memory_space<vmem>>, vector<16xf32>,
      %get3A_665 = arith.index_cast %add3A_660 : i32 to index
      %get3A_666 = tpu.vector_load %arg8[%get3A_665] {strides = array<i32>} : memref<2048xf32, #tpu.memory_space<vmem>>, vector<16xf32>,
      %sub3A_667 = arith.subf %get3A_662, %scan3A_28#0 : vector<16xf32>
      %sub3A_668 = arith.subf %get3A_664, %scan3A_28#1 : vector<16xf32>
      %sub3A_669 = arith.subf %get3A_666, %scan3A_28#2 : vector<16xf32>
      %mul3A_670 = arith.mulf %sub3A_667, %sub3A_667 : vector<16xf32>
      %mul3A_671 = arith.mulf %sub3A_669, %sub3A_669 : vector<16xf32>
      %add3A_672 = arith.addf %mul3A_670, %mul3A_671 : vector<16xf32>
      %mul3A_673 = arith.mulf %sub3A_668, %sub3A_668 : vector<16xf32>
      %add3A_674 = arith.addf %add3A_672, %mul3A_673 : vector<16xf32>
      %get3A_675 = arith.index_cast %add3A_660 : i32 to index
      %get3A_676 = tpu.vector_load %arg9[%get3A_675] {strides = array<i32>} : memref<2048xf32, #tpu.memory_space<vmem>>, vector<16xf32>,
      %min3A_677 = arith.minimumf %get3A_676, %add3A_674 : vector<16xf32>
      %swap3A_678 = arith.index_cast %add3A_660 : i32 to index
      %swap3A_679 = tpu.vector_load %arg9[%swap3A_678] {strides = array<i32>} : memref<2048xf32, #tpu.memory_space<vmem>>, vector<16xf32>,
      tpu.vector_store %arg9[%swap3A_678], %min3A_677 {strides = array<i32>} : memref<2048xf32, #tpu.memory_space<vmem>>, vector<16xf32>,
      %gt3A_680 = arith.cmpf ogt, %min3A_677, %scan3A_509 : vector<16xf32>
      %max3A_681 = arith.maximumf %scan3A_509, %min3A_677 : vector<16xf32>
      %select_n3A_682 = arith.select %gt3A_680, %broadcast_in_dim3A_516, %scan3A_510 : vector<16xi1>, vector<16xf32>
      %add3A_683 = arith.constant 112 : i32
      %add3A_684 = arith.addi %mul3A_514, %add3A_683 : i32
      %get3A_685 = arith.index_cast %add3A_684 : i32 to index
      %get3A_686 = tpu.vector_load %arg6[%get3A_685] {strides = array<i32>} : memref<2048xf32, #tpu.memory_space<vmem>>, vector<16xf32>,
      %get3A_687 = arith.index_cast %add3A_684 : i32 to index
      %get3A_688 = tpu.vector_load %arg7[%get3A_687] {strides = array<i32>} : memref<2048xf32, #tpu.memory_space<vmem>>, vector<16xf32>,
      %get3A_689 = arith.index_cast %add3A_684 : i32 to index
      %get3A_690 = tpu.vector_load %arg8[%get3A_689] {strides = array<i32>} : memref<2048xf32, #tpu.memory_space<vmem>>, vector<16xf32>,
      %sub3A_691 = arith.subf %get3A_686, %scan3A_28#0 : vector<16xf32>
      %sub3A_692 = arith.subf %get3A_688, %scan3A_28#1 : vector<16xf32>
      %sub3A_693 = arith.subf %get3A_690, %scan3A_28#2 : vector<16xf32>
      %mul3A_694 = arith.mulf %sub3A_691, %sub3A_691 : vector<16xf32>
      %mul3A_695 = arith.mulf %sub3A_693, %sub3A_693 : vector<16xf32>
      %add3A_696 = arith.addf %mul3A_694, %mul3A_695 : vector<16xf32>
      %mul3A_697 = arith.mulf %sub3A_692, %sub3A_692 : vector<16xf32>
      %add3A_698 = arith.addf %add3A_696, %mul3A_697 : vector<16xf32>
      %get3A_699 = arith.index_cast %add3A_684 : i32 to index
      %get3A_700 = tpu.vector_load %arg9[%get3A_699] {strides = array<i32>} : memref<2048xf32, #tpu.memory_space<vmem>>, vector<16xf32>,
      %min3A_701 = arith.minimumf %get3A_700, %add3A_698 : vector<16xf32>
      %swap3A_702 = arith.index_cast %add3A_684 : i32 to index
      %swap3A_703 = tpu.vector_load %arg9[%swap3A_702] {strides = array<i32>} : memref<2048xf32, #tpu.memory_space<vmem>>, vector<16xf32>,
      tpu.vector_store %arg9[%swap3A_702], %min3A_701 {strides = array<i32>} : memref<2048xf32, #tpu.memory_space<vmem>>, vector<16xf32>,
      %gt3A_704 = arith.cmpf ogt, %min3A_701, %scan3A_511 : vector<16xf32>
      %max3A_705 = arith.maximumf %scan3A_511, %min3A_701 : vector<16xf32>
      %select_n3A_706 = arith.select %gt3A_704, %broadcast_in_dim3A_516, %scan3A_512 : vector<16xi1>, vector<16xf32>
      %scan3A_707 = arith.constant 1 : i32
      %scan3A_708 = arith.addi %scan3A_496, %scan3A_707 : i32
      %mul3A_709 = arith.constant 128 : i32
      %mul3A_710 = arith.muli %scan3A_708, %mul3A_709 : i32
      %convert_element_type3A_711 = arith.sitofp %scan3A_708 : i32 to f32
      %broadcast_in_dim3A_712 = vector.broadcast %convert_element_type3A_711 : f32 to vector<16xf32>
      %add3A_713 = arith.constant 0 : i32
      %add3A_714 = arith.addi %mul3A_710, %add3A_713 : i32
      %get3A_715 = arith.index_cast %add3A_714 : i32 to index
      %get3A_716 = tpu.vector_load %arg6[%get3A_715] {strides = array<i32>} : memref<2048xf32, #tpu.memory_space<vmem>>, vector<16xf32>,
      %get3A_717 = arith.index_cast %add3A_714 : i32 to index
      %get3A_718 = tpu.vector_load %arg7[%get3A_717] {strides = array<i32>} : memref<2048xf32, #tpu.memory_space<vmem>>, vector<16xf32>,
      %get3A_719 = arith.index_cast %add3A_714 : i32 to index
      %get3A_720 = tpu.vector_load %arg8[%get3A_719] {strides = array<i32>} : memref<2048xf32, #tpu.memory_space<vmem>>, vector<16xf32>,
      %sub3A_721 = arith.subf %get3A_716, %scan3A_28#0 : vector<16xf32>
      %sub3A_722 = arith.subf %get3A_718, %scan3A_28#1 : vector<16xf32>
      %sub3A_723 = arith.subf %get3A_720, %scan3A_28#2 : vector<16xf32>
      %mul3A_724 = arith.mulf %sub3A_721, %sub3A_721 : vector<16xf32>
      %mul3A_725 = arith.mulf %sub3A_723, %sub3A_723 : vector<16xf32>
      %add3A_726 = arith.addf %mul3A_724, %mul3A_725 : vector<16xf32>
      %mul3A_727 = arith.mulf %sub3A_722, %sub3A_722 : vector<16xf32>
      %add3A_728 = arith.addf %add3A_726, %mul3A_727 : vector<16xf32>
      %get3A_729 = arith.index_cast %add3A_714 : i32 to index
      %get3A_730 = tpu.vector_load %arg9[%get3A_729] {strides = array<i32>} : memref<2048xf32, #tpu.memory_space<vmem>>, vector<16xf32>,
      %min3A_731 = arith.minimumf %get3A_730, %add3A_728 : vector<16xf32>
      %swap3A_732 = arith.index_cast %add3A_714 : i32 to index
      %swap3A_733 = tpu.vector_load %arg9[%swap3A_732] {strides = array<i32>} : memref<2048xf32, #tpu.memory_space<vmem>>, vector<16xf32>,
      tpu.vector_store %arg9[%swap3A_732], %min3A_731 {strides = array<i32>} : memref<2048xf32, #tpu.memory_space<vmem>>, vector<16xf32>,
      %gt3A_734 = arith.cmpf ogt, %min3A_731, %max3A : vector<16xf32>
      %max3A_735 = arith.maximumf %max3A, %min3A_731 : vector<16xf32>
      %select_n3A_736 = arith.select %gt3A_734, %broadcast_in_dim3A_712, %select_n3A_538 : vector<16xi1>, vector<16xf32>
      %add3A_737 = arith.constant 16 : i32
      %add3A_738 = arith.addi %mul3A_710, %add3A_737 : i32
      %get3A_739 = arith.index_cast %add3A_738 : i32 to index
      %get3A_740 = tpu.vector_load %arg6[%get3A_739] {strides = array<i32>} : memref<2048xf32, #tpu.memory_space<vmem>>, vector<16xf32>,
      %get3A_741 = arith.index_cast %add3A_738 : i32 to index
      %get3A_742 = tpu.vector_load %arg7[%get3A_741] {strides = array<i32>} : memref<2048xf32, #tpu.memory_space<vmem>>, vector<16xf32>,
      %get3A_743 = arith.index_cast %add3A_738 : i32 to index
      %get3A_744 = tpu.vector_load %arg8[%get3A_743] {strides = array<i32>} : memref<2048xf32, #tpu.memory_space<vmem>>, vector<16xf32>,
      %sub3A_745 = arith.subf %get3A_740, %scan3A_28#0 : vector<16xf32>
      %sub3A_746 = arith.subf %get3A_742, %scan3A_28#1 : vector<16xf32>
      %sub3A_747 = arith.subf %get3A_744, %scan3A_28#2 : vector<16xf32>
      %mul3A_748 = arith.mulf %sub3A_745, %sub3A_745 : vector<16xf32>
      %mul3A_749 = arith.mulf %sub3A_747, %sub3A_747 : vector<16xf32>
      %add3A_750 = arith.addf %mul3A_748, %mul3A_749 : vector<16xf32>
      %mul3A_751 = arith.mulf %sub3A_746, %sub3A_746 : vector<16xf32>
      %add3A_752 = arith.addf %add3A_750, %mul3A_751 : vector<16xf32>
      %get3A_753 = arith.index_cast %add3A_738 : i32 to index
      %get3A_754 = tpu.vector_load %arg9[%get3A_753] {strides = array<i32>} : memref<2048xf32, #tpu.memory_space<vmem>>, vector<16xf32>,
      %min3A_755 = arith.minimumf %get3A_754, %add3A_752 : vector<16xf32>
      %swap3A_756 = arith.index_cast %add3A_738 : i32 to index
      %swap3A_757 = tpu.vector_load %arg9[%swap3A_756] {strides = array<i32>} : memref<2048xf32, #tpu.memory_space<vmem>>, vector<16xf32>,
      tpu.vector_store %arg9[%swap3A_756], %min3A_755 {strides = array<i32>} : memref<2048xf32, #tpu.memory_space<vmem>>, vector<16xf32>,
      %gt3A_758 = arith.cmpf ogt, %min3A_755, %max3A_561 : vector<16xf32>
      %max3A_759 = arith.maximumf %max3A_561, %min3A_755 : vector<16xf32>
      %select_n3A_760 = arith.select %gt3A_758, %broadcast_in_dim3A_712, %select_n3A_562 : vector<16xi1>, vector<16xf32>
      %add3A_761 = arith.constant 32 : i32
      %add3A_762 = arith.addi %mul3A_710, %add3A_761 : i32
      %get3A_763 = arith.index_cast %add3A_762 : i32 to index
      %get3A_764 = tpu.vector_load %arg6[%get3A_763] {strides = array<i32>} : memref<2048xf32, #tpu.memory_space<vmem>>, vector<16xf32>,
      %get3A_765 = arith.index_cast %add3A_762 : i32 to index
      %get3A_766 = tpu.vector_load %arg7[%get3A_765] {strides = array<i32>} : memref<2048xf32, #tpu.memory_space<vmem>>, vector<16xf32>,
      %get3A_767 = arith.index_cast %add3A_762 : i32 to index
      %get3A_768 = tpu.vector_load %arg8[%get3A_767] {strides = array<i32>} : memref<2048xf32, #tpu.memory_space<vmem>>, vector<16xf32>,
      %sub3A_769 = arith.subf %get3A_764, %scan3A_28#0 : vector<16xf32>
      %sub3A_770 = arith.subf %get3A_766, %scan3A_28#1 : vector<16xf32>
      %sub3A_771 = arith.subf %get3A_768, %scan3A_28#2 : vector<16xf32>
      %mul3A_772 = arith.mulf %sub3A_769, %sub3A_769 : vector<16xf32>
      %mul3A_773 = arith.mulf %sub3A_771, %sub3A_771 : vector<16xf32>
      %add3A_774 = arith.addf %mul3A_772, %mul3A_773 : vector<16xf32>
      %mul3A_775 = arith.mulf %sub3A_770, %sub3A_770 : vector<16xf32>
      %add3A_776 = arith.addf %add3A_774, %mul3A_775 : vector<16xf32>
      %get3A_777 = arith.index_cast %add3A_762 : i32 to index
      %get3A_778 = tpu.vector_load %arg9[%get3A_777] {strides = array<i32>} : memref<2048xf32, #tpu.memory_space<vmem>>, vector<16xf32>,
      %min3A_779 = arith.minimumf %get3A_778, %add3A_776 : vector<16xf32>
      %swap3A_780 = arith.index_cast %add3A_762 : i32 to index
      %swap3A_781 = tpu.vector_load %arg9[%swap3A_780] {strides = array<i32>} : memref<2048xf32, #tpu.memory_space<vmem>>, vector<16xf32>,
      tpu.vector_store %arg9[%swap3A_780], %min3A_779 {strides = array<i32>} : memref<2048xf32, #tpu.memory_space<vmem>>, vector<16xf32>,
      %gt3A_782 = arith.cmpf ogt, %min3A_779, %max3A_585 : vector<16xf32>
      %max3A_783 = arith.maximumf %max3A_585, %min3A_779 : vector<16xf32>
      %select_n3A_784 = arith.select %gt3A_782, %broadcast_in_dim3A_712, %select_n3A_586 : vector<16xi1>, vector<16xf32>
      %add3A_785 = arith.constant 48 : i32
      %add3A_786 = arith.addi %mul3A_710, %add3A_785 : i32
      %get3A_787 = arith.index_cast %add3A_786 : i32 to index
      %get3A_788 = tpu.vector_load %arg6[%get3A_787] {strides = array<i32>} : memref<2048xf32, #tpu.memory_space<vmem>>, vector<16xf32>,
      %get3A_789 = arith.index_cast %add3A_786 : i32 to index
      %get3A_790 = tpu.vector_load %arg7[%get3A_789] {strides = array<i32>} : memref<2048xf32, #tpu.memory_space<vmem>>, vector<16xf32>,
      %get3A_791 = arith.index_cast %add3A_786 : i32 to index
      %get3A_792 = tpu.vector_load %arg8[%get3A_791] {strides = array<i32>} : memref<2048xf32, #tpu.memory_space<vmem>>, vector<16xf32>,
      %sub3A_793 = arith.subf %get3A_788, %scan3A_28#0 : vector<16xf32>
      %sub3A_794 = arith.subf %get3A_790, %scan3A_28#1 : vector<16xf32>
      %sub3A_795 = arith.subf %get3A_792, %scan3A_28#2 : vector<16xf32>
      %mul3A_796 = arith.mulf %sub3A_793, %sub3A_793 : vector<16xf32>
      %mul3A_797 = arith.mulf %sub3A_795, %sub3A_795 : vector<16xf32>
      %add3A_798 = arith.addf %mul3A_796, %mul3A_797 : vector<16xf32>
      %mul3A_799 = arith.mulf %sub3A_794, %sub3A_794 : vector<16xf32>
      %add3A_800 = arith.addf %add3A_798, %mul3A_799 : vector<16xf32>
      %get3A_801 = arith.index_cast %add3A_786 : i32 to index
      %get3A_802 = tpu.vector_load %arg9[%get3A_801] {strides = array<i32>} : memref<2048xf32, #tpu.memory_space<vmem>>, vector<16xf32>,
      %min3A_803 = arith.minimumf %get3A_802, %add3A_800 : vector<16xf32>
      %swap3A_804 = arith.index_cast %add3A_786 : i32 to index
      %swap3A_805 = tpu.vector_load %arg9[%swap3A_804] {strides = array<i32>} : memref<2048xf32, #tpu.memory_space<vmem>>, vector<16xf32>,
      tpu.vector_store %arg9[%swap3A_804], %min3A_803 {strides = array<i32>} : memref<2048xf32, #tpu.memory_space<vmem>>, vector<16xf32>,
      %gt3A_806 = arith.cmpf ogt, %min3A_803, %max3A_609 : vector<16xf32>
      %max3A_807 = arith.maximumf %max3A_609, %min3A_803 : vector<16xf32>
      %select_n3A_808 = arith.select %gt3A_806, %broadcast_in_dim3A_712, %select_n3A_610 : vector<16xi1>, vector<16xf32>
      %add3A_809 = arith.constant 64 : i32
      %add3A_810 = arith.addi %mul3A_710, %add3A_809 : i32
      %get3A_811 = arith.index_cast %add3A_810 : i32 to index
      %get3A_812 = tpu.vector_load %arg6[%get3A_811] {strides = array<i32>} : memref<2048xf32, #tpu.memory_space<vmem>>, vector<16xf32>,
      %get3A_813 = arith.index_cast %add3A_810 : i32 to index
      %get3A_814 = tpu.vector_load %arg7[%get3A_813] {strides = array<i32>} : memref<2048xf32, #tpu.memory_space<vmem>>, vector<16xf32>,
      %get3A_815 = arith.index_cast %add3A_810 : i32 to index
      %get3A_816 = tpu.vector_load %arg8[%get3A_815] {strides = array<i32>} : memref<2048xf32, #tpu.memory_space<vmem>>, vector<16xf32>,
      %sub3A_817 = arith.subf %get3A_812, %scan3A_28#0 : vector<16xf32>
      %sub3A_818 = arith.subf %get3A_814, %scan3A_28#1 : vector<16xf32>
      %sub3A_819 = arith.subf %get3A_816, %scan3A_28#2 : vector<16xf32>
      %mul3A_820 = arith.mulf %sub3A_817, %sub3A_817 : vector<16xf32>
      %mul3A_821 = arith.mulf %sub3A_819, %sub3A_819 : vector<16xf32>
      %add3A_822 = arith.addf %mul3A_820, %mul3A_821 : vector<16xf32>
      %mul3A_823 = arith.mulf %sub3A_818, %sub3A_818 : vector<16xf32>
      %add3A_824 = arith.addf %add3A_822, %mul3A_823 : vector<16xf32>
      %get3A_825 = arith.index_cast %add3A_810 : i32 to index
      %get3A_826 = tpu.vector_load %arg9[%get3A_825] {strides = array<i32>} : memref<2048xf32, #tpu.memory_space<vmem>>, vector<16xf32>,
      %min3A_827 = arith.minimumf %get3A_826, %add3A_824 : vector<16xf32>
      %swap3A_828 = arith.index_cast %add3A_810 : i32 to index
      %swap3A_829 = tpu.vector_load %arg9[%swap3A_828] {strides = array<i32>} : memref<2048xf32, #tpu.memory_space<vmem>>, vector<16xf32>,
      tpu.vector_store %arg9[%swap3A_828], %min3A_827 {strides = array<i32>} : memref<2048xf32, #tpu.memory_space<vmem>>, vector<16xf32>,
      %gt3A_830 = arith.cmpf ogt, %min3A_827, %max3A_633 : vector<16xf32>
      %max3A_831 = arith.maximumf %max3A_633, %min3A_827 : vector<16xf32>
      %select_n3A_832 = arith.select %gt3A_830, %broadcast_in_dim3A_712, %select_n3A_634 : vector<16xi1>, vector<16xf32>
      %add3A_833 = arith.constant 80 : i32
      %add3A_834 = arith.addi %mul3A_710, %add3A_833 : i32
      %get3A_835 = arith.index_cast %add3A_834 : i32 to index
      %get3A_836 = tpu.vector_load %arg6[%get3A_835] {strides = array<i32>} : memref<2048xf32, #tpu.memory_space<vmem>>, vector<16xf32>,
      %get3A_837 = arith.index_cast %add3A_834 : i32 to index
      %get3A_838 = tpu.vector_load %arg7[%get3A_837] {strides = array<i32>} : memref<2048xf32, #tpu.memory_space<vmem>>, vector<16xf32>,
      %get3A_839 = arith.index_cast %add3A_834 : i32 to index
      %get3A_840 = tpu.vector_load %arg8[%get3A_839] {strides = array<i32>} : memref<2048xf32, #tpu.memory_space<vmem>>, vector<16xf32>,
      %sub3A_841 = arith.subf %get3A_836, %scan3A_28#0 : vector<16xf32>
      %sub3A_842 = arith.subf %get3A_838, %scan3A_28#1 : vector<16xf32>
      %sub3A_843 = arith.subf %get3A_840, %scan3A_28#2 : vector<16xf32>
      %mul3A_844 = arith.mulf %sub3A_841, %sub3A_841 : vector<16xf32>
      %mul3A_845 = arith.mulf %sub3A_843, %sub3A_843 : vector<16xf32>
      %add3A_846 = arith.addf %mul3A_844, %mul3A_845 : vector<16xf32>
      %mul3A_847 = arith.mulf %sub3A_842, %sub3A_842 : vector<16xf32>
      %add3A_848 = arith.addf %add3A_846, %mul3A_847 : vector<16xf32>
      %get3A_849 = arith.index_cast %add3A_834 : i32 to index
      %get3A_850 = tpu.vector_load %arg9[%get3A_849] {strides = array<i32>} : memref<2048xf32, #tpu.memory_space<vmem>>, vector<16xf32>,
      %min3A_851 = arith.minimumf %get3A_850, %add3A_848 : vector<16xf32>
      %swap3A_852 = arith.index_cast %add3A_834 : i32 to index
      %swap3A_853 = tpu.vector_load %arg9[%swap3A_852] {strides = array<i32>} : memref<2048xf32, #tpu.memory_space<vmem>>, vector<16xf32>,
      tpu.vector_store %arg9[%swap3A_852], %min3A_851 {strides = array<i32>} : memref<2048xf32, #tpu.memory_space<vmem>>, vector<16xf32>,
      %gt3A_854 = arith.cmpf ogt, %min3A_851, %max3A_657 : vector<16xf32>
      %max3A_855 = arith.maximumf %max3A_657, %min3A_851 : vector<16xf32>
      %select_n3A_856 = arith.select %gt3A_854, %broadcast_in_dim3A_712, %select_n3A_658 : vector<16xi1>, vector<16xf32>
      %add3A_857 = arith.constant 96 : i32
      %add3A_858 = arith.addi %mul3A_710, %add3A_857 : i32
      %get3A_859 = arith.index_cast %add3A_858 : i32 to index
      %get3A_860 = tpu.vector_load %arg6[%get3A_859] {strides = array<i32>} : memref<2048xf32, #tpu.memory_space<vmem>>, vector<16xf32>,
      %get3A_861 = arith.index_cast %add3A_858 : i32 to index
      %get3A_862 = tpu.vector_load %arg7[%get3A_861] {strides = array<i32>} : memref<2048xf32, #tpu.memory_space<vmem>>, vector<16xf32>,
      %get3A_863 = arith.index_cast %add3A_858 : i32 to index
      %get3A_864 = tpu.vector_load %arg8[%get3A_863] {strides = array<i32>} : memref<2048xf32, #tpu.memory_space<vmem>>, vector<16xf32>,
      %sub3A_865 = arith.subf %get3A_860, %scan3A_28#0 : vector<16xf32>
      %sub3A_866 = arith.subf %get3A_862, %scan3A_28#1 : vector<16xf32>
      %sub3A_867 = arith.subf %get3A_864, %scan3A_28#2 : vector<16xf32>
      %mul3A_868 = arith.mulf %sub3A_865, %sub3A_865 : vector<16xf32>
      %mul3A_869 = arith.mulf %sub3A_867, %sub3A_867 : vector<16xf32>
      %add3A_870 = arith.addf %mul3A_868, %mul3A_869 : vector<16xf32>
      %mul3A_871 = arith.mulf %sub3A_866, %sub3A_866 : vector<16xf32>
      %add3A_872 = arith.addf %add3A_870, %mul3A_871 : vector<16xf32>
      %get3A_873 = arith.index_cast %add3A_858 : i32 to index
      %get3A_874 = tpu.vector_load %arg9[%get3A_873] {strides = array<i32>} : memref<2048xf32, #tpu.memory_space<vmem>>, vector<16xf32>,
      %min3A_875 = arith.minimumf %get3A_874, %add3A_872 : vector<16xf32>
      %swap3A_876 = arith.index_cast %add3A_858 : i32 to index
      %swap3A_877 = tpu.vector_load %arg9[%swap3A_876] {strides = array<i32>} : memref<2048xf32, #tpu.memory_space<vmem>>, vector<16xf32>,
      tpu.vector_store %arg9[%swap3A_876], %min3A_875 {strides = array<i32>} : memref<2048xf32, #tpu.memory_space<vmem>>, vector<16xf32>,
      %gt3A_878 = arith.cmpf ogt, %min3A_875, %max3A_681 : vector<16xf32>
      %max3A_879 = arith.maximumf %max3A_681, %min3A_875 : vector<16xf32>
      %select_n3A_880 = arith.select %gt3A_878, %broadcast_in_dim3A_712, %select_n3A_682 : vector<16xi1>, vector<16xf32>
      %add3A_881 = arith.constant 112 : i32
      %add3A_882 = arith.addi %mul3A_710, %add3A_881 : i32
      %get3A_883 = arith.index_cast %add3A_882 : i32 to index
      %get3A_884 = tpu.vector_load %arg6[%get3A_883] {strides = array<i32>} : memref<2048xf32, #tpu.memory_space<vmem>>, vector<16xf32>,
      %get3A_885 = arith.index_cast %add3A_882 : i32 to index
      %get3A_886 = tpu.vector_load %arg7[%get3A_885] {strides = array<i32>} : memref<2048xf32, #tpu.memory_space<vmem>>, vector<16xf32>,
      %get3A_887 = arith.index_cast %add3A_882 : i32 to index
      %get3A_888 = tpu.vector_load %arg8[%get3A_887] {strides = array<i32>} : memref<2048xf32, #tpu.memory_space<vmem>>, vector<16xf32>,
      %sub3A_889 = arith.subf %get3A_884, %scan3A_28#0 : vector<16xf32>
      %sub3A_890 = arith.subf %get3A_886, %scan3A_28#1 : vector<16xf32>
      %sub3A_891 = arith.subf %get3A_888, %scan3A_28#2 : vector<16xf32>
      %mul3A_892 = arith.mulf %sub3A_889, %sub3A_889 : vector<16xf32>
      %mul3A_893 = arith.mulf %sub3A_891, %sub3A_891 : vector<16xf32>
      %add3A_894 = arith.addf %mul3A_892, %mul3A_893 : vector<16xf32>
      %mul3A_895 = arith.mulf %sub3A_890, %sub3A_890 : vector<16xf32>
      %add3A_896 = arith.addf %add3A_894, %mul3A_895 : vector<16xf32>
      %get3A_897 = arith.index_cast %add3A_882 : i32 to index
      %get3A_898 = tpu.vector_load %arg9[%get3A_897] {strides = array<i32>} : memref<2048xf32, #tpu.memory_space<vmem>>, vector<16xf32>,
      %min3A_899 = arith.minimumf %get3A_898, %add3A_896 : vector<16xf32>
      %swap3A_900 = arith.index_cast %add3A_882 : i32 to index
      %swap3A_901 = tpu.vector_load %arg9[%swap3A_900] {strides = array<i32>} : memref<2048xf32, #tpu.memory_space<vmem>>, vector<16xf32>,
      tpu.vector_store %arg9[%swap3A_900], %min3A_899 {strides = array<i32>} : memref<2048xf32, #tpu.memory_space<vmem>>, vector<16xf32>,
      %gt3A_902 = arith.cmpf ogt, %min3A_899, %max3A_705 : vector<16xf32>
      %max3A_903 = arith.maximumf %max3A_705, %min3A_899 : vector<16xf32>
      %select_n3A_904 = arith.select %gt3A_902, %broadcast_in_dim3A_712, %select_n3A_706 : vector<16xi1>, vector<16xf32>
      scf.yield %max3A_735, %select_n3A_736, %max3A_759, %select_n3A_760, %max3A_783, %select_n3A_784, %max3A_807, %select_n3A_808, %max3A_831, %select_n3A_832, %max3A_855, %select_n3A_856, %max3A_879, %select_n3A_880, %max3A_903, %select_n3A_904 : vector<16xf32>, vector<16xf32>, vector<16xf32>, vector<16xf32>, vector<16xf32>, vector<16xf32>, vector<16xf32>, vector<16xf32>, vector<16xf32>, vector<16xf32>, vector<16xf32>, vector<16xf32>, vector<16xf32>, vector<16xf32>, vector<16xf32>, vector<16xf32>
    }
    %scan3A_39 = arith.constant 16 : i32
    %mul3A_40 = arith.constant 1.280000e+02 : f32
    %mul3A_41 = vector.broadcast %mul3A_40 : f32 to vector<16xf32>
    %mul3A_42 = arith.mulf %scan3A_38#1, %mul3A_41 : vector<16xf32>
    %add3A = arith.constant 0.000000e+00 : f32
    %add3A_43 = vector.broadcast %add3A : f32 to vector<16xf32>
    %add3A_44 = arith.addf %add3A_43, %convert_element_type3A_1 : vector<16xf32>
    %add3A_45 = arith.addf %mul3A_42, %add3A_44 : vector<16xf32>
    %mul3A_46 = arith.constant 1.280000e+02 : f32
    %mul3A_47 = vector.broadcast %mul3A_46 : f32 to vector<16xf32>
    %mul3A_48 = arith.mulf %scan3A_38#3, %mul3A_47 : vector<16xf32>
    %add3A_49 = arith.constant 1.600000e+01 : f32
    %add3A_50 = vector.broadcast %add3A_49 : f32 to vector<16xf32>
    %add3A_51 = arith.addf %add3A_50, %convert_element_type3A_1 : vector<16xf32>
    %add3A_52 = arith.addf %mul3A_48, %add3A_51 : vector<16xf32>
    %gt3A = arith.cmpf ogt, %scan3A_38#2, %scan3A_38#0 : vector<16xf32>
    %eq3A_53 = arith.cmpf oeq, %scan3A_38#2, %scan3A_38#0 : vector<16xf32>
    %lt3A = arith.cmpf olt, %add3A_52, %add3A_45 : vector<16xf32>
    %and3A = arith.andi %eq3A_53, %lt3A : vector<16xi1>
    %or3A = arith.ori %gt3A, %and3A : vector<16xi1>
    %select_n3A = arith.select %or3A, %scan3A_38#2, %scan3A_38#0 : vector<16xi1>, vector<16xf32>
    %select_n3A_54 = arith.select %or3A, %add3A_52, %add3A_45 : vector<16xi1>, vector<16xf32>
    %mul3A_55 = arith.constant 1.280000e+02 : f32
    %mul3A_56 = vector.broadcast %mul3A_55 : f32 to vector<16xf32>
    %mul3A_57 = arith.mulf %scan3A_38#5, %mul3A_56 : vector<16xf32>
    %add3A_58 = arith.constant 3.200000e+01 : f32
    %add3A_59 = vector.broadcast %add3A_58 : f32 to vector<16xf32>
    %add3A_60 = arith.addf %add3A_59, %convert_element_type3A_1 : vector<16xf32>
    %add3A_61 = arith.addf %mul3A_57, %add3A_60 : vector<16xf32>
    %gt3A_62 = arith.cmpf ogt, %scan3A_38#4, %select_n3A : vector<16xf32>
    %eq3A_63 = arith.cmpf oeq, %scan3A_38#4, %select_n3A : vector<16xf32>
    %lt3A_64 = arith.cmpf olt, %add3A_61, %select_n3A_54 : vector<16xf32>
    %and3A_65 = arith.andi %eq3A_63, %lt3A_64 : vector<16xi1>
    %or3A_66 = arith.ori %gt3A_62, %and3A_65 : vector<16xi1>
    %select_n3A_67 = arith.select %or3A_66, %scan3A_38#4, %select_n3A : vector<16xi1>, vector<16xf32>
    %select_n3A_68 = arith.select %or3A_66, %add3A_61, %select_n3A_54 : vector<16xi1>, vector<16xf32>
    %mul3A_69 = arith.constant 1.280000e+02 : f32
    %mul3A_70 = vector.broadcast %mul3A_69 : f32 to vector<16xf32>
    %mul3A_71 = arith.mulf %scan3A_38#7, %mul3A_70 : vector<16xf32>
    %add3A_72 = arith.constant 4.800000e+01 : f32
    %add3A_73 = vector.broadcast %add3A_72 : f32 to vector<16xf32>
    %add3A_74 = arith.addf %add3A_73, %convert_element_type3A_1 : vector<16xf32>
    %add3A_75 = arith.addf %mul3A_71, %add3A_74 : vector<16xf32>
    %gt3A_76 = arith.cmpf ogt, %scan3A_38#6, %select_n3A_67 : vector<16xf32>
    %eq3A_77 = arith.cmpf oeq, %scan3A_38#6, %select_n3A_67 : vector<16xf32>
    %lt3A_78 = arith.cmpf olt, %add3A_75, %select_n3A_68 : vector<16xf32>
    %and3A_79 = arith.andi %eq3A_77, %lt3A_78 : vector<16xi1>
    %or3A_80 = arith.ori %gt3A_76, %and3A_79 : vector<16xi1>
    %select_n3A_81 = arith.select %or3A_80, %scan3A_38#6, %select_n3A_67 : vector<16xi1>, vector<16xf32>
    %select_n3A_82 = arith.select %or3A_80, %add3A_75, %select_n3A_68 : vector<16xi1>, vector<16xf32>
    %mul3A_83 = arith.constant 1.280000e+02 : f32
    %mul3A_84 = vector.broadcast %mul3A_83 : f32 to vector<16xf32>
    %mul3A_85 = arith.mulf %scan3A_38#9, %mul3A_84 : vector<16xf32>
    %add3A_86 = arith.constant 6.400000e+01 : f32
    %add3A_87 = vector.broadcast %add3A_86 : f32 to vector<16xf32>
    %add3A_88 = arith.addf %add3A_87, %convert_element_type3A_1 : vector<16xf32>
    %add3A_89 = arith.addf %mul3A_85, %add3A_88 : vector<16xf32>
    %gt3A_90 = arith.cmpf ogt, %scan3A_38#8, %select_n3A_81 : vector<16xf32>
    %eq3A_91 = arith.cmpf oeq, %scan3A_38#8, %select_n3A_81 : vector<16xf32>
    %lt3A_92 = arith.cmpf olt, %add3A_89, %select_n3A_82 : vector<16xf32>
    %and3A_93 = arith.andi %eq3A_91, %lt3A_92 : vector<16xi1>
    %or3A_94 = arith.ori %gt3A_90, %and3A_93 : vector<16xi1>
    %select_n3A_95 = arith.select %or3A_94, %scan3A_38#8, %select_n3A_81 : vector<16xi1>, vector<16xf32>
    %select_n3A_96 = arith.select %or3A_94, %add3A_89, %select_n3A_82 : vector<16xi1>, vector<16xf32>
    %mul3A_97 = arith.constant 1.280000e+02 : f32
    %mul3A_98 = vector.broadcast %mul3A_97 : f32 to vector<16xf32>
    %mul3A_99 = arith.mulf %scan3A_38#11, %mul3A_98 : vector<16xf32>
    %add3A_100 = arith.constant 8.000000e+01 : f32
    %add3A_101 = vector.broadcast %add3A_100 : f32 to vector<16xf32>
    %add3A_102 = arith.addf %add3A_101, %convert_element_type3A_1 : vector<16xf32>
    %add3A_103 = arith.addf %mul3A_99, %add3A_102 : vector<16xf32>
    %gt3A_104 = arith.cmpf ogt, %scan3A_38#10, %select_n3A_95 : vector<16xf32>
    %eq3A_105 = arith.cmpf oeq, %scan3A_38#10, %select_n3A_95 : vector<16xf32>
    %lt3A_106 = arith.cmpf olt, %add3A_103, %select_n3A_96 : vector<16xf32>
    %and3A_107 = arith.andi %eq3A_105, %lt3A_106 : vector<16xi1>
    %or3A_108 = arith.ori %gt3A_104, %and3A_107 : vector<16xi1>
    %select_n3A_109 = arith.select %or3A_108, %scan3A_38#10, %select_n3A_95 : vector<16xi1>, vector<16xf32>
    %select_n3A_110 = arith.select %or3A_108, %add3A_103, %select_n3A_96 : vector<16xi1>, vector<16xf32>
    %mul3A_111 = arith.constant 1.280000e+02 : f32
    %mul3A_112 = vector.broadcast %mul3A_111 : f32 to vector<16xf32>
    %mul3A_113 = arith.mulf %scan3A_38#13, %mul3A_112 : vector<16xf32>
    %add3A_114 = arith.constant 9.600000e+01 : f32
    %add3A_115 = vector.broadcast %add3A_114 : f32 to vector<16xf32>
    %add3A_116 = arith.addf %add3A_115, %convert_element_type3A_1 : vector<16xf32>
    %add3A_117 = arith.addf %mul3A_113, %add3A_116 : vector<16xf32>
    %gt3A_118 = arith.cmpf ogt, %scan3A_38#12, %select_n3A_109 : vector<16xf32>
    %eq3A_119 = arith.cmpf oeq, %scan3A_38#12, %select_n3A_109 : vector<16xf32>
    %lt3A_120 = arith.cmpf olt, %add3A_117, %select_n3A_110 : vector<16xf32>
    %and3A_121 = arith.andi %eq3A_119, %lt3A_120 : vector<16xi1>
    %or3A_122 = arith.ori %gt3A_118, %and3A_121 : vector<16xi1>
    %select_n3A_123 = arith.select %or3A_122, %scan3A_38#12, %select_n3A_109 : vector<16xi1>, vector<16xf32>
    %select_n3A_124 = arith.select %or3A_122, %add3A_117, %select_n3A_110 : vector<16xi1>, vector<16xf32>
    %mul3A_125 = arith.constant 1.280000e+02 : f32
    %mul3A_126 = vector.broadcast %mul3A_125 : f32 to vector<16xf32>
    %mul3A_127 = arith.mulf %scan3A_38#15, %mul3A_126 : vector<16xf32>
    %add3A_128 = arith.constant 1.120000e+02 : f32
    %add3A_129 = vector.broadcast %add3A_128 : f32 to vector<16xf32>
    %add3A_130 = arith.addf %add3A_129, %convert_element_type3A_1 : vector<16xf32>
    %add3A_131 = arith.addf %mul3A_127, %add3A_130 : vector<16xf32>
    %gt3A_132 = arith.cmpf ogt, %scan3A_38#14, %select_n3A_123 : vector<16xf32>
    %eq3A_133 = arith.cmpf oeq, %scan3A_38#14, %select_n3A_123 : vector<16xf32>
    %lt3A_134 = arith.cmpf olt, %add3A_131, %select_n3A_124 : vector<16xf32>
    %and3A_135 = arith.andi %eq3A_133, %lt3A_134 : vector<16xi1>
    %or3A_136 = arith.ori %gt3A_132, %and3A_135 : vector<16xi1>
    %select_n3A_137 = arith.select %or3A_136, %scan3A_38#14, %select_n3A_123 : vector<16xi1>, vector<16xf32>
    %select_n3A_138 = arith.select %or3A_136, %add3A_131, %select_n3A_124 : vector<16xi1>, vector<16xf32>
    %reduce_max3A = arith.constant true
    %reduce_max3A_139 = vector.broadcast %reduce_max3A : i1 to vector<16xi1>
    %reduce_max3A_140 = tpu.scan <max>, %select_n3A_137 masked %reduce_max3A_139 : vector<16xf32>, vector<16xi1> -> vector<16xf32>
    %reduce_max3A_141 = vector.extract %reduce_max3A_140[15] : f32 from vector<16xf32>
    %broadcast_in_dim3A_142 = vector.broadcast %reduce_max3A_141 : f32 to vector<16xf32>
    %eq3A_143 = arith.cmpf oeq, %select_n3A_137, %broadcast_in_dim3A_142 : vector<16xf32>
    %jit3A = arith.constant 3.000000e+09 : f32
    %broadcast_in_dim3A_144 = vector.broadcast %jit3A : f32 to vector<16xf32>
    %select_n3A_145 = arith.select %eq3A_143, %select_n3A_138, %broadcast_in_dim3A_144 : vector<16xi1>, vector<16xf32>
    %reduce_min3A = arith.constant true
    %reduce_min3A_146 = vector.broadcast %reduce_min3A : i1 to vector<16xi1>
    %reduce_min3A_147 = tpu.scan <min>, %select_n3A_145 masked %reduce_min3A_146 : vector<16xf32>, vector<16xi1> -> vector<16xf32>
    %reduce_min3A_148 = vector.extract %reduce_min3A_147[15] : f32 from vector<16xf32>
    %convert_element_type3A_149 = arith.fptosi %reduce_min3A_148 : f32 to i32
    %jit3A_150 = arith.constant 16 : i32
    %div3A = arith.divsi %convert_element_type3A_149, %jit3A_150 : i32
    %sign3A = arith.constant 0 : i32
    %sign3A_151 = arith.cmpi sgt, %convert_element_type3A_149, %sign3A : i32
    %sign3A_152 = arith.extui %sign3A_151 : i1 to i32
    %sign3A_153 = arith.constant 0 : i32
    %sign3A_154 = arith.cmpi slt, %convert_element_type3A_149, %sign3A_153 : i32
    %sign3A_155 = arith.extui %sign3A_154 : i1 to i32
    %sign3A_156 = arith.subi %sign3A_152, %sign3A_155 : i32
    %sign3A_157 = arith.constant 0 : i32
    %sign3A_158 = arith.cmpi sgt, %jit3A_150, %sign3A_157 : i32
    %sign3A_159 = arith.extui %sign3A_158 : i1 to i32
    %sign3A_160 = arith.constant 0 : i32
    %sign3A_161 = arith.cmpi slt, %jit3A_150, %sign3A_160 : i32
    %sign3A_162 = arith.extui %sign3A_161 : i1 to i32
    %sign3A_163 = arith.subi %sign3A_159, %sign3A_162 : i32
    %ne3A = arith.cmpi ne, %sign3A_156, %sign3A_163 : i32
    %rem3A = arith.remsi %convert_element_type3A_149, %jit3A_150 : i32
    %ne3A_164 = arith.constant 0 : i32
    %ne3A_165 = arith.cmpi ne, %rem3A, %ne3A_164 : i32
    %and3A_166 = arith.andi %ne3A, %ne3A_165 : i1
    %sub3A = arith.constant 1 : i32
    %sub3A_167 = arith.subi %div3A, %sub3A : i32
    %select_n3A_168 = arith.select %and3A_166, %sub3A_167, %div3A : i32
    %mul3A_169 = arith.constant 16 : i32
    %mul3A_170 = arith.muli %select_n3A_168, %mul3A_169 : i32
    %jit3A_171 = arith.constant 16 : i32
    %eq3A_172 = arith.constant 0 : i32
    %eq3A_173 = arith.cmpi eq, %jit3A_171, %eq3A_172 : i32
    %jit3A_174 = arith.constant 1 : i32
    %select_n3A_175 = arith.select %eq3A_173, %jit3A_174, %jit3A_171 : i32
    %rem3A_176 = arith.remsi %convert_element_type3A_149, %select_n3A_175 : i32
    %ne3A_177 = arith.constant 0 : i32
    %ne3A_178 = arith.cmpi ne, %rem3A_176, %ne3A_177 : i32
    %lt3A_179 = arith.constant 0 : i32
    %lt3A_180 = arith.cmpi slt, %rem3A_176, %lt3A_179 : i32
    %lt3A_181 = arith.constant 0 : i32
    %lt3A_182 = arith.cmpi slt, %select_n3A_175, %lt3A_181 : i32
    %ne3A_183 = arith.xori %lt3A_180, %lt3A_182 : i1
    %and3A_184 = arith.andi %ne3A_183, %ne3A_178 : i1
    %add3A_185 = arith.addi %rem3A_176, %select_n3A_175 : i32
    %select_n3A_186 = arith.select %and3A_184, %add3A_185, %rem3A_176 : i32
    %broadcast_in_dim3A_187 = vector.broadcast %select_n3A_186 : i32 to vector<16xi32>
    %eq3A_188 = arith.cmpi eq, %iota3A, %broadcast_in_dim3A_187 : vector<16xi32>
    %get3A_189 = arith.index_cast %mul3A_170 : i32 to index
    %get3A_190 = tpu.vector_load %arg6[%get3A_189] {strides = array<i32>} : memref<2048xf32, #tpu.memory_space<vmem>>, vector<16xf32>,
    %jit3A_191 = arith.constant 0xFF800000 : f32
    %broadcast_in_dim3A_192 = vector.broadcast %jit3A_191 : f32 to vector<16xf32>
    %select_n3A_193 = arith.select %eq3A_188, %get3A_190, %broadcast_in_dim3A_192 : vector<16xi1>, vector<16xf32>
    %reduce_max3A_194 = arith.constant true
    %reduce_max3A_195 = vector.broadcast %reduce_max3A_194 : i1 to vector<16xi1>
    %reduce_max3A_196 = tpu.scan <max>, %select_n3A_193 masked %reduce_max3A_195 : vector<16xf32>, vector<16xi1> -> vector<16xf32>
    %reduce_max3A_197 = vector.extract %reduce_max3A_196[15] : f32 from vector<16xf32>
    %get3A_198 = arith.index_cast %mul3A_170 : i32 to index
    %get3A_199 = tpu.vector_load %arg7[%get3A_198] {strides = array<i32>} : memref<2048xf32, #tpu.memory_space<vmem>>, vector<16xf32>,
    %jit3A_200 = arith.constant 0xFF800000 : f32
    %broadcast_in_dim3A_201 = vector.broadcast %jit3A_200 : f32 to vector<16xf32>
    %select_n3A_202 = arith.select %eq3A_188, %get3A_199, %broadcast_in_dim3A_201 : vector<16xi1>, vector<16xf32>
    %reduce_max3A_203 = arith.constant true
    %reduce_max3A_204 = vector.broadcast %reduce_max3A_203 : i1 to vector<16xi1>
    %reduce_max3A_205 = tpu.scan <max>, %select_n3A_202 masked %reduce_max3A_204 : vector<16xf32>, vector<16xi1> -> vector<16xf32>
    %reduce_max3A_206 = vector.extract %reduce_max3A_205[15] : f32 from vector<16xf32>
    %get3A_207 = arith.index_cast %mul3A_170 : i32 to index
    %get3A_208 = tpu.vector_load %arg8[%get3A_207] {strides = array<i32>} : memref<2048xf32, #tpu.memory_space<vmem>>, vector<16xf32>,
    %jit3A_209 = arith.constant 0xFF800000 : f32
    %broadcast_in_dim3A_210 = vector.broadcast %jit3A_209 : f32 to vector<16xf32>
    %select_n3A_211 = arith.select %eq3A_188, %get3A_208, %broadcast_in_dim3A_210 : vector<16xi1>, vector<16xf32>
    %reduce_max3A_212 = arith.constant true
    %reduce_max3A_213 = vector.broadcast %reduce_max3A_212 : i1 to vector<16xi1>
    %reduce_max3A_214 = tpu.scan <max>, %select_n3A_211 masked %reduce_max3A_213 : vector<16xf32>, vector<16xi1> -> vector<16xf32>
    %reduce_max3A_215 = vector.extract %reduce_max3A_214[15] : f32 from vector<16xf32>
    %eq3A_216 = arith.constant 0 : i32
    %eq3A_217 = vector.broadcast %eq3A_216 : i32 to vector<16xi32>
    %eq3A_218 = arith.cmpi eq, %iota3A, %eq3A_217 : vector<16xi32>
    %eq3A_219 = arith.constant 1 : i32
    %eq3A_220 = vector.broadcast %eq3A_219 : i32 to vector<16xi32>
    %eq3A_221 = arith.cmpi eq, %iota3A, %eq3A_220 : vector<16xi32>
    %add3A_222 = arith.addf %reduce_min3A_148, %convert_element_type3A : f32
    %broadcast_in_dim3A_223 = vector.broadcast %add3A_222 : f32 to vector<16xf32>
    %eq3A_224 = arith.constant 2 : i32
    %eq3A_225 = vector.broadcast %eq3A_224 : i32 to vector<16xi32>
    %eq3A_226 = arith.cmpi eq, %iota3A, %eq3A_225 : vector<16xi32>
    %broadcast_in_dim3A_227 = vector.broadcast %reduce_max3A_197 : f32 to vector<16xf32>
    %eq3A_228 = arith.constant 3 : i32
    %eq3A_229 = vector.broadcast %eq3A_228 : i32 to vector<16xi32>
    %eq3A_230 = arith.cmpi eq, %iota3A, %eq3A_229 : vector<16xi32>
    %broadcast_in_dim3A_231 = vector.broadcast %reduce_max3A_206 : f32 to vector<16xf32>
    %eq3A_232 = arith.constant 4 : i32
    %eq3A_233 = vector.broadcast %eq3A_232 : i32 to vector<16xi32>
    %eq3A_234 = arith.cmpi eq, %iota3A, %eq3A_233 : vector<16xi32>
    %broadcast_in_dim3A_235 = vector.broadcast %reduce_max3A_215 : f32 to vector<16xf32>
    %select_n3A_236 = arith.select %eq3A_234, %broadcast_in_dim3A_235, %broadcast_in_dim3A_4 : vector<16xi1>, vector<16xf32>
    %select_n3A_237 = arith.select %eq3A_230, %broadcast_in_dim3A_231, %select_n3A_236 : vector<16xi1>, vector<16xf32>
    %select_n3A_238 = arith.select %eq3A_226, %broadcast_in_dim3A_227, %select_n3A_237 : vector<16xi1>, vector<16xf32>
    %select_n3A_239 = arith.select %eq3A_221, %broadcast_in_dim3A_223, %select_n3A_238 : vector<16xi1>, vector<16xf32>
    %select_n3A_240 = arith.select %eq3A_218, %broadcast_in_dim3A_142, %select_n3A_239 : vector<16xi1>, vector<16xf32>
    %swap3A = arith.constant 0 : index
    %swap3A_241 = tpu.vector_load %arg10[%swap3A] {strides = array<i32>} : memref<16xf32, #tpu.memory_space<vmem>>, vector<16xf32>,
    tpu.vector_store %arg10[%swap3A], %select_n3A_240 {strides = array<i32>} : memref<16xf32, #tpu.memory_space<vmem>>, vector<16xf32>,
    %mul3A_242 = arith.constant 16 : i32
    %mul3A_243 = arith.muli %arg1, %mul3A_242 : i32
    %run_scoped3A = arith.constant 0 : i32
    "tpu.region"() ({
      %run_scoped3A_496 = tpu.sem_alloc : memref<!tpu.dma_semaphore, #tpu.memory_space<semaphore_mem>>
      %dma_start3A = tpu.memref_slice %arg13[%run_scoped3A, %mul3A_243] : memref<2x256xf32, #tpu.memory_space<vmem_shared>> -> memref<1x16xf32, #tpu.memory_space<vmem_shared>>
      %dma_start3A_497 = tpu.memref_squeeze %dma_start3A : memref<1x16xf32, #tpu.memory_space<vmem_shared>> -> memref<16xf32, #tpu.memory_space<vmem_shared>>
      %dma_start3A_498 = tpu.memref_slice %arg13[%run_scoped3A, %mul3A_243] : memref<2x256xf32, #tpu.memory_space<vmem_shared>> -> memref<1x16xf32, #tpu.memory_space<vmem_shared>>
      %dma_start3A_499 = tpu.memref_squeeze %dma_start3A_498 : memref<1x16xf32, #tpu.memory_space<vmem_shared>> -> memref<16xf32, #tpu.memory_space<vmem_shared>>
      tpu.enqueue_dma source(%arg10 : memref<16xf32, #tpu.memory_space<vmem>>) target(%dma_start3A_499 : memref<16xf32, #tpu.memory_space<vmem_shared>>) target_semaphore(%run_scoped3A_496 : memref<!tpu.dma_semaphore, #tpu.memory_space<semaphore_mem>>)
      %dma_wait3A = tpu.memref_slice %arg13[%run_scoped3A, %mul3A_243] : memref<2x256xf32, #tpu.memory_space<vmem_shared>> -> memref<1x16xf32, #tpu.memory_space<vmem_shared>>
      %dma_wait3A_500 = tpu.memref_squeeze %dma_wait3A : memref<1x16xf32, #tpu.memory_space<vmem_shared>> -> memref<16xf32, #tpu.memory_space<vmem_shared>>
      %dma_wait3A_501 = tpu.memref_slice %arg13[%run_scoped3A, %mul3A_243] : memref<2x256xf32, #tpu.memory_space<vmem_shared>> -> memref<1x16xf32, #tpu.memory_space<vmem_shared>>
      %dma_wait3A_502 = tpu.memref_squeeze %dma_wait3A_501 : memref<1x16xf32, #tpu.memory_space<vmem_shared>> -> memref<16xf32, #tpu.memory_space<vmem_shared>>
      tpu.wait_dma2 semaphore(%run_scoped3A_496 : memref<!tpu.dma_semaphore, #tpu.memory_space<semaphore_mem>>) src(%arg10 : memref<16xf32, #tpu.memory_space<vmem>>) dst(%dma_wait3A_502 : memref<16xf32, #tpu.memory_space<vmem_shared>>)
      tpu.yield
    }) : () -> ()
    %barrier3A = arith.constant 0 : index
    tpu.barrier barrier_id(%barrier3A)
    %run_scoped3A_244 = arith.constant 0 : i32
    "tpu.region"() ({
      %run_scoped3A_496 = tpu.sem_alloc : memref<!tpu.dma_semaphore, #tpu.memory_space<semaphore_mem>>
      %dma_start3A = arith.constant 0 : i32
      %dma_start3A_497 = tpu.memref_slice %arg13[%run_scoped3A_244, %dma_start3A] : memref<2x256xf32, #tpu.memory_space<vmem_shared>> -> memref<1x256xf32, #tpu.memory_space<vmem_shared>>
      %dma_start3A_498 = tpu.memref_squeeze %dma_start3A_497 : memref<1x256xf32, #tpu.memory_space<vmem_shared>> -> memref<256xf32, #tpu.memory_space<vmem_shared>>
      %dma_start3A_499 = arith.constant 0 : i32
      %dma_start3A_500 = tpu.memref_slice %arg13[%run_scoped3A_244, %dma_start3A_499] : memref<2x256xf32, #tpu.memory_space<vmem_shared>> -> memref<1x256xf32, #tpu.memory_space<vmem_shared>>
      %dma_start3A_501 = tpu.memref_squeeze %dma_start3A_500 : memref<1x256xf32, #tpu.memory_space<vmem_shared>> -> memref<256xf32, #tpu.memory_space<vmem_shared>>
      tpu.enqueue_dma source(%dma_start3A_501 : memref<256xf32, #tpu.memory_space<vmem_shared>>) target(%arg11 : memref<256xf32, #tpu.memory_space<vmem>>) target_semaphore(%run_scoped3A_496 : memref<!tpu.dma_semaphore, #tpu.memory_space<semaphore_mem>>)
      %dma_wait3A = arith.constant 0 : i32
      %dma_wait3A_502 = tpu.memref_slice %arg13[%run_scoped3A_244, %dma_wait3A] : memref<2x256xf32, #tpu.memory_space<vmem_shared>> -> memref<1x256xf32, #tpu.memory_space<vmem_shared>>
      %dma_wait3A_503 = tpu.memref_squeeze %dma_wait3A_502 : memref<1x256xf32, #tpu.memory_space<vmem_shared>> -> memref<256xf32, #tpu.memory_space<vmem_shared>>
      %dma_wait3A_504 = arith.constant 0 : i32
      %dma_wait3A_505 = tpu.memref_slice %arg13[%run_scoped3A_244, %dma_wait3A_504] : memref<2x256xf32, #tpu.memory_space<vmem_shared>> -> memref<1x256xf32, #tpu.memory_space<vmem_shared>>
      %dma_wait3A_506 = tpu.memref_squeeze %dma_wait3A_505 : memref<1x256xf32, #tpu.memory_space<vmem_shared>> -> memref<256xf32, #tpu.memory_space<vmem_shared>>
      tpu.wait_dma2 semaphore(%run_scoped3A_496 : memref<!tpu.dma_semaphore, #tpu.memory_space<semaphore_mem>>) src(%dma_wait3A_506 : memref<256xf32, #tpu.memory_space<vmem_shared>>) dst(%arg11 : memref<256xf32, #tpu.memory_space<vmem>>)
      tpu.yield
    }) : () -> ()
    %get3A_245 = arith.constant 0 : index
    %get3A_246 = tpu.vector_load %arg11[%get3A_245] {strides = array<i32>} : memref<256xf32, #tpu.memory_space<vmem>>, vector<16xf32>,
    %slice3A_247 = vector.extract_strided_slice %get3A_246 {offsets = [0], sizes = [1], strides = [1]} : vector<16xf32> to vector<1xf32>
    %squeeze3A_248 = vector.extract %slice3A_247[0] : f32 from vector<1xf32>
    %slice3A_249 = vector.extract_strided_slice %get3A_246 {offsets = [1], sizes = [1], strides = [1]} : vector<16xf32> to vector<1xf32>
    %squeeze3A_250 = vector.extract %slice3A_249[0] : f32 from vector<1xf32>
    %get3A_251 = arith.constant 16 : index
    %get3A_252 = tpu.vector_load %arg11[%get3A_251] {strides = array<i32>} : memref<256xf32, #tpu.memory_space<vmem>>, vector<16xf32>,
    %slice3A_253 = vector.extract_strided_slice %get3A_252 {offsets = [0], sizes = [1], strides = [1]} : vector<16xf32> to vector<1xf32>
    %squeeze3A_254 = vector.extract %slice3A_253[0] : f32 from vector<1xf32>
    %slice3A_255 = vector.extract_strided_slice %get3A_252 {offsets = [1], sizes = [1], strides = [1]} : vector<16xf32> to vector<1xf32>
    %squeeze3A_256 = vector.extract %slice3A_255[0] : f32 from vector<1xf32>
    %get3A_257 = arith.constant 32 : index
    %get3A_258 = tpu.vector_load %arg11[%get3A_257] {strides = array<i32>} : memref<256xf32, #tpu.memory_space<vmem>>, vector<16xf32>,
    %slice3A_259 = vector.extract_strided_slice %get3A_258 {offsets = [0], sizes = [1], strides = [1]} : vector<16xf32> to vector<1xf32>
    %squeeze3A_260 = vector.extract %slice3A_259[0] : f32 from vector<1xf32>
    %slice3A_261 = vector.extract_strided_slice %get3A_258 {offsets = [1], sizes = [1], strides = [1]} : vector<16xf32> to vector<1xf32>
    %squeeze3A_262 = vector.extract %slice3A_261[0] : f32 from vector<1xf32>
    %get3A_263 = arith.constant 48 : index
    %get3A_264 = tpu.vector_load %arg11[%get3A_263] {strides = array<i32>} : memref<256xf32, #tpu.memory_space<vmem>>, vector<16xf32>,
    %slice3A_265 = vector.extract_strided_slice %get3A_264 {offsets = [0], sizes = [1], strides = [1]} : vector<16xf32> to vector<1xf32>
    %squeeze3A_266 = vector.extract %slice3A_265[0] : f32 from vector<1xf32>
    %slice3A_267 = vector.extract_strided_slice %get3A_264 {offsets = [1], sizes = [1], strides = [1]} : vector<16xf32> to vector<1xf32>
    %squeeze3A_268 = vector.extract %slice3A_267[0] : f32 from vector<1xf32>
    %get3A_269 = arith.constant 64 : index
    %get3A_270 = tpu.vector_load %arg11[%get3A_269] {strides = array<i32>} : memref<256xf32, #tpu.memory_space<vmem>>, vector<16xf32>,
    %slice3A_271 = vector.extract_strided_slice %get3A_270 {offsets = [0], sizes = [1], strides = [1]} : vector<16xf32> to vector<1xf32>
    %squeeze3A_272 = vector.extract %slice3A_271[0] : f32 from vector<1xf32>
    %slice3A_273 = vector.extract_strided_slice %get3A_270 {offsets = [1], sizes = [1], strides = [1]} : vector<16xf32> to vector<1xf32>
    %squeeze3A_274 = vector.extract %slice3A_273[0] : f32 from vector<1xf32>
    %get3A_275 = arith.constant 80 : index
    %get3A_276 = tpu.vector_load %arg11[%get3A_275] {strides = array<i32>} : memref<256xf32, #tpu.memory_space<vmem>>, vector<16xf32>,
    %slice3A_277 = vector.extract_strided_slice %get3A_276 {offsets = [0], sizes = [1], strides = [1]} : vector<16xf32> to vector<1xf32>
    %squeeze3A_278 = vector.extract %slice3A_277[0] : f32 from vector<1xf32>
    %slice3A_279 = vector.extract_strided_slice %get3A_276 {offsets = [1], sizes = [1], strides = [1]} : vector<16xf32> to vector<1xf32>
    %squeeze3A_280 = vector.extract %slice3A_279[0] : f32 from vector<1xf32>
    %get3A_281 = arith.constant 96 : index
    %get3A_282 = tpu.vector_load %arg11[%get3A_281] {strides = array<i32>} : memref<256xf32, #tpu.memory_space<vmem>>, vector<16xf32>,
    %slice3A_283 = vector.extract_strided_slice %get3A_282 {offsets = [0], sizes = [1], strides = [1]} : vector<16xf32> to vector<1xf32>
    %squeeze3A_284 = vector.extract %slice3A_283[0] : f32 from vector<1xf32>
    %slice3A_285 = vector.extract_strided_slice %get3A_282 {offsets = [1], sizes = [1], strides = [1]} : vector<16xf32> to vector<1xf32>
    %squeeze3A_286 = vector.extract %slice3A_285[0] : f32 from vector<1xf32>
    %get3A_287 = arith.constant 112 : index
    %get3A_288 = tpu.vector_load %arg11[%get3A_287] {strides = array<i32>} : memref<256xf32, #tpu.memory_space<vmem>>, vector<16xf32>,
    %slice3A_289 = vector.extract_strided_slice %get3A_288 {offsets = [0], sizes = [1], strides = [1]} : vector<16xf32> to vector<1xf32>
    %squeeze3A_290 = vector.extract %slice3A_289[0] : f32 from vector<1xf32>
    %slice3A_291 = vector.extract_strided_slice %get3A_288 {offsets = [1], sizes = [1], strides = [1]} : vector<16xf32> to vector<1xf32>
    %squeeze3A_292 = vector.extract %slice3A_291[0] : f32 from vector<1xf32>
    %get3A_293 = arith.constant 128 : index
    %get3A_294 = tpu.vector_load %arg11[%get3A_293] {strides = array<i32>} : memref<256xf32, #tpu.memory_space<vmem>>, vector<16xf32>,
    %slice3A_295 = vector.extract_strided_slice %get3A_294 {offsets = [0], sizes = [1], strides = [1]} : vector<16xf32> to vector<1xf32>
    %squeeze3A_296 = vector.extract %slice3A_295[0] : f32 from vector<1xf32>
    %slice3A_297 = vector.extract_strided_slice %get3A_294 {offsets = [1], sizes = [1], strides = [1]} : vector<16xf32> to vector<1xf32>
    %squeeze3A_298 = vector.extract %slice3A_297[0] : f32 from vector<1xf32>
    %get3A_299 = arith.constant 144 : index
    %get3A_300 = tpu.vector_load %arg11[%get3A_299] {strides = array<i32>} : memref<256xf32, #tpu.memory_space<vmem>>, vector<16xf32>,
    %slice3A_301 = vector.extract_strided_slice %get3A_300 {offsets = [0], sizes = [1], strides = [1]} : vector<16xf32> to vector<1xf32>
    %squeeze3A_302 = vector.extract %slice3A_301[0] : f32 from vector<1xf32>
    %slice3A_303 = vector.extract_strided_slice %get3A_300 {offsets = [1], sizes = [1], strides = [1]} : vector<16xf32> to vector<1xf32>
    %squeeze3A_304 = vector.extract %slice3A_303[0] : f32 from vector<1xf32>
    %get3A_305 = arith.constant 160 : index
    %get3A_306 = tpu.vector_load %arg11[%get3A_305] {strides = array<i32>} : memref<256xf32, #tpu.memory_space<vmem>>, vector<16xf32>,
    %slice3A_307 = vector.extract_strided_slice %get3A_306 {offsets = [0], sizes = [1], strides = [1]} : vector<16xf32> to vector<1xf32>
    %squeeze3A_308 = vector.extract %slice3A_307[0] : f32 from vector<1xf32>
    %slice3A_309 = vector.extract_strided_slice %get3A_306 {offsets = [1], sizes = [1], strides = [1]} : vector<16xf32> to vector<1xf32>
    %squeeze3A_310 = vector.extract %slice3A_309[0] : f32 from vector<1xf32>
    %get3A_311 = arith.constant 176 : index
    %get3A_312 = tpu.vector_load %arg11[%get3A_311] {strides = array<i32>} : memref<256xf32, #tpu.memory_space<vmem>>, vector<16xf32>,
    %slice3A_313 = vector.extract_strided_slice %get3A_312 {offsets = [0], sizes = [1], strides = [1]} : vector<16xf32> to vector<1xf32>
    %squeeze3A_314 = vector.extract %slice3A_313[0] : f32 from vector<1xf32>
    %slice3A_315 = vector.extract_strided_slice %get3A_312 {offsets = [1], sizes = [1], strides = [1]} : vector<16xf32> to vector<1xf32>
    %squeeze3A_316 = vector.extract %slice3A_315[0] : f32 from vector<1xf32>
    %get3A_317 = arith.constant 192 : index
    %get3A_318 = tpu.vector_load %arg11[%get3A_317] {strides = array<i32>} : memref<256xf32, #tpu.memory_space<vmem>>, vector<16xf32>,
    %slice3A_319 = vector.extract_strided_slice %get3A_318 {offsets = [0], sizes = [1], strides = [1]} : vector<16xf32> to vector<1xf32>
    %squeeze3A_320 = vector.extract %slice3A_319[0] : f32 from vector<1xf32>
    %slice3A_321 = vector.extract_strided_slice %get3A_318 {offsets = [1], sizes = [1], strides = [1]} : vector<16xf32> to vector<1xf32>
    %squeeze3A_322 = vector.extract %slice3A_321[0] : f32 from vector<1xf32>
    %get3A_323 = arith.constant 208 : index
    %get3A_324 = tpu.vector_load %arg11[%get3A_323] {strides = array<i32>} : memref<256xf32, #tpu.memory_space<vmem>>, vector<16xf32>,
    %slice3A_325 = vector.extract_strided_slice %get3A_324 {offsets = [0], sizes = [1], strides = [1]} : vector<16xf32> to vector<1xf32>
    %squeeze3A_326 = vector.extract %slice3A_325[0] : f32 from vector<1xf32>
    %slice3A_327 = vector.extract_strided_slice %get3A_324 {offsets = [1], sizes = [1], strides = [1]} : vector<16xf32> to vector<1xf32>
    %squeeze3A_328 = vector.extract %slice3A_327[0] : f32 from vector<1xf32>
    %get3A_329 = arith.constant 224 : index
    %get3A_330 = tpu.vector_load %arg11[%get3A_329] {strides = array<i32>} : memref<256xf32, #tpu.memory_space<vmem>>, vector<16xf32>,
    %slice3A_331 = vector.extract_strided_slice %get3A_330 {offsets = [0], sizes = [1], strides = [1]} : vector<16xf32> to vector<1xf32>
    %squeeze3A_332 = vector.extract %slice3A_331[0] : f32 from vector<1xf32>
    %slice3A_333 = vector.extract_strided_slice %get3A_330 {offsets = [1], sizes = [1], strides = [1]} : vector<16xf32> to vector<1xf32>
    %squeeze3A_334 = vector.extract %slice3A_333[0] : f32 from vector<1xf32>
    %get3A_335 = arith.constant 240 : index
    %get3A_336 = tpu.vector_load %arg11[%get3A_335] {strides = array<i32>} : memref<256xf32, #tpu.memory_space<vmem>>, vector<16xf32>,
    %slice3A_337 = vector.extract_strided_slice %get3A_336 {offsets = [0], sizes = [1], strides = [1]} : vector<16xf32> to vector<1xf32>
    %squeeze3A_338 = vector.extract %slice3A_337[0] : f32 from vector<1xf32>
    %slice3A_339 = vector.extract_strided_slice %get3A_336 {offsets = [1], sizes = [1], strides = [1]} : vector<16xf32> to vector<1xf32>
    %squeeze3A_340 = vector.extract %slice3A_339[0] : f32 from vector<1xf32>
    %gt3A_341 = arith.cmpf ogt, %squeeze3A_248, %squeeze3A_254 : f32
    %eq3A_342 = arith.cmpf oeq, %squeeze3A_248, %squeeze3A_254 : f32
    %lt3A_343 = arith.cmpf olt, %squeeze3A_250, %squeeze3A_256 : f32
    %and3A_344 = arith.andi %eq3A_342, %lt3A_343 : i1
    %or3A_345 = arith.ori %gt3A_341, %and3A_344 : i1
    %broadcast_in_dim3A_346 = vector.broadcast %or3A_345 : i1 to vector<16xi1>
    %select_n3A_347 = arith.select %broadcast_in_dim3A_346, %get3A_246, %get3A_252 : vector<16xi1>, vector<16xf32>
    %select_n3A_348 = arith.select %or3A_345, %squeeze3A_248, %squeeze3A_254 : f32
    %select_n3A_349 = arith.select %or3A_345, %squeeze3A_250, %squeeze3A_256 : f32
    %gt3A_350 = arith.cmpf ogt, %squeeze3A_260, %squeeze3A_266 : f32
    %eq3A_351 = arith.cmpf oeq, %squeeze3A_260, %squeeze3A_266 : f32
    %lt3A_352 = arith.cmpf olt, %squeeze3A_262, %squeeze3A_268 : f32
    %and3A_353 = arith.andi %eq3A_351, %lt3A_352 : i1
    %or3A_354 = arith.ori %gt3A_350, %and3A_353 : i1
    %broadcast_in_dim3A_355 = vector.broadcast %or3A_354 : i1 to vector<16xi1>
    %select_n3A_356 = arith.select %broadcast_in_dim3A_355, %get3A_258, %get3A_264 : vector<16xi1>, vector<16xf32>
    %select_n3A_357 = arith.select %or3A_354, %squeeze3A_260, %squeeze3A_266 : f32
    %select_n3A_358 = arith.select %or3A_354, %squeeze3A_262, %squeeze3A_268 : f32
    %gt3A_359 = arith.cmpf ogt, %squeeze3A_272, %squeeze3A_278 : f32
    %eq3A_360 = arith.cmpf oeq, %squeeze3A_272, %squeeze3A_278 : f32
    %lt3A_361 = arith.cmpf olt, %squeeze3A_274, %squeeze3A_280 : f32
    %and3A_362 = arith.andi %eq3A_360, %lt3A_361 : i1
    %or3A_363 = arith.ori %gt3A_359, %and3A_362 : i1
    %broadcast_in_dim3A_364 = vector.broadcast %or3A_363 : i1 to vector<16xi1>
    %select_n3A_365 = arith.select %broadcast_in_dim3A_364, %get3A_270, %get3A_276 : vector<16xi1>, vector<16xf32>
    %select_n3A_366 = arith.select %or3A_363, %squeeze3A_272, %squeeze3A_278 : f32
    %select_n3A_367 = arith.select %or3A_363, %squeeze3A_274, %squeeze3A_280 : f32
    %gt3A_368 = arith.cmpf ogt, %squeeze3A_284, %squeeze3A_290 : f32
    %eq3A_369 = arith.cmpf oeq, %squeeze3A_284, %squeeze3A_290 : f32
    %lt3A_370 = arith.cmpf olt, %squeeze3A_286, %squeeze3A_292 : f32
    %and3A_371 = arith.andi %eq3A_369, %lt3A_370 : i1
    %or3A_372 = arith.ori %gt3A_368, %and3A_371 : i1
    %broadcast_in_dim3A_373 = vector.broadcast %or3A_372 : i1 to vector<16xi1>
    %select_n3A_374 = arith.select %broadcast_in_dim3A_373, %get3A_282, %get3A_288 : vector<16xi1>, vector<16xf32>
    %select_n3A_375 = arith.select %or3A_372, %squeeze3A_284, %squeeze3A_290 : f32
    %select_n3A_376 = arith.select %or3A_372, %squeeze3A_286, %squeeze3A_292 : f32
    %gt3A_377 = arith.cmpf ogt, %squeeze3A_296, %squeeze3A_302 : f32
    %eq3A_378 = arith.cmpf oeq, %squeeze3A_296, %squeeze3A_302 : f32
    %lt3A_379 = arith.cmpf olt, %squeeze3A_298, %squeeze3A_304 : f32
    %and3A_380 = arith.andi %eq3A_378, %lt3A_379 : i1
    %or3A_381 = arith.ori %gt3A_377, %and3A_380 : i1
    %broadcast_in_dim3A_382 = vector.broadcast %or3A_381 : i1 to vector<16xi1>
    %select_n3A_383 = arith.select %broadcast_in_dim3A_382, %get3A_294, %get3A_300 : vector<16xi1>, vector<16xf32>
    %select_n3A_384 = arith.select %or3A_381, %squeeze3A_296, %squeeze3A_302 : f32
    %select_n3A_385 = arith.select %or3A_381, %squeeze3A_298, %squeeze3A_304 : f32
    %gt3A_386 = arith.cmpf ogt, %squeeze3A_308, %squeeze3A_314 : f32
    %eq3A_387 = arith.cmpf oeq, %squeeze3A_308, %squeeze3A_314 : f32
    %lt3A_388 = arith.cmpf olt, %squeeze3A_310, %squeeze3A_316 : f32
    %and3A_389 = arith.andi %eq3A_387, %lt3A_388 : i1
    %or3A_390 = arith.ori %gt3A_386, %and3A_389 : i1
    %broadcast_in_dim3A_391 = vector.broadcast %or3A_390 : i1 to vector<16xi1>
    %select_n3A_392 = arith.select %broadcast_in_dim3A_391, %get3A_306, %get3A_312 : vector<16xi1>, vector<16xf32>
    %select_n3A_393 = arith.select %or3A_390, %squeeze3A_308, %squeeze3A_314 : f32
    %select_n3A_394 = arith.select %or3A_390, %squeeze3A_310, %squeeze3A_316 : f32
    %gt3A_395 = arith.cmpf ogt, %squeeze3A_320, %squeeze3A_326 : f32
    %eq3A_396 = arith.cmpf oeq, %squeeze3A_320, %squeeze3A_326 : f32
    %lt3A_397 = arith.cmpf olt, %squeeze3A_322, %squeeze3A_328 : f32
    %and3A_398 = arith.andi %eq3A_396, %lt3A_397 : i1
    %or3A_399 = arith.ori %gt3A_395, %and3A_398 : i1
    %broadcast_in_dim3A_400 = vector.broadcast %or3A_399 : i1 to vector<16xi1>
    %select_n3A_401 = arith.select %broadcast_in_dim3A_400, %get3A_318, %get3A_324 : vector<16xi1>, vector<16xf32>
    %select_n3A_402 = arith.select %or3A_399, %squeeze3A_320, %squeeze3A_326 : f32
    %select_n3A_403 = arith.select %or3A_399, %squeeze3A_322, %squeeze3A_328 : f32
    %gt3A_404 = arith.cmpf ogt, %squeeze3A_332, %squeeze3A_338 : f32
    %eq3A_405 = arith.cmpf oeq, %squeeze3A_332, %squeeze3A_338 : f32
    %lt3A_406 = arith.cmpf olt, %squeeze3A_334, %squeeze3A_340 : f32
    %and3A_407 = arith.andi %eq3A_405, %lt3A_406 : i1
    %or3A_408 = arith.ori %gt3A_404, %and3A_407 : i1
    %broadcast_in_dim3A_409 = vector.broadcast %or3A_408 : i1 to vector<16xi1>
    %select_n3A_410 = arith.select %broadcast_in_dim3A_409, %get3A_330, %get3A_336 : vector<16xi1>, vector<16xf32>
    %select_n3A_411 = arith.select %or3A_408, %squeeze3A_332, %squeeze3A_338 : f32
    %select_n3A_412 = arith.select %or3A_408, %squeeze3A_334, %squeeze3A_340 : f32
    %gt3A_413 = arith.cmpf ogt, %select_n3A_348, %select_n3A_357 : f32
    %eq3A_414 = arith.cmpf oeq, %select_n3A_348, %select_n3A_357 : f32
    %lt3A_415 = arith.cmpf olt, %select_n3A_349, %select_n3A_358 : f32
    %and3A_416 = arith.andi %eq3A_414, %lt3A_415 : i1
    %or3A_417 = arith.ori %gt3A_413, %and3A_416 : i1
    %broadcast_in_dim3A_418 = vector.broadcast %or3A_417 : i1 to vector<16xi1>
    %select_n3A_419 = arith.select %broadcast_in_dim3A_418, %select_n3A_347, %select_n3A_356 : vector<16xi1>, vector<16xf32>
    %select_n3A_420 = arith.select %or3A_417, %select_n3A_348, %select_n3A_357 : f32
    %select_n3A_421 = arith.select %or3A_417, %select_n3A_349, %select_n3A_358 : f32
    %gt3A_422 = arith.cmpf ogt, %select_n3A_366, %select_n3A_375 : f32
    %eq3A_423 = arith.cmpf oeq, %select_n3A_366, %select_n3A_375 : f32
    %lt3A_424 = arith.cmpf olt, %select_n3A_367, %select_n3A_376 : f32
    %and3A_425 = arith.andi %eq3A_423, %lt3A_424 : i1
    %or3A_426 = arith.ori %gt3A_422, %and3A_425 : i1
    %broadcast_in_dim3A_427 = vector.broadcast %or3A_426 : i1 to vector<16xi1>
    %select_n3A_428 = arith.select %broadcast_in_dim3A_427, %select_n3A_365, %select_n3A_374 : vector<16xi1>, vector<16xf32>
    %select_n3A_429 = arith.select %or3A_426, %select_n3A_366, %select_n3A_375 : f32
    %select_n3A_430 = arith.select %or3A_426, %select_n3A_367, %select_n3A_376 : f32
    %gt3A_431 = arith.cmpf ogt, %select_n3A_384, %select_n3A_393 : f32
    %eq3A_432 = arith.cmpf oeq, %select_n3A_384, %select_n3A_393 : f32
    %lt3A_433 = arith.cmpf olt, %select_n3A_385, %select_n3A_394 : f32
    %and3A_434 = arith.andi %eq3A_432, %lt3A_433 : i1
    %or3A_435 = arith.ori %gt3A_431, %and3A_434 : i1
    %broadcast_in_dim3A_436 = vector.broadcast %or3A_435 : i1 to vector<16xi1>
    %select_n3A_437 = arith.select %broadcast_in_dim3A_436, %select_n3A_383, %select_n3A_392 : vector<16xi1>, vector<16xf32>
    %select_n3A_438 = arith.select %or3A_435, %select_n3A_384, %select_n3A_393 : f32
    %select_n3A_439 = arith.select %or3A_435, %select_n3A_385, %select_n3A_394 : f32
    %gt3A_440 = arith.cmpf ogt, %select_n3A_402, %select_n3A_411 : f32
    %eq3A_441 = arith.cmpf oeq, %select_n3A_402, %select_n3A_411 : f32
    %lt3A_442 = arith.cmpf olt, %select_n3A_403, %select_n3A_412 : f32
    %and3A_443 = arith.andi %eq3A_441, %lt3A_442 : i1
    %or3A_444 = arith.ori %gt3A_440, %and3A_443 : i1
    %broadcast_in_dim3A_445 = vector.broadcast %or3A_444 : i1 to vector<16xi1>
    %select_n3A_446 = arith.select %broadcast_in_dim3A_445, %select_n3A_401, %select_n3A_410 : vector<16xi1>, vector<16xf32>
    %select_n3A_447 = arith.select %or3A_444, %select_n3A_402, %select_n3A_411 : f32
    %select_n3A_448 = arith.select %or3A_444, %select_n3A_403, %select_n3A_412 : f32
    %gt3A_449 = arith.cmpf ogt, %select_n3A_420, %select_n3A_429 : f32
    %eq3A_450 = arith.cmpf oeq, %select_n3A_420, %select_n3A_429 : f32
    %lt3A_451 = arith.cmpf olt, %select_n3A_421, %select_n3A_430 : f32
    %and3A_452 = arith.andi %eq3A_450, %lt3A_451 : i1
    %or3A_453 = arith.ori %gt3A_449, %and3A_452 : i1
    %broadcast_in_dim3A_454 = vector.broadcast %or3A_453 : i1 to vector<16xi1>
    %select_n3A_455 = arith.select %broadcast_in_dim3A_454, %select_n3A_419, %select_n3A_428 : vector<16xi1>, vector<16xf32>
    %select_n3A_456 = arith.select %or3A_453, %select_n3A_420, %select_n3A_429 : f32
    %select_n3A_457 = arith.select %or3A_453, %select_n3A_421, %select_n3A_430 : f32
    %gt3A_458 = arith.cmpf ogt, %select_n3A_438, %select_n3A_447 : f32
    %eq3A_459 = arith.cmpf oeq, %select_n3A_438, %select_n3A_447 : f32
    %lt3A_460 = arith.cmpf olt, %select_n3A_439, %select_n3A_448 : f32
    %and3A_461 = arith.andi %eq3A_459, %lt3A_460 : i1
    %or3A_462 = arith.ori %gt3A_458, %and3A_461 : i1
    %broadcast_in_dim3A_463 = vector.broadcast %or3A_462 : i1 to vector<16xi1>
    %select_n3A_464 = arith.select %broadcast_in_dim3A_463, %select_n3A_437, %select_n3A_446 : vector<16xi1>, vector<16xf32>
    %select_n3A_465 = arith.select %or3A_462, %select_n3A_438, %select_n3A_447 : f32
    %select_n3A_466 = arith.select %or3A_462, %select_n3A_439, %select_n3A_448 : f32
    %gt3A_467 = arith.cmpf ogt, %select_n3A_456, %select_n3A_465 : f32
    %eq3A_468 = arith.cmpf oeq, %select_n3A_456, %select_n3A_465 : f32
    %lt3A_469 = arith.cmpf olt, %select_n3A_457, %select_n3A_466 : f32
    %and3A_470 = arith.andi %eq3A_468, %lt3A_469 : i1
    %or3A_471 = arith.ori %gt3A_467, %and3A_470 : i1
    %broadcast_in_dim3A_472 = vector.broadcast %or3A_471 : i1 to vector<16xi1>
    %select_n3A_473 = arith.select %broadcast_in_dim3A_472, %select_n3A_455, %select_n3A_464 : vector<16xi1>, vector<16xf32>
    %select_n3A_474 = arith.select %or3A_471, %select_n3A_456, %select_n3A_465 : f32
    %select_n3A_475 = arith.select %or3A_471, %select_n3A_457, %select_n3A_466 : f32
    %convert_element_type3A_476 = arith.fptosi %select_n3A_475 : f32 to i32
    %slice3A_477 = vector.extract_strided_slice %select_n3A_473 {offsets = [2], sizes = [1], strides = [1]} : vector<16xf32> to vector<1xf32>
    %squeeze3A_478 = vector.extract %slice3A_477[0] : f32 from vector<1xf32>
    %broadcast_in_dim3A_479 = vector.broadcast %squeeze3A_478 : f32 to vector<16xf32>
    %slice3A_480 = vector.extract_strided_slice %select_n3A_473 {offsets = [3], sizes = [1], strides = [1]} : vector<16xf32> to vector<1xf32>
    %squeeze3A_481 = vector.extract %slice3A_480[0] : f32 from vector<1xf32>
    %broadcast_in_dim3A_482 = vector.broadcast %squeeze3A_481 : f32 to vector<16xf32>
    %slice3A_483 = vector.extract_strided_slice %select_n3A_473 {offsets = [4], sizes = [1], strides = [1]} : vector<16xf32> to vector<1xf32>
    %squeeze3A_484 = vector.extract %slice3A_483[0] : f32 from vector<1xf32>
    %broadcast_in_dim3A_485 = vector.broadcast %squeeze3A_484 : f32 to vector<16xf32>
    %broadcast_in_dim3A_486 = arith.constant 8191 : i32
    %broadcast_in_dim3A_487 = vector.broadcast %broadcast_in_dim3A_486 : i32 to vector<16xi32>
    %broadcast_in_dim3A_488 = vector.broadcast %convert_element_type3A_476 : i32 to vector<16xi32>
    tpu.vector_store_idx %arg12[%broadcast_in_dim3A_487], %broadcast_in_dim3A_488 masked %eq3A_23 : memref<8192xi32, #tpu.memory_space<vmem>>[vector<16xi32>], vector<16xi32>, vector<16xi1>
    %eq3A_489 = arith.constant 0 : i32
    %eq3A_490 = arith.cmpi eq, %arg0, %eq3A_489 : i32
    %eq3A_491 = arith.constant 0 : i32
    %eq3A_492 = arith.cmpi eq, %arg1, %eq3A_491 : i32
    %and3A_493 = arith.andi %eq3A_490, %eq3A_492 : i1
    %convert_element_type3A_494 = arith.extui %and3A_493 : i1 to i32
    %cond3A = arith.constant 0 : i32
    %cond3A_495 = arith.cmpi ne, %convert_element_type3A_494, %cond3A : i32
    scf.if %cond3A_495 {
      "tpu.region"() ({
        %run_scoped3A_496 = tpu.sem_alloc : memref<!tpu.dma_semaphore, #tpu.memory_space<semaphore_mem>>
        tpu.enqueue_dma source(%arg12 : memref<8192xi32, #tpu.memory_space<vmem>>) target(%arg5 : memref<8192xi32, #tpu.memory_space<hbm>>) target_semaphore(%run_scoped3A_496 : memref<!tpu.dma_semaphore, #tpu.memory_space<semaphore_mem>>)
        tpu.wait_dma2 semaphore(%run_scoped3A_496 : memref<!tpu.dma_semaphore, #tpu.memory_space<semaphore_mem>>) src(%arg12 : memref<8192xi32, #tpu.memory_space<vmem>>) dst(%arg5 : memref<8192xi32, #tpu.memory_space<hbm>>)
        tpu.yield
      }) : () -> ()
    } else {
    }
    return
  }
}

</mosaic_0001>

<sc_bundles>
// kernel: kernel.3.cloned.1.call-start
scs
__scs_entry_jumppad:
0x0: {  	(pc) =	sbr.rel $0x88, $3  }
0x1: {  	(tag) =	ssettag $0x0;
	lr =	simm.s32 $0x1  }
0x2: {  	[smem:$0x3FA0] =	sst lr;
	_ =	strace $0xD0000000  }
0x3: {  	_ = 	snop  }
0x4: {  	_ = 	snop  }
0x5: {  	_ = 	snop  }
0x6: {  	_ = 	snop  }
0x7: {  	_ = 	snop  }
__scs_overlays_trampoline_lowered:
0x8: {  	[smem:$0x3FAF] =	sst s0  }
0x9: {  	[smem:$0x3FB0] =	sst s1  }
0xa: {  	[smem:$0x3FB1] =	sst s2  }
0xb: {  	[smem:$0x3FB2] =	sst s3  }
0xc: {  	[smem:$0x3FB3] =	sst s4  }
0xd: {  	[smem:$0x3FB4] =	sst s5  }
0xe: {  	[smem:$0x3FB5] =	sst s6  }
0xf: {  	[smem:$0x3FB6] =	sst s7  }
0x10: {  	[smem:$0x3FB7] =	sst s8  }
0x11: {  	[smem:$0x3FB8] =	sst s9;
	s0 =	simm.s32 @!p0 $0x0  }
0x12: {  	s1 =	sld [smem:$0x3F9E];
	s0 =	simm.s32 @p0 $0x1  }
0x13: {  	[smem:$0x3FB9] =	sst s0;
	s0 =	simm.s32 @!p1 $0x0  }
0x14: {  	s2 =	sld [smem:$0x3F9D];
	s0 =	simm.s32 @p1 $0x1  }
0x15: {  	[smem:$0x3FBA] =	sst s0;
	s0 =	simm.s32 @!p2 $0x0  }
0x16: {  	s3 =	sld [smem:$0x3FDB];
	s0 =	simm.s32 @p2 $0x1  }
0x17: {  	s4 =	simm.s32 $0x1BF5;
	[smem:$0x3FBC] =	sst s0  }
0x18: {  	s0 =	sld [smem:$0x3F9F];
	_ =	swait.ge [sflag:s4], $0x0  }
0x19: {  	s7 =	sld [smem:$0x3FA0]  }
0x1a: {  	s8 =	sadd.s32 $0xFFFFE003, lr  }
0x1b: {  	s9 =	sadd.s32 $0xFFFFFEF7, lr;
	s5 =	simm.s32 $0xFFFFFFFF;
	p2 =	slt.u32 s8, $0xFFFFF086  }
0x1c: {  	p1 =	slt.u32 s9, $0xF7A;
	s5 =	simm.s32 @!p2 $0x0  }
0x1d: {  	s5 =	simm.s32 @p1 $0x1;
	p0 =	seq.s32 s7, s2  }
0x1e: {  	s7 =	smul.u32 @!p0 $0xF7A, s2;
	p2 =	seq.s32 @!p0 s5, $0x0  }
0x1f: {  	s9 =	smul.u32 $0xF7A, s1;
	s8 =	simm.s32 @!p0 $0x1BF5;
	p2 =	por !p2, p0  }
0x20: {  	[sflag:s8] =	ssyncset.s32 @!p0 $0xFFFFF086;
	s6 =	sadd.s32 @!p0 s3, s7;
	s7 =	simm.s32 @!p0 $0x108  }
0x21: {  	s3 =	sadd.s32 s3, s9;
	s6 =	sadd.s32 @!p0 $0x88, s6;
	s7 =	simm.s32 @p2 $0x1082  }
0x22: {  	[simem:s7], [sflag:s8] =	dma.local @!p0 [hbm:s6], $0xF7A  }
0x23: {  	s9 =	sor.u32 $0xD0000000, s2;
	s6 =	simm.s32 $0x108;
	_ =	swait.ge @!p0 [sflag:s8], $0x0  }
0x24: {  	s3 =	sadd.s32 $0x88, s3;
	s6 =	simm.s32 @!p1 $0x1082;
	[sflag:s4] =	ssyncset.s32 $0xFFFFF086  }
0x25: {  	[simem:s6], [sflag:s4] =	dma.local [hbm:s3], $0xF7A  }
0x26: {  	[smem:$0x3FA0] =	sst s1;
	(tag) =	ssettag s2;
	_ =	strace s9  }
0x27: {  	s1 =	sld [smem:$0x3FB0]  }
0x28: {  	s2 =	sld [smem:$0x3FB1]  }
0x29: {  	s4 =	sld [smem:$0x3FB3]  }
0x2a: {  	p0 =	seq.s32 s5, $0x0;
	s5 =	sld [smem:$0x3FB4]  }
0x2b: {  	s6 =	sld [smem:$0x3FB5]  }
0x2c: {  	s7 =	sld [smem:$0x3FB6]  }
0x2d: {  	s3 =	simm.s32 $0x108;
	s8 =	sld [smem:$0x3FB7]  }
0x2e: {  	s3 =	simm.s32 @!p0 $0x1082;
	s9 =	sld [smem:$0x3FB8]  }
0x2f: {  	lr =	sadd.s32 s0, s3;
	s0 =	sld [smem:$0x3FAF]  }
0x30: {  	s3 =	sld [smem:$0x3FB2]  }
0x31: {  	[smem:$0x3FBB] =	sst s10  }
0x32: {  	s10 =	sld [smem:$0x3FB9];
	_ =	sdelay $0x3  }
0x33: {  	p0 =	seq.s32 s10, $0x1;
	s10 =	sld [smem:$0x3FBB];
	_ =	sdelay $0x3  }
0x34: {  	[smem:$0x3FBB] =	sst s10  }
0x35: {  	s10 =	sld [smem:$0x3FBA];
	_ =	sdelay $0x3  }
0x36: {  	p1 =	seq.s32 s10, $0x1;
	s10 =	sld [smem:$0x3FBB];
	_ =	sdelay $0x3  }
0x37: {  	[smem:$0x3FBB] =	sst s10  }
0x38: {  	s10 =	sld [smem:$0x3FBC]  }
0x39: {  	_ = 	snop;
	(pc) =	sbr.ind lr, $3  }
0x3a: {  	_ = 	snop  }
0x3b: {  	_ = 	snop  }
0x3c: {  	p2 =	seq.s32 s10, $0x1;
	s10 =	sld [smem:$0x3FBB]  }
0x3d: {  	_ =	shalt  }
0x3e: {  	_ =	shalt  }
0x3f: {  	_ =	shalt  }
0x40: {  	_ =	shalt  }
0x41: {  	_ =	shalt  }
0x42: {  	_ =	shalt  }
0x43: {  	_ =	shalt  }
0x44: {  	_ =	shalt  }
0x45: {  	_ =	shalt  }
0x46: {  	_ =	shalt  }
0x47: {  	_ =	shalt  }
0x48: {  	_ =	shalt  }
0x49: {  	_ =	shalt  }
0x4a: {  	_ =	shalt  }
0x4b: {  	_ =	shalt  }
0x4c: {  	_ =	shalt  }
0x4d: {  	_ =	shalt  }
0x4e: {  	_ =	shalt  }
0x4f: {  	_ =	shalt  }
0x50: {  	_ =	shalt  }
0x51: {  	_ =	shalt  }
0x52: {  	_ =	shalt  }
0x53: {  	_ =	shalt  }
0x54: {  	_ =	shalt  }
0x55: {  	_ =	shalt  }
0x56: {  	_ =	shalt  }
0x57: {  	_ =	shalt  }
0x58: {  	_ =	shalt  }
0x59: {  	_ =	shalt  }
0x5a: {  	_ =	shalt  }
0x5b: {  	_ =	shalt  }
0x5c: {  	_ =	shalt  }
0x5d: {  	_ =	shalt  }
0x5e: {  	_ =	shalt  }
0x5f: {  	_ =	shalt  }
0x60: {  	_ =	shalt  }
0x61: {  	_ =	shalt  }
0x62: {  	_ =	shalt  }
0x63: {  	_ =	shalt  }
0x64: {  	_ =	shalt  }
0x65: {  	_ =	shalt  }
0x66: {  	_ =	shalt  }
0x67: {  	_ =	shalt  }
0x68: {  	_ =	shalt  }
0x69: {  	_ =	shalt  }
0x6a: {  	_ =	shalt  }
0x6b: {  	_ =	shalt  }
0x6c: {  	_ =	shalt  }
0x6d: {  	_ =	shalt  }
0x6e: {  	_ =	shalt  }
0x6f: {  	_ =	shalt  }
0x70: {  	_ =	shalt  }
0x71: {  	_ =	shalt  }
0x72: {  	_ =	shalt  }
0x73: {  	_ =	shalt  }
0x74: {  	_ =	shalt  }
0x75: {  	_ =	shalt  }
0x76: {  	_ =	shalt  }
0x77: {  	_ =	shalt  }
0x78: {  	_ =	shalt  }
0x79: {  	_ =	shalt  }
0x7a: {  	_ =	shalt  }
0x7b: {  	_ =	shalt  }
0x7c: {  	_ =	shalt  }
0x7d: {  	_ =	shalt  }
0x7e: {  	_ =	shalt  }
0x7f: {  	_ =	shalt  }
0x80: {  	_ =	shalt  }
0x81: {  	_ =	shalt  }
0x82: {  	_ =	shalt  }
0x83: {  	_ =	shalt  }
0x84: {  	_ =	shalt  }
0x85: {  	_ =	shalt  }
0x86: {  	_ =	shalt  }
0x87: {  	_ =	shalt  }
.Lfunc_end0:
.L_simem_size_0:
called_computation_lowered:
.L_overlay_start_0:
0x88: {  	s2 =	sld [smem:$0x3FD9]  }
0x89: {  	s3 =	sld [smem:$0x3FFE];
	_ =	sdelay $0x1  }
0x8a: {  	s1 =	srdreg.scid  }
0x8b: {  	s0 =	sand.u32 $0x1, s1  }
0x8c: {  	s17 =	sshll.u32 s0, $0xA;
	s2 =	sadd.s32 s3, s2  }
0x8d: {  	s2 =	sadd.s32 s2, s17  }
0x8e: {  	[smem:$0x3FC7] =	sst s2  }
0x8f: {  	_ = 	snop  }
0x90: {  	s2 =	sld [smem:$0x3FD0];
	(tm) =	ssettm $0x1  }
0x91: {  	s18 =	sld [smem:$0x3FFB];
	_ =	sdelay $0x3  }
0x92: {  	_ =	strace s18  }
0x93: {  	s3 =	sld [smem:$0x3FFC];
	_ =	sdelay $0x3  }
0x94: {  	_ =	strace s3  }
0x95: {  	s3 =	sld [smem:$0x3FFD];
	_ =	sdelay $0x3  }
0x96: {  	_ =	strace s3  }
0x97: {  	_ =	strace $0x8FFFFFFF  }
0x98: {  	s19 =	sld [smem:$0x3FDB];
	_ =	sdelay $0x1  }
0x99: {  	s4 =	simm.s32 $_scs_section_size  }
0x9a: {  	s5 =	simm.s32 $_size__tile_overlayer_lowered;
	s6 =	simm.s32 $_tile_overlayer_lowered  }
0x9b: {  	s22 =	simm.s32 $0x1BFF;
	s21 =	sshll.u32 s6, $0x1;
	s3 =	sadd.s32 s4, s19  }
0x9c: {  	s7 =	simm.s32 $0x0;
	s20 =	sshll.u32 s5, $0x1;
	s5 =	sadd.s32 s21, s3  }
0x9d: {  	[timem:s7], [sflag:s22] =	dma.local [hbm:s5], s20  }
0x9e: {  	_ =	swait.ge [sflag:s22], s20  }
0x9f: {  	s4 =	ssub.s32 $0x0, s20;
	[sflag:s22] =	ssyncset.done $0x0  }
0xa0: {  	[sflag:s22] =	ssyncadd.s32 s4;
	_ =	sdelay $0x1  }
0xa1: {  	s23 =	simm.s32 $0x1B8B  }
0xa2: {  	_ =	swait.ge [sflag:s23], $0x1  }
0xa3: {  	[sflag:s23] =	ssyncset.done $0x0  }
0xa4: {  	s25 =	simm.s32 $0x1B8E;
	s24 =	sld [smem:$0x3FFE];
	[sflag:s23] =	ssyncadd.s32 $0xFFFFFFFF  }
0xa5: {  	s26 =	simm.s32 $execute0_lowered;
	[smem:$0x3FD2] =	sst s25  }
0xa6: {  	s5 =	sshll.u32 s26, $0x1;
	_ =	strace $0x80000046;
	[dreg:$0x1] =	wrdreg $0xFFFFFFFF  }
0xa7: {  	s28 =	simm.s32 $_size_execute0_lowered;
	s3 =	sadd.s32 s3, s5;
	[dreg:$0x0] =	wrdreg $0x0  }
0xa8: {  	s5 =	sshll.u32 s28, $0x1;
	[dreg:$0x2] =	wrdreg s3  }
0xa9: {  	[dreg:$0x3] =	wrdreg s5  }
0xaa: {  	[dreg:$0x4] =	wrdreg $0xC0  }
0xab: {  	_ =	task [dreg:s7], $0x5FFFF  }
0xac: {  	[dreg:$0x1] =	wrdreg $0xFFFFFFFF  }
0xad: {  	[dreg:$0x0] =	wrdreg $0x60  }
0xae: {  	[dreg:$0x2] =	wrdreg s24  }
0xaf: {  	[dreg:$0x3] =	wrdreg s2  }
0xb0: {  	[dreg:$0x4] =	wrdreg $0x41800  }
0xb1: {  	[dreg:$0x5] =	wrdreg $0x9  }
0xb2: {  	_ =	task.clear_ibuf [dreg:s7], $0x6FFFF;
	_ =	strace $0x90000046  }
0xb3: {  	s29 =	simm.s32 $0x9;
	_ =	strace $0x80000048  }
0xb4: {  	_ =	swait.ge [sflag:s29], $0x1  }
0xb5: {  	[sflag:s29] =	ssyncadd.s32 $0xFFFFFFFF  }
0xb6: {  	_ =	strace $0x90000048  }
0xb7: {  	_ =	sfence  }
0xb8: {  	s30 =	sld [smem:$0x0];
	_ =	sdelay $0x2  }
0xb9: {  	s31 =	sshll.u32 s1, $0xD;
	s1 =	sshrl.u32 s1, $0x2  }
0xba: {  	s3 =	sand.u32 $0x4000, s31;
	s1 =	sadd.s32 s1, s30  }
0xbb: {  	s0 =	sor.u32 s3, s0;
	s1 =	sshll.u32 s1, $0x11  }
0xbc: {  	s0 =	sor.u32 s1, s0  }
0xbd: {  	s0 =	sadd.s32 $0x8F2B, s0  }
0xbe: {  	[sflag:s0] =	ssyncadd.remote.s32 $0x1  }
0xbf: {  	_ =	sfence.sel $0xFFFF  }
0xc0: {  	[dreg:$0x0] =	wrdreg $0xFFFFFFFF;
	(pc) =	sbr.abs _section_cstart, $3  }
0xc1: {  	[dreg:$0x1] =	wrdreg $0xFFFFFFFF  }
0xc2: {  	_ =	task.clear_ibuf [dreg:s7], $0x2FFFF;
	_ =	strace $0x9FFFFFFF  }
0xc3: {  	(tm) =	ssettm $0x7FFFFFFF  }
tec
execute0_lowered:
.L_overlay_start_1:
0x0: {  	(tag) =	ssettag $0x1  }
0x1: {  	v0 =	vimm.f32 $+Inf;
	v1 =	vimm.s32 $0x0  }
0x2: {  	v2 =	vimm.f32 $1.500000000e+01;
	vm14 =	vcmask $0x300;
	v3 =	vimm.f32 $3.100000000e+01  }
0x3: {  	vm13 =	vcmask $0x704;
	vm12 =	vcmask $0xB08;
	vm11 =	vcmask $0xF0C  }
0x4: {  	vm0 =	vcmask $0x1310;
	vm10 =	vcmask $0x1714;
	vm9 =	vcmask $0x1B18  }
0x5: {  	vm8 =	vcmask $0x1F1C;
	vm7 =	vcmask $0x2320;
	vm6 =	vcmask $0x2724  }
0x6: {  	vm5 =	vcmask $0x2B28;
	vm4 =	vcmask $0x2F2C;
	vm3 =	vcmask $0x3330  }
0x7: {  	vm2 =	vcmask $0x3734;
	vm1 =	vcmask $0x3B38;
	v4 =	vimm.f32 $4.700000000e+01  }
0x8: {  	v5 =	vimm.f32 $6.300000000e+01;
	v6 =	vimm.f32 $7.900000000e+01;
	v7 =	vimm.f32 $9.500000000e+01  }
0x9: {  	v8 =	vimm.f32 $1.110000000e+02;
	v9 =	vimm.f32 $1.270000000e+02;
	v10 =	vlaneseq.u32  }
0xa: {  	v11 =	vimm.s32 $0x1FFF;
	v2 =	vsel vm14, $0x0, v2;
	v3 =	vsel vm14, $0x41800000, v3  }
0xb: {  	v4 =	vsel vm14, $0x42000000, v4;
	v5 =	vsel vm14, $0x42400000, v5;
	v6 =	vsel vm14, $0x42800000, v6  }
0xc: {  	v7 =	vsel vm14, $0x42A00000, v7;
	v8 =	vsel vm14, $0x42C00000, v8;
	v9 =	vsel vm14, $0x42E00000, v9  }
0xd: {  	v2 =	vsel vm13, $0x3F800000, v2;
	v3 =	vsel vm13, $0x41880000, v3;
	v4 =	vsel vm13, $0x42040000, v4  }
0xe: {  	v5 =	vsel vm13, $0x42440000, v5;
	v6 =	vsel vm13, $0x42820000, v6;
	v7 =	vsel vm13, $0x42A20000, v7  }
0xf: {  	v8 =	vsel vm13, $0x42C20000, v8;
	v9 =	vsel vm13, $0x42E20000, v9;
	v2 =	vsel vm12, $0x40000000, v2  }
0x10: {  	v3 =	vsel vm12, $0x41900000, v3;
	v4 =	vsel vm12, $0x42080000, v4;
	v5 =	vsel vm12, $0x42480000, v5  }
0x11: {  	v6 =	vsel vm12, $0x42840000, v6;
	v7 =	vsel vm12, $0x42A40000, v7;
	v8 =	vsel vm12, $0x42C40000, v8  }
0x12: {  	v9 =	vsel vm12, $0x42E40000, v9;
	v2 =	vsel vm11, $0x40400000, v2;
	v3 =	vsel vm11, $0x41980000, v3  }
0x13: {  	v4 =	vsel vm11, $0x420C0000, v4;
	v5 =	vsel vm11, $0x424C0000, v5;
	v6 =	vsel vm11, $0x42860000, v6  }
0x14: {  	v7 =	vsel vm11, $0x42A60000, v7;
	v8 =	vsel vm11, $0x42C60000, v8;
	v9 =	vsel vm11, $0x42E60000, v9  }
0x15: {  	v2 =	vsel vm0, $0x40800000, v2;
	v3 =	vsel vm0, $0x41A00000, v3;
	v4 =	vsel vm0, $0x42100000, v4  }
0x16: {  	v5 =	vsel vm0, $0x42500000, v5;
	v6 =	vsel vm0, $0x42880000, v6;
	v7 =	vsel vm0, $0x42A80000, v7  }
0x17: {  	v8 =	vsel vm0, $0x42C80000, v8;
	v9 =	vsel vm0, $0x42E80000, v9;
	v2 =	vsel vm10, $0x40A00000, v2  }
0x18: {  	v3 =	vsel vm10, $0x41A80000, v3;
	v4 =	vsel vm10, $0x42140000, v4;
	v5 =	vsel vm10, $0x42540000, v5  }
0x19: {  	v6 =	vsel vm10, $0x428A0000, v6;
	v7 =	vsel vm10, $0x42AA0000, v7;
	v8 =	vsel vm10, $0x42CA0000, v8  }
0x1a: {  	v9 =	vsel vm10, $0x42EA0000, v9;
	v2 =	vsel vm9, $0x40C00000, v2;
	v3 =	vsel vm9, $0x41B00000, v3  }
0x1b: {  	v4 =	vsel vm9, $0x42180000, v4;
	v5 =	vsel vm9, $0x42580000, v5;
	v6 =	vsel vm9, $0x428C0000, v6  }
0x1c: {  	v7 =	vsel vm9, $0x42AC0000, v7;
	v8 =	vsel vm9, $0x42CC0000, v8;
	v9 =	vsel vm9, $0x42EC0000, v9  }
0x1d: {  	v2 =	vsel vm8, $0x40E00000, v2;
	v3 =	vsel vm8, $0x41B80000, v3;
	v4 =	vsel vm8, $0x421C0000, v4  }
0x1e: {  	v5 =	vsel vm8, $0x425C0000, v5;
	v6 =	vsel vm8, $0x428E0000, v6;
	v7 =	vsel vm8, $0x42AE0000, v7  }
0x1f: {  	v8 =	vsel vm8, $0x42CE0000, v8;
	v9 =	vsel vm8, $0x42EE0000, v9;
	v2 =	vsel vm7, $0x41000000, v2  }
0x20: {  	v3 =	vsel vm7, $0x41C00000, v3;
	v4 =	vsel vm7, $0x42200000, v4;
	v5 =	vsel vm7, $0x42600000, v5  }
0x21: {  	v6 =	vsel vm7, $0x42900000, v6;
	v7 =	vsel vm7, $0x42B00000, v7;
	v8 =	vsel vm7, $0x42D00000, v8  }
0x22: {  	v9 =	vsel vm7, $0x42F00000, v9;
	v2 =	vsel vm6, $0x41100000, v2;
	v3 =	vsel vm6, $0x41C80000, v3  }
0x23: {  	s0 =	rddreg [dreg:$0x0];
	v4 =	vsel vm6, $0x42240000, v4;
	v5 =	vsel vm6, $0x42640000, v5;
	v6 =	vsel vm6, $0x42920000, v6  }
0x24: {  	s6 =	rddreg [dreg:$0x2];
	v7 =	vsel vm6, $0x42B20000, v7;
	v8 =	vsel vm6, $0x42D20000, v8;
	v9 =	vsel vm6, $0x42F20000, v9  }
0x25: {  	s2 =	simm.s32 $0x0;
	s1 =	srdreg.scid;
	s9 =	stileid.u32;
	v2 =	vsel vm5, $0x41200000, v2;
	v3 =	vsel vm5, $0x41D00000, v3;
	v4 =	vsel vm5, $0x42280000, v4  }
0x26: {  	s17 =	simm.s32 $0x1;
	s20 =	simm.s32 $0x2180;
	[smem:$0x7FF] =	sst s2;
	v5 =	vsel vm5, $0x42680000, v5;
	v6 =	vsel vm5, $0x42940000, v6;
	v7 =	vsel vm5, $0x42B40000, v7  }
0x27: {  	s1 =	sand.u32 $0x1, s1;
	s7 =	sadd.s32 $0x2600, s0;
	s10 =	sadd.s32 $0x1600, s0;
	v8 =	vsel vm5, $0x42D40000, v8;
	v9 =	vsel vm5, $0x42F40000, v9;
	v2 =	vsel vm4, $0x41300000, v2  }
0x28: {  	s11 =	sadd.s32 $0x600, s0;
	_ =	strace $0x80000047;
	[dreg:$0x4] =	wrdreg s7;
	v3 =	vsel vm4, $0x41D80000, v3;
	v4 =	vsel vm4, $0x422C0000, v4;
	v5 =	vsel vm4, $0x426C0000, v5  }
0x29: {  	s25 =	sshll.u32 s9, $0x5;
	s4 =	sshll.u32 s9, $0x4;
	[dreg:$0x5] =	wrdreg s10;
	v6 =	vsel vm4, $0x42960000, v6;
	v7 =	vsel vm4, $0x42B60000, v7;
	v8 =	vsel vm4, $0x42D60000, v8  }
0x2a: {  	s5 =	sshll.u32 s9, $0x8;
	s31 =	sadd.s32 $0x80, s6;
	[dreg:$0x6] =	wrdreg s11;
	v9 =	vsel vm4, $0x42F60000, v9;
	v2 =	vsel vm3, $0x41400000, v2;
	v3 =	vsel vm3, $0x41E00000, v3  }
0x2b: {  	s23 =	ssub.s32 $0x2, s1;
	s28 =	sadd.s32 s7, s5;
	[dreg:$0xc] =	wrdreg s31;
	v4 =	vsel vm3, $0x42300000, v4;
	v5 =	vsel vm3, $0x42700000, v5;
	v6 =	vsel vm3, $0x42980000, v6  }
0x2c: {  	s2 =	sand.u32 $0x100, s25;
	s29 =	sadd.s32 s10, s5;
	[dreg:$0x7] =	wrdreg s28;
	v7 =	vsel vm3, $0x42B80000, v7;
	v8 =	vsel vm3, $0x42D80000, v8;
	v9 =	vsel vm3, $0x42F80000, v9  }
0x2d: {  	s4 =	sand.u32 $0x70, s4;
	s30 =	sadd.s32 s11, s5;
	[dreg:$0x9] =	wrdreg s29;
	v2 =	vsel vm2, $0x41500000, v2;
	v3 =	vsel vm2, $0x41E80000, v3;
	v4 =	vsel vm2, $0x42340000, v4  }
0x2e: {  	s1 =	sor.u32 s9, s1;
	s2 =	sadd.s32 s2, s6;
	[dreg:$0xa] =	wrdreg s30;
	v5 =	vsel vm2, $0x42740000, v5;
	v6 =	vsel vm2, $0x429A0000, v6;
	v7 =	vsel vm2, $0x42BA0000, v7  }
0x2f: {  	s3 =	sshrl.u32 s23, $0x1;
	[dreg:$0xd] =	wrdreg s1;
	s2 =	sadd.s32 s4, s2;
	v8 =	vsel vm2, $0x42DA0000, v8;
	v9 =	vsel vm2, $0x42FA0000, v9;
	vm2 =	vcmask $0x3F0C  }
0x30: {  	s24 =	ssub.s32 s23, s3;
	[dreg:$0x8] =	wrdreg s2;
	s2 =	sadd.s32 $0x80, s2;
	v2 =	vsel vm1, $0x41600000, v2;
	v3 =	vsel vm1, $0x41F00000, v3;
	v4 =	vsel vm1, $0x42380000, v4  }
0x31: {  	s26 =	sshll.u32 s9, $0xB;
	s0 =	smax.u32 s24, $0x1;
	[dreg:$0xb] =	wrdreg s2;
	v5 =	vsel vm1, $0x42780000, v5;
	v6 =	vsel vm1, $0x429C0000, v6;
	v7 =	vsel vm1, $0x42BC0000, v7  }
0x32: {  	s8 =	scvt.s32.f32 s26;
	[dreg:$0xe] =	wrdreg s0;
	s2 =	simm.s32 $0x0;
	v8 =	vsel vm1, $0x42DC0000, v8;
	v9 =	vsel vm1, $0x42FC0000, v9;
	vm1 =	vcmask $0x3F10  }
.LBB2_1:
0x33: {  	[dreg:$0xf] =	wrdreg s2  }
0x34: {  	s0 =	simm.s32 $0x0;
	s1 =	rddreg [dreg:$0x7]  }
0x35: {  	[tilespmem:s0], [sflag:$0x1] =	stream.linear.gather [hbm4b:s1+s0], $0x800, $0x38;
	[tilespmem:$0x41A0] =	vst v63  }
0x36: {  	_ =	swait.ge [sflag:s17], $0x800  }
0x37: {  	[sflag:s17] =	ssyncset.done $0x0  }
0x38: {  	s29 =	simm.s32 $0x800;
	s28 =	rddreg [dreg:$0x9];
	[sflag:s17] =	ssyncadd.s32 $0xFFFFF800  }
0x39: {  	[tilespmem:s29], [sflag:$0x1] =	stream.linear.gather [hbm4b:s28+s0], $0x800, $0x38;
	[tilespmem:$0x41A0] =	vst v63  }
0x3a: {  	_ =	swait.ge [sflag:s17], $0x800  }
0x3b: {  	[sflag:s17] =	ssyncset.done $0x0  }
0x3c: {  	s31 =	simm.s32 $0x1000;
	s30 =	rddreg [dreg:$0xa];
	[sflag:s17] =	ssyncadd.s32 $0xFFFFF800  }
0x3d: {  	[tilespmem:s31], [sflag:$0x1] =	stream.linear.gather [hbm4b:s30+s0], $0x800, $0x38;
	[tilespmem:$0x41A0] =	vst v63  }
0x3e: {  	_ =	swait.ge [sflag:s17], $0x800  }
0x3f: {  	[sflag:s17] =	ssyncset.done $0x0  }
0x40: {  	s1 =	simm.s32 $0x0;
	s0 =	simm.s32 $0x40;
	[sflag:s17] =	ssyncadd.s32 $0xFFFFF800  }
.LBB2_2:
0x41: {  	p0 =	sne.s32 s0, $0x1FC0;
	[tilespmem:s1+$0x1800] =	vst v0;
	s1 =	smov.u32 s0;
	s0 =	sadd.s32 $0x40, s0  }
.Ltmp0:
0x42: {  	(pc) =	sbr.rel @p0 .LBB2_2-.Ltmp0, $2  }
0x43: {  	_ =	sdelay $0x2  }
0x44: {  	s1 =	sshra.s32 s1, $0x2  }
0x45: {  	[tilespmem:s1+$0x1800] =	vst v0;
	s2 =	simm.s32 $0x0;
	s0 =	rddreg [dreg:$0x4];
	s29 =	simm.s32 $0x2000  }
0x46: {  	[tilespmem:s29], [sflag:$0x1] =	stream.linear.gather [hbm4b:s0+s2], $0x10, $0x38;
	[tilespmem:$0x41A0] =	vst v63  }
0x47: {  	_ =	swait.ge [sflag:s17], $0x10  }
0x48: {  	[sflag:s17] =	ssyncset.done $0x0  }
0x49: {  	s30 =	rddreg [dreg:$0x5];
	[sflag:s17] =	ssyncadd.s32 $0xFFFFFFF0  }
0x4a: {  	v13 =	vld.msk [tilespmem:$0x2000 ss:$0x0], $0xffff;
	[tilespmem:s29], [sflag:$0x1] =	stream.linear.gather [hbm4b:s30+s2], $0x10, $0x38  }
0x4b: {  	_ =	swait.ge [sflag:s17], $0x10  }
0x4c: {  	[sflag:s17] =	ssyncset.done $0x0  }
0x4d: {  	s31 =	rddreg [dreg:$0x6];
	[sflag:s17] =	ssyncadd.s32 $0xFFFFFFF0  }
0x4e: {  	v12 =	vld.msk [tilespmem:$0x2000 ss:$0x0], $0xffff;
	[tilespmem:s29], [sflag:$0x1] =	stream.linear.gather [hbm4b:s31+s2], $0x10, $0x38  }
0x4f: {  	_ =	swait.ge [sflag:s17], $0x10  }
0x50: {  	[sflag:s17] =	ssyncset.done $0x0  }
0x51: {  	[sflag:s17] =	ssyncadd.s32 $0xFFFFFFF0  }
0x52: {  	s28 =	simm.s32 $0x0;
	v14 =	vld.msk [tilespmem:$0x2000 ss:$0x0], $0xffff;
	[tilespmem:v1+s20+$0x0] =	vst.idx.msk $0x1, v1  }
.LBB2_4:
0x53: {  	s1 =	simm.s32 $0x1080  }
0x54: {  	s29 =	simm.s32 $0x80;
	v15 =	vld [tilespmem:s1+$0xFFFFFF80]  }
0x55: {  	v16 =	vld [tilespmem:s29+$0xFFFFFF80]  }
0x56: {  	s30 =	simm.s32 $0x880  }
0x57: {  	v17 =	vld [tilespmem:s30+$0xFFFFFF80];
	_ =	sdelay $0x2  }
0x58: {  	v15 =	vsub.f32 v15, v14;
	v16 =	vsub.f32 v16, v13;
	_ =	sdelay $0x1  }
0x59: {  	s5 =	simm.s32 $0x1880;
	v17 =	vsub.f32 v17, v12;
	v15 =	vmul.f32 v15, v15;
	v16 =	vmul.f32 v16, v16  }
0x5a: {  	v18 =	vld [tilespmem:s5+$0xFFFFFF80]  }
0x5b: {  	v15 =	vadd.f32 v15, v16;
	v16 =	vmul.f32 v17, v17;
	_ =	sdelay $0x1  }
0x5c: {  	v15 =	vadd.f32 v15, v16;
	_ =	sdelay $0x1  }
0x5d: {  	v15 =	vmin.f32 v18, v15  }
0x5e: {  	[tilespmem:s5+$0xFFFFFF80] =	vst v15  }
0x5f: {  	v16 =	vld [tilespmem:s29+$0xFFFFFF90]  }
0x60: {  	v17 =	vld [tilespmem:s1+$0xFFFFFF90];
	_ =	sdelay $0x1  }
0x61: {  	v18 =	vld [tilespmem:s30+$0xFFFFFF90];
	_ =	sdelay $0x2  }
0x62: {  	v16 =	vsub.f32 v16, v13;
	v17 =	vsub.f32 v17, v14;
	_ =	sdelay $0x1  }
0x63: {  	v18 =	vsub.f32 v18, v12;
	v16 =	vmul.f32 v16, v16;
	v17 =	vmul.f32 v17, v17  }
0x64: {  	v19 =	vld [tilespmem:s5+$0xFFFFFF90]  }
0x65: {  	v16 =	vadd.f32 v17, v16;
	v17 =	vmul.f32 v18, v18;
	_ =	sdelay $0x1  }
0x66: {  	v16 =	vadd.f32 v16, v17;
	_ =	sdelay $0x1  }
0x67: {  	v16 =	vmin.f32 v19, v16  }
0x68: {  	[tilespmem:s5+$0xFFFFFF90] =	vst v16  }
0x69: {  	v17 =	vld [tilespmem:s29+$0xFFFFFFA0]  }
0x6a: {  	v18 =	vld [tilespmem:s1+$0xFFFFFFA0];
	_ =	sdelay $0x1  }
0x6b: {  	v19 =	vld [tilespmem:s30+$0xFFFFFFA0];
	_ =	sdelay $0x2  }
0x6c: {  	v17 =	vsub.f32 v17, v13;
	v18 =	vsub.f32 v18, v14;
	_ =	sdelay $0x1  }
0x6d: {  	v19 =	vsub.f32 v19, v12;
	v17 =	vmul.f32 v17, v17;
	v18 =	vmul.f32 v18, v18  }
0x6e: {  	v20 =	vld [tilespmem:s5+$0xFFFFFFA0]  }
0x6f: {  	v17 =	vadd.f32 v18, v17;
	v18 =	vmul.f32 v19, v19;
	_ =	sdelay $0x1  }
0x70: {  	v17 =	vadd.f32 v17, v18;
	_ =	sdelay $0x1  }
0x71: {  	v17 =	vmin.f32 v20, v17  }
0x72: {  	[tilespmem:s5+$0xFFFFFFA0] =	vst v17  }
0x73: {  	v18 =	vld [tilespmem:s1+$0xFFFFFFB0]  }
0x74: {  	v19 =	vld [tilespmem:s29+$0xFFFFFFB0];
	_ =	sdelay $0x1  }
0x75: {  	v20 =	vld [tilespmem:s30+$0xFFFFFFB0];
	_ =	sdelay $0x2  }
0x76: {  	v18 =	vsub.f32 v18, v14;
	v19 =	vsub.f32 v19, v13;
	_ =	sdelay $0x1  }
0x77: {  	v20 =	vsub.f32 v20, v12;
	v19 =	vmul.f32 v19, v19;
	v18 =	vmul.f32 v18, v18  }
0x78: {  	v21 =	vld [tilespmem:s5+$0xFFFFFFB0]  }
0x79: {  	v18 =	vadd.f32 v18, v19;
	v19 =	vmul.f32 v20, v20;
	_ =	sdelay $0x1  }
0x7a: {  	v18 =	vadd.f32 v18, v19;
	_ =	sdelay $0x1  }
0x7b: {  	v23 =	vmin.f32 v21, v18  }
0x7c: {  	[tilespmem:s5+$0xFFFFFFB0] =	vst v23  }
0x7d: {  	v18 =	vld [tilespmem:s29+$0xFFFFFFC0]  }
0x7e: {  	v19 =	vld [tilespmem:s1+$0xFFFFFFC0];
	_ =	sdelay $0x1  }
0x7f: {  	v20 =	vld [tilespmem:s30+$0xFFFFFFC0];
	_ =	sdelay $0x2  }
0x80: {  	v18 =	vsub.f32 v18, v13;
	v19 =	vsub.f32 v19, v14;
	_ =	sdelay $0x1  }
0x81: {  	v20 =	vsub.f32 v20, v12;
	v18 =	vmul.f32 v18, v18;
	v19 =	vmul.f32 v19, v19  }
0x82: {  	v21 =	vld [tilespmem:s5+$0xFFFFFFC0]  }
0x83: {  	v18 =	vadd.f32 v19, v18;
	v19 =	vmul.f32 v20, v20;
	_ =	sdelay $0x1  }
0x84: {  	v18 =	vadd.f32 v18, v19;
	_ =	sdelay $0x1  }
0x85: {  	v24 =	vmin.f32 v21, v18  }
0x86: {  	[tilespmem:s5+$0xFFFFFFC0] =	vst v24  }
0x87: {  	v18 =	vld [tilespmem:s29+$0xFFFFFFD0]  }
0x88: {  	v19 =	vld [tilespmem:s1+$0xFFFFFFD0];
	_ =	sdelay $0x1  }
0x89: {  	v20 =	vld [tilespmem:s30+$0xFFFFFFD0];
	_ =	sdelay $0x2  }
0x8a: {  	v18 =	vsub.f32 v18, v13;
	v19 =	vsub.f32 v19, v14;
	_ =	sdelay $0x1  }
0x8b: {  	v20 =	vsub.f32 v20, v12;
	v18 =	vmul.f32 v18, v18;
	v19 =	vmul.f32 v19, v19  }
0x8c: {  	v21 =	vld [tilespmem:s5+$0xFFFFFFD0]  }
0x8d: {  	v18 =	vadd.f32 v19, v18;
	v19 =	vmul.f32 v20, v20;
	_ =	sdelay $0x1  }
0x8e: {  	v18 =	vadd.f32 v18, v19;
	_ =	sdelay $0x1  }
0x8f: {  	v25 =	vmin.f32 v21, v18  }
0x90: {  	[tilespmem:s5+$0xFFFFFFD0] =	vst v25  }
0x91: {  	v18 =	vld [tilespmem:s29+$0xFFFFFFE0]  }
0x92: {  	v19 =	vld [tilespmem:s1+$0xFFFFFFE0];
	_ =	sdelay $0x1  }
0x93: {  	v20 =	vld [tilespmem:s30+$0xFFFFFFE0];
	_ =	sdelay $0x2  }
0x94: {  	v18 =	vsub.f32 v18, v13;
	v19 =	vsub.f32 v19, v14;
	_ =	sdelay $0x1  }
0x95: {  	v20 =	vsub.f32 v20, v12;
	v18 =	vmul.f32 v18, v18;
	v19 =	vmul.f32 v19, v19  }
0x96: {  	v21 =	vld [tilespmem:s5+$0xFFFFFFE0]  }
0x97: {  	v18 =	vadd.f32 v19, v18;
	v19 =	vmul.f32 v20, v20;
	_ =	sdelay $0x1  }
0x98: {  	v18 =	vadd.f32 v18, v19;
	_ =	sdelay $0x1  }
0x99: {  	v32 =	vmin.f32 v21, v18  }
0x9a: {  	[tilespmem:s5+$0xFFFFFFE0] =	vst v32  }
0x9b: {  	v18 =	vld [tilespmem:s29+$0xFFFFFFF0]  }
0x9c: {  	v19 =	vld [tilespmem:s1+$0xFFFFFFF0];
	_ =	sdelay $0x1  }
0x9d: {  	v20 =	vld [tilespmem:s30+$0xFFFFFFF0];
	_ =	sdelay $0x2  }
0x9e: {  	v18 =	vsub.f32 v18, v13;
	v19 =	vsub.f32 v19, v14;
	_ =	sdelay $0x1  }
0x9f: {  	v20 =	vsub.f32 v20, v12;
	v18 =	vmul.f32 v18, v18;
	v19 =	vmul.f32 v19, v19  }
0xa0: {  	v21 =	vld [tilespmem:s5+$0xFFFFFFF0]  }
0xa1: {  	v18 =	vadd.f32 v19, v18;
	v19 =	vmul.f32 v20, v20;
	_ =	sdelay $0x1  }
0xa2: {  	v18 =	vadd.f32 v18, v19;
	_ =	sdelay $0x1  }
0xa3: {  	v31 =	vmin.f32 v21, v18  }
0xa4: {  	[tilespmem:s5+$0xFFFFFFF0] =	vst v31  }
0xa5: {  	v18 =	vld [tilespmem:s29+$0x0]  }
0xa6: {  	v19 =	vld [tilespmem:s1+$0x0];
	_ =	sdelay $0x1  }
0xa7: {  	v20 =	vld [tilespmem:s30+$0x0];
	_ =	sdelay $0x2  }
0xa8: {  	v18 =	vsub.f32 v18, v13;
	v19 =	vsub.f32 v19, v14;
	_ =	sdelay $0x1  }
0xa9: {  	v20 =	vsub.f32 v20, v12;
	v18 =	vmul.f32 v18, v18;
	v19 =	vmul.f32 v19, v19  }
0xaa: {  	v21 =	vld [tilespmem:s5+$0x0]  }
0xab: {  	v18 =	vadd.f32 v19, v18;
	v19 =	vmul.f32 v20, v20;
	_ =	sdelay $0x1  }
0xac: {  	v18 =	vadd.f32 v18, v19;
	_ =	sdelay $0x1  }
0xad: {  	v19 =	vmin.f32 v21, v18  }
0xae: {  	[tilespmem:s5+$0x0] =	vst v19  }
0xaf: {  	v18 =	vld [tilespmem:s29+$0x10]  }
0xb0: {  	v20 =	vld [tilespmem:s1+$0x10];
	_ =	sdelay $0x1  }
0xb1: {  	v21 =	vld [tilespmem:s30+$0x10];
	_ =	sdelay $0x2  }
0xb2: {  	v18 =	vsub.f32 v18, v13;
	v20 =	vsub.f32 v20, v14;
	_ =	sdelay $0x1  }
0xb3: {  	v21 =	vsub.f32 v21, v12;
	v18 =	vmul.f32 v18, v18;
	v20 =	vmul.f32 v20, v20  }
0xb4: {  	v22 =	vld [tilespmem:s5+$0x10]  }
0xb5: {  	v18 =	vadd.f32 v20, v18;
	v20 =	vmul.f32 v21, v21;
	_ =	sdelay $0x1  }
0xb6: {  	v18 =	vadd.f32 v18, v20;
	_ =	sdelay $0x1  }
0xb7: {  	v20 =	vmin.f32 v22, v18  }
0xb8: {  	[tilespmem:s5+$0x10] =	vst v20  }
0xb9: {  	v18 =	vld [tilespmem:s29+$0x20]  }
0xba: {  	v21 =	vld [tilespmem:s1+$0x20];
	_ =	sdelay $0x1  }
0xbb: {  	v22 =	vld [tilespmem:s30+$0x20];
	_ =	sdelay $0x2  }
0xbc: {  	v18 =	vsub.f32 v18, v13;
	v21 =	vsub.f32 v21, v14;
	_ =	sdelay $0x1  }
0xbd: {  	v22 =	vsub.f32 v22, v12;
	v18 =	vmul.f32 v18, v18;
	v21 =	vmul.f32 v21, v21  }
0xbe: {  	v26 =	vld [tilespmem:s5+$0x20]  }
0xbf: {  	v18 =	vadd.f32 v21, v18;
	v21 =	vmul.f32 v22, v22;
	_ =	sdelay $0x1  }
0xc0: {  	v18 =	vadd.f32 v18, v21;
	_ =	sdelay $0x1  }
0xc1: {  	v26 =	vmin.f32 v26, v18  }
0xc2: {  	[tilespmem:s5+$0x20] =	vst v26  }
0xc3: {  	v18 =	vld [tilespmem:s29+$0x30]  }
0xc4: {  	v21 =	vld [tilespmem:s1+$0x30];
	_ =	sdelay $0x1  }
0xc5: {  	v22 =	vld [tilespmem:s30+$0x30];
	_ =	sdelay $0x2  }
0xc6: {  	v18 =	vsub.f32 v18, v13;
	v21 =	vsub.f32 v21, v14;
	_ =	sdelay $0x1  }
0xc7: {  	v22 =	vsub.f32 v22, v12;
	v18 =	vmul.f32 v18, v18;
	v21 =	vmul.f32 v21, v21  }
0xc8: {  	v27 =	vld [tilespmem:s5+$0x30]  }
0xc9: {  	v18 =	vadd.f32 v21, v18;
	v21 =	vmul.f32 v22, v22;
	_ =	sdelay $0x1  }
0xca: {  	v18 =	vadd.f32 v18, v21;
	_ =	sdelay $0x1  }
0xcb: {  	v27 =	vmin.f32 v27, v18  }
0xcc: {  	[tilespmem:s5+$0x30] =	vst v27  }
0xcd: {  	v18 =	vld [tilespmem:s29+$0x40]  }
0xce: {  	v21 =	vld [tilespmem:s1+$0x40];
	_ =	sdelay $0x1  }
0xcf: {  	v22 =	vld [tilespmem:s30+$0x40];
	_ =	sdelay $0x2  }
0xd0: {  	v18 =	vsub.f32 v18, v13;
	v21 =	vsub.f32 v21, v14;
	_ =	sdelay $0x1  }
0xd1: {  	v22 =	vsub.f32 v22, v12;
	v18 =	vmul.f32 v18, v18;
	v21 =	vmul.f32 v21, v21  }
0xd2: {  	v28 =	vld [tilespmem:s5+$0x40]  }
0xd3: {  	v18 =	vadd.f32 v21, v18;
	v21 =	vmul.f32 v22, v22;
	_ =	sdelay $0x1  }
0xd4: {  	v18 =	vadd.f32 v18, v21;
	_ =	sdelay $0x1  }
0xd5: {  	v33 =	vmin.f32 v28, v18  }
0xd6: {  	[tilespmem:s5+$0x40] =	vst v33  }
0xd7: {  	v18 =	vld [tilespmem:s29+$0x50]  }
0xd8: {  	v21 =	vld [tilespmem:s1+$0x50];
	_ =	sdelay $0x1  }
0xd9: {  	v22 =	vld [tilespmem:s30+$0x50];
	_ =	sdelay $0x2  }
0xda: {  	v18 =	vsub.f32 v18, v13;
	v21 =	vsub.f32 v21, v14;
	_ =	sdelay $0x1  }
0xdb: {  	v22 =	vsub.f32 v22, v12;
	v18 =	vmul.f32 v18, v18;
	v21 =	vmul.f32 v21, v21  }
0xdc: {  	v28 =	vld [tilespmem:s5+$0x50]  }
0xdd: {  	v22 =	vmul.f32 v22, v22;
	v29 =	vadd.f32 v21, v18  }
0xde: {  	s0 =	simm.s32 $0x0;
	v21 =	vimm.f32 $-Inf  }
0xdf: {  	s11 =	scvt.s32.f32 s0;
	v18 =	vimm.f32 $0.0e+00;
	vm4 =	vgt.f32 v16, v21;
	v22 =	vadd.f32 v29, v22  }
0xe0: {  	s26 =	simm.s32 $0x1;
	vm5 =	vgt.f32 v23, v21;
	vm3 =	vgt.f32 v24, v21;
	vm6 =	vgt.f32 v15, v21  }
0xe1: {  	s9 =	scvt.s32.f32 s26;
	v15 =	vmax.f32 v21, v15;
	v29 =	vsel vm6, s11, v18;
	v34 =	vmin.f32 v28, v22  }
0xe2: {  	vm6 =	vgt.f32 v19, v15;
	v19 =	vmax.f32 v15, v19;
	v15 =	vmax.f32 v21, v16;
	[tilespmem:s5+$0x50] =	vst v34  }
0xe3: {  	v16 =	vsel vm4, s11, v18;
	vm4 =	vgt.f32 v20, v15;
	v28 =	vsel vm6, s9, v29;
	v35 =	vld [tilespmem:s29+$0x60]  }
0xe4: {  	v22 =	vmax.f32 v15, v20;
	vm6 =	vgt.f32 v17, v21;
	v15 =	vmax.f32 v21, v17;
	v36 =	vld [tilespmem:s1+$0x60]  }
0xe5: {  	v30 =	vsel vm4, s9, v16;
	v16 =	vsel vm6, s11, v18;
	vm4 =	vgt.f32 v26, v15  }
0xe6: {  	v20 =	vmax.f32 v15, v26;
	v15 =	vmax.f32 v21, v23;
	v29 =	vsel vm4, s9, v16;
	v16 =	vld [tilespmem:s30+$0x60]  }
0xe7: {  	v23 =	vsel vm5, s11, v18;
	vm5 =	vgt.f32 v25, v21;
	v26 =	vsel vm3, s11, v18  }
0xe8: {  	vm4 =	vgt.f32 v27, v15;
	v17 =	vmax.f32 v15, v27;
	v15 =	vmax.f32 v21, v24  }
0xe9: {  	v27 =	vsel vm4, s9, v23;
	v23 =	vsub.f32 v35, v13;
	v24 =	vsub.f32 v36, v14  }
0xea: {  	v25 =	vmax.f32 v21, v25;
	vm3 =	vgt.f32 v31, v21;
	vm6 =	vgt.f32 v33, v15  }
0xeb: {  	v16 =	vsub.f32 v16, v12;
	v23 =	vmul.f32 v23, v23;
	v61 =	vmul.f32 v24, v24  }
0xec: {  	v15 =	vmax.f32 v15, v33;
	vm4 =	vgt.f32 v32, v21;
	v33 =	vld [tilespmem:s5+$0x60];
	v24 =	vsel vm6, s9, v26  }
0xed: {  	v26 =	vsel vm5, s11, v18;
	v63 =	vmul.f32 v16, v16;
	v62 =	vadd.f32 v61, v23  }
0xee: {  	s19 =	simm.s32 $0x2;
	s24 =	simm.s32 $0x180;
	vm5 =	vgt.f32 v34, v25;
	v16 =	vmax.f32 v25, v34;
	v25 =	vimm.f32 $-Inf  }
0xef: {  	s31 =	simm.s32 $0x1880;
	s18 =	simm.s32 $0x1080;
	s0 =	simm.s32 $0x880;
	v23 =	vsel vm5, s9, v26;
	v26 =	vimm.f32 $0.0e+00;
	v34 =	vadd.f32 v62, v63  }
.LBB2_5:
0xf0: {  	s30 =	sadd.s32 $0x100, s30;
	s1 =	sadd.s32 $0x100, s1;
	s5 =	sadd.s32 $0x100, s5  }
0xf1: {  	p0 =	slt.u32 s19, $0xE;
	v21 =	vmax.f32 v21, v32;
	s12 =	smov.u32 s19;
	s19 =	sadd.s32 $0x2, s19;
	v32 =	vmin.f32 v33, v34  }
0xf2: {  	v18 =	vsel vm4, s11, v18;
	[tilespmem:s31+$0x60] =	vst v32;
	vm4 =	vgt.f32 v32, v21;
	v21 =	vmax.f32 v21, v32  }
0xf3: {  	v18 =	vsel vm4, s9, v18;
	v32 =	vld [tilespmem:s29+$0x70];
	s29 =	smov.u32 s24  }
0xf4: {  	v33 =	vld [tilespmem:s18+$0x70];
	s18 =	smov.u32 s1  }
0xf5: {  	v34 =	vld [tilespmem:s0+$0x70];
	s0 =	smov.u32 s30;
	_ =	sdelay $0x2  }
0xf6: {  	v32 =	vsub.f32 v32, v13  }
0xf7: {  	v33 =	vsub.f32 v33, v14  }
0xf8: {  	v34 =	vsub.f32 v34, v12;
	v32 =	vmul.f32 v32, v32  }
0xf9: {  	v33 =	vmul.f32 v33, v33;
	v35 =	vld [tilespmem:s31+$0x70]  }
0xfa: {  	v34 =	vmul.f32 v34, v34  }
0xfb: {  	v32 =	vadd.f32 v33, v32;
	_ =	sdelay $0x1  }
0xfc: {  	v32 =	vadd.f32 v32, v34  }
0xfd: {  	v25 =	vmax.f32 v25, v31  }
0xfe: {  	v26 =	vsel vm3, s11, v26;
	v31 =	vmin.f32 v35, v32  }
0xff: {  	[tilespmem:s31+$0x70] =	vst v31;
	vm3 =	vgt.f32 v31, v25;
	v25 =	vmax.f32 v25, v31;
	s31 =	smov.u32 s5  }
0x100: {  	v31 =	vld [tilespmem:s1+$0xFFFFFF80];
	v26 =	vsel vm3, s9, v26  }
0x101: {  	v32 =	vld [tilespmem:s24+$0xFFFFFF80];
	_ =	sdelay $0x1  }
0x102: {  	v33 =	vld [tilespmem:s30+$0xFFFFFF80];
	_ =	sdelay $0x1  }
0x103: {  	v31 =	vsub.f32 v31, v14  }
0x104: {  	v32 =	vsub.f32 v32, v13  }
0x105: {  	v31 =	vmul.f32 v31, v31  }
0x106: {  	v33 =	vsub.f32 v33, v12;
	v32 =	vmul.f32 v32, v32  }
0x107: {  	v34 =	vld [tilespmem:s5+$0xFFFFFF80]  }
0x108: {  	v31 =	vadd.f32 v31, v32;
	v32 =	vmul.f32 v33, v33;
	_ =	sdelay $0x1  }
0x109: {  	v31 =	vadd.f32 v31, v32;
	_ =	sdelay $0x1  }
0x10a: {  	v38 =	vmin.f32 v34, v31  }
0x10b: {  	[tilespmem:s5+$0xFFFFFF80] =	vst v38  }
0x10c: {  	v31 =	vld [tilespmem:s24+$0xFFFFFF90]  }
0x10d: {  	v32 =	vld [tilespmem:s1+$0xFFFFFF90];
	_ =	sdelay $0x1  }
0x10e: {  	v33 =	vld [tilespmem:s30+$0xFFFFFF90];
	_ =	sdelay $0x1  }
0x10f: {  	v31 =	vsub.f32 v31, v13  }
0x110: {  	v32 =	vsub.f32 v32, v14;
	_ =	sdelay $0x1  }
0x111: {  	v31 =	vmul.f32 v31, v31;
	v33 =	vsub.f32 v33, v12;
	v32 =	vmul.f32 v32, v32  }
0x112: {  	v34 =	vld [tilespmem:s5+$0xFFFFFF90]  }
0x113: {  	v31 =	vadd.f32 v32, v31;
	v32 =	vmul.f32 v33, v33;
	_ =	sdelay $0x1  }
0x114: {  	v31 =	vadd.f32 v31, v32;
	_ =	sdelay $0x1  }
0x115: {  	v37 =	vmin.f32 v34, v31  }
0x116: {  	[tilespmem:s5+$0xFFFFFF90] =	vst v37;
	vm8 =	vgt.f32 v37, v22  }
0x117: {  	v31 =	vld [tilespmem:s24+$0xFFFFFFA0]  }
0x118: {  	v32 =	vld [tilespmem:s1+$0xFFFFFFA0]  }
0x119: {  	v33 =	vld [tilespmem:s30+$0xFFFFFFA0];
	_ =	sdelay $0x2  }
0x11a: {  	v31 =	vsub.f32 v31, v13  }
0x11b: {  	v32 =	vsub.f32 v32, v14  }
0x11c: {  	v33 =	vsub.f32 v33, v12  }
0x11d: {  	v31 =	vmul.f32 v31, v31;
	v32 =	vmul.f32 v32, v32  }
0x11e: {  	v34 =	vld [tilespmem:s5+$0xFFFFFFA0]  }
0x11f: {  	v31 =	vadd.f32 v32, v31;
	v32 =	vmul.f32 v33, v33;
	_ =	sdelay $0x1  }
0x120: {  	v31 =	vadd.f32 v31, v32;
	_ =	sdelay $0x1  }
0x121: {  	v36 =	vmin.f32 v34, v31  }
0x122: {  	[tilespmem:s5+$0xFFFFFFA0] =	vst v36  }
0x123: {  	v31 =	vld [tilespmem:s1+$0xFFFFFFB0]  }
0x124: {  	v32 =	vld [tilespmem:s24+$0xFFFFFFB0]  }
0x125: {  	v33 =	vld [tilespmem:s30+$0xFFFFFFB0];
	_ =	sdelay $0x2  }
0x126: {  	v31 =	vsub.f32 v31, v14  }
0x127: {  	v32 =	vsub.f32 v32, v13  }
0x128: {  	v33 =	vsub.f32 v33, v12  }
0x129: {  	v31 =	vmul.f32 v31, v31;
	v32 =	vmul.f32 v32, v32  }
0x12a: {  	v34 =	vld [tilespmem:s5+$0xFFFFFFB0]  }
0x12b: {  	v31 =	vadd.f32 v31, v32;
	v32 =	vmul.f32 v33, v33;
	_ =	sdelay $0x1  }
0x12c: {  	v31 =	vadd.f32 v31, v32;
	_ =	sdelay $0x1  }
0x12d: {  	v35 =	vmin.f32 v34, v31  }
0x12e: {  	[tilespmem:s5+$0xFFFFFFB0] =	vst v35;
	vm7 =	vgt.f32 v35, v17  }
0x12f: {  	v31 =	vld [tilespmem:s24+$0xFFFFFFC0]  }
0x130: {  	v32 =	vld [tilespmem:s1+$0xFFFFFFC0]  }
0x131: {  	v33 =	vld [tilespmem:s30+$0xFFFFFFC0];
	_ =	sdelay $0x2  }
0x132: {  	v31 =	vsub.f32 v31, v13  }
0x133: {  	v32 =	vsub.f32 v32, v14  }
0x134: {  	v33 =	vsub.f32 v33, v12  }
0x135: {  	v31 =	vmul.f32 v31, v31;
	v32 =	vmul.f32 v32, v32  }
0x136: {  	v34 =	vld [tilespmem:s5+$0xFFFFFFC0]  }
0x137: {  	v31 =	vadd.f32 v32, v31;
	v32 =	vmul.f32 v33, v33;
	_ =	sdelay $0x1  }
0x138: {  	v31 =	vadd.f32 v31, v32;
	_ =	sdelay $0x1  }
0x139: {  	v34 =	vmin.f32 v34, v31  }
0x13a: {  	[tilespmem:s5+$0xFFFFFFC0] =	vst v34;
	vm6 =	vgt.f32 v34, v15  }
0x13b: {  	v31 =	vld [tilespmem:s24+$0xFFFFFFD0]  }
0x13c: {  	v32 =	vld [tilespmem:s1+$0xFFFFFFD0]  }
0x13d: {  	v33 =	vld [tilespmem:s30+$0xFFFFFFD0];
	_ =	sdelay $0x2  }
0x13e: {  	v31 =	vsub.f32 v31, v13  }
0x13f: {  	v32 =	vsub.f32 v32, v14  }
0x140: {  	v33 =	vsub.f32 v33, v12  }
0x141: {  	v31 =	vmul.f32 v31, v31;
	v32 =	vmul.f32 v32, v32  }
0x142: {  	v39 =	vld [tilespmem:s5+$0xFFFFFFD0]  }
0x143: {  	v31 =	vadd.f32 v32, v31;
	v32 =	vmul.f32 v33, v33;
	_ =	sdelay $0x1  }
0x144: {  	v31 =	vadd.f32 v31, v32;
	_ =	sdelay $0x1  }
0x145: {  	v33 =	vmin.f32 v39, v31  }
0x146: {  	[tilespmem:s5+$0xFFFFFFD0] =	vst v33;
	vm5 =	vgt.f32 v33, v16  }
0x147: {  	v31 =	vld [tilespmem:s24+$0xFFFFFFE0]  }
0x148: {  	v32 =	vld [tilespmem:s1+$0xFFFFFFE0]  }
0x149: {  	v39 =	vld [tilespmem:s30+$0xFFFFFFE0];
	_ =	sdelay $0x2  }
0x14a: {  	v31 =	vsub.f32 v31, v13  }
0x14b: {  	v32 =	vsub.f32 v32, v14;
	_ =	sdelay $0x1  }
0x14c: {  	v39 =	vsub.f32 v39, v12;
	v31 =	vmul.f32 v31, v31;
	v32 =	vmul.f32 v32, v32  }
0x14d: {  	v40 =	vld [tilespmem:s5+$0xFFFFFFE0]  }
0x14e: {  	v31 =	vadd.f32 v32, v31;
	v32 =	vmul.f32 v39, v39;
	_ =	sdelay $0x1  }
0x14f: {  	v31 =	vadd.f32 v31, v32;
	_ =	sdelay $0x1  }
0x150: {  	v32 =	vmin.f32 v40, v31  }
0x151: {  	[tilespmem:s5+$0xFFFFFFE0] =	vst v32;
	vm4 =	vgt.f32 v32, v21  }
0x152: {  	v31 =	vld [tilespmem:s24+$0xFFFFFFF0]  }
0x153: {  	v39 =	vld [tilespmem:s1+$0xFFFFFFF0]  }
0x154: {  	v40 =	vld [tilespmem:s30+$0xFFFFFFF0];
	_ =	sdelay $0x2  }
0x155: {  	v31 =	vsub.f32 v31, v13  }
0x156: {  	v39 =	vsub.f32 v39, v14  }
0x157: {  	v40 =	vsub.f32 v40, v12  }
0x158: {  	v31 =	vmul.f32 v31, v31;
	v39 =	vmul.f32 v39, v39  }
0x159: {  	v41 =	vld [tilespmem:s5+$0xFFFFFFF0]  }
0x15a: {  	v31 =	vadd.f32 v39, v31;
	v39 =	vmul.f32 v40, v40;
	_ =	sdelay $0x1  }
0x15b: {  	v31 =	vadd.f32 v31, v39;
	_ =	sdelay $0x1  }
0x15c: {  	v31 =	vmin.f32 v41, v31  }
0x15d: {  	[tilespmem:s5+$0xFFFFFFF0] =	vst v31;
	vm3 =	vgt.f32 v31, v25  }
0x15e: {  	v39 =	vld [tilespmem:s24+$0x0]  }
0x15f: {  	v40 =	vld [tilespmem:s1+$0x0]  }
0x160: {  	v41 =	vld [tilespmem:s30+$0x0];
	_ =	sdelay $0x2  }
0x161: {  	v39 =	vsub.f32 v39, v13  }
0x162: {  	v40 =	vsub.f32 v40, v14  }
0x163: {  	v41 =	vsub.f32 v41, v12  }
0x164: {  	v39 =	vmul.f32 v39, v39;
	v40 =	vmul.f32 v40, v40  }
0x165: {  	v42 =	vld [tilespmem:s5+$0x0]  }
0x166: {  	v39 =	vadd.f32 v40, v39;
	v40 =	vmul.f32 v41, v41;
	_ =	sdelay $0x1  }
0x167: {  	v39 =	vadd.f32 v39, v40  }
0x168: {  	s11 =	scvt.s32.f32 s12;
	s2 =	sadd.s32 $0x1, s12  }
0x169: {  	s9 =	scvt.s32.f32 s2;
	vm9 =	vgt.f32 v38, v19;
	v19 =	vmax.f32 v19, v38;
	v38 =	vmin.f32 v42, v39  }
0x16a: {  	v28 =	vsel vm9, s11, v28;
	[tilespmem:s5+$0x0] =	vst v38;
	vm9 =	vgt.f32 v38, v19;
	v19 =	vmax.f32 v19, v38  }
0x16b: {  	v28 =	vsel vm9, s9, v28;
	v38 =	vld [tilespmem:s24+$0x10]  }
0x16c: {  	v39 =	vld [tilespmem:s1+$0x10]  }
0x16d: {  	v40 =	vld [tilespmem:s30+$0x10];
	_ =	sdelay $0x2  }
0x16e: {  	v38 =	vsub.f32 v38, v13  }
0x16f: {  	v39 =	vsub.f32 v39, v14  }
0x170: {  	v40 =	vsub.f32 v40, v12  }
0x171: {  	v38 =	vmul.f32 v38, v38;
	v39 =	vmul.f32 v39, v39  }
0x172: {  	v41 =	vld [tilespmem:s5+$0x10]  }
0x173: {  	v38 =	vadd.f32 v39, v38;
	v39 =	vmul.f32 v40, v40;
	_ =	sdelay $0x1  }
0x174: {  	v38 =	vadd.f32 v38, v39;
	_ =	sdelay $0x1  }
0x175: {  	v22 =	vmax.f32 v22, v37;
	v37 =	vmin.f32 v41, v38  }
0x176: {  	v30 =	vsel vm8, s11, v30;
	[tilespmem:s5+$0x10] =	vst v37;
	vm8 =	vgt.f32 v37, v22;
	v22 =	vmax.f32 v22, v37  }
0x177: {  	v30 =	vsel vm8, s9, v30;
	v37 =	vld [tilespmem:s24+$0x20]  }
0x178: {  	v38 =	vld [tilespmem:s1+$0x20]  }
0x179: {  	v39 =	vld [tilespmem:s30+$0x20];
	_ =	sdelay $0x2  }
0x17a: {  	v37 =	vsub.f32 v37, v13  }
0x17b: {  	v38 =	vsub.f32 v38, v14  }
0x17c: {  	v39 =	vsub.f32 v39, v12  }
0x17d: {  	v37 =	vmul.f32 v37, v37;
	v38 =	vmul.f32 v38, v38  }
0x17e: {  	v40 =	vld [tilespmem:s5+$0x20]  }
0x17f: {  	v37 =	vadd.f32 v38, v37;
	v38 =	vmul.f32 v39, v39;
	_ =	sdelay $0x1  }
0x180: {  	v37 =	vadd.f32 v37, v38;
	_ =	sdelay $0x1  }
0x181: {  	vm8 =	vgt.f32 v36, v20;
	v20 =	vmax.f32 v20, v36;
	v36 =	vmin.f32 v40, v37  }
0x182: {  	v29 =	vsel vm8, s11, v29;
	[tilespmem:s5+$0x20] =	vst v36;
	vm8 =	vgt.f32 v36, v20;
	v20 =	vmax.f32 v20, v36  }
0x183: {  	v29 =	vsel vm8, s9, v29;
	v36 =	vld [tilespmem:s24+$0x30]  }
0x184: {  	v37 =	vld [tilespmem:s1+$0x30]  }
0x185: {  	v38 =	vld [tilespmem:s30+$0x30];
	_ =	sdelay $0x2  }
0x186: {  	v36 =	vsub.f32 v36, v13  }
0x187: {  	v37 =	vsub.f32 v37, v14  }
0x188: {  	v38 =	vsub.f32 v38, v12  }
0x189: {  	v36 =	vmul.f32 v36, v36;
	v37 =	vmul.f32 v37, v37  }
0x18a: {  	v39 =	vld [tilespmem:s5+$0x30]  }
0x18b: {  	v36 =	vadd.f32 v37, v36;
	v37 =	vmul.f32 v38, v38;
	_ =	sdelay $0x1  }
0x18c: {  	v36 =	vadd.f32 v36, v37;
	_ =	sdelay $0x1  }
0x18d: {  	v17 =	vmax.f32 v17, v35;
	v35 =	vmin.f32 v39, v36  }
0x18e: {  	v27 =	vsel vm7, s11, v27;
	[tilespmem:s5+$0x30] =	vst v35;
	vm7 =	vgt.f32 v35, v17;
	v17 =	vmax.f32 v17, v35  }
0x18f: {  	v27 =	vsel vm7, s9, v27;
	v35 =	vld [tilespmem:s24+$0x40]  }
0x190: {  	v36 =	vld [tilespmem:s1+$0x40]  }
0x191: {  	v37 =	vld [tilespmem:s30+$0x40];
	_ =	sdelay $0x3  }
0x192: {  	v35 =	vsub.f32 v35, v13;
	v36 =	vsub.f32 v36, v14  }
0x193: {  	v37 =	vsub.f32 v37, v12  }
0x194: {  	v35 =	vmul.f32 v35, v35;
	v36 =	vmul.f32 v36, v36  }
0x195: {  	v38 =	vld [tilespmem:s5+$0x40]  }
0x196: {  	v35 =	vadd.f32 v36, v35;
	v36 =	vmul.f32 v37, v37;
	_ =	sdelay $0x1  }
0x197: {  	v35 =	vadd.f32 v35, v36;
	_ =	sdelay $0x1  }
0x198: {  	v15 =	vmax.f32 v15, v34;
	v34 =	vmin.f32 v38, v35  }
0x199: {  	v24 =	vsel vm6, s11, v24;
	[tilespmem:s5+$0x40] =	vst v34;
	vm6 =	vgt.f32 v34, v15;
	v15 =	vmax.f32 v15, v34  }
0x19a: {  	v24 =	vsel vm6, s9, v24;
	v34 =	vld [tilespmem:s24+$0x50]  }
0x19b: {  	v35 =	vld [tilespmem:s1+$0x50]  }
0x19c: {  	v36 =	vld [tilespmem:s30+$0x50];
	_ =	sdelay $0x2  }
0x19d: {  	v34 =	vsub.f32 v34, v13  }
0x19e: {  	v35 =	vsub.f32 v35, v14  }
0x19f: {  	v36 =	vsub.f32 v36, v12;
	v34 =	vmul.f32 v34, v34  }
0x1a0: {  	v35 =	vmul.f32 v35, v35  }
0x1a1: {  	v37 =	vld [tilespmem:s5+$0x50]  }
0x1a2: {  	v34 =	vadd.f32 v35, v34;
	v35 =	vmul.f32 v36, v36;
	_ =	sdelay $0x1  }
0x1a3: {  	v34 =	vadd.f32 v34, v35;
	_ =	sdelay $0x1  }
0x1a4: {  	v16 =	vmax.f32 v16, v33;
	v33 =	vmin.f32 v37, v34  }
0x1a5: {  	v23 =	vsel vm5, s11, v23;
	[tilespmem:s5+$0x50] =	vst v33;
	vm5 =	vgt.f32 v33, v16;
	v16 =	vmax.f32 v16, v33  }
0x1a6: {  	v23 =	vsel vm5, s9, v23;
	v33 =	vld [tilespmem:s24+$0x60]  }
0x1a7: {  	v34 =	vld [tilespmem:s1+$0x60]  }
0x1a8: {  	v35 =	vld [tilespmem:s30+$0x60];
	_ =	sdelay $0x2  }
0x1a9: {  	v33 =	vsub.f32 v33, v13  }
0x1aa: {  	v34 =	vsub.f32 v34, v14  }
0x1ab: {  	v35 =	vsub.f32 v35, v12;
	v36 =	vmul.f32 v33, v33  }
.Ltmp1:
0x1ac: {  	v34 =	vmul.f32 v34, v34;
	(pc) =	sbr.rel @p0 .LBB2_5-.Ltmp1, $3  }
0x1ad: {  	v33 =	vld [tilespmem:s5+$0x60]  }
0x1ae: {  	v35 =	vmul.f32 v35, v35;
	v34 =	vadd.f32 v34, v36;
	_ =	sdelay $0x1  }
0x1af: {  	s24 =	sadd.s32 $0x100, s24;
	v34 =	vadd.f32 v34, v35  }
0x1b0: {  	v28 =	vmul.f32 $1.280000000e+02, v28;
	v30 =	vmul.f32 $1.280000000e+02, v30  }
0x1b1: {  	v33 =	vmin.f32 v33, v34  }
0x1b2: {  	[tilespmem:s31+$0x60] =	vst v33;
	v28 =	vadd.f32 v2, v28;
	v30 =	vadd.f32 v3, v30  }
0x1b3: {  	v21 =	vmax.f32 v21, v32;
	v18 =	vsel vm4, s11, v18;
	vm5 =	veq.f32 v22, v19;
	v56 =	vld [tilespmem:s29+$0x70]  }
0x1b4: {  	v29 =	vmul.f32 $1.280000000e+02, v29;
	v27 =	vmul.f32 $1.280000000e+02, v27;
	v57 =	vld [tilespmem:s18+$0x70];
	vm6 =	vlt.f32 v30, v28  }
0x1b5: {  	vm4 =	vgt.f32 v33, v21;
	v58 =	vld [tilespmem:s0+$0x70];
	vm5 =	vmand vm5, vm6;
	vm6 =	vgt.f32 v22, v19  }
0x1b6: {  	v29 =	vadd.f32 v4, v29;
	v18 =	vsel vm4, s9, v18;
	vm4 =	vmor vm6, vm5  }
0x1b7: {  	v21 =	vmax.f32 v21, v33;
	v19 =	vsel vm4, v22, v19;
	v22 =	vsel vm4, v30, v28  }
0x1b8: {  	v27 =	vadd.f32 v5, v27;
	vm4 =	veq.f32 v20, v19;
	vm5 =	vlt.f32 v29, v22  }
0x1b9: {  	v13 =	vsub.f32 v56, v13;
	vm6 =	vgt.f32 v20, v19;
	vm4 =	vmand vm4, vm5  }
0x1ba: {  	v14 =	vsub.f32 v57, v14;
	v12 =	vsub.f32 v58, v12;
	vm4 =	vmor vm6, vm4  }
0x1bb: {  	v13 =	vmul.f32 v13, v13;
	v19 =	vsel vm4, v20, v19;
	v20 =	vsel vm4, v29, v22  }
0x1bc: {  	v22 =	vmul.f32 $1.280000000e+02, v24;
	vm4 =	veq.f32 v17, v19;
	vm5 =	vlt.f32 v27, v20  }
0x1bd: {  	v14 =	vmul.f32 v14, v14;
	vm6 =	vgt.f32 v17, v19;
	vm4 =	vmand vm4, vm5  }
0x1be: {  	v12 =	vmul.f32 v12, v12;
	v22 =	vadd.f32 v6, v22;
	vm4 =	vmor vm6, vm4  }
0x1bf: {  	v13 =	vadd.f32 v14, v13;
	v14 =	vsel vm4, v17, v19;
	v17 =	vsel vm4, v27, v20  }
0x1c0: {  	v19 =	vld [tilespmem:s31+$0x70];
	v20 =	vmul.f32 $1.280000000e+02, v23;
	vm4 =	veq.f32 v15, v14;
	vm5 =	vlt.f32 v22, v17  }
0x1c1: {  	v12 =	vadd.f32 v13, v12;
	vm6 =	vgt.f32 v15, v14;
	vm4 =	vmand vm4, vm5  }
0x1c2: {  	v13 =	vmax.f32 v25, v31;
	v20 =	vadd.f32 v7, v20;
	vm4 =	vmor vm6, vm4  }
0x1c3: {  	v23 =	vsel vm3, s11, v26;
	v14 =	vsel vm4, v15, v14;
	v15 =	vsel vm4, v22, v17  }
0x1c4: {  	v17 =	vmul.f32 $1.280000000e+02, v18;
	vm3 =	veq.f32 v16, v14;
	vm4 =	vlt.f32 v20, v15  }
0x1c5: {  	v12 =	vmin.f32 v19, v12;
	vm5 =	vgt.f32 v16, v14;
	vm3 =	vmand vm3, vm4  }
0x1c6: {  	vm4 =	vgt.f32 v12, v13;
	v17 =	vadd.f32 v8, v17;
	vm3 =	vmor vm5, vm3  }
0x1c7: {  	v18 =	vsel vm4, s9, v23;
	v14 =	vsel vm3, v16, v14;
	v15 =	vsel vm3, v20, v15  }
0x1c8: {  	v16 =	vmul.f32 $1.280000000e+02, v18;
	vm3 =	veq.f32 v21, v14;
	vm4 =	vlt.f32 v17, v15  }
0x1c9: {  	vm5 =	vgt.f32 v21, v14;
	vm3 =	vmand vm3, vm4  }
0x1ca: {  	v16 =	vadd.f32 v9, v16;
	vm3 =	vmor vm5, vm3  }
0x1cb: {  	v13 =	vmax.f32 v13, v12;
	v14 =	vsel vm3, v21, v14;
	v15 =	vsel vm3, v17, v15  }
0x1cc: {  	vm3 =	veq.f32 v13, v14;
	vm4 =	vlt.f32 v16, v15  }
0x1cd: {  	vm5 =	vgt.f32 v13, v14;
	vm3 =	vmand vm3, vm4  }
0x1ce: {  	vm3 =	vmor vm5, vm3  }
0x1cf: {  	v13 =	vsel vm3, v13, v14  }
0x1d0: {  	(xrf0) =	vmax.scan.msk.f32 $0xffff, v13;
	_ =	sdelay $0x5  }
0x1d1: {  	v14, _, _ =	vpop (xrf0)  }
0x1d2: {  	v14 =	vbroadcast v14, $0xF;
	_ =	sdelay $0x1  }
0x1d3: {  	v15 =	vsel vm3, v16, v15;
	vm3 =	veq.f32 v13, v14  }
0x1d4: {  	v13 =	vnsel vm3, $0x4F32D05E, v15  }
0x1d5: {  	(xrf0) =	vmin.scan.msk.f32 $0xffff, v13;
	_ =	sdelay $0x5  }
0x1d6: {  	v13, _, _ =	vpop (xrf0)  }
0x1d7: {  	(v2sf) =	vpush v13, $0xF;
	_ =	sdelay $0xe  }
0x1d8: {  	s14 =	spop (v2sf)  }
0x1d9: {  	s1 =	scvt.f32.s32 s14;
	_ =	sdelay $0x1  }
0x1da: {  	s2 =	sshra.s32 s1, $0x1F  }
0x1db: {  	s2 =	sshrl.u32 s2, $0x1C  }
0x1dc: {  	s2 =	sadd.s32 s2, s1  }
0x1dd: {  	s3 =	sand.u32 $0xFFFFFFF0, s2  }
0x1de: {  	p0 =	slt.s32 s1, $0x1;
	p1 =	sne.s32 s1, s3  }
0x1df: {  	p0 =	por !p0, !p1  }
0x1e0: {  	s3 =	simm.s32 $0x1;
	p0 =	por !p0, !p0  }
0x1e1: {  	s2 =	sshrl.u32 s2, $0x4;
	s3 =	simm.s32 @!p0 $0x0  }
0x1e2: {  	s2 =	ssub.s32 s2, s3  }
0x1e3: {  	[tilespmem:s31+$0x70] =	vst v12;
	s2 =	sshll.u32 s2, $0x4  }
0x1e4: {  	v12 =	vld [tilespmem:s2+$0x0]  }
0x1e5: {  	v13 =	vld [tilespmem:s2+$0x800]  }
0x1e6: {  	s1 =	sand.u32 $0xF, s1;
	v15 =	vld [tilespmem:s2+$0x1000]  }
0x1e7: {  	v16 =	vmov s1  }
0x1e8: {  	vm3 =	veq.s32 v16, v10  }
0x1e9: {  	v12 =	vnsel vm3, $0xFF800000, v12  }
0x1ea: {  	(xrf0) =	vmax.scan.msk.f32 $0xffff, v12;
	v12 =	vnsel vm3, $0xFF800000, v13  }
0x1eb: {  	(xrf0) =	vmax.scan.msk.f32 $0xffff, v12;
	v12 =	vnsel vm3, $0xFF800000, v15  }
0x1ec: {  	(xrf0) =	vmax.scan.msk.f32 $0xffff, v12;
	_ =	sdelay $0x3  }
0x1ed: {  	v12, _, _ =	vpop (xrf0)  }
0x1ee: {  	v13, _, _ =	vpop (xrf0)  }
0x1ef: {  	v15, _, _ =	vpop (xrf0)  }
0x1f0: {  	v15 =	vbroadcast v15, $0xF  }
0x1f1: {  	v13 =	vbroadcast v13, $0xF  }
0x1f2: {  	v12 =	vbroadcast v12, $0xF;
	v15 =	vnsel vm0, $0x7F800000, v15  }
0x1f3: {  	s0 =	sadd.f32 s8, s14;
	v13 =	vsel vm1, v15, v13  }
0x1f4: {  	vm3 =	veq.s32 v10, $0x1;
	v12 =	vsel vm2, v13, v12  }
0x1f5: {  	v12 =	vsel vm3, s0, v12;
	vm3 =	vmmov $0x1  }
0x1f6: {  	v12 =	vsel vm3, v14, v12  }
0x1f7: {  	s15 =	rddreg [dreg:$0x8];
	s16 =	simm.s32 $0x2000;
	[tilespmem:$0x2000] =	vst v12  }
0x1f8: {  	[spmem:s15] =	stream.linear.scatter [tilespmem:s16], [sflag:$0x1], $0x10, $0x38;
	[tilespmem:$0x41A0] =	vst v63  }
0x1f9: {  	_ =	swait.ge [sflag:s17], $0x10  }
0x1fa: {  	[sflag:s17] =	ssyncset.done $0x0  }
0x1fb: {  	[sflag:s17] =	ssyncadd.s32 $0xFFFFFFF0  }
0x1fc: {  	s19 =	simm.s32 $0x100;
	[bflag:$0x0] =	sbarrier.arrive $0xFFFF  }
0x1fd: {  	s21 =	simm.s32 $0x2080;
	s29 =	simm.s32 $0x80;
	s18 =	rddreg [dreg:$0x2]  }
0x1fe: {  	[tilespmem:s21], [sflag:$0x1] =	stream.strided.gather [spmem:s18], $0x100, s19, s29, $0x38;
	[tilespmem:$0x41A0] =	vst v63  }
0x1ff: {  	_ =	swait.ge [sflag:s17], $0x100  }
0x200: {  	[sflag:s17] =	ssyncset.done $0x0  }
0x201: {  	[sflag:s17] =	ssyncadd.s32 $0xFFFFFF00  }
0x202: {  	v12 =	vld [tilespmem:$0x2080];
	_ =	sdelay $0x1  }
0x203: {  	v13 =	vld [tilespmem:$0x2090];
	_ =	sdelay $0x1  }
0x204: {  	v14 =	vld [tilespmem:$0x20A0]  }
0x205: {  	(v2sf) =	vpush v12, $0x0  }
0x206: {  	v15 =	vld [tilespmem:$0x20B0];
	(v2sf) =	vpush v12, $0x1  }
0x207: {  	(v2sf) =	vpush v13, $0x0  }
0x208: {  	v16 =	vld [tilespmem:$0x20C0];
	(v2sf) =	vpush v13, $0x1  }
0x209: {  	(v2sf) =	vpush v14, $0x0  }
0x20a: {  	v17 =	vld [tilespmem:$0x20D0];
	(v2sf) =	vpush v14, $0x1  }
0x20b: {  	(v2sf) =	vpush v15, $0x0  }
0x20c: {  	v18 =	vld [tilespmem:$0x20E0];
	(v2sf) =	vpush v15, $0x1  }
0x20d: {  	(v2sf) =	vpush v16, $0x0  }
0x20e: {  	v19 =	vld [tilespmem:$0x20F0];
	(v2sf) =	vpush v16, $0x1  }
0x20f: {  	(v2sf) =	vpush v17, $0x0  }
0x210: {  	(v2sf) =	vpush v17, $0x1  }
0x211: {  	(v2sf) =	vpush v18, $0x0  }
0x212: {  	(v2sf) =	vpush v18, $0x1  }
0x213: {  	v20 =	vld [tilespmem:$0x2100];
	(v2sf) =	vpush v19, $0x0  }
0x214: {  	s4 =	spop (v2sf);
	(v2sf) =	vpush v19, $0x1  }
0x215: {  	v21 =	vld [tilespmem:$0x2110];
	s6 =	spop (v2sf)  }
0x216: {  	s11 =	spop (v2sf)  }
0x217: {  	v22 =	vld [tilespmem:$0x2120];
	s12 =	spop (v2sf)  }
0x218: {  	(v2sf) =	vpush v20, $0x0;
	s25 =	spop (v2sf)  }
0x219: {  	v23 =	vld [tilespmem:$0x2130];
	(v2sf) =	vpush v20, $0x1;
	s10 =	spop (v2sf)  }
0x21a: {  	(v2sf) =	vpush v21, $0x0;
	s0 =	spop (v2sf)  }
0x21b: {  	v24 =	vld [tilespmem:$0x2140];
	p1 =	seq.f32 s4, s11;
	(v2sf) =	vpush v21, $0x1;
	s1 =	spop (v2sf)  }
0x21c: {  	p3 =	slt.f32 s6, s12;
	(v2sf) =	vpush v22, $0x0;
	s21 =	spop (v2sf)  }
0x21d: {  	v25 =	vld [tilespmem:$0x2150];
	(v2sf) =	vpush v22, $0x1;
	s7 =	spop (v2sf)  }
0x21e: {  	p2 =	sgt.f32 s4, s11;
	p0 =	por !p1, !p3;
	(v2sf) =	vpush v23, $0x0;
	s15 =	spop (v2sf)  }
0x21f: {  	p0 =	por !p0, !p0;
	p4 =	seq.f32 s25, s0;
	(v2sf) =	vpush v23, $0x1;
	s18 =	spop (v2sf)  }
0x220: {  	p3 =	por p2, p0;
	p5 =	slt.f32 s10, s1;
	(v2sf) =	vpush v24, $0x0;
	s22 =	spop (v2sf)  }
0x221: {  	p6 =	sgt.f32 s25, s0;
	s14 =	simm.s32 @!p3 $0x0;
	(v2sf) =	vpush v24, $0x1;
	s16 =	spop (v2sf)  }
0x222: {  	s11 =	smov.u32 @p3 s4;
	p0 =	por !p4, !p5;
	(v2sf) =	vpush v25, $0x0;
	s9 =	spop (v2sf)  }
0x223: {  	s14 =	simm.s32 @p3 $0x1;
	p0 =	por !p0, !p0;
	s5 =	spop (v2sf);
	(v2sf) =	vpush v25, $0x1  }
0x224: {  	v26 =	vld [tilespmem:$0x2160];
	s12 =	smov.u32 @p3 s6;
	[smem:$0x7F5] =	sst s14;
	p2 =	por p6, p0  }
0x225: {  	p1 =	seq.f32 s21, s15;
	p4 =	sgt.f32 s21, s15;
	s6 =	simm.s32 @!p2 $0x0  }
0x226: {  	v27 =	vld [tilespmem:$0x2170];
	p3 =	slt.f32 s7, s18;
	s0 =	smov.u32 @p2 s25;
	s6 =	simm.s32 @p2 $0x1  }
0x227: {  	s1 =	smov.u32 @p2 s10;
	[smem:$0x7F6] =	sst s6;
	s26 =	spop (v2sf)  }
0x228: {  	p0 =	por !p1, !p3;
	p5 =	seq.f32 s22, s9;
	s3 =	spop (v2sf)  }
0x229: {  	p0 =	por !p0, !p0;
	(v2sf) =	vpush v26, $0x0;
	p6 =	slt.f32 s16, s5;
	s30 =	spop (v2sf)  }
0x22a: {  	p2 =	sgt.f32 s22, s9;
	p4 =	por p4, p0;
	(v2sf) =	vpush v26, $0x1;
	s31 =	spop (v2sf)  }
0x22b: {  	s15 =	smov.u32 @p4 s21;
	(v2sf) =	vpush v27, $0x0;
	p1 =	por !p5, !p6;
	s2 =	spop (v2sf)  }
0x22c: {  	s21 =	simm.s32 @!p4 $0x0;
	(v2sf) =	vpush v27, $0x1;
	p1 =	por !p1, !p1;
	s13 =	spop (v2sf)  }
0x22d: {  	p3 =	seq.f32 s26, s30;
	p6 =	por p2, p1;
	s19 =	spop (v2sf)  }
0x22e: {  	p5 =	slt.f32 s3, s31;
	s25 =	simm.s32 @!p6 $0x0;
	s24 =	spop (v2sf)  }
0x22f: {  	p0 =	sgt.f32 s26, s30;
	s25 =	simm.s32 @p6 $0x1;
	s14 =	spop (v2sf)  }
0x230: {  	p5 =	por !p3, !p5;
	[smem:$0x7F8] =	sst s25;
	s23 =	spop (v2sf)  }
0x231: {  	p1 =	por !p5, !p5;
	p2 =	seq.f32 s2, s19;
	s4 =	spop (v2sf)  }
0x232: {  	p3 =	slt.f32 s13, s24;
	p0 =	por p0, p1;
	s6 =	spop (v2sf)  }
0x233: {  	s25 =	simm.s32 @!p0 $0x0;
	p1 =	seq.f32 s14, s4;
	p5 =	slt.f32 s23, s6  }
0x234: {  	s21 =	simm.s32 @p4 $0x1;
	s25 =	simm.s32 @p0 $0x1;
	p2 =	por !p2, !p3  }
0x235: {  	p0 =	por !p1, !p5;
	p1 =	por !p2, !p2;
	p2 =	sgt.f32 s2, s19  }
0x236: {  	s18 =	smov.u32 @p4 s7;
	[smem:$0x7F7] =	sst s21;
	s9 =	smov.u32 @p6 s22  }
0x237: {  	[smem:$0x7F9] =	sst s25;
	p3 =	sgt.f32 s14, s4;
	p1 =	por p2, p1  }
0x238: {  	s10 =	spop (v2sf);
	p0 =	por !p0, !p0;
	s22 =	simm.s32 @!p1 $0x0  }
0x239: {  	s21 =	spop (v2sf);
	p0 =	por p3, p0;
	s22 =	simm.s32 @p1 $0x1  }
0x23a: {  	s25 =	spop (v2sf);
	[smem:$0x7FA] =	sst s22;
	s22 =	simm.s32 @!p0 $0x0  }
0x23b: {  	s7 =	spop (v2sf);
	p4 =	seq.f32 s10, s25;
	s22 =	simm.s32 @p0 $0x1  }
0x23c: {  	p5 =	slt.f32 s21, s7;
	[smem:$0x7FB] =	sst s22  }
0x23d: {  	s22 =	sld [smem:$0x7F9]  }
0x23e: {  	p2 =	sgt.f32 s10, s25;
	p1 =	por !p4, !p5  }
0x23f: {  	s5 =	smov.u32 @p6 s16;
	p6 =	slt.f32 s12, s1;
	p0 =	por !p1, !p1  }
0x240: {  	p3 =	seq.f32 s11, s0;
	p5 =	por p2, p0;
	p4 =	seq.s32 s22, $0x1  }
0x241: {  	s30 =	smov.u32 @p4 s26;
	s31 =	smov.u32 @p4 s3;
	s26 =	sld [smem:$0x7FA]  }
0x242: {  	p4 =	por !p3, !p6;
	p6 =	sgt.f32 s11, s0;
	s3 =	sld [smem:$0x7FB]  }
0x243: {  	p2 =	seq.f32 s15, s9;
	p3 =	slt.f32 s18, s5;
	p0 =	por !p4, !p4  }
0x244: {  	s25 =	smov.u32 @p5 s10;
	s7 =	smov.u32 @p5 s21;
	p0 =	por p6, p0  }
0x245: {  	p2 =	por !p2, !p3;
	p1 =	seq.s32 s26, $0x1;
	p3 =	seq.s32 s3, $0x1  }
0x246: {  	s19 =	smov.u32 @p1 s2;
	s24 =	smov.u32 @p1 s13;
	s2 =	simm.s32 @!p0 $0x0  }
0x247: {  	s4 =	smov.u32 @p3 s14;
	s6 =	smov.u32 @p3 s23;
	p4 =	seq.f32 s30, s19  }
0x248: {  	s2 =	simm.s32 @p0 $0x1;
	p6 =	slt.f32 s31, s24;
	p3 =	sgt.f32 s30, s19  }
0x249: {  	p2 =	por !p2, !p2;
	p1 =	slt.f32 s6, s7;
	[smem:$0x7FD] =	sst s2  }
0x24a: {  	p0 =	por !p4, !p6;
	p6 =	sgt.f32 s15, s9;
	s10 =	sld [smem:$0x7FD]  }
0x24b: {  	s2 =	simm.s32 @!p5 $0x0;
	p4 =	seq.f32 s4, s25;
	p0 =	por !p0, !p0  }
0x24c: {  	s2 =	simm.s32 @p5 $0x1;
	p6 =	por p6, p2;
	p5 =	por p3, p0  }
0x24d: {  	p3 =	por !p4, !p1;
	p4 =	sgt.f32 s4, s25;
	p2 =	seq.s32 s10, $0x1  }
0x24e: {  	s9 =	smov.u32 @p6 s15;
	s5 =	smov.u32 @p6 s18;
	p0 =	por !p3, !p3  }
0x24f: {  	s19 =	smov.u32 @p5 s30;
	s24 =	smov.u32 @p5 s31;
	p3 =	por p4, p0  }
0x250: {  	s0 =	smov.u32 @p2 s11;
	s1 =	smov.u32 @p2 s12;
	s25 =	smov.u32 @p3 s4  }
0x251: {  	s7 =	smov.u32 @p3 s6;
	p0 =	seq.f32 s0, s9;
	p1 =	slt.f32 s1, s5  }
0x252: {  	p2 =	seq.f32 s19, s25;
	p4 =	slt.f32 s24, s7  }
0x253: {  	p0 =	por !p0, !p1;
	p1 =	sgt.f32 s0, s9  }
0x254: {  	p2 =	por !p2, !p4;
	p0 =	por !p0, !p0;
	p4 =	sgt.f32 s19, s25  }
0x255: {  	p1 =	por p1, p0;
	p2 =	por !p2, !p2  }
0x256: {  	s16 =	sld [smem:$0x7F7];
	p0 =	por p4, p2;
	s9 =	smov.u32 @p1 s0  }
0x257: {  	s5 =	smov.u32 @p1 s1;
	s25 =	smov.u32 @p0 s19;
	s7 =	smov.u32 @p0 s24  }
0x258: {  	p2 =	seq.f32 s9, s25;
	p4 =	slt.f32 s5, s7  }
0x259: {  	s14 =	sld [smem:$0x7F5]  }
0x25a: {  	s15 =	sld [smem:$0x7F6];
	p2 =	por !p2, !p4;
	p4 =	sgt.f32 s9, s25  }
0x25b: {  	s21 =	sld [smem:$0x7FA];
	p2 =	por !p2, !p2  }
0x25c: {  	s18 =	sld [smem:$0x7F8];
	p2 =	por p4, p2;
	p4 =	seq.s32 s14, $0x1  }
0x25d: {  	s12 =	sshllo.u32 s28, $0x1;
	s19 =	sld [smem:$0x7F9];
	v12 =	vpsel p4, v12, v13;
	p4 =	seq.s32 s15, $0x1  }
0x25e: {  	s22 =	sld [smem:$0x7FB];
	v28 =	vmov s12;
	v13 =	vpsel p4, v14, v15;
	p4 =	seq.s32 s16, $0x1  }
0x25f: {  	[smem:$0x7FC] =	sst s2;
	s7 =	smov.u32 @p2 s5;
	v14 =	vpsel p4, v16, v17;
	p4 =	seq.s32 s18, $0x1  }
0x260: {  	s23 =	sld [smem:$0x7FC];
	s13 =	scvt.f32.s32 s7;
	v15 =	vpsel p4, v18, v19;
	p4 =	seq.s32 s19, $0x1  }
0x261: {  	s24 =	sld [smem:$0x7FD];
	v17 =	vpsel p4, v20, v21;
	p4 =	seq.s32 s21, $0x1  }
0x262: {  	v16 =	vmov s13;
	v18 =	vpsel p4, v22, v23;
	p4 =	seq.s32 s22, $0x1  }
0x263: {  	[tilespmem:v28+s20+$0x0] =	vst.idx.msk $0x1, v16;
	v16 =	vpsel p4, v24, v25;
	p4 =	seq.s32 s23, $0x1  }
0x264: {  	s31 =	simm.s32 $0x1080;
	v19 =	vpsel p4, v26, v27;
	p4 =	seq.s32 s24, $0x1  }
0x265: {  	v20 =	vld [tilespmem:s31+$0xFFFFFF80];
	v12 =	vpsel p4, v12, v13  }
0x266: {  	v13 =	vpsel p6, v14, v15;
	v14 =	vpsel p5, v17, v18;
	v15 =	vpsel p3, v16, v19;
	v16 =	vld [tilespmem:s29+$0xFFFFFF80]  }
0x267: {  	s1 =	simm.s32 $0x880;
	v12 =	vpsel p1, v12, v13;
	v13 =	vpsel p0, v14, v15  }
0x268: {  	v15 =	vld [tilespmem:s1+$0xFFFFFF80];
	v12 =	vpsel p2, v12, v13  }
0x269: {  	v14 =	vbroadcast v12, $0x2;
	v13 =	vbroadcast v12, $0x4;
	_ =	sdelay $0x1  }
0x26a: {  	v12 =	vbroadcast v12, $0x3;
	v17 =	vsub.f32 v20, v13;
	v16 =	vsub.f32 v16, v14;
	_ =	sdelay $0x1  }
0x26b: {  	s5 =	simm.s32 $0x1880;
	v15 =	vsub.f32 v15, v12;
	v17 =	vmul.f32 v17, v17;
	v16 =	vmul.f32 v16, v16  }
0x26c: {  	v18 =	vld [tilespmem:s5+$0xFFFFFF80]  }
0x26d: {  	v15 =	vmul.f32 v15, v15;
	v16 =	vadd.f32 v17, v16;
	_ =	sdelay $0x1  }
0x26e: {  	v15 =	vadd.f32 v16, v15;
	_ =	sdelay $0x1  }
0x26f: {  	v15 =	vmin.f32 v18, v15  }
0x270: {  	[tilespmem:s5+$0xFFFFFF80] =	vst v15  }
0x271: {  	v16 =	vld [tilespmem:s29+$0xFFFFFF90]  }
0x272: {  	v17 =	vld [tilespmem:s31+$0xFFFFFF90];
	_ =	sdelay $0x1  }
0x273: {  	v18 =	vld [tilespmem:s1+$0xFFFFFF90];
	_ =	sdelay $0x2  }
0x274: {  	v16 =	vsub.f32 v16, v14;
	v17 =	vsub.f32 v17, v13;
	_ =	sdelay $0x1  }
0x275: {  	v18 =	vsub.f32 v18, v12;
	v16 =	vmul.f32 v16, v16;
	v17 =	vmul.f32 v17, v17  }
0x276: {  	v19 =	vld [tilespmem:s5+$0xFFFFFF90]  }
0x277: {  	v16 =	vadd.f32 v17, v16;
	v17 =	vmul.f32 v18, v18;
	_ =	sdelay $0x1  }
0x278: {  	v16 =	vadd.f32 v16, v17;
	_ =	sdelay $0x1  }
0x279: {  	v16 =	vmin.f32 v19, v16  }
0x27a: {  	[tilespmem:s5+$0xFFFFFF90] =	vst v16  }
0x27b: {  	v17 =	vld [tilespmem:s29+$0xFFFFFFA0]  }
0x27c: {  	v18 =	vld [tilespmem:s31+$0xFFFFFFA0];
	_ =	sdelay $0x1  }
0x27d: {  	v19 =	vld [tilespmem:s1+$0xFFFFFFA0];
	_ =	sdelay $0x2  }
0x27e: {  	v17 =	vsub.f32 v17, v14;
	v18 =	vsub.f32 v18, v13;
	_ =	sdelay $0x1  }
0x27f: {  	v19 =	vsub.f32 v19, v12;
	v17 =	vmul.f32 v17, v17;
	v18 =	vmul.f32 v18, v18  }
0x280: {  	v20 =	vld [tilespmem:s5+$0xFFFFFFA0]  }
0x281: {  	v17 =	vadd.f32 v18, v17;
	v18 =	vmul.f32 v19, v19;
	_ =	sdelay $0x1  }
0x282: {  	v17 =	vadd.f32 v17, v18;
	_ =	sdelay $0x1  }
0x283: {  	v17 =	vmin.f32 v20, v17  }
0x284: {  	[tilespmem:s5+$0xFFFFFFA0] =	vst v17  }
0x285: {  	v18 =	vld [tilespmem:s31+$0xFFFFFFB0]  }
0x286: {  	v19 =	vld [tilespmem:s29+$0xFFFFFFB0];
	_ =	sdelay $0x1  }
0x287: {  	v20 =	vld [tilespmem:s1+$0xFFFFFFB0];
	_ =	sdelay $0x2  }
0x288: {  	v18 =	vsub.f32 v18, v13;
	v19 =	vsub.f32 v19, v14;
	_ =	sdelay $0x1  }
0x289: {  	v20 =	vsub.f32 v20, v12;
	v19 =	vmul.f32 v19, v19;
	v18 =	vmul.f32 v18, v18  }
0x28a: {  	v21 =	vld [tilespmem:s5+$0xFFFFFFB0]  }
0x28b: {  	v18 =	vadd.f32 v18, v19;
	v19 =	vmul.f32 v20, v20;
	_ =	sdelay $0x1  }
0x28c: {  	v18 =	vadd.f32 v18, v19;
	_ =	sdelay $0x1  }
0x28d: {  	v23 =	vmin.f32 v21, v18  }
0x28e: {  	[tilespmem:s5+$0xFFFFFFB0] =	vst v23  }
0x28f: {  	v18 =	vld [tilespmem:s29+$0xFFFFFFC0]  }
0x290: {  	v19 =	vld [tilespmem:s31+$0xFFFFFFC0];
	_ =	sdelay $0x1  }
0x291: {  	v20 =	vld [tilespmem:s1+$0xFFFFFFC0];
	_ =	sdelay $0x2  }
0x292: {  	v18 =	vsub.f32 v18, v14;
	v19 =	vsub.f32 v19, v13;
	_ =	sdelay $0x1  }
0x293: {  	v20 =	vsub.f32 v20, v12;
	v18 =	vmul.f32 v18, v18;
	v19 =	vmul.f32 v19, v19  }
0x294: {  	v21 =	vld [tilespmem:s5+$0xFFFFFFC0]  }
0x295: {  	v18 =	vadd.f32 v19, v18;
	v19 =	vmul.f32 v20, v20;
	_ =	sdelay $0x1  }
0x296: {  	v18 =	vadd.f32 v18, v19;
	_ =	sdelay $0x1  }
0x297: {  	v24 =	vmin.f32 v21, v18  }
0x298: {  	[tilespmem:s5+$0xFFFFFFC0] =	vst v24  }
0x299: {  	v18 =	vld [tilespmem:s29+$0xFFFFFFD0]  }
0x29a: {  	v19 =	vld [tilespmem:s31+$0xFFFFFFD0];
	_ =	sdelay $0x1  }
0x29b: {  	v20 =	vld [tilespmem:s1+$0xFFFFFFD0];
	_ =	sdelay $0x2  }
0x29c: {  	v18 =	vsub.f32 v18, v14;
	v19 =	vsub.f32 v19, v13;
	_ =	sdelay $0x1  }
0x29d: {  	v20 =	vsub.f32 v20, v12;
	v18 =	vmul.f32 v18, v18;
	v19 =	vmul.f32 v19, v19  }
0x29e: {  	v21 =	vld [tilespmem:s5+$0xFFFFFFD0]  }
0x29f: {  	v18 =	vadd.f32 v19, v18;
	v19 =	vmul.f32 v20, v20;
	_ =	sdelay $0x1  }
0x2a0: {  	v18 =	vadd.f32 v18, v19;
	_ =	sdelay $0x1  }
0x2a1: {  	v26 =	vmin.f32 v21, v18  }
0x2a2: {  	[tilespmem:s5+$0xFFFFFFD0] =	vst v26  }
0x2a3: {  	v18 =	vld [tilespmem:s29+$0xFFFFFFE0]  }
0x2a4: {  	v19 =	vld [tilespmem:s31+$0xFFFFFFE0];
	_ =	sdelay $0x1  }
0x2a5: {  	v20 =	vld [tilespmem:s1+$0xFFFFFFE0];
	_ =	sdelay $0x2  }
0x2a6: {  	v18 =	vsub.f32 v18, v14;
	v19 =	vsub.f32 v19, v13;
	_ =	sdelay $0x1  }
0x2a7: {  	v20 =	vsub.f32 v20, v12;
	v18 =	vmul.f32 v18, v18;
	v19 =	vmul.f32 v19, v19  }
0x2a8: {  	v21 =	vld [tilespmem:s5+$0xFFFFFFE0]  }
0x2a9: {  	v18 =	vadd.f32 v19, v18;
	v19 =	vmul.f32 v20, v20;
	_ =	sdelay $0x1  }
0x2aa: {  	v18 =	vadd.f32 v18, v19;
	_ =	sdelay $0x1  }
0x2ab: {  	v32 =	vmin.f32 v21, v18  }
0x2ac: {  	[tilespmem:s5+$0xFFFFFFE0] =	vst v32  }
0x2ad: {  	v18 =	vld [tilespmem:s29+$0xFFFFFFF0]  }
0x2ae: {  	v19 =	vld [tilespmem:s31+$0xFFFFFFF0];
	_ =	sdelay $0x1  }
0x2af: {  	v20 =	vld [tilespmem:s1+$0xFFFFFFF0];
	_ =	sdelay $0x2  }
0x2b0: {  	v18 =	vsub.f32 v18, v14;
	v19 =	vsub.f32 v19, v13;
	_ =	sdelay $0x1  }
0x2b1: {  	v20 =	vsub.f32 v20, v12;
	v18 =	vmul.f32 v18, v18;
	v19 =	vmul.f32 v19, v19  }
0x2b2: {  	v21 =	vld [tilespmem:s5+$0xFFFFFFF0]  }
0x2b3: {  	v18 =	vadd.f32 v19, v18;
	v19 =	vmul.f32 v20, v20;
	_ =	sdelay $0x1  }
0x2b4: {  	v18 =	vadd.f32 v18, v19;
	_ =	sdelay $0x1  }
0x2b5: {  	v31 =	vmin.f32 v21, v18  }
0x2b6: {  	[tilespmem:s5+$0xFFFFFFF0] =	vst v31  }
0x2b7: {  	v18 =	vld [tilespmem:s29+$0x0]  }
0x2b8: {  	v19 =	vld [tilespmem:s31+$0x0];
	_ =	sdelay $0x1  }
0x2b9: {  	v20 =	vld [tilespmem:s1+$0x0];
	_ =	sdelay $0x2  }
0x2ba: {  	v18 =	vsub.f32 v18, v14;
	v19 =	vsub.f32 v19, v13;
	_ =	sdelay $0x1  }
0x2bb: {  	v20 =	vsub.f32 v20, v12;
	v18 =	vmul.f32 v18, v18;
	v19 =	vmul.f32 v19, v19  }
0x2bc: {  	v21 =	vld [tilespmem:s5+$0x0]  }
0x2bd: {  	v18 =	vadd.f32 v19, v18;
	v19 =	vmul.f32 v20, v20;
	_ =	sdelay $0x1  }
0x2be: {  	v18 =	vadd.f32 v18, v19;
	_ =	sdelay $0x1  }
0x2bf: {  	v19 =	vmin.f32 v21, v18  }
0x2c0: {  	[tilespmem:s5+$0x0] =	vst v19  }
0x2c1: {  	v18 =	vld [tilespmem:s29+$0x10]  }
0x2c2: {  	v20 =	vld [tilespmem:s31+$0x10];
	_ =	sdelay $0x1  }
0x2c3: {  	v21 =	vld [tilespmem:s1+$0x10];
	_ =	sdelay $0x2  }
0x2c4: {  	v18 =	vsub.f32 v18, v14;
	v20 =	vsub.f32 v20, v13;
	_ =	sdelay $0x1  }
0x2c5: {  	v21 =	vsub.f32 v21, v12;
	v18 =	vmul.f32 v18, v18;
	v20 =	vmul.f32 v20, v20  }
0x2c6: {  	v22 =	vld [tilespmem:s5+$0x10]  }
0x2c7: {  	v18 =	vadd.f32 v20, v18;
	v20 =	vmul.f32 v21, v21;
	_ =	sdelay $0x1  }
0x2c8: {  	v18 =	vadd.f32 v18, v20;
	_ =	sdelay $0x1  }
0x2c9: {  	v20 =	vmin.f32 v22, v18  }
0x2ca: {  	[tilespmem:s5+$0x10] =	vst v20  }
0x2cb: {  	v18 =	vld [tilespmem:s29+$0x20]  }
0x2cc: {  	v21 =	vld [tilespmem:s31+$0x20];
	_ =	sdelay $0x1  }
0x2cd: {  	v22 =	vld [tilespmem:s1+$0x20];
	_ =	sdelay $0x2  }
0x2ce: {  	v18 =	vsub.f32 v18, v14;
	v21 =	vsub.f32 v21, v13;
	_ =	sdelay $0x1  }
0x2cf: {  	v22 =	vsub.f32 v22, v12;
	v18 =	vmul.f32 v18, v18;
	v21 =	vmul.f32 v21, v21  }
0x2d0: {  	v25 =	vld [tilespmem:s5+$0x20]  }
0x2d1: {  	v18 =	vadd.f32 v21, v18;
	v21 =	vmul.f32 v22, v22;
	_ =	sdelay $0x1  }
0x2d2: {  	v18 =	vadd.f32 v18, v21;
	_ =	sdelay $0x1  }
0x2d3: {  	v25 =	vmin.f32 v25, v18  }
0x2d4: {  	[tilespmem:s5+$0x20] =	vst v25  }
0x2d5: {  	v18 =	vld [tilespmem:s29+$0x30]  }
0x2d6: {  	v21 =	vld [tilespmem:s31+$0x30];
	_ =	sdelay $0x1  }
0x2d7: {  	v22 =	vld [tilespmem:s1+$0x30];
	_ =	sdelay $0x2  }
0x2d8: {  	v18 =	vsub.f32 v18, v14;
	v21 =	vsub.f32 v21, v13;
	_ =	sdelay $0x1  }
0x2d9: {  	v22 =	vsub.f32 v22, v12;
	v18 =	vmul.f32 v18, v18;
	v21 =	vmul.f32 v21, v21  }
0x2da: {  	v27 =	vld [tilespmem:s5+$0x30]  }
0x2db: {  	v18 =	vadd.f32 v21, v18;
	v21 =	vmul.f32 v22, v22;
	_ =	sdelay $0x1  }
0x2dc: {  	v18 =	vadd.f32 v18, v21;
	_ =	sdelay $0x1  }
0x2dd: {  	v27 =	vmin.f32 v27, v18  }
0x2de: {  	[tilespmem:s5+$0x30] =	vst v27  }
0x2df: {  	v18 =	vld [tilespmem:s29+$0x40]  }
0x2e0: {  	v21 =	vld [tilespmem:s31+$0x40];
	_ =	sdelay $0x1  }
0x2e1: {  	v22 =	vld [tilespmem:s1+$0x40];
	_ =	sdelay $0x2  }
0x2e2: {  	v18 =	vsub.f32 v18, v14;
	v21 =	vsub.f32 v21, v13;
	_ =	sdelay $0x1  }
0x2e3: {  	v22 =	vsub.f32 v22, v12;
	v18 =	vmul.f32 v18, v18;
	v21 =	vmul.f32 v21, v21  }
0x2e4: {  	v28 =	vld [tilespmem:s5+$0x40]  }
0x2e5: {  	v18 =	vadd.f32 v21, v18;
	v21 =	vmul.f32 v22, v22;
	_ =	sdelay $0x1  }
0x2e6: {  	v18 =	vadd.f32 v18, v21;
	_ =	sdelay $0x1  }
0x2e7: {  	v59 =	vmin.f32 v28, v18  }
0x2e8: {  	[tilespmem:s5+$0x40] =	vst v59  }
0x2e9: {  	v18 =	vld [tilespmem:s29+$0x50]  }
0x2ea: {  	v21 =	vld [tilespmem:s31+$0x50];
	_ =	sdelay $0x1  }
0x2eb: {  	v22 =	vld [tilespmem:s1+$0x50];
	_ =	sdelay $0x2  }
0x2ec: {  	v18 =	vsub.f32 v18, v14;
	v21 =	vsub.f32 v21, v13;
	_ =	sdelay $0x1  }
0x2ed: {  	v22 =	vsub.f32 v22, v12;
	v18 =	vmul.f32 v18, v18;
	v21 =	vmul.f32 v21, v21  }
0x2ee: {  	v28 =	vld [tilespmem:s5+$0x50]  }
0x2ef: {  	v22 =	vmul.f32 v22, v22;
	v29 =	vadd.f32 v21, v18  }
0x2f0: {  	s25 =	simm.s32 $0x0;
	v21 =	vimm.f32 $-Inf  }
0x2f1: {  	s12 =	scvt.s32.f32 s25;
	v18 =	vimm.f32 $0.0e+00;
	vm5 =	vgt.f32 v16, v21;
	v22 =	vadd.f32 v29, v22  }
0x2f2: {  	s26 =	simm.s32 $0x1;
	vm6 =	vgt.f32 v23, v21;
	vm4 =	vgt.f32 v24, v21;
	vm7 =	vgt.f32 v15, v21  }
0x2f3: {  	s11 =	scvt.s32.f32 s26;
	v15 =	vmax.f32 v21, v15;
	v29 =	vsel vm7, s12, v18;
	v60 =	vmin.f32 v28, v22  }
0x2f4: {  	vm7 =	vgt.f32 v19, v15;
	v19 =	vmax.f32 v15, v19;
	v15 =	vmax.f32 v21, v16;
	[tilespmem:s5+$0x50] =	vst v60  }
0x2f5: {  	v16 =	vsel vm5, s12, v18;
	vm5 =	vgt.f32 v20, v15;
	v28 =	vsel vm7, s11, v29;
	v35 =	vld [tilespmem:s29+$0x60]  }
0x2f6: {  	v22 =	vmax.f32 v15, v20;
	vm7 =	vgt.f32 v17, v21;
	v15 =	vmax.f32 v21, v17;
	v36 =	vld [tilespmem:s31+$0x60]  }
0x2f7: {  	v30 =	vsel vm5, s11, v16;
	v16 =	vsel vm7, s12, v18;
	vm5 =	vgt.f32 v25, v15  }
0x2f8: {  	v20 =	vmax.f32 v15, v25;
	v15 =	vmax.f32 v21, v23;
	v29 =	vsel vm5, s11, v16;
	v16 =	vld [tilespmem:s1+$0x60]  }
0x2f9: {  	v23 =	vsel vm6, s12, v18;
	vm6 =	vgt.f32 v26, v21;
	v26 =	vmax.f32 v21, v26  }
0x2fa: {  	vm5 =	vgt.f32 v27, v15;
	v17 =	vmax.f32 v15, v27;
	v15 =	vmax.f32 v21, v24  }
0x2fb: {  	v25 =	vsel vm5, s11, v23;
	v23 =	vsub.f32 v35, v14;
	v24 =	vsub.f32 v36, v13  }
0x2fc: {  	v27 =	vsel vm4, s12, v18;
	vm4 =	vgt.f32 v31, v21;
	vm7 =	vgt.f32 v59, v15  }
0x2fd: {  	v16 =	vsub.f32 v16, v12;
	v23 =	vmul.f32 v23, v23;
	v61 =	vmul.f32 v24, v24  }
0x2fe: {  	v33 =	vld [tilespmem:s5+$0x60];
	v15 =	vmax.f32 v15, v59;
	vm5 =	vgt.f32 v32, v21;
	v24 =	vsel vm7, s11, v27  }
0x2ff: {  	v27 =	vsel vm6, s12, v18;
	v63 =	vmul.f32 v16, v16;
	v62 =	vadd.f32 v61, v23  }
0x300: {  	s30 =	sshll.u32 s28, $0x1;
	s0 =	simm.s32 $0x1880;
	s9 =	simm.s32 $0x180;
	vm6 =	vgt.f32 v60, v26;
	v16 =	vmax.f32 v26, v60;
	v26 =	vimm.f32 $-Inf  }
0x301: {  	s18 =	simm.s32 $0x880;
	s19 =	simm.s32 $0x1080;
	s24 =	simm.s32 $0x2;
	v23 =	vsel vm6, s11, v27;
	v27 =	vimm.f32 $0.0e+00;
	v34 =	vadd.f32 v62, v63  }
.LBB2_7:
0x302: {  	s1 =	sadd.s32 $0x100, s1;
	s31 =	sadd.s32 $0x100, s31;
	s5 =	sadd.s32 $0x100, s5  }
0x303: {  	p0 =	slt.u32 s24, $0xE;
	v21 =	vmax.f32 v21, v32;
	s15 =	smov.u32 s24;
	s24 =	sadd.s32 $0x2, s24;
	v32 =	vmin.f32 v33, v34  }
0x304: {  	v18 =	vsel vm5, s12, v18;
	[tilespmem:s0+$0x60] =	vst v32;
	vm5 =	vgt.f32 v32, v21;
	v21 =	vmax.f32 v21, v32  }
0x305: {  	v18 =	vsel vm5, s11, v18;
	v32 =	vld [tilespmem:s29+$0x70];
	s29 =	smov.u32 s9  }
0x306: {  	v33 =	vld [tilespmem:s19+$0x70];
	s19 =	smov.u32 s31  }
0x307: {  	v34 =	vld [tilespmem:s18+$0x70];
	s18 =	smov.u32 s1;
	_ =	sdelay $0x2  }
0x308: {  	v32 =	vsub.f32 v32, v14  }
0x309: {  	v33 =	vsub.f32 v33, v13  }
0x30a: {  	v34 =	vsub.f32 v34, v12;
	v32 =	vmul.f32 v32, v32  }
0x30b: {  	v33 =	vmul.f32 v33, v33;
	v35 =	vld [tilespmem:s0+$0x70]  }
0x30c: {  	v34 =	vmul.f32 v34, v34  }
0x30d: {  	v32 =	vadd.f32 v33, v32;
	_ =	sdelay $0x1  }
0x30e: {  	v32 =	vadd.f32 v32, v34  }
0x30f: {  	v26 =	vmax.f32 v26, v31  }
0x310: {  	v27 =	vsel vm4, s12, v27;
	v31 =	vmin.f32 v35, v32  }
0x311: {  	[tilespmem:s0+$0x70] =	vst v31;
	vm4 =	vgt.f32 v31, v26;
	v26 =	vmax.f32 v26, v31;
	s0 =	smov.u32 s5  }
0x312: {  	v31 =	vld [tilespmem:s31+$0xFFFFFF80];
	v27 =	vsel vm4, s11, v27  }
0x313: {  	v32 =	vld [tilespmem:s9+$0xFFFFFF80];
	_ =	sdelay $0x1  }
0x314: {  	v33 =	vld [tilespmem:s1+$0xFFFFFF80];
	_ =	sdelay $0x1  }
0x315: {  	v31 =	vsub.f32 v31, v13  }
0x316: {  	v32 =	vsub.f32 v32, v14  }
0x317: {  	v31 =	vmul.f32 v31, v31  }
0x318: {  	v33 =	vsub.f32 v33, v12;
	v32 =	vmul.f32 v32, v32  }
0x319: {  	v34 =	vld [tilespmem:s5+$0xFFFFFF80]  }
0x31a: {  	v31 =	vadd.f32 v31, v32;
	v32 =	vmul.f32 v33, v33;
	_ =	sdelay $0x1  }
0x31b: {  	v31 =	vadd.f32 v31, v32;
	_ =	sdelay $0x1  }
0x31c: {  	v38 =	vmin.f32 v34, v31  }
0x31d: {  	[tilespmem:s5+$0xFFFFFF80] =	vst v38  }
0x31e: {  	v31 =	vld [tilespmem:s9+$0xFFFFFF90]  }
0x31f: {  	v32 =	vld [tilespmem:s31+$0xFFFFFF90];
	_ =	sdelay $0x1  }
0x320: {  	v33 =	vld [tilespmem:s1+$0xFFFFFF90];
	_ =	sdelay $0x1  }
0x321: {  	v31 =	vsub.f32 v31, v14  }
0x322: {  	v32 =	vsub.f32 v32, v13;
	_ =	sdelay $0x1  }
0x323: {  	v31 =	vmul.f32 v31, v31;
	v33 =	vsub.f32 v33, v12;
	v32 =	vmul.f32 v32, v32  }
0x324: {  	v34 =	vld [tilespmem:s5+$0xFFFFFF90]  }
0x325: {  	v31 =	vadd.f32 v32, v31;
	v32 =	vmul.f32 v33, v33;
	_ =	sdelay $0x1  }
0x326: {  	v31 =	vadd.f32 v31, v32;
	_ =	sdelay $0x1  }
0x327: {  	v37 =	vmin.f32 v34, v31  }
0x328: {  	[tilespmem:s5+$0xFFFFFF90] =	vst v37;
	vm9 =	vgt.f32 v37, v22  }
0x329: {  	v31 =	vld [tilespmem:s9+$0xFFFFFFA0]  }
0x32a: {  	v32 =	vld [tilespmem:s31+$0xFFFFFFA0]  }
0x32b: {  	v33 =	vld [tilespmem:s1+$0xFFFFFFA0];
	_ =	sdelay $0x2  }
0x32c: {  	v31 =	vsub.f32 v31, v14  }
0x32d: {  	v32 =	vsub.f32 v32, v13  }
0x32e: {  	v33 =	vsub.f32 v33, v12  }
0x32f: {  	v31 =	vmul.f32 v31, v31;
	v32 =	vmul.f32 v32, v32  }
0x330: {  	v34 =	vld [tilespmem:s5+$0xFFFFFFA0]  }
0x331: {  	v31 =	vadd.f32 v32, v31;
	v32 =	vmul.f32 v33, v33;
	_ =	sdelay $0x1  }
0x332: {  	v31 =	vadd.f32 v31, v32;
	_ =	sdelay $0x1  }
0x333: {  	v36 =	vmin.f32 v34, v31  }
0x334: {  	[tilespmem:s5+$0xFFFFFFA0] =	vst v36  }
0x335: {  	v31 =	vld [tilespmem:s31+$0xFFFFFFB0]  }
0x336: {  	v32 =	vld [tilespmem:s9+$0xFFFFFFB0]  }
0x337: {  	v33 =	vld [tilespmem:s1+$0xFFFFFFB0];
	_ =	sdelay $0x2  }
0x338: {  	v31 =	vsub.f32 v31, v13  }
0x339: {  	v32 =	vsub.f32 v32, v14  }
0x33a: {  	v33 =	vsub.f32 v33, v12  }
0x33b: {  	v31 =	vmul.f32 v31, v31;
	v32 =	vmul.f32 v32, v32  }
0x33c: {  	v34 =	vld [tilespmem:s5+$0xFFFFFFB0]  }
0x33d: {  	v31 =	vadd.f32 v31, v32;
	v32 =	vmul.f32 v33, v33;
	_ =	sdelay $0x1  }
0x33e: {  	v31 =	vadd.f32 v31, v32;
	_ =	sdelay $0x1  }
0x33f: {  	v35 =	vmin.f32 v34, v31  }
0x340: {  	[tilespmem:s5+$0xFFFFFFB0] =	vst v35;
	vm8 =	vgt.f32 v35, v17  }
0x341: {  	v31 =	vld [tilespmem:s9+$0xFFFFFFC0]  }
0x342: {  	v32 =	vld [tilespmem:s31+$0xFFFFFFC0]  }
0x343: {  	v33 =	vld [tilespmem:s1+$0xFFFFFFC0];
	_ =	sdelay $0x2  }
0x344: {  	v31 =	vsub.f32 v31, v14  }
0x345: {  	v32 =	vsub.f32 v32, v13  }
0x346: {  	v33 =	vsub.f32 v33, v12  }
0x347: {  	v31 =	vmul.f32 v31, v31;
	v32 =	vmul.f32 v32, v32  }
0x348: {  	v34 =	vld [tilespmem:s5+$0xFFFFFFC0]  }
0x349: {  	v31 =	vadd.f32 v32, v31;
	v32 =	vmul.f32 v33, v33;
	_ =	sdelay $0x1  }
0x34a: {  	v31 =	vadd.f32 v31, v32;
	_ =	sdelay $0x1  }
0x34b: {  	v34 =	vmin.f32 v34, v31  }
0x34c: {  	[tilespmem:s5+$0xFFFFFFC0] =	vst v34;
	vm7 =	vgt.f32 v34, v15  }
0x34d: {  	v31 =	vld [tilespmem:s9+$0xFFFFFFD0]  }
0x34e: {  	v32 =	vld [tilespmem:s31+$0xFFFFFFD0]  }
0x34f: {  	v33 =	vld [tilespmem:s1+$0xFFFFFFD0];
	_ =	sdelay $0x2  }
0x350: {  	v31 =	vsub.f32 v31, v14  }
0x351: {  	v32 =	vsub.f32 v32, v13  }
0x352: {  	v33 =	vsub.f32 v33, v12  }
0x353: {  	v31 =	vmul.f32 v31, v31;
	v32 =	vmul.f32 v32, v32  }
0x354: {  	v39 =	vld [tilespmem:s5+$0xFFFFFFD0]  }
0x355: {  	v31 =	vadd.f32 v32, v31;
	v32 =	vmul.f32 v33, v33;
	_ =	sdelay $0x1  }
0x356: {  	v31 =	vadd.f32 v31, v32;
	_ =	sdelay $0x1  }
0x357: {  	v33 =	vmin.f32 v39, v31  }
0x358: {  	[tilespmem:s5+$0xFFFFFFD0] =	vst v33;
	vm6 =	vgt.f32 v33, v16  }
0x359: {  	v31 =	vld [tilespmem:s9+$0xFFFFFFE0]  }
0x35a: {  	v32 =	vld [tilespmem:s31+$0xFFFFFFE0]  }
0x35b: {  	v39 =	vld [tilespmem:s1+$0xFFFFFFE0];
	_ =	sdelay $0x2  }
0x35c: {  	v31 =	vsub.f32 v31, v14  }
0x35d: {  	v32 =	vsub.f32 v32, v13;
	_ =	sdelay $0x1  }
0x35e: {  	v39 =	vsub.f32 v39, v12;
	v31 =	vmul.f32 v31, v31;
	v32 =	vmul.f32 v32, v32  }
0x35f: {  	v40 =	vld [tilespmem:s5+$0xFFFFFFE0]  }
0x360: {  	v31 =	vadd.f32 v32, v31;
	v32 =	vmul.f32 v39, v39;
	_ =	sdelay $0x1  }
0x361: {  	v31 =	vadd.f32 v31, v32;
	_ =	sdelay $0x1  }
0x362: {  	v32 =	vmin.f32 v40, v31  }
0x363: {  	[tilespmem:s5+$0xFFFFFFE0] =	vst v32;
	vm5 =	vgt.f32 v32, v21  }
0x364: {  	v31 =	vld [tilespmem:s9+$0xFFFFFFF0]  }
0x365: {  	v39 =	vld [tilespmem:s31+$0xFFFFFFF0]  }
0x366: {  	v40 =	vld [tilespmem:s1+$0xFFFFFFF0];
	_ =	sdelay $0x2  }
0x367: {  	v31 =	vsub.f32 v31, v14  }
0x368: {  	v39 =	vsub.f32 v39, v13  }
0x369: {  	v40 =	vsub.f32 v40, v12  }
0x36a: {  	v31 =	vmul.f32 v31, v31;
	v39 =	vmul.f32 v39, v39  }
0x36b: {  	v41 =	vld [tilespmem:s5+$0xFFFFFFF0]  }
0x36c: {  	v31 =	vadd.f32 v39, v31;
	v39 =	vmul.f32 v40, v40;
	_ =	sdelay $0x1  }
0x36d: {  	v31 =	vadd.f32 v31, v39;
	_ =	sdelay $0x1  }
0x36e: {  	v31 =	vmin.f32 v41, v31  }
0x36f: {  	[tilespmem:s5+$0xFFFFFFF0] =	vst v31;
	vm4 =	vgt.f32 v31, v26  }
0x370: {  	v39 =	vld [tilespmem:s9+$0x0]  }
0x371: {  	v40 =	vld [tilespmem:s31+$0x0]  }
0x372: {  	v41 =	vld [tilespmem:s1+$0x0];
	_ =	sdelay $0x2  }
0x373: {  	v39 =	vsub.f32 v39, v14  }
0x374: {  	v40 =	vsub.f32 v40, v13  }
0x375: {  	v41 =	vsub.f32 v41, v12  }
0x376: {  	v39 =	vmul.f32 v39, v39;
	v40 =	vmul.f32 v40, v40  }
0x377: {  	v42 =	vld [tilespmem:s5+$0x0]  }
0x378: {  	v39 =	vadd.f32 v40, v39;
	v40 =	vmul.f32 v41, v41;
	_ =	sdelay $0x1  }
0x379: {  	v39 =	vadd.f32 v39, v40  }
0x37a: {  	s12 =	scvt.s32.f32 s15;
	s2 =	sadd.s32 $0x1, s15  }
0x37b: {  	s11 =	scvt.s32.f32 s2;
	vm10 =	vgt.f32 v38, v19;
	v19 =	vmax.f32 v19, v38;
	v38 =	vmin.f32 v42, v39  }
0x37c: {  	v28 =	vsel vm10, s12, v28;
	[tilespmem:s5+$0x0] =	vst v38;
	vm10 =	vgt.f32 v38, v19;
	v19 =	vmax.f32 v19, v38  }
0x37d: {  	v28 =	vsel vm10, s11, v28;
	v38 =	vld [tilespmem:s9+$0x10]  }
0x37e: {  	v39 =	vld [tilespmem:s31+$0x10]  }
0x37f: {  	v40 =	vld [tilespmem:s1+$0x10];
	_ =	sdelay $0x2  }
0x380: {  	v38 =	vsub.f32 v38, v14  }
0x381: {  	v39 =	vsub.f32 v39, v13  }
0x382: {  	v40 =	vsub.f32 v40, v12  }
0x383: {  	v38 =	vmul.f32 v38, v38;
	v39 =	vmul.f32 v39, v39  }
0x384: {  	v41 =	vld [tilespmem:s5+$0x10]  }
0x385: {  	v38 =	vadd.f32 v39, v38;
	v39 =	vmul.f32 v40, v40;
	_ =	sdelay $0x1  }
0x386: {  	v38 =	vadd.f32 v38, v39;
	_ =	sdelay $0x1  }
0x387: {  	v22 =	vmax.f32 v22, v37;
	v37 =	vmin.f32 v41, v38  }
0x388: {  	v30 =	vsel vm9, s12, v30;
	[tilespmem:s5+$0x10] =	vst v37;
	vm9 =	vgt.f32 v37, v22;
	v22 =	vmax.f32 v22, v37  }
0x389: {  	v30 =	vsel vm9, s11, v30;
	v37 =	vld [tilespmem:s9+$0x20]  }
0x38a: {  	v38 =	vld [tilespmem:s31+$0x20]  }
0x38b: {  	v39 =	vld [tilespmem:s1+$0x20];
	_ =	sdelay $0x2  }
0x38c: {  	v37 =	vsub.f32 v37, v14  }
0x38d: {  	v38 =	vsub.f32 v38, v13  }
0x38e: {  	v39 =	vsub.f32 v39, v12  }
0x38f: {  	v37 =	vmul.f32 v37, v37;
	v38 =	vmul.f32 v38, v38  }
0x390: {  	v40 =	vld [tilespmem:s5+$0x20]  }
0x391: {  	v37 =	vadd.f32 v38, v37;
	v38 =	vmul.f32 v39, v39;
	_ =	sdelay $0x1  }
0x392: {  	v37 =	vadd.f32 v37, v38;
	_ =	sdelay $0x1  }
0x393: {  	vm9 =	vgt.f32 v36, v20;
	v20 =	vmax.f32 v20, v36;
	v36 =	vmin.f32 v40, v37  }
0x394: {  	v29 =	vsel vm9, s12, v29;
	[tilespmem:s5+$0x20] =	vst v36;
	vm9 =	vgt.f32 v36, v20;
	v20 =	vmax.f32 v20, v36  }
0x395: {  	v29 =	vsel vm9, s11, v29;
	v36 =	vld [tilespmem:s9+$0x30]  }
0x396: {  	v37 =	vld [tilespmem:s31+$0x30]  }
0x397: {  	v38 =	vld [tilespmem:s1+$0x30];
	_ =	sdelay $0x2  }
0x398: {  	v36 =	vsub.f32 v36, v14  }
0x399: {  	v37 =	vsub.f32 v37, v13  }
0x39a: {  	v38 =	vsub.f32 v38, v12  }
0x39b: {  	v36 =	vmul.f32 v36, v36;
	v37 =	vmul.f32 v37, v37  }
0x39c: {  	v39 =	vld [tilespmem:s5+$0x30]  }
0x39d: {  	v36 =	vadd.f32 v37, v36;
	v37 =	vmul.f32 v38, v38;
	_ =	sdelay $0x1  }
0x39e: {  	v36 =	vadd.f32 v36, v37;
	_ =	sdelay $0x1  }
0x39f: {  	v17 =	vmax.f32 v17, v35;
	v35 =	vmin.f32 v39, v36  }
0x3a0: {  	v25 =	vsel vm8, s12, v25;
	[tilespmem:s5+$0x30] =	vst v35;
	vm8 =	vgt.f32 v35, v17;
	v17 =	vmax.f32 v17, v35  }
0x3a1: {  	v25 =	vsel vm8, s11, v25;
	v35 =	vld [tilespmem:s9+$0x40]  }
0x3a2: {  	v36 =	vld [tilespmem:s31+$0x40]  }
0x3a3: {  	v37 =	vld [tilespmem:s1+$0x40];
	_ =	sdelay $0x3  }
0x3a4: {  	v35 =	vsub.f32 v35, v14;
	v36 =	vsub.f32 v36, v13  }
0x3a5: {  	v37 =	vsub.f32 v37, v12  }
0x3a6: {  	v35 =	vmul.f32 v35, v35;
	v36 =	vmul.f32 v36, v36  }
0x3a7: {  	v38 =	vld [tilespmem:s5+$0x40]  }
0x3a8: {  	v35 =	vadd.f32 v36, v35;
	v36 =	vmul.f32 v37, v37;
	_ =	sdelay $0x1  }
0x3a9: {  	v35 =	vadd.f32 v35, v36;
	_ =	sdelay $0x1  }
0x3aa: {  	v15 =	vmax.f32 v15, v34;
	v34 =	vmin.f32 v38, v35  }
0x3ab: {  	v24 =	vsel vm7, s12, v24;
	[tilespmem:s5+$0x40] =	vst v34;
	vm7 =	vgt.f32 v34, v15;
	v15 =	vmax.f32 v15, v34  }
0x3ac: {  	v24 =	vsel vm7, s11, v24;
	v34 =	vld [tilespmem:s9+$0x50]  }
0x3ad: {  	v35 =	vld [tilespmem:s31+$0x50]  }
0x3ae: {  	v36 =	vld [tilespmem:s1+$0x50];
	_ =	sdelay $0x2  }
0x3af: {  	v34 =	vsub.f32 v34, v14  }
0x3b0: {  	v35 =	vsub.f32 v35, v13  }
0x3b1: {  	v36 =	vsub.f32 v36, v12;
	v34 =	vmul.f32 v34, v34  }
0x3b2: {  	v35 =	vmul.f32 v35, v35  }
0x3b3: {  	v37 =	vld [tilespmem:s5+$0x50]  }
0x3b4: {  	v34 =	vadd.f32 v35, v34;
	v35 =	vmul.f32 v36, v36;
	_ =	sdelay $0x1  }
0x3b5: {  	v34 =	vadd.f32 v34, v35;
	_ =	sdelay $0x1  }
0x3b6: {  	v16 =	vmax.f32 v16, v33;
	v33 =	vmin.f32 v37, v34  }
0x3b7: {  	v23 =	vsel vm6, s12, v23;
	[tilespmem:s5+$0x50] =	vst v33;
	vm6 =	vgt.f32 v33, v16;
	v16 =	vmax.f32 v16, v33  }
0x3b8: {  	v23 =	vsel vm6, s11, v23;
	v33 =	vld [tilespmem:s9+$0x60]  }
0x3b9: {  	v34 =	vld [tilespmem:s31+$0x60]  }
0x3ba: {  	v35 =	vld [tilespmem:s1+$0x60];
	_ =	sdelay $0x2  }
0x3bb: {  	v33 =	vsub.f32 v33, v14  }
0x3bc: {  	v34 =	vsub.f32 v34, v13  }
0x3bd: {  	v35 =	vsub.f32 v35, v12;
	v36 =	vmul.f32 v33, v33  }
.Ltmp2:
0x3be: {  	v34 =	vmul.f32 v34, v34;
	(pc) =	sbr.rel @p0 .LBB2_7-.Ltmp2, $3  }
0x3bf: {  	v33 =	vld [tilespmem:s5+$0x60]  }
0x3c0: {  	v35 =	vmul.f32 v35, v35;
	v34 =	vadd.f32 v34, v36;
	_ =	sdelay $0x1  }
0x3c1: {  	s9 =	sadd.s32 $0x100, s9;
	v34 =	vadd.f32 v34, v35  }
0x3c2: {  	v28 =	vmul.f32 $1.280000000e+02, v28;
	v30 =	vmul.f32 $1.280000000e+02, v30;
	_ =	sdelay $0x1  }
0x3c3: {  	v21 =	vmax.f32 v21, v32;
	v28 =	vadd.f32 v2, v28;
	v30 =	vadd.f32 v3, v30  }
0x3c4: {  	v18 =	vsel vm5, s12, v18;
	vm6 =	veq.f32 v22, v19;
	v33 =	vmin.f32 v33, v34  }
0x3c5: {  	v29 =	vmul.f32 $1.280000000e+02, v29;
	[tilespmem:s0+$0x60] =	vst v33;
	vm5 =	vgt.f32 v33, v21;
	vm7 =	vlt.f32 v30, v28  }
0x3c6: {  	vm13 =	vgt.f32 v22, v19;
	v62 =	vld [tilespmem:s29+$0x70];
	v18 =	vsel vm5, s11, v18;
	vm5 =	vmand vm6, vm7  }
0x3c7: {  	v25 =	vmul.f32 $1.280000000e+02, v25;
	v29 =	vadd.f32 v4, v29;
	v63 =	vld [tilespmem:s19+$0x70];
	vm5 =	vmor vm13, vm5  }
0x3c8: {  	v21 =	vmax.f32 v21, v33;
	v33 =	vsel vm5, v22, v19;
	v36 =	vsel vm5, v30, v28  }
0x3c9: {  	v38 =	vmul.f32 $1.280000000e+02, v24;
	vm5 =	veq.f32 v20, v33;
	vm14 =	vlt.f32 v29, v36  }
0x3ca: {  	v41 =	vmul.f32 $1.280000000e+02, v23;
	v35 =	vld [tilespmem:s18+$0x70];
	vm15 =	vgt.f32 v20, v33;
	vm5 =	vmand vm5, vm14  }
0x3cb: {  	v25 =	vadd.f32 v5, v25;
	v14 =	vsub.f32 v62, v14;
	vm5 =	vmor vm15, vm5  }
0x3cc: {  	v13 =	vsub.f32 v63, v13;
	v19 =	vsel vm5, v20, v33;
	v37 =	vsel vm5, v29, v36  }
0x3cd: {  	v14 =	vmul.f32 v14, v14;
	vm5 =	veq.f32 v17, v19;
	vm9 =	vlt.f32 v25, v37  }
0x3ce: {  	v13 =	vmul.f32 v13, v13;
	vm10 =	vgt.f32 v17, v19;
	vm5 =	vmand vm5, vm9  }
0x3cf: {  	v22 =	vadd.f32 v6, v38;
	v12 =	vsub.f32 v35, v12;
	vm5 =	vmor vm10, vm5  }
0x3d0: {  	v13 =	vadd.f32 v13, v14;
	v14 =	vsel vm5, v17, v19;
	v39 =	vsel vm5, v25, v37  }
0x3d1: {  	v40 =	vld [tilespmem:s0+$0x70];
	v42 =	vsel vm4, s12, v27;
	vm5 =	veq.f32 v15, v14;
	vm11 =	vlt.f32 v22, v39  }
0x3d2: {  	v12 =	vmul.f32 v12, v12;
	vm12 =	vgt.f32 v15, v14;
	vm5 =	vmand vm5, vm11  }
0x3d3: {  	v43 =	vmul.f32 $1.280000000e+02, v18;
	v20 =	vadd.f32 v7, v41;
	vm5 =	vmor vm12, vm5  }
0x3d4: {  	v12 =	vadd.f32 v13, v12;
	v14 =	vsel vm5, v15, v14;
	v15 =	vsel vm5, v22, v39  }
0x3d5: {  	v13 =	vmax.f32 v26, v31;
	vm4 =	veq.f32 v16, v14;
	vm5 =	vlt.f32 v20, v15  }
0x3d6: {  	v12 =	vmin.f32 v40, v12;
	vm13 =	vgt.f32 v16, v14;
	vm4 =	vmand vm4, vm5  }
0x3d7: {  	v17 =	vadd.f32 v8, v43;
	vm5 =	vgt.f32 v12, v13;
	vm4 =	vmor vm13, vm4  }
0x3d8: {  	v44 =	vsel vm5, s11, v42;
	v14 =	vsel vm4, v16, v14;
	v15 =	vsel vm4, v20, v15  }
0x3d9: {  	v45 =	vmul.f32 $1.280000000e+02, v44;
	vm4 =	veq.f32 v21, v14;
	vm5 =	vlt.f32 v17, v15  }
0x3da: {  	vm14 =	vgt.f32 v21, v14;
	vm4 =	vmand vm4, vm5  }
0x3db: {  	v16 =	vadd.f32 v9, v45;
	vm4 =	vmor vm14, vm4  }
0x3dc: {  	v13 =	vmax.f32 v13, v12;
	v14 =	vsel vm4, v21, v14;
	v15 =	vsel vm4, v17, v15  }
0x3dd: {  	vm4 =	veq.f32 v13, v14;
	vm5 =	vlt.f32 v16, v15  }
0x3de: {  	vm15 =	vgt.f32 v13, v14;
	vm4 =	vmand vm4, vm5  }
0x3df: {  	vm4 =	vmor vm15, vm4  }
0x3e0: {  	v13 =	vsel vm4, v13, v14  }
0x3e1: {  	(xrf0) =	vmax.scan.msk.f32 $0xffff, v13;
	_ =	sdelay $0x5  }
0x3e2: {  	v14, _, _ =	vpop (xrf0)  }
0x3e3: {  	v14 =	vbroadcast v14, $0xF;
	_ =	sdelay $0x1  }
0x3e4: {  	v15 =	vsel vm4, v16, v15;
	vm4 =	veq.f32 v13, v14  }
0x3e5: {  	v13 =	vnsel vm4, $0x4F32D05E, v15  }
0x3e6: {  	(xrf0) =	vmin.scan.msk.f32 $0xffff, v13;
	_ =	sdelay $0x5  }
0x3e7: {  	v13, _, _ =	vpop (xrf0)  }
0x3e8: {  	(v2sf) =	vpush v13, $0xF;
	_ =	sdelay $0xe  }
0x3e9: {  	s1 =	spop (v2sf)  }
0x3ea: {  	s2 =	scvt.f32.s32 s1;
	_ =	sdelay $0x1  }
0x3eb: {  	s3 =	sshra.s32 s2, $0x1F  }
0x3ec: {  	s3 =	sshrl.u32 s3, $0x1C  }
0x3ed: {  	s3 =	sadd.s32 s3, s2  }
0x3ee: {  	s4 =	sand.u32 $0xFFFFFFF0, s3  }
0x3ef: {  	p0 =	slt.s32 s2, $0x1;
	p1 =	sne.s32 s2, s4  }
0x3f0: {  	p0 =	por !p0, !p1  }
0x3f1: {  	s4 =	simm.s32 $0x1;
	p0 =	por !p0, !p0  }
0x3f2: {  	s3 =	sshrl.u32 s3, $0x4;
	s4 =	simm.s32 @!p0 $0x0  }
0x3f3: {  	s3 =	ssub.s32 s3, s4  }
0x3f4: {  	[tilespmem:s0+$0x70] =	vst v12;
	s15 =	sshll.u32 s3, $0x4  }
0x3f5: {  	v12 =	vld [tilespmem:s15+$0x0]  }
0x3f6: {  	v13 =	vld [tilespmem:s15+$0x800]  }
0x3f7: {  	s2 =	sand.u32 $0xF, s2;
	v15 =	vld [tilespmem:s15+$0x1000]  }
0x3f8: {  	v46 =	vmov s2  }
0x3f9: {  	vm4 =	veq.s32 v46, v10  }
0x3fa: {  	v12 =	vnsel vm4, $0xFF800000, v12  }
0x3fb: {  	(xrf0) =	vmax.scan.msk.f32 $0xffff, v12;
	v12 =	vnsel vm4, $0xFF800000, v13  }
0x3fc: {  	(xrf0) =	vmax.scan.msk.f32 $0xffff, v12;
	v12 =	vnsel vm4, $0xFF800000, v15  }
0x3fd: {  	(xrf0) =	vmax.scan.msk.f32 $0xffff, v12;
	_ =	sdelay $0x3  }
0x3fe: {  	v12, _, _ =	vpop (xrf0)  }
0x3ff: {  	v13, _, _ =	vpop (xrf0)  }
0x400: {  	v15, _, _ =	vpop (xrf0)  }
0x401: {  	v15 =	vbroadcast v15, $0xF  }
0x402: {  	v13 =	vbroadcast v13, $0xF  }
0x403: {  	v12 =	vbroadcast v12, $0xF;
	v15 =	vnsel vm0, $0x7F800000, v15  }
0x404: {  	s16 =	sadd.f32 s8, s1;
	v13 =	vsel vm1, v15, v13  }
0x405: {  	vm4 =	veq.s32 v10, $0x1;
	v12 =	vsel vm2, v13, v12  }
0x406: {  	v12 =	vsel vm4, s16, v12  }
0x407: {  	v12 =	vsel vm3, v14, v12  }
0x408: {  	s18 =	rddreg [dreg:$0xb];
	s19 =	simm.s32 $0x2000;
	[tilespmem:$0x2000] =	vst v12  }
0x409: {  	[spmem:s18] =	stream.linear.scatter [tilespmem:s19], [sflag:$0x1], $0x10, $0x38;
	[tilespmem:$0x41A0] =	vst v63  }
0x40a: {  	_ =	swait.ge [sflag:s17], $0x10  }
0x40b: {  	[sflag:s17] =	ssyncset.done $0x0  }
0x40c: {  	[sflag:s17] =	ssyncadd.s32 $0xFFFFFFF0  }
0x40d: {  	s21 =	simm.s32 $0x100;
	[bflag:$0x0] =	sbarrier.arrive $0xFFFF  }
0x40e: {  	s22 =	simm.s32 $0x2080;
	s29 =	simm.s32 $0x80;
	s20 =	rddreg [dreg:$0xc]  }
0x40f: {  	[tilespmem:s22], [sflag:$0x1] =	stream.strided.gather [spmem:s20], $0x100, s21, s29, $0x38;
	[tilespmem:$0x41A0] =	vst v63  }
0x410: {  	_ =	swait.ge [sflag:s17], $0x100  }
0x411: {  	[sflag:s17] =	ssyncset.done $0x0  }
0x412: {  	[sflag:s17] =	ssyncadd.s32 $0xFFFFFF00  }
0x413: {  	v12 =	vld [tilespmem:$0x2080];
	_ =	sdelay $0x1  }
0x414: {  	v13 =	vld [tilespmem:$0x2090];
	_ =	sdelay $0x1  }
0x415: {  	v14 =	vld [tilespmem:$0x20A0]  }
0x416: {  	(v2sf) =	vpush v12, $0x0  }
0x417: {  	v15 =	vld [tilespmem:$0x20B0];
	(v2sf) =	vpush v12, $0x1  }
0x418: {  	(v2sf) =	vpush v13, $0x0  }
0x419: {  	(v2sf) =	vpush v13, $0x1  }
0x41a: {  	v47 =	vld [tilespmem:$0x20C0];
	(v2sf) =	vpush v14, $0x0  }
0x41b: {  	(v2sf) =	vpush v14, $0x1  }
0x41c: {  	v48 =	vld [tilespmem:$0x20D0];
	(v2sf) =	vpush v15, $0x0  }
0x41d: {  	(v2sf) =	vpush v15, $0x1  }
0x41e: {  	v49 =	vld [tilespmem:$0x20E0]  }
0x41f: {  	(v2sf) =	vpush v47, $0x0  }
0x420: {  	(v2sf) =	vpush v47, $0x1  }
0x421: {  	v50 =	vld [tilespmem:$0x20F0];
	(v2sf) =	vpush v48, $0x0  }
0x422: {  	(v2sf) =	vpush v48, $0x1  }
0x423: {  	v51 =	vld [tilespmem:$0x2100];
	(v2sf) =	vpush v49, $0x0;
	_ =	sdelay $0x1  }
0x424: {  	v52 =	vld [tilespmem:$0x2110];
	(v2sf) =	vpush v49, $0x1;
	s3 =	spop (v2sf)  }
0x425: {  	(v2sf) =	vpush v50, $0x0;
	s7 =	spop (v2sf)  }
0x426: {  	v53 =	vld [tilespmem:$0x2120];
	(v2sf) =	vpush v50, $0x1;
	s11 =	spop (v2sf)  }
0x427: {  	(v2sf) =	vpush v51, $0x0;
	s12 =	spop (v2sf)  }
0x428: {  	v54 =	vld [tilespmem:$0x2130];
	(v2sf) =	vpush v51, $0x1;
	p3 =	seq.f32 s3, s11;
	s10 =	spop (v2sf)  }
0x429: {  	(v2sf) =	vpush v52, $0x0;
	p4 =	slt.f32 s7, s12;
	s21 =	spop (v2sf)  }
0x42a: {  	(v2sf) =	vpush v52, $0x1;
	s1 =	spop (v2sf)  }
0x42b: {  	p2 =	sgt.f32 s3, s11;
	(v2sf) =	vpush v53, $0x0;
	p0 =	por !p3, !p4;
	s5 =	spop (v2sf)  }
0x42c: {  	(v2sf) =	vpush v53, $0x1;
	p0 =	por !p0, !p0;
	p5 =	seq.f32 s10, s1;
	p6 =	sgt.f32 s10, s1  }
0x42d: {  	(v2sf) =	vpush v54, $0x0;
	s23 =	spop (v2sf);
	p3 =	slt.f32 s21, s5;
	p2 =	por p2, p0  }
0x42e: {  	v55 =	vld [tilespmem:$0x2140];
	(v2sf) =	vpush v54, $0x1;
	s20 =	spop (v2sf);
	s14 =	simm.s32 @!p2 $0x0;
	s11 =	smov.u32 @p2 s3  }
0x42f: {  	s12 =	smov.u32 @p2 s7;
	s15 =	spop (v2sf);
	s14 =	simm.s32 @p2 $0x1  }
0x430: {  	v56 =	vld [tilespmem:$0x2150];
	p1 =	por !p5, !p3;
	s19 =	spop (v2sf);
	[smem:$0x7EB] =	sst s14  }
0x431: {  	p1 =	por !p1, !p1;
	p4 =	seq.f32 s23, s15;
	s6 =	spop (v2sf)  }
0x432: {  	p3 =	por p6, p1;
	p5 =	slt.f32 s20, s19;
	p6 =	sgt.f32 s23, s15  }
0x433: {  	v57 =	vld [tilespmem:$0x2160];
	(v2sf) =	vpush v55, $0x0;
	s4 =	spop (v2sf);
	s3 =	simm.s32 @!p3 $0x0;
	s1 =	smov.u32 @p3 s10  }
0x434: {  	(v2sf) =	vpush v55, $0x1;
	s5 =	smov.u32 @p3 s21;
	s9 =	spop (v2sf);
	s3 =	simm.s32 @p3 $0x1  }
0x435: {  	v58 =	vld [tilespmem:$0x2170];
	p0 =	por !p4, !p5;
	s0 =	spop (v2sf);
	(v2sf) =	vpush v56, $0x0;
	[smem:$0x7EC] =	sst s3  }
0x436: {  	p0 =	por !p0, !p0;
	p4 =	seq.f32 s6, s9;
	s2 =	spop (v2sf);
	(v2sf) =	vpush v56, $0x1  }
0x437: {  	p2 =	por p6, p0;
	p5 =	slt.f32 s4, s0;
	s25 =	spop (v2sf)  }
0x438: {  	p6 =	sgt.f32 s6, s9;
	(v2sf) =	vpush v57, $0x0;
	s10 =	simm.s32 @!p2 $0x0;
	s31 =	spop (v2sf)  }
0x439: {  	s15 =	smov.u32 @p2 s23;
	s19 =	smov.u32 @p2 s20;
	(v2sf) =	vpush v57, $0x1;
	s16 =	spop (v2sf)  }
0x43a: {  	s10 =	simm.s32 @p2 $0x1;
	(v2sf) =	vpush v58, $0x0;
	p3 =	seq.f32 s2, s31;
	s26 =	spop (v2sf)  }
0x43b: {  	p0 =	por !p4, !p5;
	p4 =	slt.f32 s25, s16;
	s13 =	spop (v2sf)  }
0x43c: {  	[smem:$0x7ED] =	sst s10;
	p0 =	por !p0, !p0;
	(v2sf) =	vpush v58, $0x1;
	s18 =	spop (v2sf)  }
0x43d: {  	p5 =	por p6, p0;
	p1 =	por !p3, !p4;
	s24 =	spop (v2sf)  }
0x43e: {  	p0 =	seq.f32 s26, s18;
	p1 =	por !p1, !p1;
	p2 =	slt.f32 s13, s24  }
0x43f: {  	s20 =	simm.s32 @!p5 $0x0;
	s9 =	smov.u32 @p5 s6;
	s21 =	simm.s32 @!p1 $0x0  }
0x440: {  	s20 =	simm.s32 @p5 $0x1;
	s21 =	simm.s32 @p1 $0x1;
	p0 =	por !p0, !p2  }
0x441: {  	p3 =	sgt.f32 s2, s31;
	[smem:$0x7E9] =	sst s21;
	p0 =	por !p0, !p0  }
0x442: {  	s14 =	spop (v2sf);
	s23 =	sld [smem:$0x7E9];
	s21 =	simm.s32 @!p0 $0x0  }
0x443: {  	[smem:$0x7EE] =	sst s20;
	s22 =	spop (v2sf);
	s21 =	simm.s32 @p0 $0x1  }
0x444: {  	s0 =	smov.u32 @p5 s4;
	s7 =	spop (v2sf);
	[smem:$0x7EA] =	sst s21  }
0x445: {  	p1 =	seq.s32 s23, $0x1;
	s3 =	spop (v2sf);
	p6 =	seq.f32 s14, s7  }
0x446: {  	p5 =	sgt.f32 s14, s7;
	p3 =	por p3, p1;
	s23 =	sld [smem:$0x7EA]  }
0x447: {  	s10 =	spop (v2sf);
	p4 =	slt.f32 s22, s3;
	s31 =	smov.u32 @p3 s2  }
0x448: {  	s2 =	simm.s32 @!p3 $0x0;
	s16 =	smov.u32 @p3 s25;
	s20 =	spop (v2sf)  }
0x449: {  	s2 =	simm.s32 @p3 $0x1;
	p6 =	por !p6, !p4;
	s6 =	spop (v2sf)  }
0x44a: {  	p4 =	sgt.f32 s26, s18;
	p1 =	seq.s32 s23, $0x1;
	[smem:$0x7EF] =	sst s2  }
0x44b: {  	s4 =	spop (v2sf);
	p2 =	por !p6, !p6;
	p6 =	seq.f32 s10, s6  }
0x44c: {  	p0 =	slt.f32 s20, s4;
	p1 =	por p4, p1;
	p5 =	por p5, p2  }
0x44d: {  	p4 =	seq.f32 s11, s1;
	p2 =	slt.f32 s12, s5;
	s21 =	simm.s32 @!p1 $0x0  }
0x44e: {  	s7 =	smov.u32 @p5 s14;
	s3 =	smov.u32 @p5 s22;
	s22 =	sld [smem:$0x7EF]  }
0x44f: {  	s21 =	simm.s32 @p1 $0x1;
	p0 =	por !p6, !p0;
	p6 =	sgt.f32 s10, s6  }
0x450: {  	p3 =	por !p4, !p2;
	p4 =	sgt.f32 s11, s1;
	p0 =	por !p0, !p0  }
0x451: {  	p2 =	seq.f32 s15, s9;
	[smem:$0x7F0] =	sst s21;
	p6 =	por p6, p0  }
0x452: {  	s25 =	sld [smem:$0x7F0];
	p0 =	por !p3, !p3;
	p3 =	slt.f32 s19, s0  }
0x453: {  	s21 =	sld [smem:$0x7EE];
	p0 =	por p4, p0;
	s6 =	smov.u32 @p6 s10  }
0x454: {  	s4 =	smov.u32 @p6 s20;
	s2 =	simm.s32 @!p0 $0x0;
	p2 =	por !p2, !p3  }
0x455: {  	p3 =	sgt.f32 s15, s9;
	p1 =	seq.s32 s25, $0x1;
	s2 =	simm.s32 @p0 $0x1  }
0x456: {  	p2 =	por !p2, !p2;
	s18 =	smov.u32 @p1 s26;
	s24 =	smov.u32 @p1 s13  }
0x457: {  	[smem:$0x7F3] =	sst s2;
	s2 =	simm.s32 @!p5 $0x0;
	p1 =	seq.f32 s31, s18  }
0x458: {  	p4 =	slt.f32 s16, s24;
	s2 =	simm.s32 @p5 $0x1;
	p5 =	por p3, p2  }
0x459: {  	[smem:$0x7F1] =	sst s2;
	s2 =	simm.s32 @!p6 $0x0;
	s9 =	smov.u32 @p5 s15  }
0x45a: {  	p0 =	por !p1, !p4;
	p4 =	seq.f32 s7, s6;
	p1 =	slt.f32 s3, s4  }
0x45b: {  	s0 =	smov.u32 @p5 s19;
	s2 =	simm.s32 @p6 $0x1;
	p6 =	sgt.f32 s31, s18  }
0x45c: {  	p0 =	por !p0, !p0;
	p3 =	por !p4, !p1;
	p4 =	sgt.f32 s7, s6  }
0x45d: {  	[smem:$0x7F2] =	sst s2;
	p6 =	por p6, p0;
	p0 =	por !p3, !p3  }
0x45e: {  	s2 =	simm.s32 @!p5 $0x0;
	s18 =	smov.u32 @p6 s31;
	p3 =	por p4, p0  }
0x45f: {  	s24 =	smov.u32 @p6 s16;
	s6 =	smov.u32 @p3 s7;
	s4 =	smov.u32 @p3 s3  }
0x460: {  	s2 =	simm.s32 @p5 $0x1;
	p0 =	seq.f32 s18, s6;
	p5 =	slt.f32 s24, s4  }
0x461: {  	s23 =	sld [smem:$0x7F0]  }
0x462: {  	s20 =	sld [smem:$0x7ED];
	p0 =	por !p0, !p5;
	p5 =	sgt.f32 s18, s6  }
0x463: {  	s14 =	sld [smem:$0x7F3];
	p0 =	por !p0, !p0  }
0x464: {  	s26 =	sld [smem:$0x7F3];
	p0 =	por p5, p0  }
0x465: {  	s6 =	smov.u32 @p0 s18;
	s18 =	sld [smem:$0x7EB]  }
0x466: {  	s19 =	sld [smem:$0x7EC];
	p2 =	seq.s32 s14, $0x1  }
0x467: {  	s1 =	smov.u32 @p2 s11;
	s5 =	smov.u32 @p2 s12;
	s25 =	sld [smem:$0x7F2]  }
0x468: {  	p1 =	seq.f32 s1, s9;
	p4 =	slt.f32 s5, s0;
	p5 =	seq.s32 s18, $0x1  }
0x469: {  	[smem:$0x7F4] =	sst s2;
	v12 =	vpsel p5, v12, v13;
	p5 =	seq.s32 s19, $0x1  }
0x46a: {  	p2 =	sgt.f32 s1, s9;
	p1 =	por !p1, !p4;
	v13 =	vpsel p5, v14, v15;
	p5 =	seq.s32 s20, $0x1  }
0x46b: {  	s4 =	smov.u32 @p0 s24;
	s24 =	sld [smem:$0x7F1];
	v15 =	vpsel p5, v47, v48;
	p5 =	seq.s32 s21, $0x1  }
0x46c: {  	s16 =	sadd.s32 $0x2, s30;
	p1 =	por !p1, !p1;
	v59 =	vpsel p5, v49, v50;
	p5 =	seq.s32 s22, $0x1  }
0x46d: {  	s30 =	sld [smem:$0x7F4];
	p1 =	por p2, p1;
	v14 =	vmov s16;
	v60 =	vpsel p5, v51, v52;
	p5 =	seq.s32 s23, $0x1  }
0x46e: {  	s9 =	smov.u32 @p1 s1;
	s0 =	smov.u32 @p1 s5;
	v14 =	vand.u32 $0xFFFFFFFE, v14;
	v61 =	vpsel p5, v53, v54;
	p5 =	seq.s32 s24, $0x1  }
0x46f: {  	p2 =	seq.f32 s9, s6;
	p4 =	slt.f32 s0, s4;
	v62 =	vbroadcast v14, $0x0;
	v14 =	vpsel p5, v55, v56;
	p5 =	seq.s32 s25, $0x1  }
0x470: {  	v63 =	vpsel p5, v57, v58;
	p5 =	seq.s32 s26, $0x1  }
0x471: {  	p2 =	por !p2, !p4;
	p4 =	sgt.f32 s9, s6;
	v12 =	vpsel p5, v12, v13;
	p5 =	seq.s32 s30, $0x1  }
0x472: {  	s28 =	sadd.s32 $0x1, s28;
	p2 =	por !p2, !p2;
	v14 =	vpsel p3, v14, v63;
	v13 =	vpsel p5, v15, v59;
	v15 =	vpsel p6, v60, v61  }
0x473: {  	p2 =	por p4, p2;
	v12 =	vpsel p1, v12, v13;
	v13 =	vpsel p0, v15, v14;
	p0 =	sne.s32 s28, $0xFFF  }
.Ltmp3:
0x474: {  	s4 =	smov.u32 @p2 s0;
	(pc) =	sbr.rel @p0 .LBB2_4-.Ltmp3, $4  }
0x475: {  	s31 =	scvt.f32.s32 s4  }
0x476: {  	v14 =	vpsel p2, v12, v13  }
0x477: {  	s20 =	simm.s32 $0x2180;
	v15 =	vmov s31;
	v13 =	vbroadcast v14, $0x2  }
0x478: {  	[tilespmem:v62+s20+$0x0] =	vst.idx.msk $0x1, v15;
	v12 =	vbroadcast v14, $0x3;
	v14 =	vbroadcast v14, $0x4  }
0x479: {  	s1 =	simm.s32 $0x1080;
	v16 =	vld [tilespmem:s29+$0xFFFFFF80]  }
0x47a: {  	v15 =	vld [tilespmem:s1+$0xFFFFFF80]  }
0x47b: {  	s26 =	simm.s32 $0x880  }
0x47c: {  	v17 =	vld [tilespmem:s26+$0xFFFFFF80];
	_ =	sdelay $0x2  }
0x47d: {  	v16 =	vsub.f32 v16, v13;
	v15 =	vsub.f32 v15, v14;
	_ =	sdelay $0x1  }
0x47e: {  	s5 =	simm.s32 $0x1880;
	v17 =	vsub.f32 v17, v12;
	v16 =	vmul.f32 v16, v16;
	v15 =	vmul.f32 v15, v15  }
0x47f: {  	v18 =	vld [tilespmem:s5+$0xFFFFFF80]  }
0x480: {  	v15 =	vadd.f32 v15, v16;
	v16 =	vmul.f32 v17, v17;
	_ =	sdelay $0x1  }
0x481: {  	v15 =	vadd.f32 v15, v16;
	_ =	sdelay $0x1  }
0x482: {  	v15 =	vmin.f32 v18, v15  }
0x483: {  	[tilespmem:s5+$0xFFFFFF80] =	vst v15  }
0x484: {  	v16 =	vld [tilespmem:s29+$0xFFFFFF90]  }
0x485: {  	v17 =	vld [tilespmem:s1+$0xFFFFFF90];
	_ =	sdelay $0x1  }
0x486: {  	v18 =	vld [tilespmem:s26+$0xFFFFFF90];
	_ =	sdelay $0x2  }
0x487: {  	v16 =	vsub.f32 v16, v13;
	v17 =	vsub.f32 v17, v14;
	_ =	sdelay $0x1  }
0x488: {  	v18 =	vsub.f32 v18, v12;
	v16 =	vmul.f32 v16, v16;
	v17 =	vmul.f32 v17, v17  }
0x489: {  	v19 =	vld [tilespmem:s5+$0xFFFFFF90]  }
0x48a: {  	v16 =	vadd.f32 v17, v16;
	v17 =	vmul.f32 v18, v18;
	_ =	sdelay $0x1  }
0x48b: {  	v16 =	vadd.f32 v16, v17;
	_ =	sdelay $0x1  }
0x48c: {  	v16 =	vmin.f32 v19, v16  }
0x48d: {  	[tilespmem:s5+$0xFFFFFF90] =	vst v16  }
0x48e: {  	v17 =	vld [tilespmem:s29+$0xFFFFFFA0]  }
0x48f: {  	v18 =	vld [tilespmem:s1+$0xFFFFFFA0];
	_ =	sdelay $0x1  }
0x490: {  	v19 =	vld [tilespmem:s26+$0xFFFFFFA0];
	_ =	sdelay $0x2  }
0x491: {  	v17 =	vsub.f32 v17, v13;
	v18 =	vsub.f32 v18, v14;
	_ =	sdelay $0x1  }
0x492: {  	v19 =	vsub.f32 v19, v12;
	v17 =	vmul.f32 v17, v17;
	v18 =	vmul.f32 v18, v18  }
0x493: {  	v20 =	vld [tilespmem:s5+$0xFFFFFFA0]  }
0x494: {  	v17 =	vadd.f32 v18, v17;
	v18 =	vmul.f32 v19, v19;
	_ =	sdelay $0x1  }
0x495: {  	v17 =	vadd.f32 v17, v18;
	_ =	sdelay $0x1  }
0x496: {  	v17 =	vmin.f32 v20, v17  }
0x497: {  	[tilespmem:s5+$0xFFFFFFA0] =	vst v17  }
0x498: {  	v18 =	vld [tilespmem:s1+$0xFFFFFFB0]  }
0x499: {  	v19 =	vld [tilespmem:s29+$0xFFFFFFB0];
	_ =	sdelay $0x1  }
0x49a: {  	v20 =	vld [tilespmem:s26+$0xFFFFFFB0];
	_ =	sdelay $0x2  }
0x49b: {  	v18 =	vsub.f32 v18, v14;
	v19 =	vsub.f32 v19, v13;
	_ =	sdelay $0x1  }
0x49c: {  	v20 =	vsub.f32 v20, v12;
	v19 =	vmul.f32 v19, v19;
	v18 =	vmul.f32 v18, v18  }
0x49d: {  	v21 =	vld [tilespmem:s5+$0xFFFFFFB0]  }
0x49e: {  	v18 =	vadd.f32 v18, v19;
	v19 =	vmul.f32 v20, v20;
	_ =	sdelay $0x1  }
0x49f: {  	v18 =	vadd.f32 v18, v19;
	_ =	sdelay $0x1  }
0x4a0: {  	v23 =	vmin.f32 v21, v18  }
0x4a1: {  	[tilespmem:s5+$0xFFFFFFB0] =	vst v23  }
0x4a2: {  	v18 =	vld [tilespmem:s29+$0xFFFFFFC0]  }
0x4a3: {  	v19 =	vld [tilespmem:s1+$0xFFFFFFC0];
	_ =	sdelay $0x1  }
0x4a4: {  	v20 =	vld [tilespmem:s26+$0xFFFFFFC0];
	_ =	sdelay $0x2  }
0x4a5: {  	v18 =	vsub.f32 v18, v13;
	v19 =	vsub.f32 v19, v14;
	_ =	sdelay $0x1  }
0x4a6: {  	v20 =	vsub.f32 v20, v12;
	v18 =	vmul.f32 v18, v18;
	v19 =	vmul.f32 v19, v19  }
0x4a7: {  	v21 =	vld [tilespmem:s5+$0xFFFFFFC0]  }
0x4a8: {  	v18 =	vadd.f32 v19, v18;
	v19 =	vmul.f32 v20, v20;
	_ =	sdelay $0x1  }
0x4a9: {  	v18 =	vadd.f32 v18, v19;
	_ =	sdelay $0x1  }
0x4aa: {  	v24 =	vmin.f32 v21, v18  }
0x4ab: {  	[tilespmem:s5+$0xFFFFFFC0] =	vst v24  }
0x4ac: {  	v18 =	vld [tilespmem:s29+$0xFFFFFFD0]  }
0x4ad: {  	v19 =	vld [tilespmem:s1+$0xFFFFFFD0];
	_ =	sdelay $0x1  }
0x4ae: {  	v20 =	vld [tilespmem:s26+$0xFFFFFFD0];
	_ =	sdelay $0x2  }
0x4af: {  	v18 =	vsub.f32 v18, v13;
	v19 =	vsub.f32 v19, v14;
	_ =	sdelay $0x1  }
0x4b0: {  	v20 =	vsub.f32 v20, v12;
	v18 =	vmul.f32 v18, v18;
	v19 =	vmul.f32 v19, v19  }
0x4b1: {  	v21 =	vld [tilespmem:s5+$0xFFFFFFD0]  }
0x4b2: {  	v18 =	vadd.f32 v19, v18;
	v19 =	vmul.f32 v20, v20;
	_ =	sdelay $0x1  }
0x4b3: {  	v18 =	vadd.f32 v18, v19;
	_ =	sdelay $0x1  }
0x4b4: {  	v25 =	vmin.f32 v21, v18  }
0x4b5: {  	[tilespmem:s5+$0xFFFFFFD0] =	vst v25  }
0x4b6: {  	v18 =	vld [tilespmem:s29+$0xFFFFFFE0]  }
0x4b7: {  	v19 =	vld [tilespmem:s1+$0xFFFFFFE0];
	_ =	sdelay $0x1  }
0x4b8: {  	v20 =	vld [tilespmem:s26+$0xFFFFFFE0];
	_ =	sdelay $0x2  }
0x4b9: {  	v18 =	vsub.f32 v18, v13;
	v19 =	vsub.f32 v19, v14;
	_ =	sdelay $0x1  }
0x4ba: {  	v20 =	vsub.f32 v20, v12;
	v18 =	vmul.f32 v18, v18;
	v19 =	vmul.f32 v19, v19  }
0x4bb: {  	v21 =	vld [tilespmem:s5+$0xFFFFFFE0]  }
0x4bc: {  	v18 =	vadd.f32 v19, v18;
	v19 =	vmul.f32 v20, v20;
	_ =	sdelay $0x1  }
0x4bd: {  	v18 =	vadd.f32 v18, v19;
	_ =	sdelay $0x1  }
0x4be: {  	v32 =	vmin.f32 v21, v18  }
0x4bf: {  	[tilespmem:s5+$0xFFFFFFE0] =	vst v32  }
0x4c0: {  	v18 =	vld [tilespmem:s29+$0xFFFFFFF0]  }
0x4c1: {  	v19 =	vld [tilespmem:s1+$0xFFFFFFF0];
	_ =	sdelay $0x1  }
0x4c2: {  	v20 =	vld [tilespmem:s26+$0xFFFFFFF0];
	_ =	sdelay $0x2  }
0x4c3: {  	v18 =	vsub.f32 v18, v13;
	v19 =	vsub.f32 v19, v14;
	_ =	sdelay $0x1  }
0x4c4: {  	v20 =	vsub.f32 v20, v12;
	v18 =	vmul.f32 v18, v18;
	v19 =	vmul.f32 v19, v19  }
0x4c5: {  	v21 =	vld [tilespmem:s5+$0xFFFFFFF0]  }
0x4c6: {  	v18 =	vadd.f32 v19, v18;
	v19 =	vmul.f32 v20, v20;
	_ =	sdelay $0x1  }
0x4c7: {  	v18 =	vadd.f32 v18, v19;
	_ =	sdelay $0x1  }
0x4c8: {  	v31 =	vmin.f32 v21, v18  }
0x4c9: {  	[tilespmem:s5+$0xFFFFFFF0] =	vst v31  }
0x4ca: {  	v18 =	vld [tilespmem:s29+$0x0]  }
0x4cb: {  	v19 =	vld [tilespmem:s1+$0x0];
	_ =	sdelay $0x1  }
0x4cc: {  	v20 =	vld [tilespmem:s26+$0x0];
	_ =	sdelay $0x2  }
0x4cd: {  	v18 =	vsub.f32 v18, v13;
	v19 =	vsub.f32 v19, v14;
	_ =	sdelay $0x1  }
0x4ce: {  	v20 =	vsub.f32 v20, v12;
	v18 =	vmul.f32 v18, v18;
	v19 =	vmul.f32 v19, v19  }
0x4cf: {  	v21 =	vld [tilespmem:s5+$0x0]  }
0x4d0: {  	v18 =	vadd.f32 v19, v18;
	v19 =	vmul.f32 v20, v20;
	_ =	sdelay $0x1  }
0x4d1: {  	v18 =	vadd.f32 v18, v19;
	_ =	sdelay $0x1  }
0x4d2: {  	v19 =	vmin.f32 v21, v18  }
0x4d3: {  	[tilespmem:s5+$0x0] =	vst v19  }
0x4d4: {  	v18 =	vld [tilespmem:s29+$0x10]  }
0x4d5: {  	v20 =	vld [tilespmem:s1+$0x10];
	_ =	sdelay $0x1  }
0x4d6: {  	v21 =	vld [tilespmem:s26+$0x10];
	_ =	sdelay $0x2  }
0x4d7: {  	v18 =	vsub.f32 v18, v13;
	v20 =	vsub.f32 v20, v14;
	_ =	sdelay $0x1  }
0x4d8: {  	v21 =	vsub.f32 v21, v12;
	v18 =	vmul.f32 v18, v18;
	v20 =	vmul.f32 v20, v20  }
0x4d9: {  	v22 =	vld [tilespmem:s5+$0x10]  }
0x4da: {  	v18 =	vadd.f32 v20, v18;
	v20 =	vmul.f32 v21, v21;
	_ =	sdelay $0x1  }
0x4db: {  	v18 =	vadd.f32 v18, v20;
	_ =	sdelay $0x1  }
0x4dc: {  	v20 =	vmin.f32 v22, v18  }
0x4dd: {  	[tilespmem:s5+$0x10] =	vst v20  }
0x4de: {  	v18 =	vld [tilespmem:s29+$0x20]  }
0x4df: {  	v21 =	vld [tilespmem:s1+$0x20];
	_ =	sdelay $0x1  }
0x4e0: {  	v22 =	vld [tilespmem:s26+$0x20];
	_ =	sdelay $0x2  }
0x4e1: {  	v18 =	vsub.f32 v18, v13;
	v21 =	vsub.f32 v21, v14;
	_ =	sdelay $0x1  }
0x4e2: {  	v22 =	vsub.f32 v22, v12;
	v18 =	vmul.f32 v18, v18;
	v21 =	vmul.f32 v21, v21  }
0x4e3: {  	v26 =	vld [tilespmem:s5+$0x20]  }
0x4e4: {  	v18 =	vadd.f32 v21, v18;
	v21 =	vmul.f32 v22, v22;
	_ =	sdelay $0x1  }
0x4e5: {  	v18 =	vadd.f32 v18, v21;
	_ =	sdelay $0x1  }
0x4e6: {  	v26 =	vmin.f32 v26, v18  }
0x4e7: {  	[tilespmem:s5+$0x20] =	vst v26  }
0x4e8: {  	v18 =	vld [tilespmem:s29+$0x30]  }
0x4e9: {  	v21 =	vld [tilespmem:s1+$0x30];
	_ =	sdelay $0x1  }
0x4ea: {  	v22 =	vld [tilespmem:s26+$0x30];
	_ =	sdelay $0x2  }
0x4eb: {  	v18 =	vsub.f32 v18, v13;
	v21 =	vsub.f32 v21, v14;
	_ =	sdelay $0x1  }
0x4ec: {  	v22 =	vsub.f32 v22, v12;
	v18 =	vmul.f32 v18, v18;
	v21 =	vmul.f32 v21, v21  }
0x4ed: {  	v27 =	vld [tilespmem:s5+$0x30]  }
0x4ee: {  	v18 =	vadd.f32 v21, v18;
	v21 =	vmul.f32 v22, v22;
	_ =	sdelay $0x1  }
0x4ef: {  	v18 =	vadd.f32 v18, v21;
	_ =	sdelay $0x1  }
0x4f0: {  	v27 =	vmin.f32 v27, v18  }
0x4f1: {  	[tilespmem:s5+$0x30] =	vst v27  }
0x4f2: {  	v18 =	vld [tilespmem:s29+$0x40]  }
0x4f3: {  	v21 =	vld [tilespmem:s1+$0x40];
	_ =	sdelay $0x1  }
0x4f4: {  	v22 =	vld [tilespmem:s26+$0x40];
	_ =	sdelay $0x2  }
0x4f5: {  	v18 =	vsub.f32 v18, v13;
	v21 =	vsub.f32 v21, v14;
	_ =	sdelay $0x1  }
0x4f6: {  	v22 =	vsub.f32 v22, v12;
	v18 =	vmul.f32 v18, v18;
	v21 =	vmul.f32 v21, v21  }
0x4f7: {  	v28 =	vld [tilespmem:s5+$0x40]  }
0x4f8: {  	v18 =	vadd.f32 v21, v18;
	v21 =	vmul.f32 v22, v22;
	_ =	sdelay $0x1  }
0x4f9: {  	v18 =	vadd.f32 v18, v21;
	_ =	sdelay $0x1  }
0x4fa: {  	v33 =	vmin.f32 v28, v18  }
0x4fb: {  	[tilespmem:s5+$0x40] =	vst v33  }
0x4fc: {  	v18 =	vld [tilespmem:s29+$0x50]  }
0x4fd: {  	v21 =	vld [tilespmem:s1+$0x50];
	_ =	sdelay $0x1  }
0x4fe: {  	v22 =	vld [tilespmem:s26+$0x50];
	_ =	sdelay $0x2  }
0x4ff: {  	v18 =	vsub.f32 v18, v13;
	v21 =	vsub.f32 v21, v14;
	_ =	sdelay $0x1  }
0x500: {  	v22 =	vsub.f32 v22, v12;
	v18 =	vmul.f32 v18, v18;
	v21 =	vmul.f32 v21, v21  }
0x501: {  	v28 =	vld [tilespmem:s5+$0x50]  }
0x502: {  	v22 =	vmul.f32 v22, v22;
	v29 =	vadd.f32 v21, v18  }
0x503: {  	s0 =	simm.s32 $0x0;
	v21 =	vimm.f32 $-Inf  }
0x504: {  	s12 =	scvt.s32.f32 s0;
	v18 =	vimm.f32 $0.0e+00;
	vm5 =	vgt.f32 v16, v21;
	v22 =	vadd.f32 v29, v22  }
0x505: {  	s31 =	simm.s32 $0x1;
	vm6 =	vgt.f32 v23, v21;
	vm4 =	vgt.f32 v24, v21;
	vm7 =	vgt.f32 v15, v21  }
0x506: {  	s11 =	scvt.s32.f32 s31;
	v15 =	vmax.f32 v21, v15;
	v29 =	vsel vm7, s12, v18;
	v34 =	vmin.f32 v28, v22  }
0x507: {  	vm7 =	vgt.f32 v19, v15;
	v19 =	vmax.f32 v15, v19;
	v15 =	vmax.f32 v21, v16;
	[tilespmem:s5+$0x50] =	vst v34  }
0x508: {  	v16 =	vsel vm5, s12, v18;
	vm5 =	vgt.f32 v20, v15;
	v28 =	vsel vm7, s11, v29;
	v35 =	vld [tilespmem:s29+$0x60]  }
0x509: {  	v22 =	vmax.f32 v15, v20;
	vm7 =	vgt.f32 v17, v21;
	v15 =	vmax.f32 v21, v17;
	v36 =	vld [tilespmem:s1+$0x60]  }
0x50a: {  	v30 =	vsel vm5, s11, v16;
	v16 =	vsel vm7, s12, v18;
	vm5 =	vgt.f32 v26, v15  }
0x50b: {  	v20 =	vmax.f32 v15, v26;
	v15 =	vmax.f32 v21, v23;
	v29 =	vsel vm5, s11, v16;
	v16 =	vld [tilespmem:s26+$0x60]  }
0x50c: {  	v23 =	vsel vm6, s12, v18;
	vm6 =	vgt.f32 v25, v21;
	v26 =	vsel vm4, s12, v18  }
0x50d: {  	vm5 =	vgt.f32 v27, v15;
	v17 =	vmax.f32 v15, v27;
	v15 =	vmax.f32 v21, v24  }
0x50e: {  	v27 =	vsel vm5, s11, v23;
	v23 =	vsub.f32 v35, v13;
	v24 =	vsub.f32 v36, v14  }
0x50f: {  	v25 =	vmax.f32 v21, v25;
	vm4 =	vgt.f32 v31, v21;
	vm7 =	vgt.f32 v33, v15  }
0x510: {  	v16 =	vsub.f32 v16, v12;
	v23 =	vmul.f32 v23, v23;
	v61 =	vmul.f32 v24, v24  }
0x511: {  	v15 =	vmax.f32 v15, v33;
	vm5 =	vgt.f32 v32, v21;
	v33 =	vld [tilespmem:s5+$0x60];
	v24 =	vsel vm7, s11, v26  }
0x512: {  	v26 =	vsel vm6, s12, v18;
	v63 =	vmul.f32 v16, v16;
	v62 =	vadd.f32 v61, v23  }
0x513: {  	s24 =	simm.s32 $0x2;
	s9 =	simm.s32 $0x180;
	vm6 =	vgt.f32 v34, v25;
	v16 =	vmax.f32 v25, v34;
	v25 =	vimm.f32 $-Inf  }
0x514: {  	s19 =	simm.s32 $0x1080;
	s18 =	simm.s32 $0x880;
	s0 =	simm.s32 $0x1880;
	v23 =	vsel vm6, s11, v26;
	v26 =	vimm.f32 $0.0e+00;
	v34 =	vadd.f32 v62, v63  }
.LBB2_10:
0x515: {  	s26 =	sadd.s32 $0x100, s26;
	s1 =	sadd.s32 $0x100, s1;
	s5 =	sadd.s32 $0x100, s5  }
0x516: {  	p0 =	slt.u32 s24, $0xE;
	v21 =	vmax.f32 v21, v32;
	s15 =	smov.u32 s24;
	s24 =	sadd.s32 $0x2, s24;
	v32 =	vmin.f32 v33, v34  }
0x517: {  	v18 =	vsel vm5, s12, v18;
	[tilespmem:s0+$0x60] =	vst v32;
	vm5 =	vgt.f32 v32, v21;
	v21 =	vmax.f32 v21, v32  }
0x518: {  	v18 =	vsel vm5, s11, v18;
	v32 =	vld [tilespmem:s29+$0x70];
	s29 =	smov.u32 s9  }
0x519: {  	v33 =	vld [tilespmem:s19+$0x70];
	s19 =	smov.u32 s1  }
0x51a: {  	v34 =	vld [tilespmem:s18+$0x70];
	s18 =	smov.u32 s26;
	_ =	sdelay $0x2  }
0x51b: {  	v32 =	vsub.f32 v32, v13  }
0x51c: {  	v33 =	vsub.f32 v33, v14  }
0x51d: {  	v34 =	vsub.f32 v34, v12;
	v32 =	vmul.f32 v32, v32  }
0x51e: {  	v33 =	vmul.f32 v33, v33;
	v35 =	vld [tilespmem:s0+$0x70]  }
0x51f: {  	v34 =	vmul.f32 v34, v34  }
0x520: {  	v32 =	vadd.f32 v33, v32;
	_ =	sdelay $0x1  }
0x521: {  	v32 =	vadd.f32 v32, v34  }
0x522: {  	v25 =	vmax.f32 v25, v31  }
0x523: {  	v26 =	vsel vm4, s12, v26;
	v31 =	vmin.f32 v35, v32  }
0x524: {  	[tilespmem:s0+$0x70] =	vst v31;
	vm4 =	vgt.f32 v31, v25;
	v25 =	vmax.f32 v25, v31;
	s0 =	smov.u32 s5  }
0x525: {  	v31 =	vld [tilespmem:s1+$0xFFFFFF80];
	v26 =	vsel vm4, s11, v26  }
0x526: {  	v32 =	vld [tilespmem:s9+$0xFFFFFF80];
	_ =	sdelay $0x1  }
0x527: {  	v33 =	vld [tilespmem:s26+$0xFFFFFF80];
	_ =	sdelay $0x1  }
0x528: {  	v31 =	vsub.f32 v31, v14  }
0x529: {  	v32 =	vsub.f32 v32, v13  }
0x52a: {  	v31 =	vmul.f32 v31, v31  }
0x52b: {  	v33 =	vsub.f32 v33, v12;
	v32 =	vmul.f32 v32, v32  }
0x52c: {  	v34 =	vld [tilespmem:s5+$0xFFFFFF80]  }
0x52d: {  	v31 =	vadd.f32 v31, v32;
	v32 =	vmul.f32 v33, v33;
	_ =	sdelay $0x1  }
0x52e: {  	v31 =	vadd.f32 v31, v32;
	_ =	sdelay $0x1  }
0x52f: {  	v38 =	vmin.f32 v34, v31  }
0x530: {  	[tilespmem:s5+$0xFFFFFF80] =	vst v38  }
0x531: {  	v31 =	vld [tilespmem:s9+$0xFFFFFF90]  }
0x532: {  	v32 =	vld [tilespmem:s1+$0xFFFFFF90];
	_ =	sdelay $0x1  }
0x533: {  	v33 =	vld [tilespmem:s26+$0xFFFFFF90];
	_ =	sdelay $0x1  }
0x534: {  	v31 =	vsub.f32 v31, v13  }
0x535: {  	v32 =	vsub.f32 v32, v14;
	_ =	sdelay $0x1  }
0x536: {  	v31 =	vmul.f32 v31, v31;
	v33 =	vsub.f32 v33, v12;
	v32 =	vmul.f32 v32, v32  }
0x537: {  	v34 =	vld [tilespmem:s5+$0xFFFFFF90]  }
0x538: {  	v31 =	vadd.f32 v32, v31;
	v32 =	vmul.f32 v33, v33;
	_ =	sdelay $0x1  }
0x539: {  	v31 =	vadd.f32 v31, v32;
	_ =	sdelay $0x1  }
0x53a: {  	v37 =	vmin.f32 v34, v31  }
0x53b: {  	[tilespmem:s5+$0xFFFFFF90] =	vst v37;
	vm9 =	vgt.f32 v37, v22  }
0x53c: {  	v31 =	vld [tilespmem:s9+$0xFFFFFFA0]  }
0x53d: {  	v32 =	vld [tilespmem:s1+$0xFFFFFFA0]  }
0x53e: {  	v33 =	vld [tilespmem:s26+$0xFFFFFFA0];
	_ =	sdelay $0x2  }
0x53f: {  	v31 =	vsub.f32 v31, v13  }
0x540: {  	v32 =	vsub.f32 v32, v14  }
0x541: {  	v33 =	vsub.f32 v33, v12  }
0x542: {  	v31 =	vmul.f32 v31, v31;
	v32 =	vmul.f32 v32, v32  }
0x543: {  	v34 =	vld [tilespmem:s5+$0xFFFFFFA0]  }
0x544: {  	v31 =	vadd.f32 v32, v31;
	v32 =	vmul.f32 v33, v33;
	_ =	sdelay $0x1  }
0x545: {  	v31 =	vadd.f32 v31, v32;
	_ =	sdelay $0x1  }
0x546: {  	v36 =	vmin.f32 v34, v31  }
0x547: {  	[tilespmem:s5+$0xFFFFFFA0] =	vst v36  }
0x548: {  	v31 =	vld [tilespmem:s1+$0xFFFFFFB0]  }
0x549: {  	v32 =	vld [tilespmem:s9+$0xFFFFFFB0]  }
0x54a: {  	v33 =	vld [tilespmem:s26+$0xFFFFFFB0];
	_ =	sdelay $0x2  }
0x54b: {  	v31 =	vsub.f32 v31, v14  }
0x54c: {  	v32 =	vsub.f32 v32, v13  }
0x54d: {  	v33 =	vsub.f32 v33, v12  }
0x54e: {  	v31 =	vmul.f32 v31, v31;
	v32 =	vmul.f32 v32, v32  }
0x54f: {  	v34 =	vld [tilespmem:s5+$0xFFFFFFB0]  }
0x550: {  	v31 =	vadd.f32 v31, v32;
	v32 =	vmul.f32 v33, v33;
	_ =	sdelay $0x1  }
0x551: {  	v31 =	vadd.f32 v31, v32;
	_ =	sdelay $0x1  }
0x552: {  	v35 =	vmin.f32 v34, v31  }
0x553: {  	[tilespmem:s5+$0xFFFFFFB0] =	vst v35;
	vm8 =	vgt.f32 v35, v17  }
0x554: {  	v31 =	vld [tilespmem:s9+$0xFFFFFFC0]  }
0x555: {  	v32 =	vld [tilespmem:s1+$0xFFFFFFC0]  }
0x556: {  	v33 =	vld [tilespmem:s26+$0xFFFFFFC0];
	_ =	sdelay $0x2  }
0x557: {  	v31 =	vsub.f32 v31, v13  }
0x558: {  	v32 =	vsub.f32 v32, v14  }
0x559: {  	v33 =	vsub.f32 v33, v12  }
0x55a: {  	v31 =	vmul.f32 v31, v31;
	v32 =	vmul.f32 v32, v32  }
0x55b: {  	v34 =	vld [tilespmem:s5+$0xFFFFFFC0]  }
0x55c: {  	v31 =	vadd.f32 v32, v31;
	v32 =	vmul.f32 v33, v33;
	_ =	sdelay $0x1  }
0x55d: {  	v31 =	vadd.f32 v31, v32;
	_ =	sdelay $0x1  }
0x55e: {  	v34 =	vmin.f32 v34, v31  }
0x55f: {  	[tilespmem:s5+$0xFFFFFFC0] =	vst v34;
	vm7 =	vgt.f32 v34, v15  }
0x560: {  	v31 =	vld [tilespmem:s9+$0xFFFFFFD0]  }
0x561: {  	v32 =	vld [tilespmem:s1+$0xFFFFFFD0]  }
0x562: {  	v33 =	vld [tilespmem:s26+$0xFFFFFFD0];
	_ =	sdelay $0x2  }
0x563: {  	v31 =	vsub.f32 v31, v13  }
0x564: {  	v32 =	vsub.f32 v32, v14  }
0x565: {  	v33 =	vsub.f32 v33, v12  }
0x566: {  	v31 =	vmul.f32 v31, v31;
	v32 =	vmul.f32 v32, v32  }
0x567: {  	v39 =	vld [tilespmem:s5+$0xFFFFFFD0]  }
0x568: {  	v31 =	vadd.f32 v32, v31;
	v32 =	vmul.f32 v33, v33;
	_ =	sdelay $0x1  }
0x569: {  	v31 =	vadd.f32 v31, v32;
	_ =	sdelay $0x1  }
0x56a: {  	v33 =	vmin.f32 v39, v31  }
0x56b: {  	[tilespmem:s5+$0xFFFFFFD0] =	vst v33;
	vm6 =	vgt.f32 v33, v16  }
0x56c: {  	v31 =	vld [tilespmem:s9+$0xFFFFFFE0]  }
0x56d: {  	v32 =	vld [tilespmem:s1+$0xFFFFFFE0]  }
0x56e: {  	v39 =	vld [tilespmem:s26+$0xFFFFFFE0];
	_ =	sdelay $0x2  }
0x56f: {  	v31 =	vsub.f32 v31, v13  }
0x570: {  	v32 =	vsub.f32 v32, v14;
	_ =	sdelay $0x1  }
0x571: {  	v39 =	vsub.f32 v39, v12;
	v31 =	vmul.f32 v31, v31;
	v32 =	vmul.f32 v32, v32  }
0x572: {  	v40 =	vld [tilespmem:s5+$0xFFFFFFE0]  }
0x573: {  	v31 =	vadd.f32 v32, v31;
	v32 =	vmul.f32 v39, v39;
	_ =	sdelay $0x1  }
0x574: {  	v31 =	vadd.f32 v31, v32;
	_ =	sdelay $0x1  }
0x575: {  	v32 =	vmin.f32 v40, v31  }
0x576: {  	[tilespmem:s5+$0xFFFFFFE0] =	vst v32;
	vm5 =	vgt.f32 v32, v21  }
0x577: {  	v31 =	vld [tilespmem:s9+$0xFFFFFFF0]  }
0x578: {  	v39 =	vld [tilespmem:s1+$0xFFFFFFF0]  }
0x579: {  	v40 =	vld [tilespmem:s26+$0xFFFFFFF0];
	_ =	sdelay $0x2  }
0x57a: {  	v31 =	vsub.f32 v31, v13  }
0x57b: {  	v39 =	vsub.f32 v39, v14  }
0x57c: {  	v40 =	vsub.f32 v40, v12  }
0x57d: {  	v31 =	vmul.f32 v31, v31;
	v39 =	vmul.f32 v39, v39  }
0x57e: {  	v41 =	vld [tilespmem:s5+$0xFFFFFFF0]  }
0x57f: {  	v31 =	vadd.f32 v39, v31;
	v39 =	vmul.f32 v40, v40;
	_ =	sdelay $0x1  }
0x580: {  	v31 =	vadd.f32 v31, v39;
	_ =	sdelay $0x1  }
0x581: {  	v31 =	vmin.f32 v41, v31  }
0x582: {  	[tilespmem:s5+$0xFFFFFFF0] =	vst v31;
	vm4 =	vgt.f32 v31, v25  }
0x583: {  	v39 =	vld [tilespmem:s9+$0x0]  }
0x584: {  	v40 =	vld [tilespmem:s1+$0x0]  }
0x585: {  	v41 =	vld [tilespmem:s26+$0x0];
	_ =	sdelay $0x2  }
0x586: {  	v39 =	vsub.f32 v39, v13  }
0x587: {  	v40 =	vsub.f32 v40, v14  }
0x588: {  	v41 =	vsub.f32 v41, v12  }
0x589: {  	v39 =	vmul.f32 v39, v39;
	v40 =	vmul.f32 v40, v40  }
0x58a: {  	v42 =	vld [tilespmem:s5+$0x0]  }
0x58b: {  	v39 =	vadd.f32 v40, v39;
	v40 =	vmul.f32 v41, v41;
	_ =	sdelay $0x1  }
0x58c: {  	v39 =	vadd.f32 v39, v40  }
0x58d: {  	s12 =	scvt.s32.f32 s15;
	s2 =	sadd.s32 $0x1, s15  }
0x58e: {  	s11 =	scvt.s32.f32 s2;
	vm10 =	vgt.f32 v38, v19;
	v19 =	vmax.f32 v19, v38;
	v38 =	vmin.f32 v42, v39  }
0x58f: {  	v28 =	vsel vm10, s12, v28;
	[tilespmem:s5+$0x0] =	vst v38;
	vm10 =	vgt.f32 v38, v19;
	v19 =	vmax.f32 v19, v38  }
0x590: {  	v28 =	vsel vm10, s11, v28;
	v38 =	vld [tilespmem:s9+$0x10]  }
0x591: {  	v39 =	vld [tilespmem:s1+$0x10]  }
0x592: {  	v40 =	vld [tilespmem:s26+$0x10];
	_ =	sdelay $0x2  }
0x593: {  	v38 =	vsub.f32 v38, v13  }
0x594: {  	v39 =	vsub.f32 v39, v14  }
0x595: {  	v40 =	vsub.f32 v40, v12  }
0x596: {  	v38 =	vmul.f32 v38, v38;
	v39 =	vmul.f32 v39, v39  }
0x597: {  	v41 =	vld [tilespmem:s5+$0x10]  }
0x598: {  	v38 =	vadd.f32 v39, v38;
	v39 =	vmul.f32 v40, v40;
	_ =	sdelay $0x1  }
0x599: {  	v38 =	vadd.f32 v38, v39;
	_ =	sdelay $0x1  }
0x59a: {  	v22 =	vmax.f32 v22, v37;
	v37 =	vmin.f32 v41, v38  }
0x59b: {  	v30 =	vsel vm9, s12, v30;
	[tilespmem:s5+$0x10] =	vst v37;
	vm9 =	vgt.f32 v37, v22;
	v22 =	vmax.f32 v22, v37  }
0x59c: {  	v30 =	vsel vm9, s11, v30;
	v37 =	vld [tilespmem:s9+$0x20]  }
0x59d: {  	v38 =	vld [tilespmem:s1+$0x20]  }
0x59e: {  	v39 =	vld [tilespmem:s26+$0x20];
	_ =	sdelay $0x2  }
0x59f: {  	v37 =	vsub.f32 v37, v13  }
0x5a0: {  	v38 =	vsub.f32 v38, v14  }
0x5a1: {  	v39 =	vsub.f32 v39, v12  }
0x5a2: {  	v37 =	vmul.f32 v37, v37;
	v38 =	vmul.f32 v38, v38  }
0x5a3: {  	v40 =	vld [tilespmem:s5+$0x20]  }
0x5a4: {  	v37 =	vadd.f32 v38, v37;
	v38 =	vmul.f32 v39, v39;
	_ =	sdelay $0x1  }
0x5a5: {  	v37 =	vadd.f32 v37, v38;
	_ =	sdelay $0x1  }
0x5a6: {  	vm9 =	vgt.f32 v36, v20;
	v20 =	vmax.f32 v20, v36;
	v36 =	vmin.f32 v40, v37  }
0x5a7: {  	v29 =	vsel vm9, s12, v29;
	[tilespmem:s5+$0x20] =	vst v36;
	vm9 =	vgt.f32 v36, v20;
	v20 =	vmax.f32 v20, v36  }
0x5a8: {  	v29 =	vsel vm9, s11, v29;
	v36 =	vld [tilespmem:s9+$0x30]  }
0x5a9: {  	v37 =	vld [tilespmem:s1+$0x30]  }
0x5aa: {  	v38 =	vld [tilespmem:s26+$0x30];
	_ =	sdelay $0x2  }
0x5ab: {  	v36 =	vsub.f32 v36, v13  }
0x5ac: {  	v37 =	vsub.f32 v37, v14  }
0x5ad: {  	v38 =	vsub.f32 v38, v12  }
0x5ae: {  	v36 =	vmul.f32 v36, v36;
	v37 =	vmul.f32 v37, v37  }
0x5af: {  	v39 =	vld [tilespmem:s5+$0x30]  }
0x5b0: {  	v36 =	vadd.f32 v37, v36;
	v37 =	vmul.f32 v38, v38;
	_ =	sdelay $0x1  }
0x5b1: {  	v36 =	vadd.f32 v36, v37;
	_ =	sdelay $0x1  }
0x5b2: {  	v17 =	vmax.f32 v17, v35;
	v35 =	vmin.f32 v39, v36  }
0x5b3: {  	v27 =	vsel vm8, s12, v27;
	[tilespmem:s5+$0x30] =	vst v35;
	vm8 =	vgt.f32 v35, v17;
	v17 =	vmax.f32 v17, v35  }
0x5b4: {  	v27 =	vsel vm8, s11, v27;
	v35 =	vld [tilespmem:s9+$0x40]  }
0x5b5: {  	v36 =	vld [tilespmem:s1+$0x40]  }
0x5b6: {  	v37 =	vld [tilespmem:s26+$0x40];
	_ =	sdelay $0x3  }
0x5b7: {  	v35 =	vsub.f32 v35, v13;
	v36 =	vsub.f32 v36, v14  }
0x5b8: {  	v37 =	vsub.f32 v37, v12  }
0x5b9: {  	v35 =	vmul.f32 v35, v35;
	v36 =	vmul.f32 v36, v36  }
0x5ba: {  	v38 =	vld [tilespmem:s5+$0x40]  }
0x5bb: {  	v35 =	vadd.f32 v36, v35;
	v36 =	vmul.f32 v37, v37;
	_ =	sdelay $0x1  }
0x5bc: {  	v35 =	vadd.f32 v35, v36;
	_ =	sdelay $0x1  }
0x5bd: {  	v15 =	vmax.f32 v15, v34;
	v34 =	vmin.f32 v38, v35  }
0x5be: {  	v24 =	vsel vm7, s12, v24;
	[tilespmem:s5+$0x40] =	vst v34;
	vm7 =	vgt.f32 v34, v15;
	v15 =	vmax.f32 v15, v34  }
0x5bf: {  	v24 =	vsel vm7, s11, v24;
	v34 =	vld [tilespmem:s9+$0x50]  }
0x5c0: {  	v35 =	vld [tilespmem:s1+$0x50]  }
0x5c1: {  	v36 =	vld [tilespmem:s26+$0x50];
	_ =	sdelay $0x2  }
0x5c2: {  	v34 =	vsub.f32 v34, v13  }
0x5c3: {  	v35 =	vsub.f32 v35, v14  }
0x5c4: {  	v36 =	vsub.f32 v36, v12;
	v34 =	vmul.f32 v34, v34  }
0x5c5: {  	v35 =	vmul.f32 v35, v35  }
0x5c6: {  	v37 =	vld [tilespmem:s5+$0x50]  }
0x5c7: {  	v34 =	vadd.f32 v35, v34;
	v35 =	vmul.f32 v36, v36;
	_ =	sdelay $0x1  }
0x5c8: {  	v34 =	vadd.f32 v34, v35;
	_ =	sdelay $0x1  }
0x5c9: {  	v16 =	vmax.f32 v16, v33;
	v33 =	vmin.f32 v37, v34  }
0x5ca: {  	v23 =	vsel vm6, s12, v23;
	[tilespmem:s5+$0x50] =	vst v33;
	vm6 =	vgt.f32 v33, v16;
	v16 =	vmax.f32 v16, v33  }
0x5cb: {  	v23 =	vsel vm6, s11, v23;
	v33 =	vld [tilespmem:s9+$0x60]  }
0x5cc: {  	v34 =	vld [tilespmem:s1+$0x60]  }
0x5cd: {  	v35 =	vld [tilespmem:s26+$0x60];
	_ =	sdelay $0x2  }
0x5ce: {  	v33 =	vsub.f32 v33, v13  }
0x5cf: {  	v34 =	vsub.f32 v34, v14  }
0x5d0: {  	v35 =	vsub.f32 v35, v12;
	v36 =	vmul.f32 v33, v33  }
.Ltmp4:
0x5d1: {  	v34 =	vmul.f32 v34, v34;
	(pc) =	sbr.rel @p0 .LBB2_10-.Ltmp4, $3  }
0x5d2: {  	v33 =	vld [tilespmem:s5+$0x60]  }
0x5d3: {  	v35 =	vmul.f32 v35, v35;
	v34 =	vadd.f32 v34, v36;
	_ =	sdelay $0x1  }
0x5d4: {  	s9 =	sadd.s32 $0x100, s9;
	v34 =	vadd.f32 v34, v35  }
0x5d5: {  	v28 =	vmul.f32 $1.280000000e+02, v28;
	v30 =	vmul.f32 $1.280000000e+02, v30;
	_ =	sdelay $0x1  }
0x5d6: {  	v21 =	vmax.f32 v21, v32;
	v28 =	vadd.f32 v2, v28;
	v30 =	vadd.f32 v3, v30  }
0x5d7: {  	v18 =	vsel vm5, s12, v18;
	vm6 =	veq.f32 v22, v19;
	v29 =	vmul.f32 $1.280000000e+02, v29  }
0x5d8: {  	vm15 =	vgt.f32 v22, v19;
	v27 =	vmul.f32 $1.280000000e+02, v27;
	vm7 =	vlt.f32 v30, v28  }
0x5d9: {  	v63 =	vmul.f32 $1.280000000e+02, v24;
	v33 =	vmin.f32 v33, v34;
	vm14 =	vmand vm6, vm7  }
0x5da: {  	v32 =	vmax.f32 v25, v31;
	[tilespmem:s0+$0x60] =	vst v33;
	v29 =	vadd.f32 v4, v29;
	vm5 =	vmor vm15, vm14  }
0x5db: {  	vm13 =	vgt.f32 v33, v21;
	v58 =	vld [tilespmem:s29+$0x70];
	v60 =	vsel vm5, v22, v19;
	v61 =	vsel vm5, v30, v28  }
0x5dc: {  	v21 =	vmax.f32 v21, v33;
	v59 =	vld [tilespmem:s19+$0x70];
	vm9 =	veq.f32 v20, v60;
	vm10 =	vlt.f32 v29, v61  }
0x5dd: {  	v27 =	vadd.f32 v5, v27;
	v35 =	vld [tilespmem:s18+$0x70];
	vm11 =	vgt.f32 v20, v60;
	vm5 =	vmand vm9, vm10  }
0x5de: {  	v18 =	vsel vm13, s11, v18;
	v22 =	vadd.f32 v6, v63;
	vm5 =	vmor vm11, vm5  }
0x5df: {  	v30 =	vmul.f32 $1.280000000e+02, v23;
	v19 =	vsel vm5, v20, v60;
	v62 =	vsel vm5, v29, v61  }
0x5e0: {  	v13 =	vsub.f32 v58, v13;
	vm12 =	veq.f32 v17, v19;
	vm13 =	vlt.f32 v27, v62  }
0x5e1: {  	v14 =	vsub.f32 v59, v14;
	vm14 =	vgt.f32 v17, v19;
	vm5 =	vmand vm12, vm13  }
0x5e2: {  	v12 =	vsub.f32 v35, v12;
	v13 =	vmul.f32 v13, v13;
	vm5 =	vmor vm14, vm5  }
0x5e3: {  	v14 =	vmul.f32 v14, v14;
	v24 =	vsel vm5, v17, v19;
	v28 =	vsel vm5, v27, v62  }
0x5e4: {  	v12 =	vmul.f32 v12, v12;
	v29 =	vld [tilespmem:s0+$0x70];
	vm15 =	veq.f32 v15, v24;
	vm9 =	vlt.f32 v22, v28  }
0x5e5: {  	v13 =	vadd.f32 v14, v13;
	vm10 =	vgt.f32 v15, v24;
	vm5 =	vmand vm15, vm9  }
0x5e6: {  	v33 =	vsel vm4, s12, v26;
	v20 =	vadd.f32 v7, v30;
	vm5 =	vmor vm10, vm5  }
0x5e7: {  	v12 =	vadd.f32 v13, v12;
	v14 =	vsel vm5, v15, v24;
	v34 =	vsel vm5, v22, v28  }
0x5e8: {  	v35 =	vmul.f32 $1.280000000e+02, v18;
	vm11 =	veq.f32 v16, v14;
	vm5 =	vlt.f32 v20, v34  }
0x5e9: {  	v12 =	vmin.f32 v29, v12;
	vm12 =	vgt.f32 v16, v14;
	vm4 =	vmand vm11, vm5  }
0x5ea: {  	v17 =	vadd.f32 v8, v35;
	vm13 =	vgt.f32 v12, v32;
	vm4 =	vmor vm12, vm4  }
0x5eb: {  	v36 =	vsel vm13, s11, v33;
	v14 =	vsel vm4, v16, v14;
	v15 =	vsel vm4, v20, v34  }
0x5ec: {  	v37 =	vmul.f32 $1.280000000e+02, v36;
	vm14 =	veq.f32 v21, v14;
	vm15 =	vlt.f32 v17, v15  }
0x5ed: {  	vm9 =	vgt.f32 v21, v14;
	vm4 =	vmand vm14, vm15  }
0x5ee: {  	v16 =	vadd.f32 v9, v37;
	vm4 =	vmor vm9, vm4  }
0x5ef: {  	v13 =	vmax.f32 v32, v12;
	v14 =	vsel vm4, v21, v14;
	v15 =	vsel vm4, v17, v15  }
0x5f0: {  	vm10 =	veq.f32 v13, v14;
	vm11 =	vlt.f32 v16, v15  }
0x5f1: {  	vm12 =	vgt.f32 v13, v14;
	vm4 =	vmand vm10, vm11  }
0x5f2: {  	vm4 =	vmor vm12, vm4  }
0x5f3: {  	v13 =	vsel vm4, v13, v14  }
0x5f4: {  	(xrf0) =	vmax.scan.msk.f32 $0xffff, v13;
	_ =	sdelay $0x5  }
0x5f5: {  	v38, _, _ =	vpop (xrf0)  }
0x5f6: {  	v14 =	vbroadcast v38, $0xF;
	_ =	sdelay $0x1  }
0x5f7: {  	v15 =	vsel vm4, v16, v15;
	vm13 =	veq.f32 v13, v14  }
0x5f8: {  	v13 =	vnsel vm13, $0x4F32D05E, v15  }
0x5f9: {  	(xrf0) =	vmin.scan.msk.f32 $0xffff, v13;
	_ =	sdelay $0x5  }
0x5fa: {  	v13, _, _ =	vpop (xrf0)  }
0x5fb: {  	(v2sf) =	vpush v13, $0xF;
	_ =	sdelay $0xe  }
0x5fc: {  	s1 =	spop (v2sf)  }
0x5fd: {  	s2 =	scvt.f32.s32 s1;
	_ =	sdelay $0x1  }
0x5fe: {  	s3 =	sshra.s32 s2, $0x1F  }
0x5ff: {  	s3 =	sshrl.u32 s3, $0x1C  }
0x600: {  	s3 =	sadd.s32 s3, s2  }
0x601: {  	s4 =	sand.u32 $0xFFFFFFF0, s3  }
0x602: {  	p0 =	slt.s32 s2, $0x1;
	p1 =	sne.s32 s2, s4  }
0x603: {  	p0 =	por !p0, !p1  }
0x604: {  	s4 =	simm.s32 $0x1;
	p0 =	por !p0, !p0  }
0x605: {  	s3 =	sshrl.u32 s3, $0x4;
	s4 =	simm.s32 @!p0 $0x0  }
0x606: {  	s3 =	ssub.s32 s3, s4  }
0x607: {  	[tilespmem:s0+$0x70] =	vst v12;
	s19 =	sshll.u32 s3, $0x4  }
0x608: {  	v12 =	vld [tilespmem:s19+$0x0]  }
0x609: {  	v39 =	vld [tilespmem:s19+$0x800]  }
0x60a: {  	s2 =	sand.u32 $0xF, s2;
	v40 =	vld [tilespmem:s19+$0x1000]  }
0x60b: {  	v41 =	vmov s2  }
0x60c: {  	vm14 =	veq.s32 v41, v10  }
0x60d: {  	v12 =	vnsel vm14, $0xFF800000, v12  }
0x60e: {  	v42 =	vnsel vm14, $0xFF800000, v39;
	(xrf0) =	vmax.scan.msk.f32 $0xffff, v12  }
0x60f: {  	v43 =	vnsel vm14, $0xFF800000, v40;
	(xrf0) =	vmax.scan.msk.f32 $0xffff, v42  }
0x610: {  	(xrf0) =	vmax.scan.msk.f32 $0xffff, v43;
	_ =	sdelay $0x3  }
0x611: {  	v44, _, _ =	vpop (xrf0)  }
0x612: {  	v45, _, _ =	vpop (xrf0)  }
0x613: {  	v46, _, _ =	vpop (xrf0)  }
0x614: {  	v15 =	vbroadcast v46, $0xF  }
0x615: {  	v13 =	vbroadcast v45, $0xF  }
0x616: {  	v12 =	vbroadcast v44, $0xF;
	v15 =	vnsel vm0, $0x7F800000, v15  }
0x617: {  	s20 =	sadd.f32 s8, s1;
	v13 =	vsel vm1, v15, v13  }
0x618: {  	vm15 =	veq.s32 v10, $0x1;
	v12 =	vsel vm2, v13, v12  }
0x619: {  	v12 =	vsel vm15, s20, v12  }
0x61a: {  	v12 =	vsel vm3, v14, v12  }
0x61b: {  	s21 =	rddreg [dreg:$0x8];
	s22 =	simm.s32 $0x2000;
	[tilespmem:$0x2000] =	vst v12  }
0x61c: {  	[spmem:s21] =	stream.linear.scatter [tilespmem:s22], [sflag:$0x1], $0x10, $0x38;
	[tilespmem:$0x41A0] =	vst v63  }
0x61d: {  	_ =	swait.ge [sflag:s17], $0x10  }
0x61e: {  	[sflag:s17] =	ssyncset.done $0x0  }
0x61f: {  	[sflag:s17] =	ssyncadd.s32 $0xFFFFFFF0  }
0x620: {  	s24 =	simm.s32 $0x100;
	[bflag:$0x0] =	sbarrier.arrive $0xFFFF  }
0x621: {  	s25 =	simm.s32 $0x2080;
	s26 =	simm.s32 $0x80;
	s23 =	rddreg [dreg:$0x2]  }
0x622: {  	[tilespmem:s25], [sflag:$0x1] =	stream.strided.gather [spmem:s23], $0x100, s24, s26, $0x38;
	[tilespmem:$0x41A0] =	vst v63  }
0x623: {  	_ =	swait.ge [sflag:s17], $0x100  }
0x624: {  	[sflag:s17] =	ssyncset.done $0x0  }
0x625: {  	[sflag:s17] =	ssyncadd.s32 $0xFFFFFF00  }
0x626: {  	v47 =	vld [tilespmem:$0x2080];
	_ =	sdelay $0x1  }
0x627: {  	v48 =	vld [tilespmem:$0x2090];
	_ =	sdelay $0x1  }
0x628: {  	v49 =	vld [tilespmem:$0x20A0]  }
0x629: {  	(v2sf) =	vpush v47, $0x0  }
0x62a: {  	v50 =	vld [tilespmem:$0x20B0];
	(v2sf) =	vpush v47, $0x1  }
0x62b: {  	(v2sf) =	vpush v48, $0x0  }
0x62c: {  	v51 =	vld [tilespmem:$0x20C0];
	(v2sf) =	vpush v48, $0x1  }
0x62d: {  	(v2sf) =	vpush v49, $0x0  }
0x62e: {  	v52 =	vld [tilespmem:$0x20D0];
	(v2sf) =	vpush v49, $0x1  }
0x62f: {  	(v2sf) =	vpush v50, $0x0  }
0x630: {  	v53 =	vld [tilespmem:$0x20E0];
	(v2sf) =	vpush v50, $0x1  }
0x631: {  	(v2sf) =	vpush v51, $0x0  }
0x632: {  	v54 =	vld [tilespmem:$0x20F0];
	(v2sf) =	vpush v51, $0x1  }
0x633: {  	(v2sf) =	vpush v52, $0x0  }
0x634: {  	v55 =	vld [tilespmem:$0x2100];
	(v2sf) =	vpush v52, $0x1  }
0x635: {  	(v2sf) =	vpush v53, $0x0  }
0x636: {  	v56 =	vld [tilespmem:$0x2110];
	(v2sf) =	vpush v53, $0x1  }
0x637: {  	(v2sf) =	vpush v54, $0x0  }
0x638: {  	v57 =	vld [tilespmem:$0x2120];
	s4 =	spop (v2sf);
	(v2sf) =	vpush v54, $0x1  }
0x639: {  	s7 =	spop (v2sf);
	(v2sf) =	vpush v55, $0x0  }
0x63a: {  	s11 =	spop (v2sf);
	(v2sf) =	vpush v55, $0x1  }
0x63b: {  	s12 =	spop (v2sf);
	(v2sf) =	vpush v56, $0x0  }
0x63c: {  	s10 =	spop (v2sf);
	(v2sf) =	vpush v56, $0x1  }
0x63d: {  	s14 =	spop (v2sf);
	(v2sf) =	vpush v57, $0x0  }
0x63e: {  	v58 =	vld [tilespmem:$0x2130];
	s0 =	spop (v2sf)  }
0x63f: {  	s1 =	spop (v2sf)  }
0x640: {  	v59 =	vld [tilespmem:$0x2140];
	s20 =	spop (v2sf)  }
0x641: {  	s21 =	spop (v2sf)  }
0x642: {  	v60 =	vld [tilespmem:$0x2150];
	p3 =	seq.f32 s4, s11;
	(v2sf) =	vpush v57, $0x1;
	s18 =	spop (v2sf)  }
0x643: {  	p4 =	slt.f32 s7, s12;
	(v2sf) =	vpush v58, $0x0;
	s15 =	spop (v2sf)  }
0x644: {  	v61 =	vld [tilespmem:$0x2160];
	(v2sf) =	vpush v58, $0x1;
	s22 =	spop (v2sf)  }
0x645: {  	p2 =	sgt.f32 s4, s11;
	p0 =	por !p3, !p4;
	(v2sf) =	vpush v59, $0x0;
	s3 =	spop (v2sf)  }
0x646: {  	v62 =	vld [tilespmem:$0x2170];
	p0 =	por !p0, !p0;
	p5 =	seq.f32 s10, s0;
	(v2sf) =	vpush v59, $0x1;
	s9 =	spop (v2sf)  }
0x647: {  	p3 =	slt.f32 s14, s1;
	p0 =	por p2, p0;
	s5 =	spop (v2sf);
	(v2sf) =	vpush v60, $0x0  }
0x648: {  	p6 =	sgt.f32 s10, s0;
	s11 =	smov.u32 @p0 s4;
	s23 =	spop (v2sf);
	(v2sf) =	vpush v60, $0x1  }
0x649: {  	p1 =	por !p5, !p3;
	p4 =	seq.f32 s20, s18;
	s2 =	spop (v2sf);
	(v2sf) =	vpush v61, $0x0  }
0x64a: {  	p3 =	por !p1, !p1;
	p5 =	slt.f32 s21, s15;
	s19 =	spop (v2sf);
	(v2sf) =	vpush v61, $0x1  }
0x64b: {  	s12 =	smov.u32 @p0 s7;
	p0 =	por p6, p3;
	s16 =	spop (v2sf);
	(v2sf) =	vpush v62, $0x0  }
0x64c: {  	p6 =	sgt.f32 s20, s18;
	p1 =	por !p4, !p5;
	s6 =	spop (v2sf);
	(v2sf) =	vpush v62, $0x1  }
0x64d: {  	s0 =	smov.u32 @p0 s10;
	s1 =	smov.u32 @p0 s14;
	p2 =	por !p1, !p1  }
0x64e: {  	p4 =	seq.f32 s22, s9;
	p0 =	por p6, p2;
	p5 =	slt.f32 s3, s5  }
0x64f: {  	p6 =	sgt.f32 s22, s9;
	s18 =	smov.u32 @p0 s20  }
0x650: {  	s15 =	smov.u32 @p0 s21;
	p1 =	por !p4, !p5;
	p2 =	seq.f32 s23, s19  }
0x651: {  	p5 =	por !p1, !p1;
	p4 =	slt.f32 s2, s16;
	s13 =	spop (v2sf)  }
0x652: {  	p0 =	por p6, p5;
	p6 =	sgt.f32 s23, s19;
	s24 =	spop (v2sf)  }
0x653: {  	s9 =	smov.u32 @p0 s22;
	p2 =	por !p2, !p4;
	s26 =	spop (v2sf)  }
0x654: {  	s5 =	smov.u32 @p0 s3;
	p2 =	por !p2, !p2;
	s10 =	spop (v2sf)  }
0x655: {  	p0 =	por p6, p2;
	p2 =	seq.f32 s6, s24;
	s14 =	spop (v2sf)  }
0x656: {  	p3 =	slt.f32 s13, s26;
	s4 =	spop (v2sf)  }
0x657: {  	p4 =	sgt.f32 s6, s24;
	s19 =	smov.u32 @p0 s23;
	s7 =	spop (v2sf)  }
0x658: {  	s16 =	smov.u32 @p0 s2;
	p1 =	por !p2, !p3;
	s20 =	spop (v2sf)  }
0x659: {  	p1 =	por !p1, !p1;
	p5 =	seq.f32 s10, s4;
	s21 =	spop (v2sf)  }
0x65a: {  	p0 =	por p4, p1;
	p6 =	slt.f32 s14, s7;
	s3 =	spop (v2sf)  }
0x65b: {  	s24 =	smov.u32 @p0 s6;
	p3 =	sgt.f32 s10, s4;
	s2 =	spop (v2sf)  }
0x65c: {  	p2 =	por !p5, !p6;
	p4 =	seq.f32 s20, s3;
	p5 =	slt.f32 s21, s2  }
0x65d: {  	s26 =	smov.u32 @p0 s13;
	p6 =	seq.f32 s11, s0;
	p2 =	por !p2, !p2  }
0x65e: {  	p1 =	por p3, p2;
	p2 =	sgt.f32 s20, s3;
	p3 =	por !p4, !p5  }
0x65f: {  	s4 =	smov.u32 @p1 s10;
	p5 =	slt.f32 s12, s1;
	p3 =	por !p3, !p3  }
0x660: {  	s7 =	smov.u32 @p1 s14;
	p4 =	seq.f32 s18, s9;
	p0 =	por p2, p3  }
0x661: {  	p2 =	sgt.f32 s11, s0;
	p6 =	por !p6, !p5;
	p5 =	slt.f32 s15, s5  }
0x662: {  	s3 =	smov.u32 @p0 s20;
	p3 =	por !p6, !p6;
	s2 =	smov.u32 @p0 s21  }
0x663: {  	p6 =	sgt.f32 s18, s9;
	p1 =	por p2, p3;
	p3 =	seq.f32 s19, s24  }
0x664: {  	p2 =	por !p4, !p5;
	p5 =	slt.f32 s16, s26;
	p4 =	seq.f32 s4, s3  }
0x665: {  	s0 =	smov.u32 @p1 s11;
	s1 =	smov.u32 @p1 s12;
	p1 =	por !p2, !p2  }
0x666: {  	p0 =	por p6, p1;
	p6 =	slt.f32 s7, s2;
	p2 =	por !p3, !p5  }
0x667: {  	p5 =	sgt.f32 s19, s24;
	s9 =	smov.u32 @p0 s18;
	p2 =	por !p2, !p2  }
0x668: {  	s5 =	smov.u32 @p0 s15;
	p1 =	por !p4, !p6;
	p6 =	sgt.f32 s4, s3  }
0x669: {  	p0 =	por p5, p2;
	p3 =	seq.f32 s0, s9;
	p1 =	por !p1, !p1  }
0x66a: {  	s24 =	smov.u32 @p0 s19;
	s26 =	smov.u32 @p0 s16;
	p0 =	por p6, p1  }
0x66b: {  	p4 =	slt.f32 s1, s5;
	s3 =	smov.u32 @p0 s4;
	s2 =	smov.u32 @p0 s7  }
0x66c: {  	p5 =	seq.f32 s24, s3;
	p6 =	slt.f32 s26, s2  }
0x66d: {  	p0 =	por !p3, !p4  }
0x66e: {  	p4 =	sgt.f32 s0, s9;
	p2 =	por !p5, !p6;
	p5 =	sgt.f32 s24, s3  }
0x66f: {  	p0 =	por !p0, !p0;
	p6 =	por !p2, !p2  }
0x670: {  	p0 =	por p4, p0;
	p1 =	por p5, p6  }
0x671: {  	s5 =	smov.u32 @p0 s1;
	s2 =	smov.u32 @p1 s26  }
0x672: {  	s9 =	smov.u32 @p0 s0;
	s3 =	smov.u32 @p1 s24;
	p0 =	slt.f32 s5, s2  }
0x673: {  	p1 =	seq.f32 s9, s3;
	s0 =	smov.u32 s2  }
0x674: {  	p2 =	sgt.f32 s9, s3;
	s0 =	smov.u32 @p0 s5  }
0x675: {  	s2 =	smov.u32 @p1 s0  }
0x676: {  	s2 =	smov.u32 @p2 s5  }
0x677: {  	s28 =	scvt.f32.s32 s2  }
0x678: {  	s29 =	rddreg [dreg:$0xd]  }
0x679: {  	s20 =	simm.s32 $0x2180;
	p0 =	sne.s32 s29, $0x0;
	v63 =	vmov s28  }
0x67a: {  	s0 =	simm.s32 @!p0 $0x0;
	s1 =	simm.s32 @!p0 $0x2180;
	s2 =	rddreg [dreg:$0x1];
	[tilespmem:v11+s20+$0x0] =	vst.idx.msk $0x1, v63  }
0x67b: {  	[hbm4b:s2+s0] =	stream.linear.scatter @!p0 [tilespmem:s1], [sflag:$0x1], $0x2000, $0x38;
	[tilespmem:$0x41A0] =	vst v63  }
0x67c: {  	s0 =	simm.s32 @!p0 $0x1  }
0x67d: {  	_ =	swait.ge @!p0 [sflag:s0], $0x2000  }
0x67e: {  	s30 =	rddreg [dreg:$0xf]  }
0x67f: {  	s31 =	rddreg [dreg:$0xe];
	s2 =	sadd.s32 $0x1, s30  }
0x680: {  	p1 =	sne.s32 s2, s31  }
.Ltmp5:
0x681: {  	_ = 	snop;
	(pc) =	sbr.rel @p1 .LBB2_1-.Ltmp5, $3  }
0x682: {  	_ =	sdelay $0x1  }
0x683: {  	[sflag:s0] =	ssyncset.done @!p0 $0x0  }
0x684: {  	[sflag:s0] =	ssyncadd.s32 @!p0 $0xFFFFE000  }
0x685: {  	_ =	sfence.sel $0x180000  }
0x686: {  	[bflag:$0x0] =	sbarrier.arrive $0xFFFF  }
0x687: {  	_ =	strace $0x90000047  }
0x688: {  	s0 =	stileid.u32;
	[bflag:$0x2] =	sbarrier.arrive $0xFFFF  }
0x689: {  	p0 =	sne.s32 s0, $0x0;
	s0 =	rddreg [dreg:$0x3]  }
0x68a: {  	s0 =	sadd.s32 @!p0 $0x100000, s0  }
0x68b: {  	[sflag:s0] =	ssyncadd.tile.s32 @!p0 $0x1;
	_ =	shalt  }
.Lfunc_end2:
_tile_overlayer_lowered:
.L_overlay_start_2:
0x68c: {  	(tag) =	ssettag $0x2  }
0x68d: {  	s0 =	rddreg [dreg:$0x0];
	s2 =	stileid.u32  }
0x68e: {  	s1 =	rddreg [dreg:$0x1];
	p0 =	sne.s32 s2, $0x0  }
0x68f: {  	s3 =	rddreg [dreg:$0x2];
	[bflag:$0x3] =	sbarrier.arrive $0xFFFF;
	s2 =	simm.s32 @!p0 $0x1C01  }
0x690: {  	[timem:s3], [sflag:s2] =	dma.local @!p0 [hbm:s0], s1  }
0x691: {  	s0 =	simm.s32 @!p0 $0x1  }
0x692: {  	_ =	swait.ge @!p0 [sflag:s0], s1  }
0x693: {  	s1 =	ssub.s32 @!p0 $0x0, s1;
	[sflag:s0] =	ssyncset.done @!p0 $0x0  }
0x694: {  	[sflag:s0] =	ssyncadd.s32 @!p0 s1  }
0x695: {  	[bflag:$0x3] =	sbarrier.arrive $0xFFFF  }
0x696: {  	_ =	shalt  }

</sc_bundles>
